<compile_context>
chip_gen: v7x
topology: tpu7x:2x2x1
jax: 0.10.2.dev20260603
libtpu: 0.0.44.dev20260713+nightly
codegen_flags: <defaults>
</compile_context>

<pallas_src>
import functools

import jax
import jax.numpy as jnp
import numpy as np
from jax import lax
from jax.experimental import pallas as pl
from jax.experimental.pallas import tpu as pltpu
from jax.experimental.pallas import tpu_sc as plsc

N = 10000
E = 320000
D = 128
H = 8
DH = 16
DE = 16
DW = D + DH

NC = 2
NS = 16
NW = NC * NS
EW = E // NW
CH = 80
HFA = 48
HFB = CH - HFA
NCHUNK = EW // CH
RPT = 624

_f32 = jnp.float32


def _proj_body(x_ref, w_ref, q_ref, k_ref, v_ref):
    out = jnp.dot(x_ref[...], w_ref[...], preferred_element_type=_f32)
    q_ref[...] = out[:, :D]
    k_ref[...] = out[:, D:2 * D]
    v_ref[...] = out[:, 2 * D:]


def _project(x, w_all):
    bn = 5000
    return pl.pallas_call(
        _proj_body,
        grid=(N // bn,),
        in_specs=[
            pl.BlockSpec((bn, D), lambda i: (i, 0)),
            pl.BlockSpec((D, 3 * D), lambda i: (0, 0)),
        ],
        out_specs=[pl.BlockSpec((bn, D), lambda i: (i, 0))] * 3,
        out_shape=[jax.ShapeDtypeStruct((N, D), _f32)] * 3,
    )(x, w_all)


_MESH = plsc.VectorSubcoreMesh(core_axis_name="c", subcore_axis_name="s")


@functools.partial(
    pl.kernel,
    out_type=jax.ShapeDtypeStruct((2, E, D), _f32),
    mesh=_MESH,
    scratch_types=[
        pltpu.VMEM((2, 256), jnp.int32),
        pltpu.VMEM((2, CH, D), _f32),
        pltpu.VMEM((CH, D), _f32),
        pltpu.VMEM_SHARED((N, D), _f32),
        pltpu.SemaphoreType.DMA,
        pltpu.SemaphoreType.DMA,
        pltpu.SemaphoreType.DMA,
    ],
)
def _gather_kq(k_hbm, q_hbm, epk_hbm, kq_out,
               eidx2, rows2, bnc, tbl_sh, semi, semg, semw):
    wid = lax.axis_index("s") * NC + lax.axis_index("c")
    sid = lax.axis_index("s")
    base = wid * EW
    cbase = wid * NCHUNK
    r0 = sid * RPT

    def stage_tbl(src_hbm):
        def cp(j, c):
            pltpu.sync_copy(src_hbm.at[pl.ds(r0 + j * CH, CH)], bnc)
            pltpu.sync_copy(bnc, tbl_sh.at[pl.ds(r0 + j * CH, CH)])
            return c

        lax.fori_loop(0, 7, cp, 0)

        @pl.when(sid < NS - 1)
        def _():
            pltpu.sync_copy(src_hbm.at[pl.ds(r0 + 560, 64)], bnc.at[pl.ds(0, 64)])
            pltpu.sync_copy(bnc.at[pl.ds(0, 64)], tbl_sh.at[pl.ds(r0 + 560, 64)])

        @pl.when(sid == NS - 1)
        def _():
            pltpu.sync_copy(src_hbm.at[pl.ds(r0 + 560, CH)], bnc)
            pltpu.sync_copy(bnc, tbl_sh.at[pl.ds(r0 + 560, CH)])

        plsc.subcore_barrier()

    def phase(plane, ioff):
        out_pl = kq_out.at[plane]

        def idx_start(i):
            p = lax.rem(i, 2)
            off = (cbase + i) * 256
            pltpu.async_copy(epk_hbm.at[pl.ds(off, 256)], eidx2.at[p], semi)

        def idx_wait(i):
            p = lax.rem(i, 2)
            pltpu.make_async_copy(
                epk_hbm.at[pl.ds(0, 256)], eidx2.at[p], semi).wait()

        def g_start(i):
            p = lax.rem(i, 2)
            pltpu.async_copy(
                tbl_sh.at[eidx2.at[p].at[pl.ds(ioff, CH)]], rows2.at[p], semg)

        def g_wait(i):
            p = lax.rem(i, 2)
            pltpu.make_async_copy(
                tbl_sh.at[eidx2.at[p].at[pl.ds(ioff, CH)]], rows2.at[p],
                semg).wait()

        def wb_start(i):
            p = lax.rem(i, 2)
            off = base + i * CH
            pltpu.async_copy(rows2.at[p], out_pl.at[pl.ds(off, CH)], semw)

        def wb_wait(i):
            p = lax.rem(i, 2)
            pltpu.make_async_copy(
                rows2.at[p], out_pl.at[pl.ds(base, CH)], semw).wait()

        idx_start(0)
        idx_wait(0)
        g_start(0)
        idx_start(1)

        def body(i, carry):
            g_wait(i)
            wb_start(i)

            @pl.when(i + 1 < NCHUNK)
            def _():
                @pl.when(i >= 1)
                def _():
                    wb_wait(i - 1)

                idx_wait(i + 1)
                g_start(i + 1)

                @pl.when(i + 2 < NCHUNK)
                def _():
                    idx_start(i + 2)

            return carry

        lax.fori_loop(0, NCHUNK, body, 0)
        wb_wait(NCHUNK - 2)
        wb_wait(NCHUNK - 1)

    stage_tbl(k_hbm)
    phase(0, 0)
    plsc.subcore_barrier()
    stage_tbl(q_hbm)
    phase(1, 128)


def _score_body(ks_ref, qd_ref, attr_ref, we_ref, seg_ref, s_ref):
    eh = jnp.dot(attr_ref[...], we_ref[...], preferred_element_type=_f32)
    p = ks_ref[0] * qd_ref[0] * eh
    logit = jnp.dot(p, seg_ref[...], preferred_element_type=_f32)
    s_ref[...] = jnp.exp(jnp.clip(logit, -5.0, 5.0))


def _scores(kq, attr, w_e, seg):
    be = 8000
    return pl.pallas_call(
        _score_body,
        grid=(E // be,),
        in_specs=[
            pl.BlockSpec((1, be, D), lambda i: (0, i, 0)),
            pl.BlockSpec((1, be, D), lambda i: (1, i, 0)),
            pl.BlockSpec((be, DE), lambda i: (i, 0)),
            pl.BlockSpec((DE, D), lambda i: (0, 0)),
            pl.BlockSpec((D, DH), lambda i: (0, 0)),
        ],
        out_specs=pl.BlockSpec((be, DH), lambda i: (i, 0)),
        out_shape=jax.ShapeDtypeStruct((E, DH), _f32),
    )(kq, kq, attr, w_e, seg)


@functools.partial(
    pl.kernel,
    out_type=jax.ShapeDtypeStruct((NC, N, DW), _f32),
    mesh=_MESH,
    compiler_params=pltpu.CompilerParams(use_tc_tiling_on_sc=False),
    scratch_types=[
        pltpu.VMEM((2, 256), jnp.int32),
        pltpu.VMEM((2, HFA), jnp.int32),
        pltpu.VMEM((2, HFB), jnp.int32),
        pltpu.VMEM((2, CH, D), _f32),
        pltpu.VMEM((2, CH, DH), _f32),
        pltpu.VMEM((CH, DW), _f32),
        pltpu.VMEM_SHARED((N, DW), _f32),
        pltpu.SemaphoreType.DMA,
        pltpu.SemaphoreType.DMA,
        pltpu.SemaphoreType.DMA,
    ],
)
def _scatter_wv(v_hbm, epk_hbm, sc_hbm, tbl_out,
                eidx2, dscata, dscatb, vrows2, srows2, msg, tbl_sh,
                semi, semg, sems):
    cid = lax.axis_index("c")
    sid = lax.axis_index("s")
    wid = sid * NC + cid
    base = wid * EW
    r0 = sid * RPT

    zv = jnp.zeros((DH,), _f32)
    msg0 = msg

    def zb(r, c):
        for cc in range(DW // DH):
            msg[r, pl.ds(cc * DH, DH)] = zv
        return c

    lax.fori_loop(0, CH, zb, 0)

    def icp(j, c):
        pltpu.sync_copy(msg0, tbl_sh.at[pl.ds(r0 + j * CH, CH)])
        return c

    lax.fori_loop(0, 7, icp, 0)

    @pl.when(sid < NS - 1)
    def _():
        pltpu.sync_copy(msg0.at[pl.ds(0, 64)], tbl_sh.at[pl.ds(r0 + 560, 64)])

    @pl.when(sid == NS - 1)
    def _():
        pltpu.sync_copy(msg0, tbl_sh.at[pl.ds(r0 + 560, CH)])

    plsc.subcore_barrier()

    cbase = wid * NCHUNK

    def idx_start(i):
        p = lax.rem(i, 2)
        off = (cbase + i) * 256
        pltpu.async_copy(epk_hbm.at[pl.ds(off, 256)], eidx2.at[p], semi)
        pltpu.async_copy(sc_hbm.at[pl.ds(base + i * CH, CH)], srows2.at[p], semi)

    def idx_wait(i):
        p = lax.rem(i, 2)
        pltpu.make_async_copy(
            epk_hbm.at[pl.ds(0, 256)], eidx2.at[p], semi).wait()
        pltpu.make_async_copy(sc_hbm.at[pl.ds(base, CH)], srows2.at[p], semi).wait()

    def gv_start(i):
        p = lax.rem(i, 2)
        pltpu.async_copy(v_hbm.at[eidx2.at[p].at[pl.ds(0, CH)]], vrows2.at[p], semg)

    def gv_wait(i):
        p = lax.rem(i, 2)
        pltpu.make_async_copy(
            v_hbm.at[eidx2.at[p].at[pl.ds(0, CH)]], vrows2.at[p], semg).wait()

    def scat_start(i, hf):
        p = lax.rem(i, 2)
        if hf == 0:
            pltpu.async_copy(msg.at[pl.ds(0, HFA)],
                             tbl_sh.at[dscata.at[p]], sems, add=True)
        else:
            pltpu.async_copy(msg.at[pl.ds(HFA, HFB)],
                             tbl_sh.at[dscatb.at[p]], sems, add=True)

    def scat_wait(i, hf):
        p = lax.rem(i, 2)
        if hf == 0:
            pltpu.make_async_copy(msg.at[pl.ds(0, HFA)],
                                  tbl_sh.at[dscata.at[p]], sems).wait()
        else:
            pltpu.make_async_copy(msg.at[pl.ds(HFA, HFB)],
                                  tbl_sh.at[dscatb.at[p]], sems).wait()

    idx_start(0)
    idx_wait(0)
    gv_start(0)
    idx_start(1)

    def body(i, carry):
        p = lax.rem(i, 2)
        gv_wait(i)

        for b in range(HFA // DH):
            dscata[p, pl.ds(b * DH, DH)] = eidx2[p, pl.ds(128 + b * DH, DH)]
        for b in range(HFB // DH):
            dscatb[p, pl.ds(b * DH, DH)] = (
                eidx2[p, pl.ds(128 + HFA + b * DH, DH)])

        @pl.when(i + 1 < NCHUNK)
        def _():
            idx_wait(i + 1)
            gv_start(i + 1)

        @pl.when(i >= 1)
        def _():
            scat_wait(i - 1, 0)
            scat_wait(i - 1, 1)

        ihs = [jnp.full((DH,), h, jnp.int32) for h in range(H)]

        def ebody(e, c2):
            sv = srows2[p, e]
            for h in range(H):
                bh = jnp.take_along_axis(sv, ihs[h], axis=0)
                msg[e, pl.ds(h * DH, DH)] = (
                    vrows2[p, e, pl.ds(h * DH, DH)] * bh)
            msg[e, pl.ds(D, DH)] = sv
            return c2

        lax.fori_loop(0, HFA, ebody, 0, unroll=4)
        scat_start(i, 0)
        lax.fori_loop(HFA, CH, ebody, 0, unroll=4)

        @pl.when(i + 2 < NCHUNK)
        def _():
            idx_start(i + 2)

        scat_start(i, 1)
        return carry

    lax.fori_loop(0, NCHUNK, body, 0)
    scat_wait(NCHUNK - 1, 0)
    scat_wait(NCHUNK - 1, 1)

    plsc.subcore_barrier()

    def dcp(j, c):
        pltpu.sync_copy(tbl_sh.at[pl.ds(r0 + j * CH, CH)], msg0)
        pltpu.sync_copy(msg0, tbl_out.at[cid, pl.ds(r0 + j * CH, CH)])
        return c

    lax.fori_loop(0, 7, dcp, 0)

    @pl.when(sid < NS - 1)
    def _():
        pltpu.sync_copy(tbl_sh.at[pl.ds(r0 + 560, 64)], msg0.at[pl.ds(0, 64)])
        pltpu.sync_copy(msg0.at[pl.ds(0, 64)], tbl_out.at[cid, pl.ds(r0 + 560, 64)])

    @pl.when(sid == NS - 1)
    def _():
        pltpu.sync_copy(tbl_sh.at[pl.ds(r0 + 560, CH)], msg0)
        pltpu.sync_copy(msg0, tbl_out.at[cid, pl.ds(r0 + 560, CH)])


def _final_body(x_ref, t0_ref, t1_ref, pwv_ref, pz_ref,
                ln1g_ref, ln1b_ref, w1_ref, b1_ref, w2_ref, b2_ref,
                ln2g_ref, ln2b_ref, out_ref):
    t = t0_ref[0] + t1_ref[0]
    wv = jnp.dot(t, pwv_ref[...], preferred_element_type=_f32)
    zrep = jnp.dot(t, pz_ref[...], preferred_element_type=_f32)
    h = x_ref[...] + wv / (zrep + 1e-6)
    mu = jnp.mean(h, axis=-1, keepdims=True)
    var = jnp.mean((h - mu) ** 2, axis=-1, keepdims=True)
    h = (h - mu) / jnp.sqrt(var + 1e-5) * ln1g_ref[...] + ln1b_ref[...]
    f = jnp.dot(h, w1_ref[...], preferred_element_type=_f32) + b1_ref[...]
    f = jnp.maximum(f, 0.0)
    f = jnp.dot(f, w2_ref[...], preferred_element_type=_f32) + b2_ref[...]
    h = h + f
    mu = jnp.mean(h, axis=-1, keepdims=True)
    var = jnp.mean((h - mu) ** 2, axis=-1, keepdims=True)
    out_ref[...] = (h - mu) / jnp.sqrt(var + 1e-5) * ln2g_ref[...] + ln2b_ref[...]


def _final(x, tbl, pwv, pz, ln1g, ln1b, w1, b1, w2, b2, ln2g, ln2b):
    bn = 5000
    return pl.pallas_call(
        _final_body,
        grid=(N // bn,),
        in_specs=[
            pl.BlockSpec((bn, D), lambda i: (i, 0)),
            pl.BlockSpec((1, bn, DW), lambda i: (0, i, 0)),
            pl.BlockSpec((1, bn, DW), lambda i: (1, i, 0)),
            pl.BlockSpec((DW, D), lambda i: (0, 0)),
            pl.BlockSpec((DW, D), lambda i: (0, 0)),
            pl.BlockSpec((1, D), lambda i: (0, 0)),
            pl.BlockSpec((1, D), lambda i: (0, 0)),
            pl.BlockSpec((D, 2 * D), lambda i: (0, 0)),
            pl.BlockSpec((1, 2 * D), lambda i: (0, 0)),
            pl.BlockSpec((2 * D, D), lambda i: (0, 0)),
            pl.BlockSpec((1, D), lambda i: (0, 0)),
            pl.BlockSpec((1, D), lambda i: (0, 0)),
            pl.BlockSpec((1, D), lambda i: (0, 0)),
        ],
        out_specs=pl.BlockSpec((bn, D), lambda i: (i, 0)),
        out_shape=jax.ShapeDtypeStruct((N, D), _f32),
    )(x, tbl, tbl, pwv, pz, ln1g, ln1b, w1, b1, w2, b2, ln2g, ln2b)


def _seg_matrix():
    m = np.zeros((D, DH), np.float32)
    for h in range(H):
        m[h * DH:(h + 1) * DH, h] = 1.0 / np.sqrt(DH)
    return jnp.asarray(m)


def _pwv_matrix():
    m = np.zeros((DW, D), np.float32)
    m[:D, :] = np.eye(D, dtype=np.float32)
    return jnp.asarray(m)


def _pz_matrix():
    m = np.zeros((DW, D), np.float32)
    for h in range(H):
        m[D + h, h * DH:(h + 1) * DH] = 1.0
    return jnp.asarray(m)


def kernel(x, expander_edge_index, expander_edge_attr, W_Q, W_K, W_E, W_V,
           ln1_g, ln1_b, W1, b1, W2, b2, ln2_g, ln2_b):
    src = expander_edge_index[0]
    dst = expander_edge_index[1]
    epk = jnp.stack(
        [jnp.pad(src.reshape(-1, CH), ((0, 0), (0, 128 - CH))),
         jnp.pad(dst.reshape(-1, CH), ((0, 0), (0, 128 - CH)))],
        axis=1).reshape(-1)
    w_all = jnp.concatenate([W_Q, W_K, W_V], axis=1)

    q, k, v = _project(x, w_all)
    kq = _gather_kq(k, q, epk)
    scores = _scores(kq, expander_edge_attr, W_E, _seg_matrix())
    tbl = _scatter_wv(v, epk, scores)

    return _final(x, tbl, _pwv_matrix(), _pz_matrix(),
                  ln1_g.reshape(1, D), ln1_b.reshape(1, D),
                  W1, b1.reshape(1, 2 * D), W2, b2.reshape(1, D),
                  ln2_g.reshape(1, D), ln2_b.reshape(1, D))

# --- scband reference (transcript-rebuilt; emitter-appended) ---
"""Pipeline reference for scband-exphormer-full-layer-11476152615032 (READ-ONLY COPY).

The authoritative reference and input builder live on the scoring server;
editing this copy changes nothing except your own understanding.
"""

import jax, jax.numpy as jnp
import numpy as np

N = 10000
E = 320000
D = 128
H = 8
DH = D // H
DE = 16


def _layernorm(h, g, b, eps=1e-5):
    mu = jnp.mean(h, axis=-1, keepdims=True)
    var = jnp.var(h, axis=-1, keepdims=True)
    return (h - mu) / jnp.sqrt(var + eps) * g + b


def setup_inputs(seed: int = 0) -> dict:
    key = jax.random.key(seed)
    ks = jax.random.split(key, 12)
    inp = {}
    inp["x"] = jax.random.normal(ks[0], (N, D), dtype=jnp.float32)
    inp["expander_edge_index"] = jax.random.randint(ks[1], (2, E), 0, N, dtype=jnp.int32)
    inp["expander_edge_attr"] = jax.random.normal(ks[2], (E, DE), dtype=jnp.float32)
    # learned parameters (torch Linear weights stored as (in, out) for x @ W)
    inp["W_Q"] = jax.random.normal(ks[3], (D, D), dtype=jnp.float32) / np.sqrt(D)
    inp["W_K"] = jax.random.normal(ks[4], (D, D), dtype=jnp.float32) / np.sqrt(D)
    inp["W_E"] = jax.random.normal(ks[5], (DE, D), dtype=jnp.float32) / np.sqrt(DE)
    inp["W_V"] = jax.random.normal(ks[6], (D, D), dtype=jnp.float32) / np.sqrt(D)
    inp["ln1_g"] = jnp.ones((D,), dtype=jnp.float32)
    inp["ln1_b"] = jnp.zeros((D,), dtype=jnp.float32)
    inp["W1"] = jax.random.normal(ks[7], (D, 2 * D), dtype=jnp.float32) / np.sqrt(D)
    inp["b1"] = jnp.zeros((2 * D,), dtype=jnp.float32)
    inp["W2"] = jax.random.normal(ks[8], (2 * D, D), dtype=jnp.float32) / np.sqrt(2 * D)
    inp["b2"] = jnp.zeros((D,), dtype=jnp.float32)
    inp["ln2_g"] = jnp.ones((D,), dtype=jnp.float32)
    inp["ln2_b"] = jnp.zeros((D,), dtype=jnp.float32)
    return inp


def reference(x, expander_edge_index, expander_edge_attr, W_Q, W_K, W_E, W_V,
              ln1_g, ln1_b, W1, b1, W2, b2, ln2_g, ln2_b):
    ei = expander_edge_index
    # Exphormer attention
    Q_h = (x @ W_Q).reshape(-1, H, DH)
    K_h = (x @ W_K).reshape(-1, H, DH)
    Eh = (expander_edge_attr @ W_E).reshape(-1, H, DH)
    V_h = (x @ W_V).reshape(-1, H, DH)
    src = K_h[ei[0]]           # gather by src node
    dest = Q_h[ei[1]]          # gather by dst node
    score = src * dest
    score = score / np.sqrt(DH)
    score = score * Eh
    score = jnp.exp(jnp.clip(jnp.sum(score, axis=-1, keepdims=True), -5.0, 5.0))
    msg = V_h[ei[0]] * score
    wV = jax.ops.segment_sum(msg, ei[1], num_segments=N)     # scatter-add
    Z = jax.ops.segment_sum(score, ei[1], num_segments=N)    # scatter-add
    h_attn = (wV / (Z + 1e-6)).reshape(N, D)
    # residual + layernorm (dropout=0.0)
    h = x + h_attn
    h = _layernorm(h, ln1_g, ln1_b)
    h_in2 = h
    # FFN
    h = jax.nn.relu(h @ W1 + b1)
    h = h @ W2 + b2
    h = h_in2 + h
    h = _layernorm(h, ln2_g, ln2_b)
    return h

if __name__ == "__main__":
    import jax
    _d = setup_inputs()
    print(jax.jit(kernel)(*tuple(_d.values())))

</pallas_src>

<mosaic_0001>
#map = affine_map<(d0, d1) -> (0, 0)>
#map1 = affine_map<(d0, d1) -> (0)>
#map2 = affine_map<(d0, d1) -> (0, 0, 0)>
module attributes {stable_mosaic.version = 14 : i64} {
  func.func @_scatter_wv(%arg0: i32, %arg1: i32, %arg2: memref<10000x128xf32, #tpu.memory_space<hbm>>, %arg3: memref<1024000xi32, #tpu.memory_space<hbm>>, %arg4: memref<320000x16xf32, #tpu.memory_space<hbm>>, %arg5: memref<2x10000x144xf32, #tpu.memory_space<hbm>>, %arg6: memref<2x256xi32, #tpu.memory_space<vmem>>, %arg7: memref<2x48xi32, #tpu.memory_space<vmem>>, %arg8: memref<2x32xi32, #tpu.memory_space<vmem>>, %arg9: memref<2x80x128xf32, #tpu.memory_space<vmem>>, %arg10: memref<2x80x16xf32, #tpu.memory_space<vmem>>, %arg11: memref<80x144xf32, #tpu.memory_space<vmem>>, %arg12: memref<10000x144xf32, #tpu.memory_space<vmem_shared>>, %arg13: memref<!tpu.dma_semaphore, #tpu.memory_space<semaphore_mem>>, %arg14: memref<!tpu.dma_semaphore, #tpu.memory_space<semaphore_mem>>, %arg15: memref<!tpu.dma_semaphore, #tpu.memory_space<semaphore_mem>>) attributes {dimension_semantics = [#tpu.dimension_semantics<core_parallel>, #tpu.dimension_semantics<subcore_parallel>], iteration_bounds = array<i64: 2, 16>, scalar_prefetch = 0 : i64, scratch_operands = 10 : i64, tpu.core_type = #tpu.core_type<sc_vector_subcore>, window_params = [{transform_indices = #map}, {transform_indices = #map1}, {transform_indices = #map}, {transform_indices = #map2}]} {
    %mul3A = arith.constant 2 : i32
    %mul3A_0 = arith.muli %arg1, %mul3A : i32
    %add3A = arith.addi %mul3A_0, %arg0 : i32
    %mul3A_1 = arith.constant 10000 : i32
    %mul3A_2 = arith.muli %add3A, %mul3A_1 : i32
    %mul3A_3 = arith.constant 624 : i32
    %mul3A_4 = arith.muli %arg1, %mul3A_3 : i32
    %broadcast_in_dim3A = arith.constant 0.000000e+00 : f32
    %broadcast_in_dim3A_5 = vector.broadcast %broadcast_in_dim3A : f32 to vector<16xf32>
    %scan3A = arith.constant 0 : i32
    %scan3A_6 = arith.constant 0 : i32
    %scan3A_7 = arith.constant 80 : i32
    %scan3A_8 = arith.addi %scan3A_6, %scan3A_7 : i32
    %scan3A_9 = arith.constant 1 : i32
    scf.for %scan3A_167 = %scan3A_6 to %scan3A_8 step %scan3A_9  : i32 {
      %swap3A = arith.index_cast %scan3A_167 : i32 to index
      %swap3A_168 = arith.constant 0 : index
      %swap3A_169 = tpu.vector_load %arg11[%swap3A, %swap3A_168] {strides = array<i32>} : memref<80x144xf32, #tpu.memory_space<vmem>>, vector<1x16xf32>,
      %swap3A_170 = vector.shape_cast %swap3A_169 : vector<1x16xf32> to vector<16xf32>
      %swap3A_171 = vector.shape_cast %broadcast_in_dim3A_5 : vector<16xf32> to vector<1x16xf32>
      tpu.vector_store %arg11[%swap3A, %swap3A_168], %swap3A_171 {strides = array<i32>} : memref<80x144xf32, #tpu.memory_space<vmem>>, vector<1x16xf32>,
      %swap3A_172 = arith.index_cast %scan3A_167 : i32 to index
      %swap3A_173 = arith.constant 16 : index
      %swap3A_174 = tpu.vector_load %arg11[%swap3A_172, %swap3A_173] {strides = array<i32>} : memref<80x144xf32, #tpu.memory_space<vmem>>, vector<1x16xf32>,
      %swap3A_175 = vector.shape_cast %swap3A_174 : vector<1x16xf32> to vector<16xf32>
      %swap3A_176 = vector.shape_cast %broadcast_in_dim3A_5 : vector<16xf32> to vector<1x16xf32>
      tpu.vector_store %arg11[%swap3A_172, %swap3A_173], %swap3A_176 {strides = array<i32>} : memref<80x144xf32, #tpu.memory_space<vmem>>, vector<1x16xf32>,
      %swap3A_177 = arith.index_cast %scan3A_167 : i32 to index
      %swap3A_178 = arith.constant 32 : index
      %swap3A_179 = tpu.vector_load %arg11[%swap3A_177, %swap3A_178] {strides = array<i32>} : memref<80x144xf32, #tpu.memory_space<vmem>>, vector<1x16xf32>,
      %swap3A_180 = vector.shape_cast %swap3A_179 : vector<1x16xf32> to vector<16xf32>
      %swap3A_181 = vector.shape_cast %broadcast_in_dim3A_5 : vector<16xf32> to vector<1x16xf32>
      tpu.vector_store %arg11[%swap3A_177, %swap3A_178], %swap3A_181 {strides = array<i32>} : memref<80x144xf32, #tpu.memory_space<vmem>>, vector<1x16xf32>,
      %swap3A_182 = arith.index_cast %scan3A_167 : i32 to index
      %swap3A_183 = arith.constant 48 : index
      %swap3A_184 = tpu.vector_load %arg11[%swap3A_182, %swap3A_183] {strides = array<i32>} : memref<80x144xf32, #tpu.memory_space<vmem>>, vector<1x16xf32>,
      %swap3A_185 = vector.shape_cast %swap3A_184 : vector<1x16xf32> to vector<16xf32>
      %swap3A_186 = vector.shape_cast %broadcast_in_dim3A_5 : vector<16xf32> to vector<1x16xf32>
      tpu.vector_store %arg11[%swap3A_182, %swap3A_183], %swap3A_186 {strides = array<i32>} : memref<80x144xf32, #tpu.memory_space<vmem>>, vector<1x16xf32>,
      %swap3A_187 = arith.index_cast %scan3A_167 : i32 to index
      %swap3A_188 = arith.constant 64 : index
      %swap3A_189 = tpu.vector_load %arg11[%swap3A_187, %swap3A_188] {strides = array<i32>} : memref<80x144xf32, #tpu.memory_space<vmem>>, vector<1x16xf32>,
      %swap3A_190 = vector.shape_cast %swap3A_189 : vector<1x16xf32> to vector<16xf32>
      %swap3A_191 = vector.shape_cast %broadcast_in_dim3A_5 : vector<16xf32> to vector<1x16xf32>
      tpu.vector_store %arg11[%swap3A_187, %swap3A_188], %swap3A_191 {strides = array<i32>} : memref<80x144xf32, #tpu.memory_space<vmem>>, vector<1x16xf32>,
      %swap3A_192 = arith.index_cast %scan3A_167 : i32 to index
      %swap3A_193 = arith.constant 80 : index
      %swap3A_194 = tpu.vector_load %arg11[%swap3A_192, %swap3A_193] {strides = array<i32>} : memref<80x144xf32, #tpu.memory_space<vmem>>, vector<1x16xf32>,
      %swap3A_195 = vector.shape_cast %swap3A_194 : vector<1x16xf32> to vector<16xf32>
      %swap3A_196 = vector.shape_cast %broadcast_in_dim3A_5 : vector<16xf32> to vector<1x16xf32>
      tpu.vector_store %arg11[%swap3A_192, %swap3A_193], %swap3A_196 {strides = array<i32>} : memref<80x144xf32, #tpu.memory_space<vmem>>, vector<1x16xf32>,
      %swap3A_197 = arith.index_cast %scan3A_167 : i32 to index
      %swap3A_198 = arith.constant 96 : index
      %swap3A_199 = tpu.vector_load %arg11[%swap3A_197, %swap3A_198] {strides = array<i32>} : memref<80x144xf32, #tpu.memory_space<vmem>>, vector<1x16xf32>,
      %swap3A_200 = vector.shape_cast %swap3A_199 : vector<1x16xf32> to vector<16xf32>
      %swap3A_201 = vector.shape_cast %broadcast_in_dim3A_5 : vector<16xf32> to vector<1x16xf32>
      tpu.vector_store %arg11[%swap3A_197, %swap3A_198], %swap3A_201 {strides = array<i32>} : memref<80x144xf32, #tpu.memory_space<vmem>>, vector<1x16xf32>,
      %swap3A_202 = arith.index_cast %scan3A_167 : i32 to index
      %swap3A_203 = arith.constant 112 : index
      %swap3A_204 = tpu.vector_load %arg11[%swap3A_202, %swap3A_203] {strides = array<i32>} : memref<80x144xf32, #tpu.memory_space<vmem>>, vector<1x16xf32>,
      %swap3A_205 = vector.shape_cast %swap3A_204 : vector<1x16xf32> to vector<16xf32>
      %swap3A_206 = vector.shape_cast %broadcast_in_dim3A_5 : vector<16xf32> to vector<1x16xf32>
      tpu.vector_store %arg11[%swap3A_202, %swap3A_203], %swap3A_206 {strides = array<i32>} : memref<80x144xf32, #tpu.memory_space<vmem>>, vector<1x16xf32>,
      %swap3A_207 = arith.index_cast %scan3A_167 : i32 to index
      %swap3A_208 = arith.constant 128 : index
      %swap3A_209 = tpu.vector_load %arg11[%swap3A_207, %swap3A_208] {strides = array<i32>} : memref<80x144xf32, #tpu.memory_space<vmem>>, vector<1x16xf32>,
      %swap3A_210 = vector.shape_cast %swap3A_209 : vector<1x16xf32> to vector<16xf32>
      %swap3A_211 = vector.shape_cast %broadcast_in_dim3A_5 : vector<16xf32> to vector<1x16xf32>
      tpu.vector_store %arg11[%swap3A_207, %swap3A_208], %swap3A_211 {strides = array<i32>} : memref<80x144xf32, #tpu.memory_space<vmem>>, vector<1x16xf32>,
    }
    %scan3A_10 = arith.constant 80 : i32
    %scan3A_11 = arith.constant 0 : i32
    %scan3A_12 = arith.constant 0 : i32
    %scan3A_13 = arith.constant 7 : i32
    %scan3A_14 = arith.addi %scan3A_12, %scan3A_13 : i32
    %scan3A_15 = arith.constant 1 : i32
    scf.for %scan3A_167 = %scan3A_12 to %scan3A_14 step %scan3A_15  : i32 {
      %mul3A_168 = arith.constant 80 : i32
      %mul3A_169 = arith.muli %scan3A_167, %mul3A_168 : i32
      %add3A_170 = arith.addi %mul3A_4, %mul3A_169 : i32
      "tpu.region"() ({
        %run_scoped3A = tpu.sem_alloc : memref<!tpu.dma_semaphore, #tpu.memory_space<semaphore_mem>>
        %dma_start3A_171 = arith.constant 0 : i32
        %dma_start3A_172 = tpu.memref_slice %arg12[%add3A_170, %dma_start3A_171] : memref<10000x144xf32, #tpu.memory_space<vmem_shared>> -> memref<80x144xf32, #tpu.memory_space<vmem_shared>>
        %dma_start3A_173 = arith.constant 0 : i32
        %dma_start3A_174 = tpu.memref_slice %arg12[%add3A_170, %dma_start3A_173] : memref<10000x144xf32, #tpu.memory_space<vmem_shared>> -> memref<80x144xf32, #tpu.memory_space<vmem_shared>>
        tpu.enqueue_dma source(%arg11 : memref<80x144xf32, #tpu.memory_space<vmem>>) target(%dma_start3A_174 : memref<80x144xf32, #tpu.memory_space<vmem_shared>>) target_semaphore(%run_scoped3A : memref<!tpu.dma_semaphore, #tpu.memory_space<semaphore_mem>>)
        %dma_wait3A_175 = arith.constant 0 : i32
        %dma_wait3A_176 = tpu.memref_slice %arg12[%add3A_170, %dma_wait3A_175] : memref<10000x144xf32, #tpu.memory_space<vmem_shared>> -> memref<80x144xf32, #tpu.memory_space<vmem_shared>>
        %dma_wait3A_177 = arith.constant 0 : i32
        %dma_wait3A_178 = tpu.memref_slice %arg12[%add3A_170, %dma_wait3A_177] : memref<10000x144xf32, #tpu.memory_space<vmem_shared>> -> memref<80x144xf32, #tpu.memory_space<vmem_shared>>
        tpu.wait_dma2 semaphore(%run_scoped3A : memref<!tpu.dma_semaphore, #tpu.memory_space<semaphore_mem>>) src(%arg11 : memref<80x144xf32, #tpu.memory_space<vmem>>) dst(%dma_wait3A_178 : memref<80x144xf32, #tpu.memory_space<vmem_shared>>)
        tpu.yield
      }) : () -> ()
    }
    %scan3A_16 = arith.constant 7 : i32
    %lt3A = arith.constant 15 : i32
    %lt3A_17 = arith.cmpi slt, %arg1, %lt3A : i32
    %convert_element_type3A = arith.extui %lt3A_17 : i1 to i32
    %cond3A = arith.constant 0 : i32
    %cond3A_18 = arith.cmpi ne, %convert_element_type3A, %cond3A : i32
    scf.if %cond3A_18 {
      %add3A_167 = arith.constant 560 : i32
      %add3A_168 = arith.addi %mul3A_4, %add3A_167 : i32
      "tpu.region"() ({
        %run_scoped3A = tpu.sem_alloc : memref<!tpu.dma_semaphore, #tpu.memory_space<semaphore_mem>>
        %dma_start3A_169 = arith.constant 0 : i32
        %dma_start3A_170 = arith.constant 0 : i32
        %dma_start3A_171 = tpu.memref_slice %arg11[%dma_start3A_169, %dma_start3A_170] : memref<80x144xf32, #tpu.memory_space<vmem>> -> memref<64x144xf32, #tpu.memory_space<vmem>>
        %dma_start3A_172 = arith.constant 0 : i32
        %dma_start3A_173 = tpu.memref_slice %arg12[%add3A_168, %dma_start3A_172] : memref<10000x144xf32, #tpu.memory_space<vmem_shared>> -> memref<64x144xf32, #tpu.memory_space<vmem_shared>>
        %dma_start3A_174 = arith.constant 0 : i32
        %dma_start3A_175 = tpu.memref_slice %arg12[%add3A_168, %dma_start3A_174] : memref<10000x144xf32, #tpu.memory_space<vmem_shared>> -> memref<64x144xf32, #tpu.memory_space<vmem_shared>>
        %dma_start3A_176 = arith.constant 0 : i32
        %dma_start3A_177 = arith.constant 0 : i32
        %dma_start3A_178 = tpu.memref_slice %arg11[%dma_start3A_176, %dma_start3A_177] : memref<80x144xf32, #tpu.memory_space<vmem>> -> memref<64x144xf32, #tpu.memory_space<vmem>>
        tpu.enqueue_dma source(%dma_start3A_178 : memref<64x144xf32, #tpu.memory_space<vmem>>) target(%dma_start3A_175 : memref<64x144xf32, #tpu.memory_space<vmem_shared>>) target_semaphore(%run_scoped3A : memref<!tpu.dma_semaphore, #tpu.memory_space<semaphore_mem>>)
        %dma_wait3A_179 = arith.constant 0 : i32
        %dma_wait3A_180 = arith.constant 0 : i32
        %dma_wait3A_181 = tpu.memref_slice %arg11[%dma_wait3A_179, %dma_wait3A_180] : memref<80x144xf32, #tpu.memory_space<vmem>> -> memref<64x144xf32, #tpu.memory_space<vmem>>
        %dma_wait3A_182 = arith.constant 0 : i32
        %dma_wait3A_183 = tpu.memref_slice %arg12[%add3A_168, %dma_wait3A_182] : memref<10000x144xf32, #tpu.memory_space<vmem_shared>> -> memref<64x144xf32, #tpu.memory_space<vmem_shared>>
        %dma_wait3A_184 = arith.constant 0 : i32
        %dma_wait3A_185 = tpu.memref_slice %arg12[%add3A_168, %dma_wait3A_184] : memref<10000x144xf32, #tpu.memory_space<vmem_shared>> -> memref<64x144xf32, #tpu.memory_space<vmem_shared>>
        %dma_wait3A_186 = arith.constant 0 : i32
        %dma_wait3A_187 = arith.constant 0 : i32
        %dma_wait3A_188 = tpu.memref_slice %arg11[%dma_wait3A_186, %dma_wait3A_187] : memref<80x144xf32, #tpu.memory_space<vmem>> -> memref<64x144xf32, #tpu.memory_space<vmem>>
        tpu.wait_dma2 semaphore(%run_scoped3A : memref<!tpu.dma_semaphore, #tpu.memory_space<semaphore_mem>>) src(%dma_wait3A_188 : memref<64x144xf32, #tpu.memory_space<vmem>>) dst(%dma_wait3A_185 : memref<64x144xf32, #tpu.memory_space<vmem_shared>>)
        tpu.yield
      }) : () -> ()
    } else {
    }
    %eq3A = arith.constant 15 : i32
    %eq3A_19 = arith.cmpi eq, %arg1, %eq3A : i32
    %convert_element_type3A_20 = arith.extui %eq3A_19 : i1 to i32
    %cond3A_21 = arith.constant 0 : i32
    %cond3A_22 = arith.cmpi ne, %convert_element_type3A_20, %cond3A_21 : i32
    scf.if %cond3A_22 {
      %add3A_167 = arith.constant 560 : i32
      %add3A_168 = arith.addi %mul3A_4, %add3A_167 : i32
      "tpu.region"() ({
        %run_scoped3A = tpu.sem_alloc : memref<!tpu.dma_semaphore, #tpu.memory_space<semaphore_mem>>
        %dma_start3A_169 = arith.constant 0 : i32
        %dma_start3A_170 = tpu.memref_slice %arg12[%add3A_168, %dma_start3A_169] : memref<10000x144xf32, #tpu.memory_space<vmem_shared>> -> memref<80x144xf32, #tpu.memory_space<vmem_shared>>
        %dma_start3A_171 = arith.constant 0 : i32
        %dma_start3A_172 = tpu.memref_slice %arg12[%add3A_168, %dma_start3A_171] : memref<10000x144xf32, #tpu.memory_space<vmem_shared>> -> memref<80x144xf32, #tpu.memory_space<vmem_shared>>
        tpu.enqueue_dma source(%arg11 : memref<80x144xf32, #tpu.memory_space<vmem>>) target(%dma_start3A_172 : memref<80x144xf32, #tpu.memory_space<vmem_shared>>) target_semaphore(%run_scoped3A : memref<!tpu.dma_semaphore, #tpu.memory_space<semaphore_mem>>)
        %dma_wait3A_173 = arith.constant 0 : i32
        %dma_wait3A_174 = tpu.memref_slice %arg12[%add3A_168, %dma_wait3A_173] : memref<10000x144xf32, #tpu.memory_space<vmem_shared>> -> memref<80x144xf32, #tpu.memory_space<vmem_shared>>
        %dma_wait3A_175 = arith.constant 0 : i32
        %dma_wait3A_176 = tpu.memref_slice %arg12[%add3A_168, %dma_wait3A_175] : memref<10000x144xf32, #tpu.memory_space<vmem_shared>> -> memref<80x144xf32, #tpu.memory_space<vmem_shared>>
        tpu.wait_dma2 semaphore(%run_scoped3A : memref<!tpu.dma_semaphore, #tpu.memory_space<semaphore_mem>>) src(%arg11 : memref<80x144xf32, #tpu.memory_space<vmem>>) dst(%dma_wait3A_176 : memref<80x144xf32, #tpu.memory_space<vmem_shared>>)
        tpu.yield
      }) : () -> ()
    } else {
    }
    %barrier3A = arith.constant 0 : index
    tpu.barrier barrier_id(%barrier3A)
    %mul3A_23 = arith.constant 125 : i32
    %mul3A_24 = arith.muli %add3A, %mul3A_23 : i32
    %rem3A = arith.constant 0 : i32
    %rem3A_25 = arith.constant 2 : i32
    %rem3A_26 = arith.remsi %rem3A, %rem3A_25 : i32
    %add3A_27 = arith.constant 0 : i32
    %add3A_28 = arith.addi %mul3A_24, %add3A_27 : i32
    %mul3A_29 = arith.constant 256 : i32
    %mul3A_30 = arith.muli %add3A_28, %mul3A_29 : i32
    %dma_start3A = arith.constant 0 : i32
    %dma_start3A_31 = tpu.memref_slice %arg6[%rem3A_26, %dma_start3A] : memref<2x256xi32, #tpu.memory_space<vmem>> -> memref<1x256xi32, #tpu.memory_space<vmem>>
    %dma_start3A_32 = tpu.memref_squeeze %dma_start3A_31 : memref<1x256xi32, #tpu.memory_space<vmem>> -> memref<256xi32, #tpu.memory_space<vmem>>
    %dma_start3A_33 = tpu.memref_slice %arg3[%mul3A_30] : memref<1024000xi32, #tpu.memory_space<hbm>> -> memref<256xi32, #tpu.memory_space<hbm>>
    %dma_start3A_34 = arith.constant 0 : i32
    %dma_start3A_35 = tpu.memref_slice %arg6[%rem3A_26, %dma_start3A_34] : memref<2x256xi32, #tpu.memory_space<vmem>> -> memref<1x256xi32, #tpu.memory_space<vmem>>
    %dma_start3A_36 = tpu.memref_squeeze %dma_start3A_35 : memref<1x256xi32, #tpu.memory_space<vmem>> -> memref<256xi32, #tpu.memory_space<vmem>>
    %dma_start3A_37 = tpu.memref_slice %arg3[%mul3A_30] : memref<1024000xi32, #tpu.memory_space<hbm>> -> memref<256xi32, #tpu.memory_space<hbm>>
    tpu.enqueue_dma source(%dma_start3A_37 : memref<256xi32, #tpu.memory_space<hbm>>) target(%dma_start3A_36 : memref<256xi32, #tpu.memory_space<vmem>>) target_semaphore(%arg13 : memref<!tpu.dma_semaphore, #tpu.memory_space<semaphore_mem>>)
    %add3A_38 = arith.constant 0 : i32
    %add3A_39 = arith.addi %mul3A_2, %add3A_38 : i32
    %dma_start3A_40 = arith.constant 0 : i32
    %dma_start3A_41 = arith.constant 0 : i32
    %dma_start3A_42 = tpu.memref_slice %arg10[%rem3A_26, %dma_start3A_40, %dma_start3A_41] : memref<2x80x16xf32, #tpu.memory_space<vmem>> -> memref<1x80x16xf32, #tpu.memory_space<vmem>>
    %dma_start3A_43 = tpu.memref_squeeze %dma_start3A_42 : memref<1x80x16xf32, #tpu.memory_space<vmem>> -> memref<80x16xf32, #tpu.memory_space<vmem>>
    %dma_start3A_44 = arith.constant 0 : i32
    %dma_start3A_45 = tpu.memref_slice %arg4[%add3A_39, %dma_start3A_44] : memref<320000x16xf32, #tpu.memory_space<hbm>> -> memref<80x16xf32, #tpu.memory_space<hbm>>
    %dma_start3A_46 = arith.constant 0 : i32
    %dma_start3A_47 = arith.constant 0 : i32
    %dma_start3A_48 = tpu.memref_slice %arg10[%rem3A_26, %dma_start3A_46, %dma_start3A_47] : memref<2x80x16xf32, #tpu.memory_space<vmem>> -> memref<1x80x16xf32, #tpu.memory_space<vmem>>
    %dma_start3A_49 = tpu.memref_squeeze %dma_start3A_48 : memref<1x80x16xf32, #tpu.memory_space<vmem>> -> memref<80x16xf32, #tpu.memory_space<vmem>>
    %dma_start3A_50 = arith.constant 0 : i32
    %dma_start3A_51 = tpu.memref_slice %arg4[%add3A_39, %dma_start3A_50] : memref<320000x16xf32, #tpu.memory_space<hbm>> -> memref<80x16xf32, #tpu.memory_space<hbm>>
    tpu.enqueue_dma source(%dma_start3A_51 : memref<80x16xf32, #tpu.memory_space<hbm>>) target(%dma_start3A_49 : memref<80x16xf32, #tpu.memory_space<vmem>>) target_semaphore(%arg13 : memref<!tpu.dma_semaphore, #tpu.memory_space<semaphore_mem>>)
    %rem3A_52 = arith.constant 0 : i32
    %rem3A_53 = arith.constant 2 : i32
    %rem3A_54 = arith.remsi %rem3A_52, %rem3A_53 : i32
    %dma_wait3A = arith.constant 0 : i32
    %dma_wait3A_55 = tpu.memref_slice %arg6[%rem3A_54, %dma_wait3A] : memref<2x256xi32, #tpu.memory_space<vmem>> -> memref<1x256xi32, #tpu.memory_space<vmem>>
    %dma_wait3A_56 = tpu.memref_squeeze %dma_wait3A_55 : memref<1x256xi32, #tpu.memory_space<vmem>> -> memref<256xi32, #tpu.memory_space<vmem>>
    %dma_wait3A_57 = arith.constant 0 : i32
    %dma_wait3A_58 = tpu.memref_slice %arg3[%dma_wait3A_57] : memref<1024000xi32, #tpu.memory_space<hbm>> -> memref<256xi32, #tpu.memory_space<hbm>>
    %dma_wait3A_59 = arith.constant 0 : i32
    %dma_wait3A_60 = tpu.memref_slice %arg6[%rem3A_54, %dma_wait3A_59] : memref<2x256xi32, #tpu.memory_space<vmem>> -> memref<1x256xi32, #tpu.memory_space<vmem>>
    %dma_wait3A_61 = tpu.memref_squeeze %dma_wait3A_60 : memref<1x256xi32, #tpu.memory_space<vmem>> -> memref<256xi32, #tpu.memory_space<vmem>>
    %dma_wait3A_62 = arith.constant 0 : i32
    %dma_wait3A_63 = tpu.memref_slice %arg3[%dma_wait3A_62] : memref<1024000xi32, #tpu.memory_space<hbm>> -> memref<256xi32, #tpu.memory_space<hbm>>
    tpu.wait_dma2 semaphore(%arg13 : memref<!tpu.dma_semaphore, #tpu.memory_space<semaphore_mem>>) src(%dma_wait3A_63 : memref<256xi32, #tpu.memory_space<hbm>>) dst(%dma_wait3A_61 : memref<256xi32, #tpu.memory_space<vmem>>)
    %dma_wait3A_64 = arith.constant 0 : i32
    %dma_wait3A_65 = arith.constant 0 : i32
    %dma_wait3A_66 = tpu.memref_slice %arg10[%rem3A_54, %dma_wait3A_64, %dma_wait3A_65] : memref<2x80x16xf32, #tpu.memory_space<vmem>> -> memref<1x80x16xf32, #tpu.memory_space<vmem>>
    %dma_wait3A_67 = tpu.memref_squeeze %dma_wait3A_66 : memref<1x80x16xf32, #tpu.memory_space<vmem>> -> memref<80x16xf32, #tpu.memory_space<vmem>>
    %dma_wait3A_68 = arith.constant 0 : i32
    %dma_wait3A_69 = tpu.memref_slice %arg4[%mul3A_2, %dma_wait3A_68] : memref<320000x16xf32, #tpu.memory_space<hbm>> -> memref<80x16xf32, #tpu.memory_space<hbm>>
    %dma_wait3A_70 = arith.constant 0 : i32
    %dma_wait3A_71 = arith.constant 0 : i32
    %dma_wait3A_72 = tpu.memref_slice %arg10[%rem3A_54, %dma_wait3A_70, %dma_wait3A_71] : memref<2x80x16xf32, #tpu.memory_space<vmem>> -> memref<1x80x16xf32, #tpu.memory_space<vmem>>
    %dma_wait3A_73 = tpu.memref_squeeze %dma_wait3A_72 : memref<1x80x16xf32, #tpu.memory_space<vmem>> -> memref<80x16xf32, #tpu.memory_space<vmem>>
    %dma_wait3A_74 = arith.constant 0 : i32
    %dma_wait3A_75 = tpu.memref_slice %arg4[%mul3A_2, %dma_wait3A_74] : memref<320000x16xf32, #tpu.memory_space<hbm>> -> memref<80x16xf32, #tpu.memory_space<hbm>>
    tpu.wait_dma2 semaphore(%arg13 : memref<!tpu.dma_semaphore, #tpu.memory_space<semaphore_mem>>) src(%dma_wait3A_75 : memref<80x16xf32, #tpu.memory_space<hbm>>) dst(%dma_wait3A_73 : memref<80x16xf32, #tpu.memory_space<vmem>>)
    %rem3A_76 = arith.constant 0 : i32
    %rem3A_77 = arith.constant 2 : i32
    %rem3A_78 = arith.remsi %rem3A_76, %rem3A_77 : i32
    %dma_start3A_79 = arith.constant 0 : i32
    %dma_start3A_80 = arith.constant 0 : i32
    %dma_start3A_81 = tpu.memref_slice %arg9[%rem3A_78, %dma_start3A_79, %dma_start3A_80] : memref<2x80x128xf32, #tpu.memory_space<vmem>> -> memref<1x80x128xf32, #tpu.memory_space<vmem>>
    %dma_start3A_82 = tpu.memref_squeeze %dma_start3A_81 : memref<1x80x128xf32, #tpu.memory_space<vmem>> -> memref<80x128xf32, #tpu.memory_space<vmem>>
    %dma_start3A_83 = arith.constant 0 : i32
    %dma_start3A_84 = tpu.memref_slice %arg6[%rem3A_78, %dma_start3A_83] : memref<2x256xi32, #tpu.memory_space<vmem>> -> memref<1x256xi32, #tpu.memory_space<vmem>>
    %dma_start3A_85 = tpu.memref_squeeze %dma_start3A_84 : memref<1x256xi32, #tpu.memory_space<vmem>> -> memref<256xi32, #tpu.memory_space<vmem>>
    %dma_start3A_86 = arith.constant 0 : i32
    %dma_start3A_87 = tpu.memref_slice %dma_start3A_85[%dma_start3A_86] : memref<256xi32, #tpu.memory_space<vmem>> -> memref<80xi32, #tpu.memory_space<vmem>>
    %dma_start3A_88 = arith.constant 0 : i32
    %dma_start3A_89 = arith.constant 0 : i32
    %dma_start3A_90 = tpu.memref_slice %arg2[%dma_start3A_88, %dma_start3A_89] : memref<10000x128xf32, #tpu.memory_space<hbm>> -> memref<10000x128xf32, #tpu.memory_space<hbm>>
    tpu.enqueue_indirect_dma source(%dma_start3A_90 : memref<10000x128xf32, #tpu.memory_space<hbm>>) target(%dma_start3A_82 : memref<80x128xf32, #tpu.memory_space<vmem>>) offsets(%dma_start3A_87 : memref<80xi32, #tpu.memory_space<vmem>>) semaphore(%arg14 : memref<!tpu.dma_semaphore, #tpu.memory_space<semaphore_mem>>)
    %rem3A_91 = arith.constant 1 : i32
    %rem3A_92 = arith.constant 2 : i32
    %rem3A_93 = arith.remsi %rem3A_91, %rem3A_92 : i32
    %add3A_94 = arith.constant 1 : i32
    %add3A_95 = arith.addi %mul3A_24, %add3A_94 : i32
    %mul3A_96 = arith.constant 256 : i32
    %mul3A_97 = arith.muli %add3A_95, %mul3A_96 : i32
    %dma_start3A_98 = arith.constant 0 : i32
    %dma_start3A_99 = tpu.memref_slice %arg6[%rem3A_93, %dma_start3A_98] : memref<2x256xi32, #tpu.memory_space<vmem>> -> memref<1x256xi32, #tpu.memory_space<vmem>>
    %dma_start3A_100 = tpu.memref_squeeze %dma_start3A_99 : memref<1x256xi32, #tpu.memory_space<vmem>> -> memref<256xi32, #tpu.memory_space<vmem>>
    %dma_start3A_101 = tpu.memref_slice %arg3[%mul3A_97] : memref<1024000xi32, #tpu.memory_space<hbm>> -> memref<256xi32, #tpu.memory_space<hbm>>
    %dma_start3A_102 = arith.constant 0 : i32
    %dma_start3A_103 = tpu.memref_slice %arg6[%rem3A_93, %dma_start3A_102] : memref<2x256xi32, #tpu.memory_space<vmem>> -> memref<1x256xi32, #tpu.memory_space<vmem>>
    %dma_start3A_104 = tpu.memref_squeeze %dma_start3A_103 : memref<1x256xi32, #tpu.memory_space<vmem>> -> memref<256xi32, #tpu.memory_space<vmem>>
    %dma_start3A_105 = tpu.memref_slice %arg3[%mul3A_97] : memref<1024000xi32, #tpu.memory_space<hbm>> -> memref<256xi32, #tpu.memory_space<hbm>>
    tpu.enqueue_dma source(%dma_start3A_105 : memref<256xi32, #tpu.memory_space<hbm>>) target(%dma_start3A_104 : memref<256xi32, #tpu.memory_space<vmem>>) target_semaphore(%arg13 : memref<!tpu.dma_semaphore, #tpu.memory_space<semaphore_mem>>)
    %add3A_106 = arith.constant 80 : i32
    %add3A_107 = arith.addi %mul3A_2, %add3A_106 : i32
    %dma_start3A_108 = arith.constant 0 : i32
    %dma_start3A_109 = arith.constant 0 : i32
    %dma_start3A_110 = tpu.memref_slice %arg10[%rem3A_93, %dma_start3A_108, %dma_start3A_109] : memref<2x80x16xf32, #tpu.memory_space<vmem>> -> memref<1x80x16xf32, #tpu.memory_space<vmem>>
    %dma_start3A_111 = tpu.memref_squeeze %dma_start3A_110 : memref<1x80x16xf32, #tpu.memory_space<vmem>> -> memref<80x16xf32, #tpu.memory_space<vmem>>
    %dma_start3A_112 = arith.constant 0 : i32
    %dma_start3A_113 = tpu.memref_slice %arg4[%add3A_107, %dma_start3A_112] : memref<320000x16xf32, #tpu.memory_space<hbm>> -> memref<80x16xf32, #tpu.memory_space<hbm>>
    %dma_start3A_114 = arith.constant 0 : i32
    %dma_start3A_115 = arith.constant 0 : i32
    %dma_start3A_116 = tpu.memref_slice %arg10[%rem3A_93, %dma_start3A_114, %dma_start3A_115] : memref<2x80x16xf32, #tpu.memory_space<vmem>> -> memref<1x80x16xf32, #tpu.memory_space<vmem>>
    %dma_start3A_117 = tpu.memref_squeeze %dma_start3A_116 : memref<1x80x16xf32, #tpu.memory_space<vmem>> -> memref<80x16xf32, #tpu.memory_space<vmem>>
    %dma_start3A_118 = arith.constant 0 : i32
    %dma_start3A_119 = tpu.memref_slice %arg4[%add3A_107, %dma_start3A_118] : memref<320000x16xf32, #tpu.memory_space<hbm>> -> memref<80x16xf32, #tpu.memory_space<hbm>>
    tpu.enqueue_dma source(%dma_start3A_119 : memref<80x16xf32, #tpu.memory_space<hbm>>) target(%dma_start3A_117 : memref<80x16xf32, #tpu.memory_space<vmem>>) target_semaphore(%arg13 : memref<!tpu.dma_semaphore, #tpu.memory_space<semaphore_mem>>)
    %scan3A_120 = arith.constant 0 : i32
    %scan3A_121 = arith.constant 0 : i32
    %scan3A_122 = arith.constant 125 : i32
    %scan3A_123 = arith.addi %scan3A_121, %scan3A_122 : i32
    %scan3A_124 = arith.constant 1 : i32
    scf.for %scan3A_167 = %scan3A_121 to %scan3A_123 step %scan3A_124  : i32 {
      %rem3A_168 = arith.constant 2 : i32
      %rem3A_169 = arith.remsi %scan3A_167, %rem3A_168 : i32
      %rem3A_170 = arith.constant 2 : i32
      %rem3A_171 = arith.remsi %scan3A_167, %rem3A_170 : i32
      %dma_wait3A_172 = arith.constant 0 : i32
      %dma_wait3A_173 = arith.constant 0 : i32
      %dma_wait3A_174 = tpu.memref_slice %arg9[%rem3A_171, %dma_wait3A_172, %dma_wait3A_173] : memref<2x80x128xf32, #tpu.memory_space<vmem>> -> memref<1x80x128xf32, #tpu.memory_space<vmem>>
      %dma_wait3A_175 = tpu.memref_squeeze %dma_wait3A_174 : memref<1x80x128xf32, #tpu.memory_space<vmem>> -> memref<80x128xf32, #tpu.memory_space<vmem>>
      %dma_wait3A_176 = arith.constant 0 : i32
      %dma_wait3A_177 = tpu.memref_slice %arg6[%rem3A_171, %dma_wait3A_176] : memref<2x256xi32, #tpu.memory_space<vmem>> -> memref<1x256xi32, #tpu.memory_space<vmem>>
      %dma_wait3A_178 = tpu.memref_squeeze %dma_wait3A_177 : memref<1x256xi32, #tpu.memory_space<vmem>> -> memref<256xi32, #tpu.memory_space<vmem>>
      %dma_wait3A_179 = arith.constant 0 : i32
      %dma_wait3A_180 = tpu.memref_slice %dma_wait3A_178[%dma_wait3A_179] : memref<256xi32, #tpu.memory_space<vmem>> -> memref<80xi32, #tpu.memory_space<vmem>>
      %dma_wait3A_181 = arith.constant 0 : i32
      %dma_wait3A_182 = arith.constant 0 : i32
      %dma_wait3A_183 = tpu.memref_slice %arg2[%dma_wait3A_181, %dma_wait3A_182] : memref<10000x128xf32, #tpu.memory_space<hbm>> -> memref<10000x128xf32, #tpu.memory_space<hbm>>
      tpu.wait_indirect_dma semaphore(%arg14 : memref<!tpu.dma_semaphore, #tpu.memory_space<semaphore_mem>>) src(%dma_wait3A_183 : memref<10000x128xf32, #tpu.memory_space<hbm>>) dst(%dma_wait3A_175 : memref<80x128xf32, #tpu.memory_space<vmem>>)
      %get3A = arith.index_cast %rem3A_169 : i32 to index
      %get3A_184 = arith.constant 128 : index
      %get3A_185 = tpu.vector_load %arg6[%get3A, %get3A_184] {strides = array<i32>} : memref<2x256xi32, #tpu.memory_space<vmem>>, vector<1x16xi32>,
      %get3A_186 = vector.shape_cast %get3A_185 : vector<1x16xi32> to vector<16xi32>
      %swap3A = arith.index_cast %rem3A_169 : i32 to index
      %swap3A_187 = arith.constant 0 : index
      %swap3A_188 = tpu.vector_load %arg7[%swap3A, %swap3A_187] {strides = array<i32>} : memref<2x48xi32, #tpu.memory_space<vmem>>, vector<1x16xi32>,
      %swap3A_189 = vector.shape_cast %swap3A_188 : vector<1x16xi32> to vector<16xi32>
      %swap3A_190 = vector.shape_cast %get3A_186 : vector<16xi32> to vector<1x16xi32>
      tpu.vector_store %arg7[%swap3A, %swap3A_187], %swap3A_190 {strides = array<i32>} : memref<2x48xi32, #tpu.memory_space<vmem>>, vector<1x16xi32>,
      %get3A_191 = arith.index_cast %rem3A_169 : i32 to index
      %get3A_192 = arith.constant 144 : index
      %get3A_193 = tpu.vector_load %arg6[%get3A_191, %get3A_192] {strides = array<i32>} : memref<2x256xi32, #tpu.memory_space<vmem>>, vector<1x16xi32>,
      %get3A_194 = vector.shape_cast %get3A_193 : vector<1x16xi32> to vector<16xi32>
      %swap3A_195 = arith.index_cast %rem3A_169 : i32 to index
      %swap3A_196 = arith.constant 16 : index
      %swap3A_197 = tpu.vector_load %arg7[%swap3A_195, %swap3A_196] {strides = array<i32>} : memref<2x48xi32, #tpu.memory_space<vmem>>, vector<1x16xi32>,
      %swap3A_198 = vector.shape_cast %swap3A_197 : vector<1x16xi32> to vector<16xi32>
      %swap3A_199 = vector.shape_cast %get3A_194 : vector<16xi32> to vector<1x16xi32>
      tpu.vector_store %arg7[%swap3A_195, %swap3A_196], %swap3A_199 {strides = array<i32>} : memref<2x48xi32, #tpu.memory_space<vmem>>, vector<1x16xi32>,
      %get3A_200 = arith.index_cast %rem3A_169 : i32 to index
      %get3A_201 = arith.constant 160 : index
      %get3A_202 = tpu.vector_load %arg6[%get3A_200, %get3A_201] {strides = array<i32>} : memref<2x256xi32, #tpu.memory_space<vmem>>, vector<1x16xi32>,
      %get3A_203 = vector.shape_cast %get3A_202 : vector<1x16xi32> to vector<16xi32>
      %swap3A_204 = arith.index_cast %rem3A_169 : i32 to index
      %swap3A_205 = arith.constant 32 : index
      %swap3A_206 = tpu.vector_load %arg7[%swap3A_204, %swap3A_205] {strides = array<i32>} : memref<2x48xi32, #tpu.memory_space<vmem>>, vector<1x16xi32>,
      %swap3A_207 = vector.shape_cast %swap3A_206 : vector<1x16xi32> to vector<16xi32>
      %swap3A_208 = vector.shape_cast %get3A_203 : vector<16xi32> to vector<1x16xi32>
      tpu.vector_store %arg7[%swap3A_204, %swap3A_205], %swap3A_208 {strides = array<i32>} : memref<2x48xi32, #tpu.memory_space<vmem>>, vector<1x16xi32>,
      %get3A_209 = arith.index_cast %rem3A_169 : i32 to index
      %get3A_210 = arith.constant 176 : index
      %get3A_211 = tpu.vector_load %arg6[%get3A_209, %get3A_210] {strides = array<i32>} : memref<2x256xi32, #tpu.memory_space<vmem>>, vector<1x16xi32>,
      %get3A_212 = vector.shape_cast %get3A_211 : vector<1x16xi32> to vector<16xi32>
      %swap3A_213 = arith.index_cast %rem3A_169 : i32 to index
      %swap3A_214 = arith.constant 0 : index
      %swap3A_215 = tpu.vector_load %arg8[%swap3A_213, %swap3A_214] {strides = array<i32>} : memref<2x32xi32, #tpu.memory_space<vmem>>, vector<1x16xi32>,
      %swap3A_216 = vector.shape_cast %swap3A_215 : vector<1x16xi32> to vector<16xi32>
      %swap3A_217 = vector.shape_cast %get3A_212 : vector<16xi32> to vector<1x16xi32>
      tpu.vector_store %arg8[%swap3A_213, %swap3A_214], %swap3A_217 {strides = array<i32>} : memref<2x32xi32, #tpu.memory_space<vmem>>, vector<1x16xi32>,
      %get3A_218 = arith.index_cast %rem3A_169 : i32 to index
      %get3A_219 = arith.constant 192 : index
      %get3A_220 = tpu.vector_load %arg6[%get3A_218, %get3A_219] {strides = array<i32>} : memref<2x256xi32, #tpu.memory_space<vmem>>, vector<1x16xi32>,
      %get3A_221 = vector.shape_cast %get3A_220 : vector<1x16xi32> to vector<16xi32>
      %swap3A_222 = arith.index_cast %rem3A_169 : i32 to index
      %swap3A_223 = arith.constant 16 : index
      %swap3A_224 = tpu.vector_load %arg8[%swap3A_222, %swap3A_223] {strides = array<i32>} : memref<2x32xi32, #tpu.memory_space<vmem>>, vector<1x16xi32>,
      %swap3A_225 = vector.shape_cast %swap3A_224 : vector<1x16xi32> to vector<16xi32>
      %swap3A_226 = vector.shape_cast %get3A_221 : vector<16xi32> to vector<1x16xi32>
      tpu.vector_store %arg8[%swap3A_222, %swap3A_223], %swap3A_226 {strides = array<i32>} : memref<2x32xi32, #tpu.memory_space<vmem>>, vector<1x16xi32>,
      %add3A_227 = arith.constant 1 : i32
      %add3A_228 = arith.addi %scan3A_167, %add3A_227 : i32
      %lt3A_229 = arith.constant 125 : i32
      %lt3A_230 = arith.cmpi slt, %add3A_228, %lt3A_229 : i32
      %convert_element_type3A_231 = arith.extui %lt3A_230 : i1 to i32
      %cond3A_232 = arith.constant 0 : i32
      %cond3A_233 = arith.cmpi ne, %convert_element_type3A_231, %cond3A_232 : i32
      scf.if %cond3A_233 {
        %add3A_295 = arith.constant 1 : i32
        %add3A_296 = arith.addi %scan3A_167, %add3A_295 : i32
        %rem3A_297 = arith.constant 2 : i32
        %rem3A_298 = arith.remsi %add3A_296, %rem3A_297 : i32
        %dma_wait3A_299 = arith.constant 0 : i32
        %dma_wait3A_300 = tpu.memref_slice %arg6[%rem3A_298, %dma_wait3A_299] : memref<2x256xi32, #tpu.memory_space<vmem>> -> memref<1x256xi32, #tpu.memory_space<vmem>>
        %dma_wait3A_301 = tpu.memref_squeeze %dma_wait3A_300 : memref<1x256xi32, #tpu.memory_space<vmem>> -> memref<256xi32, #tpu.memory_space<vmem>>
        %dma_wait3A_302 = arith.constant 0 : i32
        %dma_wait3A_303 = tpu.memref_slice %arg3[%dma_wait3A_302] : memref<1024000xi32, #tpu.memory_space<hbm>> -> memref<256xi32, #tpu.memory_space<hbm>>
        %dma_wait3A_304 = arith.constant 0 : i32
        %dma_wait3A_305 = tpu.memref_slice %arg6[%rem3A_298, %dma_wait3A_304] : memref<2x256xi32, #tpu.memory_space<vmem>> -> memref<1x256xi32, #tpu.memory_space<vmem>>
        %dma_wait3A_306 = tpu.memref_squeeze %dma_wait3A_305 : memref<1x256xi32, #tpu.memory_space<vmem>> -> memref<256xi32, #tpu.memory_space<vmem>>
        %dma_wait3A_307 = arith.constant 0 : i32
        %dma_wait3A_308 = tpu.memref_slice %arg3[%dma_wait3A_307] : memref<1024000xi32, #tpu.memory_space<hbm>> -> memref<256xi32, #tpu.memory_space<hbm>>
        tpu.wait_dma2 semaphore(%arg13 : memref<!tpu.dma_semaphore, #tpu.memory_space<semaphore_mem>>) src(%dma_wait3A_308 : memref<256xi32, #tpu.memory_space<hbm>>) dst(%dma_wait3A_306 : memref<256xi32, #tpu.memory_space<vmem>>)
        %dma_wait3A_309 = arith.constant 0 : i32
        %dma_wait3A_310 = arith.constant 0 : i32
        %dma_wait3A_311 = tpu.memref_slice %arg10[%rem3A_298, %dma_wait3A_309, %dma_wait3A_310] : memref<2x80x16xf32, #tpu.memory_space<vmem>> -> memref<1x80x16xf32, #tpu.memory_space<vmem>>
        %dma_wait3A_312 = tpu.memref_squeeze %dma_wait3A_311 : memref<1x80x16xf32, #tpu.memory_space<vmem>> -> memref<80x16xf32, #tpu.memory_space<vmem>>
        %dma_wait3A_313 = arith.constant 0 : i32
        %dma_wait3A_314 = tpu.memref_slice %arg4[%mul3A_2, %dma_wait3A_313] : memref<320000x16xf32, #tpu.memory_space<hbm>> -> memref<80x16xf32, #tpu.memory_space<hbm>>
        %dma_wait3A_315 = arith.constant 0 : i32
        %dma_wait3A_316 = arith.constant 0 : i32
        %dma_wait3A_317 = tpu.memref_slice %arg10[%rem3A_298, %dma_wait3A_315, %dma_wait3A_316] : memref<2x80x16xf32, #tpu.memory_space<vmem>> -> memref<1x80x16xf32, #tpu.memory_space<vmem>>
        %dma_wait3A_318 = tpu.memref_squeeze %dma_wait3A_317 : memref<1x80x16xf32, #tpu.memory_space<vmem>> -> memref<80x16xf32, #tpu.memory_space<vmem>>
        %dma_wait3A_319 = arith.constant 0 : i32
        %dma_wait3A_320 = tpu.memref_slice %arg4[%mul3A_2, %dma_wait3A_319] : memref<320000x16xf32, #tpu.memory_space<hbm>> -> memref<80x16xf32, #tpu.memory_space<hbm>>
        tpu.wait_dma2 semaphore(%arg13 : memref<!tpu.dma_semaphore, #tpu.memory_space<semaphore_mem>>) src(%dma_wait3A_320 : memref<80x16xf32, #tpu.memory_space<hbm>>) dst(%dma_wait3A_318 : memref<80x16xf32, #tpu.memory_space<vmem>>)
        %add3A_321 = arith.constant 1 : i32
        %add3A_322 = arith.addi %scan3A_167, %add3A_321 : i32
        %rem3A_323 = arith.constant 2 : i32
        %rem3A_324 = arith.remsi %add3A_322, %rem3A_323 : i32
        %dma_start3A_325 = arith.constant 0 : i32
        %dma_start3A_326 = arith.constant 0 : i32
        %dma_start3A_327 = tpu.memref_slice %arg9[%rem3A_324, %dma_start3A_325, %dma_start3A_326] : memref<2x80x128xf32, #tpu.memory_space<vmem>> -> memref<1x80x128xf32, #tpu.memory_space<vmem>>
        %dma_start3A_328 = tpu.memref_squeeze %dma_start3A_327 : memref<1x80x128xf32, #tpu.memory_space<vmem>> -> memref<80x128xf32, #tpu.memory_space<vmem>>
        %dma_start3A_329 = arith.constant 0 : i32
        %dma_start3A_330 = tpu.memref_slice %arg6[%rem3A_324, %dma_start3A_329] : memref<2x256xi32, #tpu.memory_space<vmem>> -> memref<1x256xi32, #tpu.memory_space<vmem>>
        %dma_start3A_331 = tpu.memref_squeeze %dma_start3A_330 : memref<1x256xi32, #tpu.memory_space<vmem>> -> memref<256xi32, #tpu.memory_space<vmem>>
        %dma_start3A_332 = arith.constant 0 : i32
        %dma_start3A_333 = tpu.memref_slice %dma_start3A_331[%dma_start3A_332] : memref<256xi32, #tpu.memory_space<vmem>> -> memref<80xi32, #tpu.memory_space<vmem>>
        %dma_start3A_334 = arith.constant 0 : i32
        %dma_start3A_335 = arith.constant 0 : i32
        %dma_start3A_336 = tpu.memref_slice %arg2[%dma_start3A_334, %dma_start3A_335] : memref<10000x128xf32, #tpu.memory_space<hbm>> -> memref<10000x128xf32, #tpu.memory_space<hbm>>
        tpu.enqueue_indirect_dma source(%dma_start3A_336 : memref<10000x128xf32, #tpu.memory_space<hbm>>) target(%dma_start3A_328 : memref<80x128xf32, #tpu.memory_space<vmem>>) offsets(%dma_start3A_333 : memref<80xi32, #tpu.memory_space<vmem>>) semaphore(%arg14 : memref<!tpu.dma_semaphore, #tpu.memory_space<semaphore_mem>>)
      } else {
      }
      %ge3A = arith.constant 1 : i32
      %ge3A_234 = arith.cmpi sge, %scan3A_167, %ge3A : i32
      %convert_element_type3A_235 = arith.extui %ge3A_234 : i1 to i32
      %cond3A_236 = arith.constant 0 : i32
      %cond3A_237 = arith.cmpi ne, %convert_element_type3A_235, %cond3A_236 : i32
      scf.if %cond3A_237 {
        %sub3A = arith.constant 1 : i32
        %sub3A_295 = arith.subi %scan3A_167, %sub3A : i32
        %rem3A_296 = arith.constant 2 : i32
        %rem3A_297 = arith.remsi %sub3A_295, %rem3A_296 : i32
        %dma_wait3A_298 = arith.constant 0 : i32
        %dma_wait3A_299 = arith.constant 0 : i32
        %dma_wait3A_300 = tpu.memref_slice %arg11[%dma_wait3A_298, %dma_wait3A_299] : memref<80x144xf32, #tpu.memory_space<vmem>> -> memref<48x144xf32, #tpu.memory_space<vmem>>
        %dma_wait3A_301 = arith.constant 0 : i32
        %dma_wait3A_302 = tpu.memref_slice %arg7[%rem3A_297, %dma_wait3A_301] : memref<2x48xi32, #tpu.memory_space<vmem>> -> memref<1x48xi32, #tpu.memory_space<vmem>>
        %dma_wait3A_303 = tpu.memref_squeeze %dma_wait3A_302 : memref<1x48xi32, #tpu.memory_space<vmem>> -> memref<48xi32, #tpu.memory_space<vmem>>
        %dma_wait3A_304 = arith.constant 0 : i32
        %dma_wait3A_305 = arith.constant 0 : i32
        %dma_wait3A_306 = tpu.memref_slice %arg12[%dma_wait3A_304, %dma_wait3A_305] : memref<10000x144xf32, #tpu.memory_space<vmem_shared>> -> memref<10000x144xf32, #tpu.memory_space<vmem_shared>>
        tpu.wait_indirect_dma semaphore(%arg15 : memref<!tpu.dma_semaphore, #tpu.memory_space<semaphore_mem>>) src(%dma_wait3A_300 : memref<48x144xf32, #tpu.memory_space<vmem>>) dst(%dma_wait3A_306 : memref<10000x144xf32, #tpu.memory_space<vmem_shared>>)
        %sub3A_307 = arith.constant 1 : i32
        %sub3A_308 = arith.subi %scan3A_167, %sub3A_307 : i32
        %rem3A_309 = arith.constant 2 : i32
        %rem3A_310 = arith.remsi %sub3A_308, %rem3A_309 : i32
        %dma_wait3A_311 = arith.constant 48 : i32
        %dma_wait3A_312 = arith.constant 0 : i32
        %dma_wait3A_313 = tpu.memref_slice %arg11[%dma_wait3A_311, %dma_wait3A_312] : memref<80x144xf32, #tpu.memory_space<vmem>> -> memref<32x144xf32, #tpu.memory_space<vmem>>
        %dma_wait3A_314 = arith.constant 0 : i32
        %dma_wait3A_315 = tpu.memref_slice %arg8[%rem3A_310, %dma_wait3A_314] : memref<2x32xi32, #tpu.memory_space<vmem>> -> memref<1x32xi32, #tpu.memory_space<vmem>>
        %dma_wait3A_316 = tpu.memref_squeeze %dma_wait3A_315 : memref<1x32xi32, #tpu.memory_space<vmem>> -> memref<32xi32, #tpu.memory_space<vmem>>
        %dma_wait3A_317 = arith.constant 0 : i32
        %dma_wait3A_318 = arith.constant 0 : i32
        %dma_wait3A_319 = tpu.memref_slice %arg12[%dma_wait3A_317, %dma_wait3A_318] : memref<10000x144xf32, #tpu.memory_space<vmem_shared>> -> memref<10000x144xf32, #tpu.memory_space<vmem_shared>>
        tpu.wait_indirect_dma semaphore(%arg15 : memref<!tpu.dma_semaphore, #tpu.memory_space<semaphore_mem>>) src(%dma_wait3A_313 : memref<32x144xf32, #tpu.memory_space<vmem>>) dst(%dma_wait3A_319 : memref<10000x144xf32, #tpu.memory_space<vmem_shared>>)
      } else {
      }
      %broadcast_in_dim3A_238 = arith.constant 0 : i32
      %broadcast_in_dim3A_239 = vector.broadcast %broadcast_in_dim3A_238 : i32 to vector<16xi32>
      %broadcast_in_dim3A_240 = arith.constant 1 : i32
      %broadcast_in_dim3A_241 = vector.broadcast %broadcast_in_dim3A_240 : i32 to vector<16xi32>
      %broadcast_in_dim3A_242 = arith.constant 2 : i32
      %broadcast_in_dim3A_243 = vector.broadcast %broadcast_in_dim3A_242 : i32 to vector<16xi32>
      %broadcast_in_dim3A_244 = arith.constant 3 : i32
      %broadcast_in_dim3A_245 = vector.broadcast %broadcast_in_dim3A_244 : i32 to vector<16xi32>
      %broadcast_in_dim3A_246 = arith.constant 4 : i32
      %broadcast_in_dim3A_247 = vector.broadcast %broadcast_in_dim3A_246 : i32 to vector<16xi32>
      %broadcast_in_dim3A_248 = arith.constant 5 : i32
      %broadcast_in_dim3A_249 = vector.broadcast %broadcast_in_dim3A_248 : i32 to vector<16xi32>
      %broadcast_in_dim3A_250 = arith.constant 6 : i32
      %broadcast_in_dim3A_251 = vector.broadcast %broadcast_in_dim3A_250 : i32 to vector<16xi32>
      %broadcast_in_dim3A_252 = arith.constant 7 : i32
      %broadcast_in_dim3A_253 = vector.broadcast %broadcast_in_dim3A_252 : i32 to vector<16xi32>
      %scan3A_254 = arith.constant 0 : i32
      %scan3A_255 = arith.constant 0 : i32
      %scan3A_256 = arith.constant 48 : i32
      %scan3A_257 = arith.addi %scan3A_255, %scan3A_256 : i32
      %scan3A_258 = arith.constant 4 : i32
      scf.for %scan3A_295 = %scan3A_255 to %scan3A_257 step %scan3A_258  : i32 {
        %get3A_296 = arith.index_cast %rem3A_169 : i32 to index
        %get3A_297 = arith.index_cast %scan3A_295 : i32 to index
        %get3A_298 = arith.constant 0 : index
        %get3A_299 = tpu.vector_load %arg10[%get3A_296, %get3A_297, %get3A_298] {strides = array<i32>} : memref<2x80x16xf32, #tpu.memory_space<vmem>>, vector<1x1x16xf32>,
        %get3A_300 = vector.shape_cast %get3A_299 : vector<1x1x16xf32> to vector<16xf32>
        %lt3A_301 = arith.constant 0 : i32
        %lt3A_302 = vector.broadcast %lt3A_301 : i32 to vector<16xi32>
        %lt3A_303 = arith.cmpi slt, %broadcast_in_dim3A_239, %lt3A_302 : vector<16xi32>
        %add3A_304 = arith.constant 16 : i32
        %add3A_305 = vector.broadcast %add3A_304 : i32 to vector<16xi32>
        %add3A_306 = arith.addi %broadcast_in_dim3A_239, %add3A_305 : vector<16xi32>
        %select_n3A = arith.select %lt3A_303, %add3A_306, %broadcast_in_dim3A_239 : vector<16xi1>, vector<16xi32>
        %reshape3A = vector.shape_cast %select_n3A : vector<16xi32> to vector<16x1xi32>
        %gather3A = vector.shape_cast %reshape3A : vector<16x1xi32> to vector<16xi32>
        %gather3A_307 = tpu.dynamic_gather %get3A_300[%gather3A] in [0] : vector<16xf32>, vector<16xi32> -> vector<16xf32>
        %get3A_308 = arith.index_cast %rem3A_169 : i32 to index
        %get3A_309 = arith.index_cast %scan3A_295 : i32 to index
        %get3A_310 = arith.constant 0 : index
        %get3A_311 = tpu.vector_load %arg9[%get3A_308, %get3A_309, %get3A_310] {strides = array<i32>} : memref<2x80x128xf32, #tpu.memory_space<vmem>>, vector<1x1x16xf32>,
        %get3A_312 = vector.shape_cast %get3A_311 : vector<1x1x16xf32> to vector<16xf32>
        %mul3A_313 = arith.mulf %get3A_312, %gather3A_307 : vector<16xf32>
        %swap3A_314 = arith.index_cast %scan3A_295 : i32 to index
        %swap3A_315 = arith.constant 0 : index
        %swap3A_316 = tpu.vector_load %arg11[%swap3A_314, %swap3A_315] {strides = array<i32>} : memref<80x144xf32, #tpu.memory_space<vmem>>, vector<1x16xf32>,
        %swap3A_317 = vector.shape_cast %swap3A_316 : vector<1x16xf32> to vector<16xf32>
        %swap3A_318 = vector.shape_cast %mul3A_313 : vector<16xf32> to vector<1x16xf32>
        tpu.vector_store %arg11[%swap3A_314, %swap3A_315], %swap3A_318 {strides = array<i32>} : memref<80x144xf32, #tpu.memory_space<vmem>>, vector<1x16xf32>,
        %lt3A_319 = arith.constant 0 : i32
        %lt3A_320 = vector.broadcast %lt3A_319 : i32 to vector<16xi32>
        %lt3A_321 = arith.cmpi slt, %broadcast_in_dim3A_241, %lt3A_320 : vector<16xi32>
        %add3A_322 = arith.constant 16 : i32
        %add3A_323 = vector.broadcast %add3A_322 : i32 to vector<16xi32>
        %add3A_324 = arith.addi %broadcast_in_dim3A_241, %add3A_323 : vector<16xi32>
        %select_n3A_325 = arith.select %lt3A_321, %add3A_324, %broadcast_in_dim3A_241 : vector<16xi1>, vector<16xi32>
        %reshape3A_326 = vector.shape_cast %select_n3A_325 : vector<16xi32> to vector<16x1xi32>
        %gather3A_327 = vector.shape_cast %reshape3A_326 : vector<16x1xi32> to vector<16xi32>
        %gather3A_328 = tpu.dynamic_gather %get3A_300[%gather3A_327] in [0] : vector<16xf32>, vector<16xi32> -> vector<16xf32>
        %get3A_329 = arith.index_cast %rem3A_169 : i32 to index
        %get3A_330 = arith.index_cast %scan3A_295 : i32 to index
        %get3A_331 = arith.constant 16 : index
        %get3A_332 = tpu.vector_load %arg9[%get3A_329, %get3A_330, %get3A_331] {strides = array<i32>} : memref<2x80x128xf32, #tpu.memory_space<vmem>>, vector<1x1x16xf32>,
        %get3A_333 = vector.shape_cast %get3A_332 : vector<1x1x16xf32> to vector<16xf32>
        %mul3A_334 = arith.mulf %get3A_333, %gather3A_328 : vector<16xf32>
        %swap3A_335 = arith.index_cast %scan3A_295 : i32 to index
        %swap3A_336 = arith.constant 16 : index
        %swap3A_337 = tpu.vector_load %arg11[%swap3A_335, %swap3A_336] {strides = array<i32>} : memref<80x144xf32, #tpu.memory_space<vmem>>, vector<1x16xf32>,
        %swap3A_338 = vector.shape_cast %swap3A_337 : vector<1x16xf32> to vector<16xf32>
        %swap3A_339 = vector.shape_cast %mul3A_334 : vector<16xf32> to vector<1x16xf32>
        tpu.vector_store %arg11[%swap3A_335, %swap3A_336], %swap3A_339 {strides = array<i32>} : memref<80x144xf32, #tpu.memory_space<vmem>>, vector<1x16xf32>,
        %lt3A_340 = arith.constant 0 : i32
        %lt3A_341 = vector.broadcast %lt3A_340 : i32 to vector<16xi32>
        %lt3A_342 = arith.cmpi slt, %broadcast_in_dim3A_243, %lt3A_341 : vector<16xi32>
        %add3A_343 = arith.constant 16 : i32
        %add3A_344 = vector.broadcast %add3A_343 : i32 to vector<16xi32>
        %add3A_345 = arith.addi %broadcast_in_dim3A_243, %add3A_344 : vector<16xi32>
        %select_n3A_346 = arith.select %lt3A_342, %add3A_345, %broadcast_in_dim3A_243 : vector<16xi1>, vector<16xi32>
        %reshape3A_347 = vector.shape_cast %select_n3A_346 : vector<16xi32> to vector<16x1xi32>
        %gather3A_348 = vector.shape_cast %reshape3A_347 : vector<16x1xi32> to vector<16xi32>
        %gather3A_349 = tpu.dynamic_gather %get3A_300[%gather3A_348] in [0] : vector<16xf32>, vector<16xi32> -> vector<16xf32>
        %get3A_350 = arith.index_cast %rem3A_169 : i32 to index
        %get3A_351 = arith.index_cast %scan3A_295 : i32 to index
        %get3A_352 = arith.constant 32 : index
        %get3A_353 = tpu.vector_load %arg9[%get3A_350, %get3A_351, %get3A_352] {strides = array<i32>} : memref<2x80x128xf32, #tpu.memory_space<vmem>>, vector<1x1x16xf32>,
        %get3A_354 = vector.shape_cast %get3A_353 : vector<1x1x16xf32> to vector<16xf32>
        %mul3A_355 = arith.mulf %get3A_354, %gather3A_349 : vector<16xf32>
        %swap3A_356 = arith.index_cast %scan3A_295 : i32 to index
        %swap3A_357 = arith.constant 32 : index
        %swap3A_358 = tpu.vector_load %arg11[%swap3A_356, %swap3A_357] {strides = array<i32>} : memref<80x144xf32, #tpu.memory_space<vmem>>, vector<1x16xf32>,
        %swap3A_359 = vector.shape_cast %swap3A_358 : vector<1x16xf32> to vector<16xf32>
        %swap3A_360 = vector.shape_cast %mul3A_355 : vector<16xf32> to vector<1x16xf32>
        tpu.vector_store %arg11[%swap3A_356, %swap3A_357], %swap3A_360 {strides = array<i32>} : memref<80x144xf32, #tpu.memory_space<vmem>>, vector<1x16xf32>,
        %lt3A_361 = arith.constant 0 : i32
        %lt3A_362 = vector.broadcast %lt3A_361 : i32 to vector<16xi32>
        %lt3A_363 = arith.cmpi slt, %broadcast_in_dim3A_245, %lt3A_362 : vector<16xi32>
        %add3A_364 = arith.constant 16 : i32
        %add3A_365 = vector.broadcast %add3A_364 : i32 to vector<16xi32>
        %add3A_366 = arith.addi %broadcast_in_dim3A_245, %add3A_365 : vector<16xi32>
        %select_n3A_367 = arith.select %lt3A_363, %add3A_366, %broadcast_in_dim3A_245 : vector<16xi1>, vector<16xi32>
        %reshape3A_368 = vector.shape_cast %select_n3A_367 : vector<16xi32> to vector<16x1xi32>
        %gather3A_369 = vector.shape_cast %reshape3A_368 : vector<16x1xi32> to vector<16xi32>
        %gather3A_370 = tpu.dynamic_gather %get3A_300[%gather3A_369] in [0] : vector<16xf32>, vector<16xi32> -> vector<16xf32>
        %get3A_371 = arith.index_cast %rem3A_169 : i32 to index
        %get3A_372 = arith.index_cast %scan3A_295 : i32 to index
        %get3A_373 = arith.constant 48 : index
        %get3A_374 = tpu.vector_load %arg9[%get3A_371, %get3A_372, %get3A_373] {strides = array<i32>} : memref<2x80x128xf32, #tpu.memory_space<vmem>>, vector<1x1x16xf32>,
        %get3A_375 = vector.shape_cast %get3A_374 : vector<1x1x16xf32> to vector<16xf32>
        %mul3A_376 = arith.mulf %get3A_375, %gather3A_370 : vector<16xf32>
        %swap3A_377 = arith.index_cast %scan3A_295 : i32 to index
        %swap3A_378 = arith.constant 48 : index
        %swap3A_379 = tpu.vector_load %arg11[%swap3A_377, %swap3A_378] {strides = array<i32>} : memref<80x144xf32, #tpu.memory_space<vmem>>, vector<1x16xf32>,
        %swap3A_380 = vector.shape_cast %swap3A_379 : vector<1x16xf32> to vector<16xf32>
        %swap3A_381 = vector.shape_cast %mul3A_376 : vector<16xf32> to vector<1x16xf32>
        tpu.vector_store %arg11[%swap3A_377, %swap3A_378], %swap3A_381 {strides = array<i32>} : memref<80x144xf32, #tpu.memory_space<vmem>>, vector<1x16xf32>,
        %lt3A_382 = arith.constant 0 : i32
        %lt3A_383 = vector.broadcast %lt3A_382 : i32 to vector<16xi32>
        %lt3A_384 = arith.cmpi slt, %broadcast_in_dim3A_247, %lt3A_383 : vector<16xi32>
        %add3A_385 = arith.constant 16 : i32
        %add3A_386 = vector.broadcast %add3A_385 : i32 to vector<16xi32>
        %add3A_387 = arith.addi %broadcast_in_dim3A_247, %add3A_386 : vector<16xi32>
        %select_n3A_388 = arith.select %lt3A_384, %add3A_387, %broadcast_in_dim3A_247 : vector<16xi1>, vector<16xi32>
        %reshape3A_389 = vector.shape_cast %select_n3A_388 : vector<16xi32> to vector<16x1xi32>
        %gather3A_390 = vector.shape_cast %reshape3A_389 : vector<16x1xi32> to vector<16xi32>
        %gather3A_391 = tpu.dynamic_gather %get3A_300[%gather3A_390] in [0] : vector<16xf32>, vector<16xi32> -> vector<16xf32>
        %get3A_392 = arith.index_cast %rem3A_169 : i32 to index
        %get3A_393 = arith.index_cast %scan3A_295 : i32 to index
        %get3A_394 = arith.constant 64 : index
        %get3A_395 = tpu.vector_load %arg9[%get3A_392, %get3A_393, %get3A_394] {strides = array<i32>} : memref<2x80x128xf32, #tpu.memory_space<vmem>>, vector<1x1x16xf32>,
        %get3A_396 = vector.shape_cast %get3A_395 : vector<1x1x16xf32> to vector<16xf32>
        %mul3A_397 = arith.mulf %get3A_396, %gather3A_391 : vector<16xf32>
        %swap3A_398 = arith.index_cast %scan3A_295 : i32 to index
        %swap3A_399 = arith.constant 64 : index
        %swap3A_400 = tpu.vector_load %arg11[%swap3A_398, %swap3A_399] {strides = array<i32>} : memref<80x144xf32, #tpu.memory_space<vmem>>, vector<1x16xf32>,
        %swap3A_401 = vector.shape_cast %swap3A_400 : vector<1x16xf32> to vector<16xf32>
        %swap3A_402 = vector.shape_cast %mul3A_397 : vector<16xf32> to vector<1x16xf32>
        tpu.vector_store %arg11[%swap3A_398, %swap3A_399], %swap3A_402 {strides = array<i32>} : memref<80x144xf32, #tpu.memory_space<vmem>>, vector<1x16xf32>,
        %lt3A_403 = arith.constant 0 : i32
        %lt3A_404 = vector.broadcast %lt3A_403 : i32 to vector<16xi32>
        %lt3A_405 = arith.cmpi slt, %broadcast_in_dim3A_249, %lt3A_404 : vector<16xi32>
        %add3A_406 = arith.constant 16 : i32
        %add3A_407 = vector.broadcast %add3A_406 : i32 to vector<16xi32>
        %add3A_408 = arith.addi %broadcast_in_dim3A_249, %add3A_407 : vector<16xi32>
        %select_n3A_409 = arith.select %lt3A_405, %add3A_408, %broadcast_in_dim3A_249 : vector<16xi1>, vector<16xi32>
        %reshape3A_410 = vector.shape_cast %select_n3A_409 : vector<16xi32> to vector<16x1xi32>
        %gather3A_411 = vector.shape_cast %reshape3A_410 : vector<16x1xi32> to vector<16xi32>
        %gather3A_412 = tpu.dynamic_gather %get3A_300[%gather3A_411] in [0] : vector<16xf32>, vector<16xi32> -> vector<16xf32>
        %get3A_413 = arith.index_cast %rem3A_169 : i32 to index
        %get3A_414 = arith.index_cast %scan3A_295 : i32 to index
        %get3A_415 = arith.constant 80 : index
        %get3A_416 = tpu.vector_load %arg9[%get3A_413, %get3A_414, %get3A_415] {strides = array<i32>} : memref<2x80x128xf32, #tpu.memory_space<vmem>>, vector<1x1x16xf32>,
        %get3A_417 = vector.shape_cast %get3A_416 : vector<1x1x16xf32> to vector<16xf32>
        %mul3A_418 = arith.mulf %get3A_417, %gather3A_412 : vector<16xf32>
        %swap3A_419 = arith.index_cast %scan3A_295 : i32 to index
        %swap3A_420 = arith.constant 80 : index
        %swap3A_421 = tpu.vector_load %arg11[%swap3A_419, %swap3A_420] {strides = array<i32>} : memref<80x144xf32, #tpu.memory_space<vmem>>, vector<1x16xf32>,
        %swap3A_422 = vector.shape_cast %swap3A_421 : vector<1x16xf32> to vector<16xf32>
        %swap3A_423 = vector.shape_cast %mul3A_418 : vector<16xf32> to vector<1x16xf32>
        tpu.vector_store %arg11[%swap3A_419, %swap3A_420], %swap3A_423 {strides = array<i32>} : memref<80x144xf32, #tpu.memory_space<vmem>>, vector<1x16xf32>,
        %lt3A_424 = arith.constant 0 : i32
        %lt3A_425 = vector.broadcast %lt3A_424 : i32 to vector<16xi32>
        %lt3A_426 = arith.cmpi slt, %broadcast_in_dim3A_251, %lt3A_425 : vector<16xi32>
        %add3A_427 = arith.constant 16 : i32
        %add3A_428 = vector.broadcast %add3A_427 : i32 to vector<16xi32>
        %add3A_429 = arith.addi %broadcast_in_dim3A_251, %add3A_428 : vector<16xi32>
        %select_n3A_430 = arith.select %lt3A_426, %add3A_429, %broadcast_in_dim3A_251 : vector<16xi1>, vector<16xi32>
        %reshape3A_431 = vector.shape_cast %select_n3A_430 : vector<16xi32> to vector<16x1xi32>
        %gather3A_432 = vector.shape_cast %reshape3A_431 : vector<16x1xi32> to vector<16xi32>
        %gather3A_433 = tpu.dynamic_gather %get3A_300[%gather3A_432] in [0] : vector<16xf32>, vector<16xi32> -> vector<16xf32>
        %get3A_434 = arith.index_cast %rem3A_169 : i32 to index
        %get3A_435 = arith.index_cast %scan3A_295 : i32 to index
        %get3A_436 = arith.constant 96 : index
        %get3A_437 = tpu.vector_load %arg9[%get3A_434, %get3A_435, %get3A_436] {strides = array<i32>} : memref<2x80x128xf32, #tpu.memory_space<vmem>>, vector<1x1x16xf32>,
        %get3A_438 = vector.shape_cast %get3A_437 : vector<1x1x16xf32> to vector<16xf32>
        %mul3A_439 = arith.mulf %get3A_438, %gather3A_433 : vector<16xf32>
        %swap3A_440 = arith.index_cast %scan3A_295 : i32 to index
        %swap3A_441 = arith.constant 96 : index
        %swap3A_442 = tpu.vector_load %arg11[%swap3A_440, %swap3A_441] {strides = array<i32>} : memref<80x144xf32, #tpu.memory_space<vmem>>, vector<1x16xf32>,
        %swap3A_443 = vector.shape_cast %swap3A_442 : vector<1x16xf32> to vector<16xf32>
        %swap3A_444 = vector.shape_cast %mul3A_439 : vector<16xf32> to vector<1x16xf32>
        tpu.vector_store %arg11[%swap3A_440, %swap3A_441], %swap3A_444 {strides = array<i32>} : memref<80x144xf32, #tpu.memory_space<vmem>>, vector<1x16xf32>,
        %lt3A_445 = arith.constant 0 : i32
        %lt3A_446 = vector.broadcast %lt3A_445 : i32 to vector<16xi32>
        %lt3A_447 = arith.cmpi slt, %broadcast_in_dim3A_253, %lt3A_446 : vector<16xi32>
        %add3A_448 = arith.constant 16 : i32
        %add3A_449 = vector.broadcast %add3A_448 : i32 to vector<16xi32>
        %add3A_450 = arith.addi %broadcast_in_dim3A_253, %add3A_449 : vector<16xi32>
        %select_n3A_451 = arith.select %lt3A_447, %add3A_450, %broadcast_in_dim3A_253 : vector<16xi1>, vector<16xi32>
        %reshape3A_452 = vector.shape_cast %select_n3A_451 : vector<16xi32> to vector<16x1xi32>
        %gather3A_453 = vector.shape_cast %reshape3A_452 : vector<16x1xi32> to vector<16xi32>
        %gather3A_454 = tpu.dynamic_gather %get3A_300[%gather3A_453] in [0] : vector<16xf32>, vector<16xi32> -> vector<16xf32>
        %get3A_455 = arith.index_cast %rem3A_169 : i32 to index
        %get3A_456 = arith.index_cast %scan3A_295 : i32 to index
        %get3A_457 = arith.constant 112 : index
        %get3A_458 = tpu.vector_load %arg9[%get3A_455, %get3A_456, %get3A_457] {strides = array<i32>} : memref<2x80x128xf32, #tpu.memory_space<vmem>>, vector<1x1x16xf32>,
        %get3A_459 = vector.shape_cast %get3A_458 : vector<1x1x16xf32> to vector<16xf32>
        %mul3A_460 = arith.mulf %get3A_459, %gather3A_454 : vector<16xf32>
        %swap3A_461 = arith.index_cast %scan3A_295 : i32 to index
        %swap3A_462 = arith.constant 112 : index
        %swap3A_463 = tpu.vector_load %arg11[%swap3A_461, %swap3A_462] {strides = array<i32>} : memref<80x144xf32, #tpu.memory_space<vmem>>, vector<1x16xf32>,
        %swap3A_464 = vector.shape_cast %swap3A_463 : vector<1x16xf32> to vector<16xf32>
        %swap3A_465 = vector.shape_cast %mul3A_460 : vector<16xf32> to vector<1x16xf32>
        tpu.vector_store %arg11[%swap3A_461, %swap3A_462], %swap3A_465 {strides = array<i32>} : memref<80x144xf32, #tpu.memory_space<vmem>>, vector<1x16xf32>,
        %swap3A_466 = arith.index_cast %scan3A_295 : i32 to index
        %swap3A_467 = arith.constant 128 : index
        %swap3A_468 = tpu.vector_load %arg11[%swap3A_466, %swap3A_467] {strides = array<i32>} : memref<80x144xf32, #tpu.memory_space<vmem>>, vector<1x16xf32>,
        %swap3A_469 = vector.shape_cast %swap3A_468 : vector<1x16xf32> to vector<16xf32>
        %swap3A_470 = vector.shape_cast %get3A_300 : vector<16xf32> to vector<1x16xf32>
        tpu.vector_store %arg11[%swap3A_466, %swap3A_467], %swap3A_470 {strides = array<i32>} : memref<80x144xf32, #tpu.memory_space<vmem>>, vector<1x16xf32>,
        %scan3A_471 = arith.constant 1 : i32
        %scan3A_472 = arith.addi %scan3A_295, %scan3A_471 : i32
        %get3A_473 = arith.index_cast %rem3A_169 : i32 to index
        %get3A_474 = arith.index_cast %scan3A_472 : i32 to index
        %get3A_475 = arith.constant 0 : index
        %get3A_476 = tpu.vector_load %arg10[%get3A_473, %get3A_474, %get3A_475] {strides = array<i32>} : memref<2x80x16xf32, #tpu.memory_space<vmem>>, vector<1x1x16xf32>,
        %get3A_477 = vector.shape_cast %get3A_476 : vector<1x1x16xf32> to vector<16xf32>
        %lt3A_478 = arith.constant 0 : i32
        %lt3A_479 = vector.broadcast %lt3A_478 : i32 to vector<16xi32>
        %lt3A_480 = arith.cmpi slt, %broadcast_in_dim3A_239, %lt3A_479 : vector<16xi32>
        %add3A_481 = arith.constant 16 : i32
        %add3A_482 = vector.broadcast %add3A_481 : i32 to vector<16xi32>
        %add3A_483 = arith.addi %broadcast_in_dim3A_239, %add3A_482 : vector<16xi32>
        %select_n3A_484 = arith.select %lt3A_480, %add3A_483, %broadcast_in_dim3A_239 : vector<16xi1>, vector<16xi32>
        %reshape3A_485 = vector.shape_cast %select_n3A_484 : vector<16xi32> to vector<16x1xi32>
        %gather3A_486 = vector.shape_cast %reshape3A_485 : vector<16x1xi32> to vector<16xi32>
        %gather3A_487 = tpu.dynamic_gather %get3A_477[%gather3A_486] in [0] : vector<16xf32>, vector<16xi32> -> vector<16xf32>
        %get3A_488 = arith.index_cast %rem3A_169 : i32 to index
        %get3A_489 = arith.index_cast %scan3A_472 : i32 to index
        %get3A_490 = arith.constant 0 : index
        %get3A_491 = tpu.vector_load %arg9[%get3A_488, %get3A_489, %get3A_490] {strides = array<i32>} : memref<2x80x128xf32, #tpu.memory_space<vmem>>, vector<1x1x16xf32>,
        %get3A_492 = vector.shape_cast %get3A_491 : vector<1x1x16xf32> to vector<16xf32>
        %mul3A_493 = arith.mulf %get3A_492, %gather3A_487 : vector<16xf32>
        %swap3A_494 = arith.index_cast %scan3A_472 : i32 to index
        %swap3A_495 = arith.constant 0 : index
        %swap3A_496 = tpu.vector_load %arg11[%swap3A_494, %swap3A_495] {strides = array<i32>} : memref<80x144xf32, #tpu.memory_space<vmem>>, vector<1x16xf32>,
        %swap3A_497 = vector.shape_cast %swap3A_496 : vector<1x16xf32> to vector<16xf32>
        %swap3A_498 = vector.shape_cast %mul3A_493 : vector<16xf32> to vector<1x16xf32>
        tpu.vector_store %arg11[%swap3A_494, %swap3A_495], %swap3A_498 {strides = array<i32>} : memref<80x144xf32, #tpu.memory_space<vmem>>, vector<1x16xf32>,
        %lt3A_499 = arith.constant 0 : i32
        %lt3A_500 = vector.broadcast %lt3A_499 : i32 to vector<16xi32>
        %lt3A_501 = arith.cmpi slt, %broadcast_in_dim3A_241, %lt3A_500 : vector<16xi32>
        %add3A_502 = arith.constant 16 : i32
        %add3A_503 = vector.broadcast %add3A_502 : i32 to vector<16xi32>
        %add3A_504 = arith.addi %broadcast_in_dim3A_241, %add3A_503 : vector<16xi32>
        %select_n3A_505 = arith.select %lt3A_501, %add3A_504, %broadcast_in_dim3A_241 : vector<16xi1>, vector<16xi32>
        %reshape3A_506 = vector.shape_cast %select_n3A_505 : vector<16xi32> to vector<16x1xi32>
        %gather3A_507 = vector.shape_cast %reshape3A_506 : vector<16x1xi32> to vector<16xi32>
        %gather3A_508 = tpu.dynamic_gather %get3A_477[%gather3A_507] in [0] : vector<16xf32>, vector<16xi32> -> vector<16xf32>
        %get3A_509 = arith.index_cast %rem3A_169 : i32 to index
        %get3A_510 = arith.index_cast %scan3A_472 : i32 to index
        %get3A_511 = arith.constant 16 : index
        %get3A_512 = tpu.vector_load %arg9[%get3A_509, %get3A_510, %get3A_511] {strides = array<i32>} : memref<2x80x128xf32, #tpu.memory_space<vmem>>, vector<1x1x16xf32>,
        %get3A_513 = vector.shape_cast %get3A_512 : vector<1x1x16xf32> to vector<16xf32>
        %mul3A_514 = arith.mulf %get3A_513, %gather3A_508 : vector<16xf32>
        %swap3A_515 = arith.index_cast %scan3A_472 : i32 to index
        %swap3A_516 = arith.constant 16 : index
        %swap3A_517 = tpu.vector_load %arg11[%swap3A_515, %swap3A_516] {strides = array<i32>} : memref<80x144xf32, #tpu.memory_space<vmem>>, vector<1x16xf32>,
        %swap3A_518 = vector.shape_cast %swap3A_517 : vector<1x16xf32> to vector<16xf32>
        %swap3A_519 = vector.shape_cast %mul3A_514 : vector<16xf32> to vector<1x16xf32>
        tpu.vector_store %arg11[%swap3A_515, %swap3A_516], %swap3A_519 {strides = array<i32>} : memref<80x144xf32, #tpu.memory_space<vmem>>, vector<1x16xf32>,
        %lt3A_520 = arith.constant 0 : i32
        %lt3A_521 = vector.broadcast %lt3A_520 : i32 to vector<16xi32>
        %lt3A_522 = arith.cmpi slt, %broadcast_in_dim3A_243, %lt3A_521 : vector<16xi32>
        %add3A_523 = arith.constant 16 : i32
        %add3A_524 = vector.broadcast %add3A_523 : i32 to vector<16xi32>
        %add3A_525 = arith.addi %broadcast_in_dim3A_243, %add3A_524 : vector<16xi32>
        %select_n3A_526 = arith.select %lt3A_522, %add3A_525, %broadcast_in_dim3A_243 : vector<16xi1>, vector<16xi32>
        %reshape3A_527 = vector.shape_cast %select_n3A_526 : vector<16xi32> to vector<16x1xi32>
        %gather3A_528 = vector.shape_cast %reshape3A_527 : vector<16x1xi32> to vector<16xi32>
        %gather3A_529 = tpu.dynamic_gather %get3A_477[%gather3A_528] in [0] : vector<16xf32>, vector<16xi32> -> vector<16xf32>
        %get3A_530 = arith.index_cast %rem3A_169 : i32 to index
        %get3A_531 = arith.index_cast %scan3A_472 : i32 to index
        %get3A_532 = arith.constant 32 : index
        %get3A_533 = tpu.vector_load %arg9[%get3A_530, %get3A_531, %get3A_532] {strides = array<i32>} : memref<2x80x128xf32, #tpu.memory_space<vmem>>, vector<1x1x16xf32>,
        %get3A_534 = vector.shape_cast %get3A_533 : vector<1x1x16xf32> to vector<16xf32>
        %mul3A_535 = arith.mulf %get3A_534, %gather3A_529 : vector<16xf32>
        %swap3A_536 = arith.index_cast %scan3A_472 : i32 to index
        %swap3A_537 = arith.constant 32 : index
        %swap3A_538 = tpu.vector_load %arg11[%swap3A_536, %swap3A_537] {strides = array<i32>} : memref<80x144xf32, #tpu.memory_space<vmem>>, vector<1x16xf32>,
        %swap3A_539 = vector.shape_cast %swap3A_538 : vector<1x16xf32> to vector<16xf32>
        %swap3A_540 = vector.shape_cast %mul3A_535 : vector<16xf32> to vector<1x16xf32>
        tpu.vector_store %arg11[%swap3A_536, %swap3A_537], %swap3A_540 {strides = array<i32>} : memref<80x144xf32, #tpu.memory_space<vmem>>, vector<1x16xf32>,
        %lt3A_541 = arith.constant 0 : i32
        %lt3A_542 = vector.broadcast %lt3A_541 : i32 to vector<16xi32>
        %lt3A_543 = arith.cmpi slt, %broadcast_in_dim3A_245, %lt3A_542 : vector<16xi32>
        %add3A_544 = arith.constant 16 : i32
        %add3A_545 = vector.broadcast %add3A_544 : i32 to vector<16xi32>
        %add3A_546 = arith.addi %broadcast_in_dim3A_245, %add3A_545 : vector<16xi32>
        %select_n3A_547 = arith.select %lt3A_543, %add3A_546, %broadcast_in_dim3A_245 : vector<16xi1>, vector<16xi32>
        %reshape3A_548 = vector.shape_cast %select_n3A_547 : vector<16xi32> to vector<16x1xi32>
        %gather3A_549 = vector.shape_cast %reshape3A_548 : vector<16x1xi32> to vector<16xi32>
        %gather3A_550 = tpu.dynamic_gather %get3A_477[%gather3A_549] in [0] : vector<16xf32>, vector<16xi32> -> vector<16xf32>
        %get3A_551 = arith.index_cast %rem3A_169 : i32 to index
        %get3A_552 = arith.index_cast %scan3A_472 : i32 to index
        %get3A_553 = arith.constant 48 : index
        %get3A_554 = tpu.vector_load %arg9[%get3A_551, %get3A_552, %get3A_553] {strides = array<i32>} : memref<2x80x128xf32, #tpu.memory_space<vmem>>, vector<1x1x16xf32>,
        %get3A_555 = vector.shape_cast %get3A_554 : vector<1x1x16xf32> to vector<16xf32>
        %mul3A_556 = arith.mulf %get3A_555, %gather3A_550 : vector<16xf32>
        %swap3A_557 = arith.index_cast %scan3A_472 : i32 to index
        %swap3A_558 = arith.constant 48 : index
        %swap3A_559 = tpu.vector_load %arg11[%swap3A_557, %swap3A_558] {strides = array<i32>} : memref<80x144xf32, #tpu.memory_space<vmem>>, vector<1x16xf32>,
        %swap3A_560 = vector.shape_cast %swap3A_559 : vector<1x16xf32> to vector<16xf32>
        %swap3A_561 = vector.shape_cast %mul3A_556 : vector<16xf32> to vector<1x16xf32>
        tpu.vector_store %arg11[%swap3A_557, %swap3A_558], %swap3A_561 {strides = array<i32>} : memref<80x144xf32, #tpu.memory_space<vmem>>, vector<1x16xf32>,
        %lt3A_562 = arith.constant 0 : i32
        %lt3A_563 = vector.broadcast %lt3A_562 : i32 to vector<16xi32>
        %lt3A_564 = arith.cmpi slt, %broadcast_in_dim3A_247, %lt3A_563 : vector<16xi32>
        %add3A_565 = arith.constant 16 : i32
        %add3A_566 = vector.broadcast %add3A_565 : i32 to vector<16xi32>
        %add3A_567 = arith.addi %broadcast_in_dim3A_247, %add3A_566 : vector<16xi32>
        %select_n3A_568 = arith.select %lt3A_564, %add3A_567, %broadcast_in_dim3A_247 : vector<16xi1>, vector<16xi32>
        %reshape3A_569 = vector.shape_cast %select_n3A_568 : vector<16xi32> to vector<16x1xi32>
        %gather3A_570 = vector.shape_cast %reshape3A_569 : vector<16x1xi32> to vector<16xi32>
        %gather3A_571 = tpu.dynamic_gather %get3A_477[%gather3A_570] in [0] : vector<16xf32>, vector<16xi32> -> vector<16xf32>
        %get3A_572 = arith.index_cast %rem3A_169 : i32 to index
        %get3A_573 = arith.index_cast %scan3A_472 : i32 to index
        %get3A_574 = arith.constant 64 : index
        %get3A_575 = tpu.vector_load %arg9[%get3A_572, %get3A_573, %get3A_574] {strides = array<i32>} : memref<2x80x128xf32, #tpu.memory_space<vmem>>, vector<1x1x16xf32>,
        %get3A_576 = vector.shape_cast %get3A_575 : vector<1x1x16xf32> to vector<16xf32>
        %mul3A_577 = arith.mulf %get3A_576, %gather3A_571 : vector<16xf32>
        %swap3A_578 = arith.index_cast %scan3A_472 : i32 to index
        %swap3A_579 = arith.constant 64 : index
        %swap3A_580 = tpu.vector_load %arg11[%swap3A_578, %swap3A_579] {strides = array<i32>} : memref<80x144xf32, #tpu.memory_space<vmem>>, vector<1x16xf32>,
        %swap3A_581 = vector.shape_cast %swap3A_580 : vector<1x16xf32> to vector<16xf32>
        %swap3A_582 = vector.shape_cast %mul3A_577 : vector<16xf32> to vector<1x16xf32>
        tpu.vector_store %arg11[%swap3A_578, %swap3A_579], %swap3A_582 {strides = array<i32>} : memref<80x144xf32, #tpu.memory_space<vmem>>, vector<1x16xf32>,
        %lt3A_583 = arith.constant 0 : i32
        %lt3A_584 = vector.broadcast %lt3A_583 : i32 to vector<16xi32>
        %lt3A_585 = arith.cmpi slt, %broadcast_in_dim3A_249, %lt3A_584 : vector<16xi32>
        %add3A_586 = arith.constant 16 : i32
        %add3A_587 = vector.broadcast %add3A_586 : i32 to vector<16xi32>
        %add3A_588 = arith.addi %broadcast_in_dim3A_249, %add3A_587 : vector<16xi32>
        %select_n3A_589 = arith.select %lt3A_585, %add3A_588, %broadcast_in_dim3A_249 : vector<16xi1>, vector<16xi32>
        %reshape3A_590 = vector.shape_cast %select_n3A_589 : vector<16xi32> to vector<16x1xi32>
        %gather3A_591 = vector.shape_cast %reshape3A_590 : vector<16x1xi32> to vector<16xi32>
        %gather3A_592 = tpu.dynamic_gather %get3A_477[%gather3A_591] in [0] : vector<16xf32>, vector<16xi32> -> vector<16xf32>
        %get3A_593 = arith.index_cast %rem3A_169 : i32 to index
        %get3A_594 = arith.index_cast %scan3A_472 : i32 to index
        %get3A_595 = arith.constant 80 : index
        %get3A_596 = tpu.vector_load %arg9[%get3A_593, %get3A_594, %get3A_595] {strides = array<i32>} : memref<2x80x128xf32, #tpu.memory_space<vmem>>, vector<1x1x16xf32>,
        %get3A_597 = vector.shape_cast %get3A_596 : vector<1x1x16xf32> to vector<16xf32>
        %mul3A_598 = arith.mulf %get3A_597, %gather3A_592 : vector<16xf32>
        %swap3A_599 = arith.index_cast %scan3A_472 : i32 to index
        %swap3A_600 = arith.constant 80 : index
        %swap3A_601 = tpu.vector_load %arg11[%swap3A_599, %swap3A_600] {strides = array<i32>} : memref<80x144xf32, #tpu.memory_space<vmem>>, vector<1x16xf32>,
        %swap3A_602 = vector.shape_cast %swap3A_601 : vector<1x16xf32> to vector<16xf32>
        %swap3A_603 = vector.shape_cast %mul3A_598 : vector<16xf32> to vector<1x16xf32>
        tpu.vector_store %arg11[%swap3A_599, %swap3A_600], %swap3A_603 {strides = array<i32>} : memref<80x144xf32, #tpu.memory_space<vmem>>, vector<1x16xf32>,
        %lt3A_604 = arith.constant 0 : i32
        %lt3A_605 = vector.broadcast %lt3A_604 : i32 to vector<16xi32>
        %lt3A_606 = arith.cmpi slt, %broadcast_in_dim3A_251, %lt3A_605 : vector<16xi32>
        %add3A_607 = arith.constant 16 : i32
        %add3A_608 = vector.broadcast %add3A_607 : i32 to vector<16xi32>
        %add3A_609 = arith.addi %broadcast_in_dim3A_251, %add3A_608 : vector<16xi32>
        %select_n3A_610 = arith.select %lt3A_606, %add3A_609, %broadcast_in_dim3A_251 : vector<16xi1>, vector<16xi32>
        %reshape3A_611 = vector.shape_cast %select_n3A_610 : vector<16xi32> to vector<16x1xi32>
        %gather3A_612 = vector.shape_cast %reshape3A_611 : vector<16x1xi32> to vector<16xi32>
        %gather3A_613 = tpu.dynamic_gather %get3A_477[%gather3A_612] in [0] : vector<16xf32>, vector<16xi32> -> vector<16xf32>
        %get3A_614 = arith.index_cast %rem3A_169 : i32 to index
        %get3A_615 = arith.index_cast %scan3A_472 : i32 to index
        %get3A_616 = arith.constant 96 : index
        %get3A_617 = tpu.vector_load %arg9[%get3A_614, %get3A_615, %get3A_616] {strides = array<i32>} : memref<2x80x128xf32, #tpu.memory_space<vmem>>, vector<1x1x16xf32>,
        %get3A_618 = vector.shape_cast %get3A_617 : vector<1x1x16xf32> to vector<16xf32>
        %mul3A_619 = arith.mulf %get3A_618, %gather3A_613 : vector<16xf32>
        %swap3A_620 = arith.index_cast %scan3A_472 : i32 to index
        %swap3A_621 = arith.constant 96 : index
        %swap3A_622 = tpu.vector_load %arg11[%swap3A_620, %swap3A_621] {strides = array<i32>} : memref<80x144xf32, #tpu.memory_space<vmem>>, vector<1x16xf32>,
        %swap3A_623 = vector.shape_cast %swap3A_622 : vector<1x16xf32> to vector<16xf32>
        %swap3A_624 = vector.shape_cast %mul3A_619 : vector<16xf32> to vector<1x16xf32>
        tpu.vector_store %arg11[%swap3A_620, %swap3A_621], %swap3A_624 {strides = array<i32>} : memref<80x144xf32, #tpu.memory_space<vmem>>, vector<1x16xf32>,
        %lt3A_625 = arith.constant 0 : i32
        %lt3A_626 = vector.broadcast %lt3A_625 : i32 to vector<16xi32>
        %lt3A_627 = arith.cmpi slt, %broadcast_in_dim3A_253, %lt3A_626 : vector<16xi32>
        %add3A_628 = arith.constant 16 : i32
        %add3A_629 = vector.broadcast %add3A_628 : i32 to vector<16xi32>
        %add3A_630 = arith.addi %broadcast_in_dim3A_253, %add3A_629 : vector<16xi32>
        %select_n3A_631 = arith.select %lt3A_627, %add3A_630, %broadcast_in_dim3A_253 : vector<16xi1>, vector<16xi32>
        %reshape3A_632 = vector.shape_cast %select_n3A_631 : vector<16xi32> to vector<16x1xi32>
        %gather3A_633 = vector.shape_cast %reshape3A_632 : vector<16x1xi32> to vector<16xi32>
        %gather3A_634 = tpu.dynamic_gather %get3A_477[%gather3A_633] in [0] : vector<16xf32>, vector<16xi32> -> vector<16xf32>
        %get3A_635 = arith.index_cast %rem3A_169 : i32 to index
        %get3A_636 = arith.index_cast %scan3A_472 : i32 to index
        %get3A_637 = arith.constant 112 : index
        %get3A_638 = tpu.vector_load %arg9[%get3A_635, %get3A_636, %get3A_637] {strides = array<i32>} : memref<2x80x128xf32, #tpu.memory_space<vmem>>, vector<1x1x16xf32>,
        %get3A_639 = vector.shape_cast %get3A_638 : vector<1x1x16xf32> to vector<16xf32>
        %mul3A_640 = arith.mulf %get3A_639, %gather3A_634 : vector<16xf32>
        %swap3A_641 = arith.index_cast %scan3A_472 : i32 to index
        %swap3A_642 = arith.constant 112 : index
        %swap3A_643 = tpu.vector_load %arg11[%swap3A_641, %swap3A_642] {strides = array<i32>} : memref<80x144xf32, #tpu.memory_space<vmem>>, vector<1x16xf32>,
        %swap3A_644 = vector.shape_cast %swap3A_643 : vector<1x16xf32> to vector<16xf32>
        %swap3A_645 = vector.shape_cast %mul3A_640 : vector<16xf32> to vector<1x16xf32>
        tpu.vector_store %arg11[%swap3A_641, %swap3A_642], %swap3A_645 {strides = array<i32>} : memref<80x144xf32, #tpu.memory_space<vmem>>, vector<1x16xf32>,
        %swap3A_646 = arith.index_cast %scan3A_472 : i32 to index
        %swap3A_647 = arith.constant 128 : index
        %swap3A_648 = tpu.vector_load %arg11[%swap3A_646, %swap3A_647] {strides = array<i32>} : memref<80x144xf32, #tpu.memory_space<vmem>>, vector<1x16xf32>,
        %swap3A_649 = vector.shape_cast %swap3A_648 : vector<1x16xf32> to vector<16xf32>
        %swap3A_650 = vector.shape_cast %get3A_477 : vector<16xf32> to vector<1x16xf32>
        tpu.vector_store %arg11[%swap3A_646, %swap3A_647], %swap3A_650 {strides = array<i32>} : memref<80x144xf32, #tpu.memory_space<vmem>>, vector<1x16xf32>,
        %scan3A_651 = arith.constant 2 : i32
        %scan3A_652 = arith.addi %scan3A_295, %scan3A_651 : i32
        %get3A_653 = arith.index_cast %rem3A_169 : i32 to index
        %get3A_654 = arith.index_cast %scan3A_652 : i32 to index
        %get3A_655 = arith.constant 0 : index
        %get3A_656 = tpu.vector_load %arg10[%get3A_653, %get3A_654, %get3A_655] {strides = array<i32>} : memref<2x80x16xf32, #tpu.memory_space<vmem>>, vector<1x1x16xf32>,
        %get3A_657 = vector.shape_cast %get3A_656 : vector<1x1x16xf32> to vector<16xf32>
        %lt3A_658 = arith.constant 0 : i32
        %lt3A_659 = vector.broadcast %lt3A_658 : i32 to vector<16xi32>
        %lt3A_660 = arith.cmpi slt, %broadcast_in_dim3A_239, %lt3A_659 : vector<16xi32>
        %add3A_661 = arith.constant 16 : i32
        %add3A_662 = vector.broadcast %add3A_661 : i32 to vector<16xi32>
        %add3A_663 = arith.addi %broadcast_in_dim3A_239, %add3A_662 : vector<16xi32>
        %select_n3A_664 = arith.select %lt3A_660, %add3A_663, %broadcast_in_dim3A_239 : vector<16xi1>, vector<16xi32>
        %reshape3A_665 = vector.shape_cast %select_n3A_664 : vector<16xi32> to vector<16x1xi32>
        %gather3A_666 = vector.shape_cast %reshape3A_665 : vector<16x1xi32> to vector<16xi32>
        %gather3A_667 = tpu.dynamic_gather %get3A_657[%gather3A_666] in [0] : vector<16xf32>, vector<16xi32> -> vector<16xf32>
        %get3A_668 = arith.index_cast %rem3A_169 : i32 to index
        %get3A_669 = arith.index_cast %scan3A_652 : i32 to index
        %get3A_670 = arith.constant 0 : index
        %get3A_671 = tpu.vector_load %arg9[%get3A_668, %get3A_669, %get3A_670] {strides = array<i32>} : memref<2x80x128xf32, #tpu.memory_space<vmem>>, vector<1x1x16xf32>,
        %get3A_672 = vector.shape_cast %get3A_671 : vector<1x1x16xf32> to vector<16xf32>
        %mul3A_673 = arith.mulf %get3A_672, %gather3A_667 : vector<16xf32>
        %swap3A_674 = arith.index_cast %scan3A_652 : i32 to index
        %swap3A_675 = arith.constant 0 : index
        %swap3A_676 = tpu.vector_load %arg11[%swap3A_674, %swap3A_675] {strides = array<i32>} : memref<80x144xf32, #tpu.memory_space<vmem>>, vector<1x16xf32>,
        %swap3A_677 = vector.shape_cast %swap3A_676 : vector<1x16xf32> to vector<16xf32>
        %swap3A_678 = vector.shape_cast %mul3A_673 : vector<16xf32> to vector<1x16xf32>
        tpu.vector_store %arg11[%swap3A_674, %swap3A_675], %swap3A_678 {strides = array<i32>} : memref<80x144xf32, #tpu.memory_space<vmem>>, vector<1x16xf32>,
        %lt3A_679 = arith.constant 0 : i32
        %lt3A_680 = vector.broadcast %lt3A_679 : i32 to vector<16xi32>
        %lt3A_681 = arith.cmpi slt, %broadcast_in_dim3A_241, %lt3A_680 : vector<16xi32>
        %add3A_682 = arith.constant 16 : i32
        %add3A_683 = vector.broadcast %add3A_682 : i32 to vector<16xi32>
        %add3A_684 = arith.addi %broadcast_in_dim3A_241, %add3A_683 : vector<16xi32>
        %select_n3A_685 = arith.select %lt3A_681, %add3A_684, %broadcast_in_dim3A_241 : vector<16xi1>, vector<16xi32>
        %reshape3A_686 = vector.shape_cast %select_n3A_685 : vector<16xi32> to vector<16x1xi32>
        %gather3A_687 = vector.shape_cast %reshape3A_686 : vector<16x1xi32> to vector<16xi32>
        %gather3A_688 = tpu.dynamic_gather %get3A_657[%gather3A_687] in [0] : vector<16xf32>, vector<16xi32> -> vector<16xf32>
        %get3A_689 = arith.index_cast %rem3A_169 : i32 to index
        %get3A_690 = arith.index_cast %scan3A_652 : i32 to index
        %get3A_691 = arith.constant 16 : index
        %get3A_692 = tpu.vector_load %arg9[%get3A_689, %get3A_690, %get3A_691] {strides = array<i32>} : memref<2x80x128xf32, #tpu.memory_space<vmem>>, vector<1x1x16xf32>,
        %get3A_693 = vector.shape_cast %get3A_692 : vector<1x1x16xf32> to vector<16xf32>
        %mul3A_694 = arith.mulf %get3A_693, %gather3A_688 : vector<16xf32>
        %swap3A_695 = arith.index_cast %scan3A_652 : i32 to index
        %swap3A_696 = arith.constant 16 : index
        %swap3A_697 = tpu.vector_load %arg11[%swap3A_695, %swap3A_696] {strides = array<i32>} : memref<80x144xf32, #tpu.memory_space<vmem>>, vector<1x16xf32>,
        %swap3A_698 = vector.shape_cast %swap3A_697 : vector<1x16xf32> to vector<16xf32>
        %swap3A_699 = vector.shape_cast %mul3A_694 : vector<16xf32> to vector<1x16xf32>
        tpu.vector_store %arg11[%swap3A_695, %swap3A_696], %swap3A_699 {strides = array<i32>} : memref<80x144xf32, #tpu.memory_space<vmem>>, vector<1x16xf32>,
        %lt3A_700 = arith.constant 0 : i32
        %lt3A_701 = vector.broadcast %lt3A_700 : i32 to vector<16xi32>
        %lt3A_702 = arith.cmpi slt, %broadcast_in_dim3A_243, %lt3A_701 : vector<16xi32>
        %add3A_703 = arith.constant 16 : i32
        %add3A_704 = vector.broadcast %add3A_703 : i32 to vector<16xi32>
        %add3A_705 = arith.addi %broadcast_in_dim3A_243, %add3A_704 : vector<16xi32>
        %select_n3A_706 = arith.select %lt3A_702, %add3A_705, %broadcast_in_dim3A_243 : vector<16xi1>, vector<16xi32>
        %reshape3A_707 = vector.shape_cast %select_n3A_706 : vector<16xi32> to vector<16x1xi32>
        %gather3A_708 = vector.shape_cast %reshape3A_707 : vector<16x1xi32> to vector<16xi32>
        %gather3A_709 = tpu.dynamic_gather %get3A_657[%gather3A_708] in [0] : vector<16xf32>, vector<16xi32> -> vector<16xf32>
        %get3A_710 = arith.index_cast %rem3A_169 : i32 to index
        %get3A_711 = arith.index_cast %scan3A_652 : i32 to index
        %get3A_712 = arith.constant 32 : index
        %get3A_713 = tpu.vector_load %arg9[%get3A_710, %get3A_711, %get3A_712] {strides = array<i32>} : memref<2x80x128xf32, #tpu.memory_space<vmem>>, vector<1x1x16xf32>,
        %get3A_714 = vector.shape_cast %get3A_713 : vector<1x1x16xf32> to vector<16xf32>
        %mul3A_715 = arith.mulf %get3A_714, %gather3A_709 : vector<16xf32>
        %swap3A_716 = arith.index_cast %scan3A_652 : i32 to index
        %swap3A_717 = arith.constant 32 : index
        %swap3A_718 = tpu.vector_load %arg11[%swap3A_716, %swap3A_717] {strides = array<i32>} : memref<80x144xf32, #tpu.memory_space<vmem>>, vector<1x16xf32>,
        %swap3A_719 = vector.shape_cast %swap3A_718 : vector<1x16xf32> to vector<16xf32>
        %swap3A_720 = vector.shape_cast %mul3A_715 : vector<16xf32> to vector<1x16xf32>
        tpu.vector_store %arg11[%swap3A_716, %swap3A_717], %swap3A_720 {strides = array<i32>} : memref<80x144xf32, #tpu.memory_space<vmem>>, vector<1x16xf32>,
        %lt3A_721 = arith.constant 0 : i32
        %lt3A_722 = vector.broadcast %lt3A_721 : i32 to vector<16xi32>
        %lt3A_723 = arith.cmpi slt, %broadcast_in_dim3A_245, %lt3A_722 : vector<16xi32>
        %add3A_724 = arith.constant 16 : i32
        %add3A_725 = vector.broadcast %add3A_724 : i32 to vector<16xi32>
        %add3A_726 = arith.addi %broadcast_in_dim3A_245, %add3A_725 : vector<16xi32>
        %select_n3A_727 = arith.select %lt3A_723, %add3A_726, %broadcast_in_dim3A_245 : vector<16xi1>, vector<16xi32>
        %reshape3A_728 = vector.shape_cast %select_n3A_727 : vector<16xi32> to vector<16x1xi32>
        %gather3A_729 = vector.shape_cast %reshape3A_728 : vector<16x1xi32> to vector<16xi32>
        %gather3A_730 = tpu.dynamic_gather %get3A_657[%gather3A_729] in [0] : vector<16xf32>, vector<16xi32> -> vector<16xf32>
        %get3A_731 = arith.index_cast %rem3A_169 : i32 to index
        %get3A_732 = arith.index_cast %scan3A_652 : i32 to index
        %get3A_733 = arith.constant 48 : index
        %get3A_734 = tpu.vector_load %arg9[%get3A_731, %get3A_732, %get3A_733] {strides = array<i32>} : memref<2x80x128xf32, #tpu.memory_space<vmem>>, vector<1x1x16xf32>,
        %get3A_735 = vector.shape_cast %get3A_734 : vector<1x1x16xf32> to vector<16xf32>
        %mul3A_736 = arith.mulf %get3A_735, %gather3A_730 : vector<16xf32>
        %swap3A_737 = arith.index_cast %scan3A_652 : i32 to index
        %swap3A_738 = arith.constant 48 : index
        %swap3A_739 = tpu.vector_load %arg11[%swap3A_737, %swap3A_738] {strides = array<i32>} : memref<80x144xf32, #tpu.memory_space<vmem>>, vector<1x16xf32>,
        %swap3A_740 = vector.shape_cast %swap3A_739 : vector<1x16xf32> to vector<16xf32>
        %swap3A_741 = vector.shape_cast %mul3A_736 : vector<16xf32> to vector<1x16xf32>
        tpu.vector_store %arg11[%swap3A_737, %swap3A_738], %swap3A_741 {strides = array<i32>} : memref<80x144xf32, #tpu.memory_space<vmem>>, vector<1x16xf32>,
        %lt3A_742 = arith.constant 0 : i32
        %lt3A_743 = vector.broadcast %lt3A_742 : i32 to vector<16xi32>
        %lt3A_744 = arith.cmpi slt, %broadcast_in_dim3A_247, %lt3A_743 : vector<16xi32>
        %add3A_745 = arith.constant 16 : i32
        %add3A_746 = vector.broadcast %add3A_745 : i32 to vector<16xi32>
        %add3A_747 = arith.addi %broadcast_in_dim3A_247, %add3A_746 : vector<16xi32>
        %select_n3A_748 = arith.select %lt3A_744, %add3A_747, %broadcast_in_dim3A_247 : vector<16xi1>, vector<16xi32>
        %reshape3A_749 = vector.shape_cast %select_n3A_748 : vector<16xi32> to vector<16x1xi32>
        %gather3A_750 = vector.shape_cast %reshape3A_749 : vector<16x1xi32> to vector<16xi32>
        %gather3A_751 = tpu.dynamic_gather %get3A_657[%gather3A_750] in [0] : vector<16xf32>, vector<16xi32> -> vector<16xf32>
        %get3A_752 = arith.index_cast %rem3A_169 : i32 to index
        %get3A_753 = arith.index_cast %scan3A_652 : i32 to index
        %get3A_754 = arith.constant 64 : index
        %get3A_755 = tpu.vector_load %arg9[%get3A_752, %get3A_753, %get3A_754] {strides = array<i32>} : memref<2x80x128xf32, #tpu.memory_space<vmem>>, vector<1x1x16xf32>,
        %get3A_756 = vector.shape_cast %get3A_755 : vector<1x1x16xf32> to vector<16xf32>
        %mul3A_757 = arith.mulf %get3A_756, %gather3A_751 : vector<16xf32>
        %swap3A_758 = arith.index_cast %scan3A_652 : i32 to index
        %swap3A_759 = arith.constant 64 : index
        %swap3A_760 = tpu.vector_load %arg11[%swap3A_758, %swap3A_759] {strides = array<i32>} : memref<80x144xf32, #tpu.memory_space<vmem>>, vector<1x16xf32>,
        %swap3A_761 = vector.shape_cast %swap3A_760 : vector<1x16xf32> to vector<16xf32>
        %swap3A_762 = vector.shape_cast %mul3A_757 : vector<16xf32> to vector<1x16xf32>
        tpu.vector_store %arg11[%swap3A_758, %swap3A_759], %swap3A_762 {strides = array<i32>} : memref<80x144xf32, #tpu.memory_space<vmem>>, vector<1x16xf32>,
        %lt3A_763 = arith.constant 0 : i32
        %lt3A_764 = vector.broadcast %lt3A_763 : i32 to vector<16xi32>
        %lt3A_765 = arith.cmpi slt, %broadcast_in_dim3A_249, %lt3A_764 : vector<16xi32>
        %add3A_766 = arith.constant 16 : i32
        %add3A_767 = vector.broadcast %add3A_766 : i32 to vector<16xi32>
        %add3A_768 = arith.addi %broadcast_in_dim3A_249, %add3A_767 : vector<16xi32>
        %select_n3A_769 = arith.select %lt3A_765, %add3A_768, %broadcast_in_dim3A_249 : vector<16xi1>, vector<16xi32>
        %reshape3A_770 = vector.shape_cast %select_n3A_769 : vector<16xi32> to vector<16x1xi32>
        %gather3A_771 = vector.shape_cast %reshape3A_770 : vector<16x1xi32> to vector<16xi32>
        %gather3A_772 = tpu.dynamic_gather %get3A_657[%gather3A_771] in [0] : vector<16xf32>, vector<16xi32> -> vector<16xf32>
        %get3A_773 = arith.index_cast %rem3A_169 : i32 to index
        %get3A_774 = arith.index_cast %scan3A_652 : i32 to index
        %get3A_775 = arith.constant 80 : index
        %get3A_776 = tpu.vector_load %arg9[%get3A_773, %get3A_774, %get3A_775] {strides = array<i32>} : memref<2x80x128xf32, #tpu.memory_space<vmem>>, vector<1x1x16xf32>,
        %get3A_777 = vector.shape_cast %get3A_776 : vector<1x1x16xf32> to vector<16xf32>
        %mul3A_778 = arith.mulf %get3A_777, %gather3A_772 : vector<16xf32>
        %swap3A_779 = arith.index_cast %scan3A_652 : i32 to index
        %swap3A_780 = arith.constant 80 : index
        %swap3A_781 = tpu.vector_load %arg11[%swap3A_779, %swap3A_780] {strides = array<i32>} : memref<80x144xf32, #tpu.memory_space<vmem>>, vector<1x16xf32>,
        %swap3A_782 = vector.shape_cast %swap3A_781 : vector<1x16xf32> to vector<16xf32>
        %swap3A_783 = vector.shape_cast %mul3A_778 : vector<16xf32> to vector<1x16xf32>
        tpu.vector_store %arg11[%swap3A_779, %swap3A_780], %swap3A_783 {strides = array<i32>} : memref<80x144xf32, #tpu.memory_space<vmem>>, vector<1x16xf32>,
        %lt3A_784 = arith.constant 0 : i32
        %lt3A_785 = vector.broadcast %lt3A_784 : i32 to vector<16xi32>
        %lt3A_786 = arith.cmpi slt, %broadcast_in_dim3A_251, %lt3A_785 : vector<16xi32>
        %add3A_787 = arith.constant 16 : i32
        %add3A_788 = vector.broadcast %add3A_787 : i32 to vector<16xi32>
        %add3A_789 = arith.addi %broadcast_in_dim3A_251, %add3A_788 : vector<16xi32>
        %select_n3A_790 = arith.select %lt3A_786, %add3A_789, %broadcast_in_dim3A_251 : vector<16xi1>, vector<16xi32>
        %reshape3A_791 = vector.shape_cast %select_n3A_790 : vector<16xi32> to vector<16x1xi32>
        %gather3A_792 = vector.shape_cast %reshape3A_791 : vector<16x1xi32> to vector<16xi32>
        %gather3A_793 = tpu.dynamic_gather %get3A_657[%gather3A_792] in [0] : vector<16xf32>, vector<16xi32> -> vector<16xf32>
        %get3A_794 = arith.index_cast %rem3A_169 : i32 to index
        %get3A_795 = arith.index_cast %scan3A_652 : i32 to index
        %get3A_796 = arith.constant 96 : index
        %get3A_797 = tpu.vector_load %arg9[%get3A_794, %get3A_795, %get3A_796] {strides = array<i32>} : memref<2x80x128xf32, #tpu.memory_space<vmem>>, vector<1x1x16xf32>,
        %get3A_798 = vector.shape_cast %get3A_797 : vector<1x1x16xf32> to vector<16xf32>
        %mul3A_799 = arith.mulf %get3A_798, %gather3A_793 : vector<16xf32>
        %swap3A_800 = arith.index_cast %scan3A_652 : i32 to index
        %swap3A_801 = arith.constant 96 : index
        %swap3A_802 = tpu.vector_load %arg11[%swap3A_800, %swap3A_801] {strides = array<i32>} : memref<80x144xf32, #tpu.memory_space<vmem>>, vector<1x16xf32>,
        %swap3A_803 = vector.shape_cast %swap3A_802 : vector<1x16xf32> to vector<16xf32>
        %swap3A_804 = vector.shape_cast %mul3A_799 : vector<16xf32> to vector<1x16xf32>
        tpu.vector_store %arg11[%swap3A_800, %swap3A_801], %swap3A_804 {strides = array<i32>} : memref<80x144xf32, #tpu.memory_space<vmem>>, vector<1x16xf32>,
        %lt3A_805 = arith.constant 0 : i32
        %lt3A_806 = vector.broadcast %lt3A_805 : i32 to vector<16xi32>
        %lt3A_807 = arith.cmpi slt, %broadcast_in_dim3A_253, %lt3A_806 : vector<16xi32>
        %add3A_808 = arith.constant 16 : i32
        %add3A_809 = vector.broadcast %add3A_808 : i32 to vector<16xi32>
        %add3A_810 = arith.addi %broadcast_in_dim3A_253, %add3A_809 : vector<16xi32>
        %select_n3A_811 = arith.select %lt3A_807, %add3A_810, %broadcast_in_dim3A_253 : vector<16xi1>, vector<16xi32>
        %reshape3A_812 = vector.shape_cast %select_n3A_811 : vector<16xi32> to vector<16x1xi32>
        %gather3A_813 = vector.shape_cast %reshape3A_812 : vector<16x1xi32> to vector<16xi32>
        %gather3A_814 = tpu.dynamic_gather %get3A_657[%gather3A_813] in [0] : vector<16xf32>, vector<16xi32> -> vector<16xf32>
        %get3A_815 = arith.index_cast %rem3A_169 : i32 to index
        %get3A_816 = arith.index_cast %scan3A_652 : i32 to index
        %get3A_817 = arith.constant 112 : index
        %get3A_818 = tpu.vector_load %arg9[%get3A_815, %get3A_816, %get3A_817] {strides = array<i32>} : memref<2x80x128xf32, #tpu.memory_space<vmem>>, vector<1x1x16xf32>,
        %get3A_819 = vector.shape_cast %get3A_818 : vector<1x1x16xf32> to vector<16xf32>
        %mul3A_820 = arith.mulf %get3A_819, %gather3A_814 : vector<16xf32>
        %swap3A_821 = arith.index_cast %scan3A_652 : i32 to index
        %swap3A_822 = arith.constant 112 : index
        %swap3A_823 = tpu.vector_load %arg11[%swap3A_821, %swap3A_822] {strides = array<i32>} : memref<80x144xf32, #tpu.memory_space<vmem>>, vector<1x16xf32>,
        %swap3A_824 = vector.shape_cast %swap3A_823 : vector<1x16xf32> to vector<16xf32>
        %swap3A_825 = vector.shape_cast %mul3A_820 : vector<16xf32> to vector<1x16xf32>
        tpu.vector_store %arg11[%swap3A_821, %swap3A_822], %swap3A_825 {strides = array<i32>} : memref<80x144xf32, #tpu.memory_space<vmem>>, vector<1x16xf32>,
        %swap3A_826 = arith.index_cast %scan3A_652 : i32 to index
        %swap3A_827 = arith.constant 128 : index
        %swap3A_828 = tpu.vector_load %arg11[%swap3A_826, %swap3A_827] {strides = array<i32>} : memref<80x144xf32, #tpu.memory_space<vmem>>, vector<1x16xf32>,
        %swap3A_829 = vector.shape_cast %swap3A_828 : vector<1x16xf32> to vector<16xf32>
        %swap3A_830 = vector.shape_cast %get3A_657 : vector<16xf32> to vector<1x16xf32>
        tpu.vector_store %arg11[%swap3A_826, %swap3A_827], %swap3A_830 {strides = array<i32>} : memref<80x144xf32, #tpu.memory_space<vmem>>, vector<1x16xf32>,
        %scan3A_831 = arith.constant 3 : i32
        %scan3A_832 = arith.addi %scan3A_295, %scan3A_831 : i32
        %get3A_833 = arith.index_cast %rem3A_169 : i32 to index
        %get3A_834 = arith.index_cast %scan3A_832 : i32 to index
        %get3A_835 = arith.constant 0 : index
        %get3A_836 = tpu.vector_load %arg10[%get3A_833, %get3A_834, %get3A_835] {strides = array<i32>} : memref<2x80x16xf32, #tpu.memory_space<vmem>>, vector<1x1x16xf32>,
        %get3A_837 = vector.shape_cast %get3A_836 : vector<1x1x16xf32> to vector<16xf32>
        %lt3A_838 = arith.constant 0 : i32
        %lt3A_839 = vector.broadcast %lt3A_838 : i32 to vector<16xi32>
        %lt3A_840 = arith.cmpi slt, %broadcast_in_dim3A_239, %lt3A_839 : vector<16xi32>
        %add3A_841 = arith.constant 16 : i32
        %add3A_842 = vector.broadcast %add3A_841 : i32 to vector<16xi32>
        %add3A_843 = arith.addi %broadcast_in_dim3A_239, %add3A_842 : vector<16xi32>
        %select_n3A_844 = arith.select %lt3A_840, %add3A_843, %broadcast_in_dim3A_239 : vector<16xi1>, vector<16xi32>
        %reshape3A_845 = vector.shape_cast %select_n3A_844 : vector<16xi32> to vector<16x1xi32>
        %gather3A_846 = vector.shape_cast %reshape3A_845 : vector<16x1xi32> to vector<16xi32>
        %gather3A_847 = tpu.dynamic_gather %get3A_837[%gather3A_846] in [0] : vector<16xf32>, vector<16xi32> -> vector<16xf32>
        %get3A_848 = arith.index_cast %rem3A_169 : i32 to index
        %get3A_849 = arith.index_cast %scan3A_832 : i32 to index
        %get3A_850 = arith.constant 0 : index
        %get3A_851 = tpu.vector_load %arg9[%get3A_848, %get3A_849, %get3A_850] {strides = array<i32>} : memref<2x80x128xf32, #tpu.memory_space<vmem>>, vector<1x1x16xf32>,
        %get3A_852 = vector.shape_cast %get3A_851 : vector<1x1x16xf32> to vector<16xf32>
        %mul3A_853 = arith.mulf %get3A_852, %gather3A_847 : vector<16xf32>
        %swap3A_854 = arith.index_cast %scan3A_832 : i32 to index
        %swap3A_855 = arith.constant 0 : index
        %swap3A_856 = tpu.vector_load %arg11[%swap3A_854, %swap3A_855] {strides = array<i32>} : memref<80x144xf32, #tpu.memory_space<vmem>>, vector<1x16xf32>,
        %swap3A_857 = vector.shape_cast %swap3A_856 : vector<1x16xf32> to vector<16xf32>
        %swap3A_858 = vector.shape_cast %mul3A_853 : vector<16xf32> to vector<1x16xf32>
        tpu.vector_store %arg11[%swap3A_854, %swap3A_855], %swap3A_858 {strides = array<i32>} : memref<80x144xf32, #tpu.memory_space<vmem>>, vector<1x16xf32>,
        %lt3A_859 = arith.constant 0 : i32
        %lt3A_860 = vector.broadcast %lt3A_859 : i32 to vector<16xi32>
        %lt3A_861 = arith.cmpi slt, %broadcast_in_dim3A_241, %lt3A_860 : vector<16xi32>
        %add3A_862 = arith.constant 16 : i32
        %add3A_863 = vector.broadcast %add3A_862 : i32 to vector<16xi32>
        %add3A_864 = arith.addi %broadcast_in_dim3A_241, %add3A_863 : vector<16xi32>
        %select_n3A_865 = arith.select %lt3A_861, %add3A_864, %broadcast_in_dim3A_241 : vector<16xi1>, vector<16xi32>
        %reshape3A_866 = vector.shape_cast %select_n3A_865 : vector<16xi32> to vector<16x1xi32>
        %gather3A_867 = vector.shape_cast %reshape3A_866 : vector<16x1xi32> to vector<16xi32>
        %gather3A_868 = tpu.dynamic_gather %get3A_837[%gather3A_867] in [0] : vector<16xf32>, vector<16xi32> -> vector<16xf32>
        %get3A_869 = arith.index_cast %rem3A_169 : i32 to index
        %get3A_870 = arith.index_cast %scan3A_832 : i32 to index
        %get3A_871 = arith.constant 16 : index
        %get3A_872 = tpu.vector_load %arg9[%get3A_869, %get3A_870, %get3A_871] {strides = array<i32>} : memref<2x80x128xf32, #tpu.memory_space<vmem>>, vector<1x1x16xf32>,
        %get3A_873 = vector.shape_cast %get3A_872 : vector<1x1x16xf32> to vector<16xf32>
        %mul3A_874 = arith.mulf %get3A_873, %gather3A_868 : vector<16xf32>
        %swap3A_875 = arith.index_cast %scan3A_832 : i32 to index
        %swap3A_876 = arith.constant 16 : index
        %swap3A_877 = tpu.vector_load %arg11[%swap3A_875, %swap3A_876] {strides = array<i32>} : memref<80x144xf32, #tpu.memory_space<vmem>>, vector<1x16xf32>,
        %swap3A_878 = vector.shape_cast %swap3A_877 : vector<1x16xf32> to vector<16xf32>
        %swap3A_879 = vector.shape_cast %mul3A_874 : vector<16xf32> to vector<1x16xf32>
        tpu.vector_store %arg11[%swap3A_875, %swap3A_876], %swap3A_879 {strides = array<i32>} : memref<80x144xf32, #tpu.memory_space<vmem>>, vector<1x16xf32>,
        %lt3A_880 = arith.constant 0 : i32
        %lt3A_881 = vector.broadcast %lt3A_880 : i32 to vector<16xi32>
        %lt3A_882 = arith.cmpi slt, %broadcast_in_dim3A_243, %lt3A_881 : vector<16xi32>
        %add3A_883 = arith.constant 16 : i32
        %add3A_884 = vector.broadcast %add3A_883 : i32 to vector<16xi32>
        %add3A_885 = arith.addi %broadcast_in_dim3A_243, %add3A_884 : vector<16xi32>
        %select_n3A_886 = arith.select %lt3A_882, %add3A_885, %broadcast_in_dim3A_243 : vector<16xi1>, vector<16xi32>
        %reshape3A_887 = vector.shape_cast %select_n3A_886 : vector<16xi32> to vector<16x1xi32>
        %gather3A_888 = vector.shape_cast %reshape3A_887 : vector<16x1xi32> to vector<16xi32>
        %gather3A_889 = tpu.dynamic_gather %get3A_837[%gather3A_888] in [0] : vector<16xf32>, vector<16xi32> -> vector<16xf32>
        %get3A_890 = arith.index_cast %rem3A_169 : i32 to index
        %get3A_891 = arith.index_cast %scan3A_832 : i32 to index
        %get3A_892 = arith.constant 32 : index
        %get3A_893 = tpu.vector_load %arg9[%get3A_890, %get3A_891, %get3A_892] {strides = array<i32>} : memref<2x80x128xf32, #tpu.memory_space<vmem>>, vector<1x1x16xf32>,
        %get3A_894 = vector.shape_cast %get3A_893 : vector<1x1x16xf32> to vector<16xf32>
        %mul3A_895 = arith.mulf %get3A_894, %gather3A_889 : vector<16xf32>
        %swap3A_896 = arith.index_cast %scan3A_832 : i32 to index
        %swap3A_897 = arith.constant 32 : index
        %swap3A_898 = tpu.vector_load %arg11[%swap3A_896, %swap3A_897] {strides = array<i32>} : memref<80x144xf32, #tpu.memory_space<vmem>>, vector<1x16xf32>,
        %swap3A_899 = vector.shape_cast %swap3A_898 : vector<1x16xf32> to vector<16xf32>
        %swap3A_900 = vector.shape_cast %mul3A_895 : vector<16xf32> to vector<1x16xf32>
        tpu.vector_store %arg11[%swap3A_896, %swap3A_897], %swap3A_900 {strides = array<i32>} : memref<80x144xf32, #tpu.memory_space<vmem>>, vector<1x16xf32>,
        %lt3A_901 = arith.constant 0 : i32
        %lt3A_902 = vector.broadcast %lt3A_901 : i32 to vector<16xi32>
        %lt3A_903 = arith.cmpi slt, %broadcast_in_dim3A_245, %lt3A_902 : vector<16xi32>
        %add3A_904 = arith.constant 16 : i32
        %add3A_905 = vector.broadcast %add3A_904 : i32 to vector<16xi32>
        %add3A_906 = arith.addi %broadcast_in_dim3A_245, %add3A_905 : vector<16xi32>
        %select_n3A_907 = arith.select %lt3A_903, %add3A_906, %broadcast_in_dim3A_245 : vector<16xi1>, vector<16xi32>
        %reshape3A_908 = vector.shape_cast %select_n3A_907 : vector<16xi32> to vector<16x1xi32>
        %gather3A_909 = vector.shape_cast %reshape3A_908 : vector<16x1xi32> to vector<16xi32>
        %gather3A_910 = tpu.dynamic_gather %get3A_837[%gather3A_909] in [0] : vector<16xf32>, vector<16xi32> -> vector<16xf32>
        %get3A_911 = arith.index_cast %rem3A_169 : i32 to index
        %get3A_912 = arith.index_cast %scan3A_832 : i32 to index
        %get3A_913 = arith.constant 48 : index
        %get3A_914 = tpu.vector_load %arg9[%get3A_911, %get3A_912, %get3A_913] {strides = array<i32>} : memref<2x80x128xf32, #tpu.memory_space<vmem>>, vector<1x1x16xf32>,
        %get3A_915 = vector.shape_cast %get3A_914 : vector<1x1x16xf32> to vector<16xf32>
        %mul3A_916 = arith.mulf %get3A_915, %gather3A_910 : vector<16xf32>
        %swap3A_917 = arith.index_cast %scan3A_832 : i32 to index
        %swap3A_918 = arith.constant 48 : index
        %swap3A_919 = tpu.vector_load %arg11[%swap3A_917, %swap3A_918] {strides = array<i32>} : memref<80x144xf32, #tpu.memory_space<vmem>>, vector<1x16xf32>,
        %swap3A_920 = vector.shape_cast %swap3A_919 : vector<1x16xf32> to vector<16xf32>
        %swap3A_921 = vector.shape_cast %mul3A_916 : vector<16xf32> to vector<1x16xf32>
        tpu.vector_store %arg11[%swap3A_917, %swap3A_918], %swap3A_921 {strides = array<i32>} : memref<80x144xf32, #tpu.memory_space<vmem>>, vector<1x16xf32>,
        %lt3A_922 = arith.constant 0 : i32
        %lt3A_923 = vector.broadcast %lt3A_922 : i32 to vector<16xi32>
        %lt3A_924 = arith.cmpi slt, %broadcast_in_dim3A_247, %lt3A_923 : vector<16xi32>
        %add3A_925 = arith.constant 16 : i32
        %add3A_926 = vector.broadcast %add3A_925 : i32 to vector<16xi32>
        %add3A_927 = arith.addi %broadcast_in_dim3A_247, %add3A_926 : vector<16xi32>
        %select_n3A_928 = arith.select %lt3A_924, %add3A_927, %broadcast_in_dim3A_247 : vector<16xi1>, vector<16xi32>
        %reshape3A_929 = vector.shape_cast %select_n3A_928 : vector<16xi32> to vector<16x1xi32>
        %gather3A_930 = vector.shape_cast %reshape3A_929 : vector<16x1xi32> to vector<16xi32>
        %gather3A_931 = tpu.dynamic_gather %get3A_837[%gather3A_930] in [0] : vector<16xf32>, vector<16xi32> -> vector<16xf32>
        %get3A_932 = arith.index_cast %rem3A_169 : i32 to index
        %get3A_933 = arith.index_cast %scan3A_832 : i32 to index
        %get3A_934 = arith.constant 64 : index
        %get3A_935 = tpu.vector_load %arg9[%get3A_932, %get3A_933, %get3A_934] {strides = array<i32>} : memref<2x80x128xf32, #tpu.memory_space<vmem>>, vector<1x1x16xf32>,
        %get3A_936 = vector.shape_cast %get3A_935 : vector<1x1x16xf32> to vector<16xf32>
        %mul3A_937 = arith.mulf %get3A_936, %gather3A_931 : vector<16xf32>
        %swap3A_938 = arith.index_cast %scan3A_832 : i32 to index
        %swap3A_939 = arith.constant 64 : index
        %swap3A_940 = tpu.vector_load %arg11[%swap3A_938, %swap3A_939] {strides = array<i32>} : memref<80x144xf32, #tpu.memory_space<vmem>>, vector<1x16xf32>,
        %swap3A_941 = vector.shape_cast %swap3A_940 : vector<1x16xf32> to vector<16xf32>
        %swap3A_942 = vector.shape_cast %mul3A_937 : vector<16xf32> to vector<1x16xf32>
        tpu.vector_store %arg11[%swap3A_938, %swap3A_939], %swap3A_942 {strides = array<i32>} : memref<80x144xf32, #tpu.memory_space<vmem>>, vector<1x16xf32>,
        %lt3A_943 = arith.constant 0 : i32
        %lt3A_944 = vector.broadcast %lt3A_943 : i32 to vector<16xi32>
        %lt3A_945 = arith.cmpi slt, %broadcast_in_dim3A_249, %lt3A_944 : vector<16xi32>
        %add3A_946 = arith.constant 16 : i32
        %add3A_947 = vector.broadcast %add3A_946 : i32 to vector<16xi32>
        %add3A_948 = arith.addi %broadcast_in_dim3A_249, %add3A_947 : vector<16xi32>
        %select_n3A_949 = arith.select %lt3A_945, %add3A_948, %broadcast_in_dim3A_249 : vector<16xi1>, vector<16xi32>
        %reshape3A_950 = vector.shape_cast %select_n3A_949 : vector<16xi32> to vector<16x1xi32>
        %gather3A_951 = vector.shape_cast %reshape3A_950 : vector<16x1xi32> to vector<16xi32>
        %gather3A_952 = tpu.dynamic_gather %get3A_837[%gather3A_951] in [0] : vector<16xf32>, vector<16xi32> -> vector<16xf32>
        %get3A_953 = arith.index_cast %rem3A_169 : i32 to index
        %get3A_954 = arith.index_cast %scan3A_832 : i32 to index
        %get3A_955 = arith.constant 80 : index
        %get3A_956 = tpu.vector_load %arg9[%get3A_953, %get3A_954, %get3A_955] {strides = array<i32>} : memref<2x80x128xf32, #tpu.memory_space<vmem>>, vector<1x1x16xf32>,
        %get3A_957 = vector.shape_cast %get3A_956 : vector<1x1x16xf32> to vector<16xf32>
        %mul3A_958 = arith.mulf %get3A_957, %gather3A_952 : vector<16xf32>
        %swap3A_959 = arith.index_cast %scan3A_832 : i32 to index
        %swap3A_960 = arith.constant 80 : index
        %swap3A_961 = tpu.vector_load %arg11[%swap3A_959, %swap3A_960] {strides = array<i32>} : memref<80x144xf32, #tpu.memory_space<vmem>>, vector<1x16xf32>,
        %swap3A_962 = vector.shape_cast %swap3A_961 : vector<1x16xf32> to vector<16xf32>
        %swap3A_963 = vector.shape_cast %mul3A_958 : vector<16xf32> to vector<1x16xf32>
        tpu.vector_store %arg11[%swap3A_959, %swap3A_960], %swap3A_963 {strides = array<i32>} : memref<80x144xf32, #tpu.memory_space<vmem>>, vector<1x16xf32>,
        %lt3A_964 = arith.constant 0 : i32
        %lt3A_965 = vector.broadcast %lt3A_964 : i32 to vector<16xi32>
        %lt3A_966 = arith.cmpi slt, %broadcast_in_dim3A_251, %lt3A_965 : vector<16xi32>
        %add3A_967 = arith.constant 16 : i32
        %add3A_968 = vector.broadcast %add3A_967 : i32 to vector<16xi32>
        %add3A_969 = arith.addi %broadcast_in_dim3A_251, %add3A_968 : vector<16xi32>
        %select_n3A_970 = arith.select %lt3A_966, %add3A_969, %broadcast_in_dim3A_251 : vector<16xi1>, vector<16xi32>
        %reshape3A_971 = vector.shape_cast %select_n3A_970 : vector<16xi32> to vector<16x1xi32>
        %gather3A_972 = vector.shape_cast %reshape3A_971 : vector<16x1xi32> to vector<16xi32>
        %gather3A_973 = tpu.dynamic_gather %get3A_837[%gather3A_972] in [0] : vector<16xf32>, vector<16xi32> -> vector<16xf32>
        %get3A_974 = arith.index_cast %rem3A_169 : i32 to index
        %get3A_975 = arith.index_cast %scan3A_832 : i32 to index
        %get3A_976 = arith.constant 96 : index
        %get3A_977 = tpu.vector_load %arg9[%get3A_974, %get3A_975, %get3A_976] {strides = array<i32>} : memref<2x80x128xf32, #tpu.memory_space<vmem>>, vector<1x1x16xf32>,
        %get3A_978 = vector.shape_cast %get3A_977 : vector<1x1x16xf32> to vector<16xf32>
        %mul3A_979 = arith.mulf %get3A_978, %gather3A_973 : vector<16xf32>
        %swap3A_980 = arith.index_cast %scan3A_832 : i32 to index
        %swap3A_981 = arith.constant 96 : index
        %swap3A_982 = tpu.vector_load %arg11[%swap3A_980, %swap3A_981] {strides = array<i32>} : memref<80x144xf32, #tpu.memory_space<vmem>>, vector<1x16xf32>,
        %swap3A_983 = vector.shape_cast %swap3A_982 : vector<1x16xf32> to vector<16xf32>
        %swap3A_984 = vector.shape_cast %mul3A_979 : vector<16xf32> to vector<1x16xf32>
        tpu.vector_store %arg11[%swap3A_980, %swap3A_981], %swap3A_984 {strides = array<i32>} : memref<80x144xf32, #tpu.memory_space<vmem>>, vector<1x16xf32>,
        %lt3A_985 = arith.constant 0 : i32
        %lt3A_986 = vector.broadcast %lt3A_985 : i32 to vector<16xi32>
        %lt3A_987 = arith.cmpi slt, %broadcast_in_dim3A_253, %lt3A_986 : vector<16xi32>
        %add3A_988 = arith.constant 16 : i32
        %add3A_989 = vector.broadcast %add3A_988 : i32 to vector<16xi32>
        %add3A_990 = arith.addi %broadcast_in_dim3A_253, %add3A_989 : vector<16xi32>
        %select_n3A_991 = arith.select %lt3A_987, %add3A_990, %broadcast_in_dim3A_253 : vector<16xi1>, vector<16xi32>
        %reshape3A_992 = vector.shape_cast %select_n3A_991 : vector<16xi32> to vector<16x1xi32>
        %gather3A_993 = vector.shape_cast %reshape3A_992 : vector<16x1xi32> to vector<16xi32>
        %gather3A_994 = tpu.dynamic_gather %get3A_837[%gather3A_993] in [0] : vector<16xf32>, vector<16xi32> -> vector<16xf32>
        %get3A_995 = arith.index_cast %rem3A_169 : i32 to index
        %get3A_996 = arith.index_cast %scan3A_832 : i32 to index
        %get3A_997 = arith.constant 112 : index
        %get3A_998 = tpu.vector_load %arg9[%get3A_995, %get3A_996, %get3A_997] {strides = array<i32>} : memref<2x80x128xf32, #tpu.memory_space<vmem>>, vector<1x1x16xf32>,
        %get3A_999 = vector.shape_cast %get3A_998 : vector<1x1x16xf32> to vector<16xf32>
        %mul3A_1000 = arith.mulf %get3A_999, %gather3A_994 : vector<16xf32>
        %swap3A_1001 = arith.index_cast %scan3A_832 : i32 to index
        %swap3A_1002 = arith.constant 112 : index
        %swap3A_1003 = tpu.vector_load %arg11[%swap3A_1001, %swap3A_1002] {strides = array<i32>} : memref<80x144xf32, #tpu.memory_space<vmem>>, vector<1x16xf32>,
        %swap3A_1004 = vector.shape_cast %swap3A_1003 : vector<1x16xf32> to vector<16xf32>
        %swap3A_1005 = vector.shape_cast %mul3A_1000 : vector<16xf32> to vector<1x16xf32>
        tpu.vector_store %arg11[%swap3A_1001, %swap3A_1002], %swap3A_1005 {strides = array<i32>} : memref<80x144xf32, #tpu.memory_space<vmem>>, vector<1x16xf32>,
        %swap3A_1006 = arith.index_cast %scan3A_832 : i32 to index
        %swap3A_1007 = arith.constant 128 : index
        %swap3A_1008 = tpu.vector_load %arg11[%swap3A_1006, %swap3A_1007] {strides = array<i32>} : memref<80x144xf32, #tpu.memory_space<vmem>>, vector<1x16xf32>,
        %swap3A_1009 = vector.shape_cast %swap3A_1008 : vector<1x16xf32> to vector<16xf32>
        %swap3A_1010 = vector.shape_cast %get3A_837 : vector<16xf32> to vector<1x16xf32>
        tpu.vector_store %arg11[%swap3A_1006, %swap3A_1007], %swap3A_1010 {strides = array<i32>} : memref<80x144xf32, #tpu.memory_space<vmem>>, vector<1x16xf32>,
      }
      %scan3A_259 = arith.constant 48 : i32
      %rem3A_260 = arith.constant 2 : i32
      %rem3A_261 = arith.remsi %scan3A_167, %rem3A_260 : i32
      %dma_start3A_262 = arith.constant 0 : i32
      %dma_start3A_263 = arith.constant 0 : i32
      %dma_start3A_264 = tpu.memref_slice %arg11[%dma_start3A_262, %dma_start3A_263] : memref<80x144xf32, #tpu.memory_space<vmem>> -> memref<48x144xf32, #tpu.memory_space<vmem>>
      %dma_start3A_265 = arith.constant 0 : i32
      %dma_start3A_266 = tpu.memref_slice %arg7[%rem3A_261, %dma_start3A_265] : memref<2x48xi32, #tpu.memory_space<vmem>> -> memref<1x48xi32, #tpu.memory_space<vmem>>
      %dma_start3A_267 = tpu.memref_squeeze %dma_start3A_266 : memref<1x48xi32, #tpu.memory_space<vmem>> -> memref<48xi32, #tpu.memory_space<vmem>>
      %dma_start3A_268 = arith.constant 0 : i32
      %dma_start3A_269 = arith.constant 0 : i32
      %dma_start3A_270 = tpu.memref_slice %arg12[%dma_start3A_268, %dma_start3A_269] : memref<10000x144xf32, #tpu.memory_space<vmem_shared>> -> memref<10000x144xf32, #tpu.memory_space<vmem_shared>>
      tpu.enqueue_indirect_dma source(%dma_start3A_264 : memref<48x144xf32, #tpu.memory_space<vmem>>) target(%dma_start3A_270 : memref<10000x144xf32, #tpu.memory_space<vmem_shared>>) offsets(%dma_start3A_267 : memref<48xi32, #tpu.memory_space<vmem>>) semaphore(%arg15 : memref<!tpu.dma_semaphore, #tpu.memory_space<semaphore_mem>>) {add = true}
      %scan3A_271 = arith.constant 0 : i32
      %scan3A_272 = arith.constant 48 : i32
      %scan3A_273 = arith.constant 32 : i32
      %scan3A_274 = arith.addi %scan3A_272, %scan3A_273 : i32
      %scan3A_275 = arith.constant 4 : i32
      scf.for %scan3A_295 = %scan3A_272 to %scan3A_274 step %scan3A_275  : i32 {
        %get3A_296 = arith.index_cast %rem3A_169 : i32 to index
        %get3A_297 = arith.index_cast %scan3A_295 : i32 to index
        %get3A_298 = arith.constant 0 : index
        %get3A_299 = tpu.vector_load %arg10[%get3A_296, %get3A_297, %get3A_298] {strides = array<i32>} : memref<2x80x16xf32, #tpu.memory_space<vmem>>, vector<1x1x16xf32>,
        %get3A_300 = vector.shape_cast %get3A_299 : vector<1x1x16xf32> to vector<16xf32>
        %lt3A_301 = arith.constant 0 : i32
        %lt3A_302 = vector.broadcast %lt3A_301 : i32 to vector<16xi32>
        %lt3A_303 = arith.cmpi slt, %broadcast_in_dim3A_239, %lt3A_302 : vector<16xi32>
        %add3A_304 = arith.constant 16 : i32
        %add3A_305 = vector.broadcast %add3A_304 : i32 to vector<16xi32>
        %add3A_306 = arith.addi %broadcast_in_dim3A_239, %add3A_305 : vector<16xi32>
        %select_n3A = arith.select %lt3A_303, %add3A_306, %broadcast_in_dim3A_239 : vector<16xi1>, vector<16xi32>
        %reshape3A = vector.shape_cast %select_n3A : vector<16xi32> to vector<16x1xi32>
        %gather3A = vector.shape_cast %reshape3A : vector<16x1xi32> to vector<16xi32>
        %gather3A_307 = tpu.dynamic_gather %get3A_300[%gather3A] in [0] : vector<16xf32>, vector<16xi32> -> vector<16xf32>
        %get3A_308 = arith.index_cast %rem3A_169 : i32 to index
        %get3A_309 = arith.index_cast %scan3A_295 : i32 to index
        %get3A_310 = arith.constant 0 : index
        %get3A_311 = tpu.vector_load %arg9[%get3A_308, %get3A_309, %get3A_310] {strides = array<i32>} : memref<2x80x128xf32, #tpu.memory_space<vmem>>, vector<1x1x16xf32>,
        %get3A_312 = vector.shape_cast %get3A_311 : vector<1x1x16xf32> to vector<16xf32>
        %mul3A_313 = arith.mulf %get3A_312, %gather3A_307 : vector<16xf32>
        %swap3A_314 = arith.index_cast %scan3A_295 : i32 to index
        %swap3A_315 = arith.constant 0 : index
        %swap3A_316 = tpu.vector_load %arg11[%swap3A_314, %swap3A_315] {strides = array<i32>} : memref<80x144xf32, #tpu.memory_space<vmem>>, vector<1x16xf32>,
        %swap3A_317 = vector.shape_cast %swap3A_316 : vector<1x16xf32> to vector<16xf32>
        %swap3A_318 = vector.shape_cast %mul3A_313 : vector<16xf32> to vector<1x16xf32>
        tpu.vector_store %arg11[%swap3A_314, %swap3A_315], %swap3A_318 {strides = array<i32>} : memref<80x144xf32, #tpu.memory_space<vmem>>, vector<1x16xf32>,
        %lt3A_319 = arith.constant 0 : i32
        %lt3A_320 = vector.broadcast %lt3A_319 : i32 to vector<16xi32>
        %lt3A_321 = arith.cmpi slt, %broadcast_in_dim3A_241, %lt3A_320 : vector<16xi32>
        %add3A_322 = arith.constant 16 : i32
        %add3A_323 = vector.broadcast %add3A_322 : i32 to vector<16xi32>
        %add3A_324 = arith.addi %broadcast_in_dim3A_241, %add3A_323 : vector<16xi32>
        %select_n3A_325 = arith.select %lt3A_321, %add3A_324, %broadcast_in_dim3A_241 : vector<16xi1>, vector<16xi32>
        %reshape3A_326 = vector.shape_cast %select_n3A_325 : vector<16xi32> to vector<16x1xi32>
        %gather3A_327 = vector.shape_cast %reshape3A_326 : vector<16x1xi32> to vector<16xi32>
        %gather3A_328 = tpu.dynamic_gather %get3A_300[%gather3A_327] in [0] : vector<16xf32>, vector<16xi32> -> vector<16xf32>
        %get3A_329 = arith.index_cast %rem3A_169 : i32 to index
        %get3A_330 = arith.index_cast %scan3A_295 : i32 to index
        %get3A_331 = arith.constant 16 : index
        %get3A_332 = tpu.vector_load %arg9[%get3A_329, %get3A_330, %get3A_331] {strides = array<i32>} : memref<2x80x128xf32, #tpu.memory_space<vmem>>, vector<1x1x16xf32>,
        %get3A_333 = vector.shape_cast %get3A_332 : vector<1x1x16xf32> to vector<16xf32>
        %mul3A_334 = arith.mulf %get3A_333, %gather3A_328 : vector<16xf32>
        %swap3A_335 = arith.index_cast %scan3A_295 : i32 to index
        %swap3A_336 = arith.constant 16 : index
        %swap3A_337 = tpu.vector_load %arg11[%swap3A_335, %swap3A_336] {strides = array<i32>} : memref<80x144xf32, #tpu.memory_space<vmem>>, vector<1x16xf32>,
        %swap3A_338 = vector.shape_cast %swap3A_337 : vector<1x16xf32> to vector<16xf32>
        %swap3A_339 = vector.shape_cast %mul3A_334 : vector<16xf32> to vector<1x16xf32>
        tpu.vector_store %arg11[%swap3A_335, %swap3A_336], %swap3A_339 {strides = array<i32>} : memref<80x144xf32, #tpu.memory_space<vmem>>, vector<1x16xf32>,
        %lt3A_340 = arith.constant 0 : i32
        %lt3A_341 = vector.broadcast %lt3A_340 : i32 to vector<16xi32>
        %lt3A_342 = arith.cmpi slt, %broadcast_in_dim3A_243, %lt3A_341 : vector<16xi32>
        %add3A_343 = arith.constant 16 : i32
        %add3A_344 = vector.broadcast %add3A_343 : i32 to vector<16xi32>
        %add3A_345 = arith.addi %broadcast_in_dim3A_243, %add3A_344 : vector<16xi32>
        %select_n3A_346 = arith.select %lt3A_342, %add3A_345, %broadcast_in_dim3A_243 : vector<16xi1>, vector<16xi32>
        %reshape3A_347 = vector.shape_cast %select_n3A_346 : vector<16xi32> to vector<16x1xi32>
        %gather3A_348 = vector.shape_cast %reshape3A_347 : vector<16x1xi32> to vector<16xi32>
        %gather3A_349 = tpu.dynamic_gather %get3A_300[%gather3A_348] in [0] : vector<16xf32>, vector<16xi32> -> vector<16xf32>
        %get3A_350 = arith.index_cast %rem3A_169 : i32 to index
        %get3A_351 = arith.index_cast %scan3A_295 : i32 to index
        %get3A_352 = arith.constant 32 : index
        %get3A_353 = tpu.vector_load %arg9[%get3A_350, %get3A_351, %get3A_352] {strides = array<i32>} : memref<2x80x128xf32, #tpu.memory_space<vmem>>, vector<1x1x16xf32>,
        %get3A_354 = vector.shape_cast %get3A_353 : vector<1x1x16xf32> to vector<16xf32>
        %mul3A_355 = arith.mulf %get3A_354, %gather3A_349 : vector<16xf32>
        %swap3A_356 = arith.index_cast %scan3A_295 : i32 to index
        %swap3A_357 = arith.constant 32 : index
        %swap3A_358 = tpu.vector_load %arg11[%swap3A_356, %swap3A_357] {strides = array<i32>} : memref<80x144xf32, #tpu.memory_space<vmem>>, vector<1x16xf32>,
        %swap3A_359 = vector.shape_cast %swap3A_358 : vector<1x16xf32> to vector<16xf32>
        %swap3A_360 = vector.shape_cast %mul3A_355 : vector<16xf32> to vector<1x16xf32>
        tpu.vector_store %arg11[%swap3A_356, %swap3A_357], %swap3A_360 {strides = array<i32>} : memref<80x144xf32, #tpu.memory_space<vmem>>, vector<1x16xf32>,
        %lt3A_361 = arith.constant 0 : i32
        %lt3A_362 = vector.broadcast %lt3A_361 : i32 to vector<16xi32>
        %lt3A_363 = arith.cmpi slt, %broadcast_in_dim3A_245, %lt3A_362 : vector<16xi32>
        %add3A_364 = arith.constant 16 : i32
        %add3A_365 = vector.broadcast %add3A_364 : i32 to vector<16xi32>
        %add3A_366 = arith.addi %broadcast_in_dim3A_245, %add3A_365 : vector<16xi32>
        %select_n3A_367 = arith.select %lt3A_363, %add3A_366, %broadcast_in_dim3A_245 : vector<16xi1>, vector<16xi32>
        %reshape3A_368 = vector.shape_cast %select_n3A_367 : vector<16xi32> to vector<16x1xi32>
        %gather3A_369 = vector.shape_cast %reshape3A_368 : vector<16x1xi32> to vector<16xi32>
        %gather3A_370 = tpu.dynamic_gather %get3A_300[%gather3A_369] in [0] : vector<16xf32>, vector<16xi32> -> vector<16xf32>
        %get3A_371 = arith.index_cast %rem3A_169 : i32 to index
        %get3A_372 = arith.index_cast %scan3A_295 : i32 to index
        %get3A_373 = arith.constant 48 : index
        %get3A_374 = tpu.vector_load %arg9[%get3A_371, %get3A_372, %get3A_373] {strides = array<i32>} : memref<2x80x128xf32, #tpu.memory_space<vmem>>, vector<1x1x16xf32>,
        %get3A_375 = vector.shape_cast %get3A_374 : vector<1x1x16xf32> to vector<16xf32>
        %mul3A_376 = arith.mulf %get3A_375, %gather3A_370 : vector<16xf32>
        %swap3A_377 = arith.index_cast %scan3A_295 : i32 to index
        %swap3A_378 = arith.constant 48 : index
        %swap3A_379 = tpu.vector_load %arg11[%swap3A_377, %swap3A_378] {strides = array<i32>} : memref<80x144xf32, #tpu.memory_space<vmem>>, vector<1x16xf32>,
        %swap3A_380 = vector.shape_cast %swap3A_379 : vector<1x16xf32> to vector<16xf32>
        %swap3A_381 = vector.shape_cast %mul3A_376 : vector<16xf32> to vector<1x16xf32>
        tpu.vector_store %arg11[%swap3A_377, %swap3A_378], %swap3A_381 {strides = array<i32>} : memref<80x144xf32, #tpu.memory_space<vmem>>, vector<1x16xf32>,
        %lt3A_382 = arith.constant 0 : i32
        %lt3A_383 = vector.broadcast %lt3A_382 : i32 to vector<16xi32>
        %lt3A_384 = arith.cmpi slt, %broadcast_in_dim3A_247, %lt3A_383 : vector<16xi32>
        %add3A_385 = arith.constant 16 : i32
        %add3A_386 = vector.broadcast %add3A_385 : i32 to vector<16xi32>
        %add3A_387 = arith.addi %broadcast_in_dim3A_247, %add3A_386 : vector<16xi32>
        %select_n3A_388 = arith.select %lt3A_384, %add3A_387, %broadcast_in_dim3A_247 : vector<16xi1>, vector<16xi32>
        %reshape3A_389 = vector.shape_cast %select_n3A_388 : vector<16xi32> to vector<16x1xi32>
        %gather3A_390 = vector.shape_cast %reshape3A_389 : vector<16x1xi32> to vector<16xi32>
        %gather3A_391 = tpu.dynamic_gather %get3A_300[%gather3A_390] in [0] : vector<16xf32>, vector<16xi32> -> vector<16xf32>
        %get3A_392 = arith.index_cast %rem3A_169 : i32 to index
        %get3A_393 = arith.index_cast %scan3A_295 : i32 to index
        %get3A_394 = arith.constant 64 : index
        %get3A_395 = tpu.vector_load %arg9[%get3A_392, %get3A_393, %get3A_394] {strides = array<i32>} : memref<2x80x128xf32, #tpu.memory_space<vmem>>, vector<1x1x16xf32>,
        %get3A_396 = vector.shape_cast %get3A_395 : vector<1x1x16xf32> to vector<16xf32>
        %mul3A_397 = arith.mulf %get3A_396, %gather3A_391 : vector<16xf32>
        %swap3A_398 = arith.index_cast %scan3A_295 : i32 to index
        %swap3A_399 = arith.constant 64 : index
        %swap3A_400 = tpu.vector_load %arg11[%swap3A_398, %swap3A_399] {strides = array<i32>} : memref<80x144xf32, #tpu.memory_space<vmem>>, vector<1x16xf32>,
        %swap3A_401 = vector.shape_cast %swap3A_400 : vector<1x16xf32> to vector<16xf32>
        %swap3A_402 = vector.shape_cast %mul3A_397 : vector<16xf32> to vector<1x16xf32>
        tpu.vector_store %arg11[%swap3A_398, %swap3A_399], %swap3A_402 {strides = array<i32>} : memref<80x144xf32, #tpu.memory_space<vmem>>, vector<1x16xf32>,
        %lt3A_403 = arith.constant 0 : i32
        %lt3A_404 = vector.broadcast %lt3A_403 : i32 to vector<16xi32>
        %lt3A_405 = arith.cmpi slt, %broadcast_in_dim3A_249, %lt3A_404 : vector<16xi32>
        %add3A_406 = arith.constant 16 : i32
        %add3A_407 = vector.broadcast %add3A_406 : i32 to vector<16xi32>
        %add3A_408 = arith.addi %broadcast_in_dim3A_249, %add3A_407 : vector<16xi32>
        %select_n3A_409 = arith.select %lt3A_405, %add3A_408, %broadcast_in_dim3A_249 : vector<16xi1>, vector<16xi32>
        %reshape3A_410 = vector.shape_cast %select_n3A_409 : vector<16xi32> to vector<16x1xi32>
        %gather3A_411 = vector.shape_cast %reshape3A_410 : vector<16x1xi32> to vector<16xi32>
        %gather3A_412 = tpu.dynamic_gather %get3A_300[%gather3A_411] in [0] : vector<16xf32>, vector<16xi32> -> vector<16xf32>
        %get3A_413 = arith.index_cast %rem3A_169 : i32 to index
        %get3A_414 = arith.index_cast %scan3A_295 : i32 to index
        %get3A_415 = arith.constant 80 : index
        %get3A_416 = tpu.vector_load %arg9[%get3A_413, %get3A_414, %get3A_415] {strides = array<i32>} : memref<2x80x128xf32, #tpu.memory_space<vmem>>, vector<1x1x16xf32>,
        %get3A_417 = vector.shape_cast %get3A_416 : vector<1x1x16xf32> to vector<16xf32>
        %mul3A_418 = arith.mulf %get3A_417, %gather3A_412 : vector<16xf32>
        %swap3A_419 = arith.index_cast %scan3A_295 : i32 to index
        %swap3A_420 = arith.constant 80 : index
        %swap3A_421 = tpu.vector_load %arg11[%swap3A_419, %swap3A_420] {strides = array<i32>} : memref<80x144xf32, #tpu.memory_space<vmem>>, vector<1x16xf32>,
        %swap3A_422 = vector.shape_cast %swap3A_421 : vector<1x16xf32> to vector<16xf32>
        %swap3A_423 = vector.shape_cast %mul3A_418 : vector<16xf32> to vector<1x16xf32>
        tpu.vector_store %arg11[%swap3A_419, %swap3A_420], %swap3A_423 {strides = array<i32>} : memref<80x144xf32, #tpu.memory_space<vmem>>, vector<1x16xf32>,
        %lt3A_424 = arith.constant 0 : i32
        %lt3A_425 = vector.broadcast %lt3A_424 : i32 to vector<16xi32>
        %lt3A_426 = arith.cmpi slt, %broadcast_in_dim3A_251, %lt3A_425 : vector<16xi32>
        %add3A_427 = arith.constant 16 : i32
        %add3A_428 = vector.broadcast %add3A_427 : i32 to vector<16xi32>
        %add3A_429 = arith.addi %broadcast_in_dim3A_251, %add3A_428 : vector<16xi32>
        %select_n3A_430 = arith.select %lt3A_426, %add3A_429, %broadcast_in_dim3A_251 : vector<16xi1>, vector<16xi32>
        %reshape3A_431 = vector.shape_cast %select_n3A_430 : vector<16xi32> to vector<16x1xi32>
        %gather3A_432 = vector.shape_cast %reshape3A_431 : vector<16x1xi32> to vector<16xi32>
        %gather3A_433 = tpu.dynamic_gather %get3A_300[%gather3A_432] in [0] : vector<16xf32>, vector<16xi32> -> vector<16xf32>
        %get3A_434 = arith.index_cast %rem3A_169 : i32 to index
        %get3A_435 = arith.index_cast %scan3A_295 : i32 to index
        %get3A_436 = arith.constant 96 : index
        %get3A_437 = tpu.vector_load %arg9[%get3A_434, %get3A_435, %get3A_436] {strides = array<i32>} : memref<2x80x128xf32, #tpu.memory_space<vmem>>, vector<1x1x16xf32>,
        %get3A_438 = vector.shape_cast %get3A_437 : vector<1x1x16xf32> to vector<16xf32>
        %mul3A_439 = arith.mulf %get3A_438, %gather3A_433 : vector<16xf32>
        %swap3A_440 = arith.index_cast %scan3A_295 : i32 to index
        %swap3A_441 = arith.constant 96 : index
        %swap3A_442 = tpu.vector_load %arg11[%swap3A_440, %swap3A_441] {strides = array<i32>} : memref<80x144xf32, #tpu.memory_space<vmem>>, vector<1x16xf32>,
        %swap3A_443 = vector.shape_cast %swap3A_442 : vector<1x16xf32> to vector<16xf32>
        %swap3A_444 = vector.shape_cast %mul3A_439 : vector<16xf32> to vector<1x16xf32>
        tpu.vector_store %arg11[%swap3A_440, %swap3A_441], %swap3A_444 {strides = array<i32>} : memref<80x144xf32, #tpu.memory_space<vmem>>, vector<1x16xf32>,
        %lt3A_445 = arith.constant 0 : i32
        %lt3A_446 = vector.broadcast %lt3A_445 : i32 to vector<16xi32>
        %lt3A_447 = arith.cmpi slt, %broadcast_in_dim3A_253, %lt3A_446 : vector<16xi32>
        %add3A_448 = arith.constant 16 : i32
        %add3A_449 = vector.broadcast %add3A_448 : i32 to vector<16xi32>
        %add3A_450 = arith.addi %broadcast_in_dim3A_253, %add3A_449 : vector<16xi32>
        %select_n3A_451 = arith.select %lt3A_447, %add3A_450, %broadcast_in_dim3A_253 : vector<16xi1>, vector<16xi32>
        %reshape3A_452 = vector.shape_cast %select_n3A_451 : vector<16xi32> to vector<16x1xi32>
        %gather3A_453 = vector.shape_cast %reshape3A_452 : vector<16x1xi32> to vector<16xi32>
        %gather3A_454 = tpu.dynamic_gather %get3A_300[%gather3A_453] in [0] : vector<16xf32>, vector<16xi32> -> vector<16xf32>
        %get3A_455 = arith.index_cast %rem3A_169 : i32 to index
        %get3A_456 = arith.index_cast %scan3A_295 : i32 to index
        %get3A_457 = arith.constant 112 : index
        %get3A_458 = tpu.vector_load %arg9[%get3A_455, %get3A_456, %get3A_457] {strides = array<i32>} : memref<2x80x128xf32, #tpu.memory_space<vmem>>, vector<1x1x16xf32>,
        %get3A_459 = vector.shape_cast %get3A_458 : vector<1x1x16xf32> to vector<16xf32>
        %mul3A_460 = arith.mulf %get3A_459, %gather3A_454 : vector<16xf32>
        %swap3A_461 = arith.index_cast %scan3A_295 : i32 to index
        %swap3A_462 = arith.constant 112 : index
        %swap3A_463 = tpu.vector_load %arg11[%swap3A_461, %swap3A_462] {strides = array<i32>} : memref<80x144xf32, #tpu.memory_space<vmem>>, vector<1x16xf32>,
        %swap3A_464 = vector.shape_cast %swap3A_463 : vector<1x16xf32> to vector<16xf32>
        %swap3A_465 = vector.shape_cast %mul3A_460 : vector<16xf32> to vector<1x16xf32>
        tpu.vector_store %arg11[%swap3A_461, %swap3A_462], %swap3A_465 {strides = array<i32>} : memref<80x144xf32, #tpu.memory_space<vmem>>, vector<1x16xf32>,
        %swap3A_466 = arith.index_cast %scan3A_295 : i32 to index
        %swap3A_467 = arith.constant 128 : index
        %swap3A_468 = tpu.vector_load %arg11[%swap3A_466, %swap3A_467] {strides = array<i32>} : memref<80x144xf32, #tpu.memory_space<vmem>>, vector<1x16xf32>,
        %swap3A_469 = vector.shape_cast %swap3A_468 : vector<1x16xf32> to vector<16xf32>
        %swap3A_470 = vector.shape_cast %get3A_300 : vector<16xf32> to vector<1x16xf32>
        tpu.vector_store %arg11[%swap3A_466, %swap3A_467], %swap3A_470 {strides = array<i32>} : memref<80x144xf32, #tpu.memory_space<vmem>>, vector<1x16xf32>,
        %scan3A_471 = arith.constant 1 : i32
        %scan3A_472 = arith.addi %scan3A_295, %scan3A_471 : i32
        %get3A_473 = arith.index_cast %rem3A_169 : i32 to index
        %get3A_474 = arith.index_cast %scan3A_472 : i32 to index
        %get3A_475 = arith.constant 0 : index
        %get3A_476 = tpu.vector_load %arg10[%get3A_473, %get3A_474, %get3A_475] {strides = array<i32>} : memref<2x80x16xf32, #tpu.memory_space<vmem>>, vector<1x1x16xf32>,
        %get3A_477 = vector.shape_cast %get3A_476 : vector<1x1x16xf32> to vector<16xf32>
        %lt3A_478 = arith.constant 0 : i32
        %lt3A_479 = vector.broadcast %lt3A_478 : i32 to vector<16xi32>
        %lt3A_480 = arith.cmpi slt, %broadcast_in_dim3A_239, %lt3A_479 : vector<16xi32>
        %add3A_481 = arith.constant 16 : i32
        %add3A_482 = vector.broadcast %add3A_481 : i32 to vector<16xi32>
        %add3A_483 = arith.addi %broadcast_in_dim3A_239, %add3A_482 : vector<16xi32>
        %select_n3A_484 = arith.select %lt3A_480, %add3A_483, %broadcast_in_dim3A_239 : vector<16xi1>, vector<16xi32>
        %reshape3A_485 = vector.shape_cast %select_n3A_484 : vector<16xi32> to vector<16x1xi32>
        %gather3A_486 = vector.shape_cast %reshape3A_485 : vector<16x1xi32> to vector<16xi32>
        %gather3A_487 = tpu.dynamic_gather %get3A_477[%gather3A_486] in [0] : vector<16xf32>, vector<16xi32> -> vector<16xf32>
        %get3A_488 = arith.index_cast %rem3A_169 : i32 to index
        %get3A_489 = arith.index_cast %scan3A_472 : i32 to index
        %get3A_490 = arith.constant 0 : index
        %get3A_491 = tpu.vector_load %arg9[%get3A_488, %get3A_489, %get3A_490] {strides = array<i32>} : memref<2x80x128xf32, #tpu.memory_space<vmem>>, vector<1x1x16xf32>,
        %get3A_492 = vector.shape_cast %get3A_491 : vector<1x1x16xf32> to vector<16xf32>
        %mul3A_493 = arith.mulf %get3A_492, %gather3A_487 : vector<16xf32>
        %swap3A_494 = arith.index_cast %scan3A_472 : i32 to index
        %swap3A_495 = arith.constant 0 : index
        %swap3A_496 = tpu.vector_load %arg11[%swap3A_494, %swap3A_495] {strides = array<i32>} : memref<80x144xf32, #tpu.memory_space<vmem>>, vector<1x16xf32>,
        %swap3A_497 = vector.shape_cast %swap3A_496 : vector<1x16xf32> to vector<16xf32>
        %swap3A_498 = vector.shape_cast %mul3A_493 : vector<16xf32> to vector<1x16xf32>
        tpu.vector_store %arg11[%swap3A_494, %swap3A_495], %swap3A_498 {strides = array<i32>} : memref<80x144xf32, #tpu.memory_space<vmem>>, vector<1x16xf32>,
        %lt3A_499 = arith.constant 0 : i32
        %lt3A_500 = vector.broadcast %lt3A_499 : i32 to vector<16xi32>
        %lt3A_501 = arith.cmpi slt, %broadcast_in_dim3A_241, %lt3A_500 : vector<16xi32>
        %add3A_502 = arith.constant 16 : i32
        %add3A_503 = vector.broadcast %add3A_502 : i32 to vector<16xi32>
        %add3A_504 = arith.addi %broadcast_in_dim3A_241, %add3A_503 : vector<16xi32>
        %select_n3A_505 = arith.select %lt3A_501, %add3A_504, %broadcast_in_dim3A_241 : vector<16xi1>, vector<16xi32>
        %reshape3A_506 = vector.shape_cast %select_n3A_505 : vector<16xi32> to vector<16x1xi32>
        %gather3A_507 = vector.shape_cast %reshape3A_506 : vector<16x1xi32> to vector<16xi32>
        %gather3A_508 = tpu.dynamic_gather %get3A_477[%gather3A_507] in [0] : vector<16xf32>, vector<16xi32> -> vector<16xf32>
        %get3A_509 = arith.index_cast %rem3A_169 : i32 to index
        %get3A_510 = arith.index_cast %scan3A_472 : i32 to index
        %get3A_511 = arith.constant 16 : index
        %get3A_512 = tpu.vector_load %arg9[%get3A_509, %get3A_510, %get3A_511] {strides = array<i32>} : memref<2x80x128xf32, #tpu.memory_space<vmem>>, vector<1x1x16xf32>,
        %get3A_513 = vector.shape_cast %get3A_512 : vector<1x1x16xf32> to vector<16xf32>
        %mul3A_514 = arith.mulf %get3A_513, %gather3A_508 : vector<16xf32>
        %swap3A_515 = arith.index_cast %scan3A_472 : i32 to index
        %swap3A_516 = arith.constant 16 : index
        %swap3A_517 = tpu.vector_load %arg11[%swap3A_515, %swap3A_516] {strides = array<i32>} : memref<80x144xf32, #tpu.memory_space<vmem>>, vector<1x16xf32>,
        %swap3A_518 = vector.shape_cast %swap3A_517 : vector<1x16xf32> to vector<16xf32>
        %swap3A_519 = vector.shape_cast %mul3A_514 : vector<16xf32> to vector<1x16xf32>
        tpu.vector_store %arg11[%swap3A_515, %swap3A_516], %swap3A_519 {strides = array<i32>} : memref<80x144xf32, #tpu.memory_space<vmem>>, vector<1x16xf32>,
        %lt3A_520 = arith.constant 0 : i32
        %lt3A_521 = vector.broadcast %lt3A_520 : i32 to vector<16xi32>
        %lt3A_522 = arith.cmpi slt, %broadcast_in_dim3A_243, %lt3A_521 : vector<16xi32>
        %add3A_523 = arith.constant 16 : i32
        %add3A_524 = vector.broadcast %add3A_523 : i32 to vector<16xi32>
        %add3A_525 = arith.addi %broadcast_in_dim3A_243, %add3A_524 : vector<16xi32>
        %select_n3A_526 = arith.select %lt3A_522, %add3A_525, %broadcast_in_dim3A_243 : vector<16xi1>, vector<16xi32>
        %reshape3A_527 = vector.shape_cast %select_n3A_526 : vector<16xi32> to vector<16x1xi32>
        %gather3A_528 = vector.shape_cast %reshape3A_527 : vector<16x1xi32> to vector<16xi32>
        %gather3A_529 = tpu.dynamic_gather %get3A_477[%gather3A_528] in [0] : vector<16xf32>, vector<16xi32> -> vector<16xf32>
        %get3A_530 = arith.index_cast %rem3A_169 : i32 to index
        %get3A_531 = arith.index_cast %scan3A_472 : i32 to index
        %get3A_532 = arith.constant 32 : index
        %get3A_533 = tpu.vector_load %arg9[%get3A_530, %get3A_531, %get3A_532] {strides = array<i32>} : memref<2x80x128xf32, #tpu.memory_space<vmem>>, vector<1x1x16xf32>,
        %get3A_534 = vector.shape_cast %get3A_533 : vector<1x1x16xf32> to vector<16xf32>
        %mul3A_535 = arith.mulf %get3A_534, %gather3A_529 : vector<16xf32>
        %swap3A_536 = arith.index_cast %scan3A_472 : i32 to index
        %swap3A_537 = arith.constant 32 : index
        %swap3A_538 = tpu.vector_load %arg11[%swap3A_536, %swap3A_537] {strides = array<i32>} : memref<80x144xf32, #tpu.memory_space<vmem>>, vector<1x16xf32>,
        %swap3A_539 = vector.shape_cast %swap3A_538 : vector<1x16xf32> to vector<16xf32>
        %swap3A_540 = vector.shape_cast %mul3A_535 : vector<16xf32> to vector<1x16xf32>
        tpu.vector_store %arg11[%swap3A_536, %swap3A_537], %swap3A_540 {strides = array<i32>} : memref<80x144xf32, #tpu.memory_space<vmem>>, vector<1x16xf32>,
        %lt3A_541 = arith.constant 0 : i32
        %lt3A_542 = vector.broadcast %lt3A_541 : i32 to vector<16xi32>
        %lt3A_543 = arith.cmpi slt, %broadcast_in_dim3A_245, %lt3A_542 : vector<16xi32>
        %add3A_544 = arith.constant 16 : i32
        %add3A_545 = vector.broadcast %add3A_544 : i32 to vector<16xi32>
        %add3A_546 = arith.addi %broadcast_in_dim3A_245, %add3A_545 : vector<16xi32>
        %select_n3A_547 = arith.select %lt3A_543, %add3A_546, %broadcast_in_dim3A_245 : vector<16xi1>, vector<16xi32>
        %reshape3A_548 = vector.shape_cast %select_n3A_547 : vector<16xi32> to vector<16x1xi32>
        %gather3A_549 = vector.shape_cast %reshape3A_548 : vector<16x1xi32> to vector<16xi32>
        %gather3A_550 = tpu.dynamic_gather %get3A_477[%gather3A_549] in [0] : vector<16xf32>, vector<16xi32> -> vector<16xf32>
        %get3A_551 = arith.index_cast %rem3A_169 : i32 to index
        %get3A_552 = arith.index_cast %scan3A_472 : i32 to index
        %get3A_553 = arith.constant 48 : index
        %get3A_554 = tpu.vector_load %arg9[%get3A_551, %get3A_552, %get3A_553] {strides = array<i32>} : memref<2x80x128xf32, #tpu.memory_space<vmem>>, vector<1x1x16xf32>,
        %get3A_555 = vector.shape_cast %get3A_554 : vector<1x1x16xf32> to vector<16xf32>
        %mul3A_556 = arith.mulf %get3A_555, %gather3A_550 : vector<16xf32>
        %swap3A_557 = arith.index_cast %scan3A_472 : i32 to index
        %swap3A_558 = arith.constant 48 : index
        %swap3A_559 = tpu.vector_load %arg11[%swap3A_557, %swap3A_558] {strides = array<i32>} : memref<80x144xf32, #tpu.memory_space<vmem>>, vector<1x16xf32>,
        %swap3A_560 = vector.shape_cast %swap3A_559 : vector<1x16xf32> to vector<16xf32>
        %swap3A_561 = vector.shape_cast %mul3A_556 : vector<16xf32> to vector<1x16xf32>
        tpu.vector_store %arg11[%swap3A_557, %swap3A_558], %swap3A_561 {strides = array<i32>} : memref<80x144xf32, #tpu.memory_space<vmem>>, vector<1x16xf32>,
        %lt3A_562 = arith.constant 0 : i32
        %lt3A_563 = vector.broadcast %lt3A_562 : i32 to vector<16xi32>
        %lt3A_564 = arith.cmpi slt, %broadcast_in_dim3A_247, %lt3A_563 : vector<16xi32>
        %add3A_565 = arith.constant 16 : i32
        %add3A_566 = vector.broadcast %add3A_565 : i32 to vector<16xi32>
        %add3A_567 = arith.addi %broadcast_in_dim3A_247, %add3A_566 : vector<16xi32>
        %select_n3A_568 = arith.select %lt3A_564, %add3A_567, %broadcast_in_dim3A_247 : vector<16xi1>, vector<16xi32>
        %reshape3A_569 = vector.shape_cast %select_n3A_568 : vector<16xi32> to vector<16x1xi32>
        %gather3A_570 = vector.shape_cast %reshape3A_569 : vector<16x1xi32> to vector<16xi32>
        %gather3A_571 = tpu.dynamic_gather %get3A_477[%gather3A_570] in [0] : vector<16xf32>, vector<16xi32> -> vector<16xf32>
        %get3A_572 = arith.index_cast %rem3A_169 : i32 to index
        %get3A_573 = arith.index_cast %scan3A_472 : i32 to index
        %get3A_574 = arith.constant 64 : index
        %get3A_575 = tpu.vector_load %arg9[%get3A_572, %get3A_573, %get3A_574] {strides = array<i32>} : memref<2x80x128xf32, #tpu.memory_space<vmem>>, vector<1x1x16xf32>,
        %get3A_576 = vector.shape_cast %get3A_575 : vector<1x1x16xf32> to vector<16xf32>
        %mul3A_577 = arith.mulf %get3A_576, %gather3A_571 : vector<16xf32>
        %swap3A_578 = arith.index_cast %scan3A_472 : i32 to index
        %swap3A_579 = arith.constant 64 : index
        %swap3A_580 = tpu.vector_load %arg11[%swap3A_578, %swap3A_579] {strides = array<i32>} : memref<80x144xf32, #tpu.memory_space<vmem>>, vector<1x16xf32>,
        %swap3A_581 = vector.shape_cast %swap3A_580 : vector<1x16xf32> to vector<16xf32>
        %swap3A_582 = vector.shape_cast %mul3A_577 : vector<16xf32> to vector<1x16xf32>
        tpu.vector_store %arg11[%swap3A_578, %swap3A_579], %swap3A_582 {strides = array<i32>} : memref<80x144xf32, #tpu.memory_space<vmem>>, vector<1x16xf32>,
        %lt3A_583 = arith.constant 0 : i32
        %lt3A_584 = vector.broadcast %lt3A_583 : i32 to vector<16xi32>
        %lt3A_585 = arith.cmpi slt, %broadcast_in_dim3A_249, %lt3A_584 : vector<16xi32>
        %add3A_586 = arith.constant 16 : i32
        %add3A_587 = vector.broadcast %add3A_586 : i32 to vector<16xi32>
        %add3A_588 = arith.addi %broadcast_in_dim3A_249, %add3A_587 : vector<16xi32>
        %select_n3A_589 = arith.select %lt3A_585, %add3A_588, %broadcast_in_dim3A_249 : vector<16xi1>, vector<16xi32>
        %reshape3A_590 = vector.shape_cast %select_n3A_589 : vector<16xi32> to vector<16x1xi32>
        %gather3A_591 = vector.shape_cast %reshape3A_590 : vector<16x1xi32> to vector<16xi32>
        %gather3A_592 = tpu.dynamic_gather %get3A_477[%gather3A_591] in [0] : vector<16xf32>, vector<16xi32> -> vector<16xf32>
        %get3A_593 = arith.index_cast %rem3A_169 : i32 to index
        %get3A_594 = arith.index_cast %scan3A_472 : i32 to index
        %get3A_595 = arith.constant 80 : index
        %get3A_596 = tpu.vector_load %arg9[%get3A_593, %get3A_594, %get3A_595] {strides = array<i32>} : memref<2x80x128xf32, #tpu.memory_space<vmem>>, vector<1x1x16xf32>,
        %get3A_597 = vector.shape_cast %get3A_596 : vector<1x1x16xf32> to vector<16xf32>
        %mul3A_598 = arith.mulf %get3A_597, %gather3A_592 : vector<16xf32>
        %swap3A_599 = arith.index_cast %scan3A_472 : i32 to index
        %swap3A_600 = arith.constant 80 : index
        %swap3A_601 = tpu.vector_load %arg11[%swap3A_599, %swap3A_600] {strides = array<i32>} : memref<80x144xf32, #tpu.memory_space<vmem>>, vector<1x16xf32>,
        %swap3A_602 = vector.shape_cast %swap3A_601 : vector<1x16xf32> to vector<16xf32>
        %swap3A_603 = vector.shape_cast %mul3A_598 : vector<16xf32> to vector<1x16xf32>
        tpu.vector_store %arg11[%swap3A_599, %swap3A_600], %swap3A_603 {strides = array<i32>} : memref<80x144xf32, #tpu.memory_space<vmem>>, vector<1x16xf32>,
        %lt3A_604 = arith.constant 0 : i32
        %lt3A_605 = vector.broadcast %lt3A_604 : i32 to vector<16xi32>
        %lt3A_606 = arith.cmpi slt, %broadcast_in_dim3A_251, %lt3A_605 : vector<16xi32>
        %add3A_607 = arith.constant 16 : i32
        %add3A_608 = vector.broadcast %add3A_607 : i32 to vector<16xi32>
        %add3A_609 = arith.addi %broadcast_in_dim3A_251, %add3A_608 : vector<16xi32>
        %select_n3A_610 = arith.select %lt3A_606, %add3A_609, %broadcast_in_dim3A_251 : vector<16xi1>, vector<16xi32>
        %reshape3A_611 = vector.shape_cast %select_n3A_610 : vector<16xi32> to vector<16x1xi32>
        %gather3A_612 = vector.shape_cast %reshape3A_611 : vector<16x1xi32> to vector<16xi32>
        %gather3A_613 = tpu.dynamic_gather %get3A_477[%gather3A_612] in [0] : vector<16xf32>, vector<16xi32> -> vector<16xf32>
        %get3A_614 = arith.index_cast %rem3A_169 : i32 to index
        %get3A_615 = arith.index_cast %scan3A_472 : i32 to index
        %get3A_616 = arith.constant 96 : index
        %get3A_617 = tpu.vector_load %arg9[%get3A_614, %get3A_615, %get3A_616] {strides = array<i32>} : memref<2x80x128xf32, #tpu.memory_space<vmem>>, vector<1x1x16xf32>,
        %get3A_618 = vector.shape_cast %get3A_617 : vector<1x1x16xf32> to vector<16xf32>
        %mul3A_619 = arith.mulf %get3A_618, %gather3A_613 : vector<16xf32>
        %swap3A_620 = arith.index_cast %scan3A_472 : i32 to index
        %swap3A_621 = arith.constant 96 : index
        %swap3A_622 = tpu.vector_load %arg11[%swap3A_620, %swap3A_621] {strides = array<i32>} : memref<80x144xf32, #tpu.memory_space<vmem>>, vector<1x16xf32>,
        %swap3A_623 = vector.shape_cast %swap3A_622 : vector<1x16xf32> to vector<16xf32>
        %swap3A_624 = vector.shape_cast %mul3A_619 : vector<16xf32> to vector<1x16xf32>
        tpu.vector_store %arg11[%swap3A_620, %swap3A_621], %swap3A_624 {strides = array<i32>} : memref<80x144xf32, #tpu.memory_space<vmem>>, vector<1x16xf32>,
        %lt3A_625 = arith.constant 0 : i32
        %lt3A_626 = vector.broadcast %lt3A_625 : i32 to vector<16xi32>
        %lt3A_627 = arith.cmpi slt, %broadcast_in_dim3A_253, %lt3A_626 : vector<16xi32>
        %add3A_628 = arith.constant 16 : i32
        %add3A_629 = vector.broadcast %add3A_628 : i32 to vector<16xi32>
        %add3A_630 = arith.addi %broadcast_in_dim3A_253, %add3A_629 : vector<16xi32>
        %select_n3A_631 = arith.select %lt3A_627, %add3A_630, %broadcast_in_dim3A_253 : vector<16xi1>, vector<16xi32>
        %reshape3A_632 = vector.shape_cast %select_n3A_631 : vector<16xi32> to vector<16x1xi32>
        %gather3A_633 = vector.shape_cast %reshape3A_632 : vector<16x1xi32> to vector<16xi32>
        %gather3A_634 = tpu.dynamic_gather %get3A_477[%gather3A_633] in [0] : vector<16xf32>, vector<16xi32> -> vector<16xf32>
        %get3A_635 = arith.index_cast %rem3A_169 : i32 to index
        %get3A_636 = arith.index_cast %scan3A_472 : i32 to index
        %get3A_637 = arith.constant 112 : index
        %get3A_638 = tpu.vector_load %arg9[%get3A_635, %get3A_636, %get3A_637] {strides = array<i32>} : memref<2x80x128xf32, #tpu.memory_space<vmem>>, vector<1x1x16xf32>,
        %get3A_639 = vector.shape_cast %get3A_638 : vector<1x1x16xf32> to vector<16xf32>
        %mul3A_640 = arith.mulf %get3A_639, %gather3A_634 : vector<16xf32>
        %swap3A_641 = arith.index_cast %scan3A_472 : i32 to index
        %swap3A_642 = arith.constant 112 : index
        %swap3A_643 = tpu.vector_load %arg11[%swap3A_641, %swap3A_642] {strides = array<i32>} : memref<80x144xf32, #tpu.memory_space<vmem>>, vector<1x16xf32>,
        %swap3A_644 = vector.shape_cast %swap3A_643 : vector<1x16xf32> to vector<16xf32>
        %swap3A_645 = vector.shape_cast %mul3A_640 : vector<16xf32> to vector<1x16xf32>
        tpu.vector_store %arg11[%swap3A_641, %swap3A_642], %swap3A_645 {strides = array<i32>} : memref<80x144xf32, #tpu.memory_space<vmem>>, vector<1x16xf32>,
        %swap3A_646 = arith.index_cast %scan3A_472 : i32 to index
        %swap3A_647 = arith.constant 128 : index
        %swap3A_648 = tpu.vector_load %arg11[%swap3A_646, %swap3A_647] {strides = array<i32>} : memref<80x144xf32, #tpu.memory_space<vmem>>, vector<1x16xf32>,
        %swap3A_649 = vector.shape_cast %swap3A_648 : vector<1x16xf32> to vector<16xf32>
        %swap3A_650 = vector.shape_cast %get3A_477 : vector<16xf32> to vector<1x16xf32>
        tpu.vector_store %arg11[%swap3A_646, %swap3A_647], %swap3A_650 {strides = array<i32>} : memref<80x144xf32, #tpu.memory_space<vmem>>, vector<1x16xf32>,
        %scan3A_651 = arith.constant 2 : i32
        %scan3A_652 = arith.addi %scan3A_295, %scan3A_651 : i32
        %get3A_653 = arith.index_cast %rem3A_169 : i32 to index
        %get3A_654 = arith.index_cast %scan3A_652 : i32 to index
        %get3A_655 = arith.constant 0 : index
        %get3A_656 = tpu.vector_load %arg10[%get3A_653, %get3A_654, %get3A_655] {strides = array<i32>} : memref<2x80x16xf32, #tpu.memory_space<vmem>>, vector<1x1x16xf32>,
        %get3A_657 = vector.shape_cast %get3A_656 : vector<1x1x16xf32> to vector<16xf32>
        %lt3A_658 = arith.constant 0 : i32
        %lt3A_659 = vector.broadcast %lt3A_658 : i32 to vector<16xi32>
        %lt3A_660 = arith.cmpi slt, %broadcast_in_dim3A_239, %lt3A_659 : vector<16xi32>
        %add3A_661 = arith.constant 16 : i32
        %add3A_662 = vector.broadcast %add3A_661 : i32 to vector<16xi32>
        %add3A_663 = arith.addi %broadcast_in_dim3A_239, %add3A_662 : vector<16xi32>
        %select_n3A_664 = arith.select %lt3A_660, %add3A_663, %broadcast_in_dim3A_239 : vector<16xi1>, vector<16xi32>
        %reshape3A_665 = vector.shape_cast %select_n3A_664 : vector<16xi32> to vector<16x1xi32>
        %gather3A_666 = vector.shape_cast %reshape3A_665 : vector<16x1xi32> to vector<16xi32>
        %gather3A_667 = tpu.dynamic_gather %get3A_657[%gather3A_666] in [0] : vector<16xf32>, vector<16xi32> -> vector<16xf32>
        %get3A_668 = arith.index_cast %rem3A_169 : i32 to index
        %get3A_669 = arith.index_cast %scan3A_652 : i32 to index
        %get3A_670 = arith.constant 0 : index
        %get3A_671 = tpu.vector_load %arg9[%get3A_668, %get3A_669, %get3A_670] {strides = array<i32>} : memref<2x80x128xf32, #tpu.memory_space<vmem>>, vector<1x1x16xf32>,
        %get3A_672 = vector.shape_cast %get3A_671 : vector<1x1x16xf32> to vector<16xf32>
        %mul3A_673 = arith.mulf %get3A_672, %gather3A_667 : vector<16xf32>
        %swap3A_674 = arith.index_cast %scan3A_652 : i32 to index
        %swap3A_675 = arith.constant 0 : index
        %swap3A_676 = tpu.vector_load %arg11[%swap3A_674, %swap3A_675] {strides = array<i32>} : memref<80x144xf32, #tpu.memory_space<vmem>>, vector<1x16xf32>,
        %swap3A_677 = vector.shape_cast %swap3A_676 : vector<1x16xf32> to vector<16xf32>
        %swap3A_678 = vector.shape_cast %mul3A_673 : vector<16xf32> to vector<1x16xf32>
        tpu.vector_store %arg11[%swap3A_674, %swap3A_675], %swap3A_678 {strides = array<i32>} : memref<80x144xf32, #tpu.memory_space<vmem>>, vector<1x16xf32>,
        %lt3A_679 = arith.constant 0 : i32
        %lt3A_680 = vector.broadcast %lt3A_679 : i32 to vector<16xi32>
        %lt3A_681 = arith.cmpi slt, %broadcast_in_dim3A_241, %lt3A_680 : vector<16xi32>
        %add3A_682 = arith.constant 16 : i32
        %add3A_683 = vector.broadcast %add3A_682 : i32 to vector<16xi32>
        %add3A_684 = arith.addi %broadcast_in_dim3A_241, %add3A_683 : vector<16xi32>
        %select_n3A_685 = arith.select %lt3A_681, %add3A_684, %broadcast_in_dim3A_241 : vector<16xi1>, vector<16xi32>
        %reshape3A_686 = vector.shape_cast %select_n3A_685 : vector<16xi32> to vector<16x1xi32>
        %gather3A_687 = vector.shape_cast %reshape3A_686 : vector<16x1xi32> to vector<16xi32>
        %gather3A_688 = tpu.dynamic_gather %get3A_657[%gather3A_687] in [0] : vector<16xf32>, vector<16xi32> -> vector<16xf32>
        %get3A_689 = arith.index_cast %rem3A_169 : i32 to index
        %get3A_690 = arith.index_cast %scan3A_652 : i32 to index
        %get3A_691 = arith.constant 16 : index
        %get3A_692 = tpu.vector_load %arg9[%get3A_689, %get3A_690, %get3A_691] {strides = array<i32>} : memref<2x80x128xf32, #tpu.memory_space<vmem>>, vector<1x1x16xf32>,
        %get3A_693 = vector.shape_cast %get3A_692 : vector<1x1x16xf32> to vector<16xf32>
        %mul3A_694 = arith.mulf %get3A_693, %gather3A_688 : vector<16xf32>
        %swap3A_695 = arith.index_cast %scan3A_652 : i32 to index
        %swap3A_696 = arith.constant 16 : index
        %swap3A_697 = tpu.vector_load %arg11[%swap3A_695, %swap3A_696] {strides = array<i32>} : memref<80x144xf32, #tpu.memory_space<vmem>>, vector<1x16xf32>,
        %swap3A_698 = vector.shape_cast %swap3A_697 : vector<1x16xf32> to vector<16xf32>
        %swap3A_699 = vector.shape_cast %mul3A_694 : vector<16xf32> to vector<1x16xf32>
        tpu.vector_store %arg11[%swap3A_695, %swap3A_696], %swap3A_699 {strides = array<i32>} : memref<80x144xf32, #tpu.memory_space<vmem>>, vector<1x16xf32>,
        %lt3A_700 = arith.constant 0 : i32
        %lt3A_701 = vector.broadcast %lt3A_700 : i32 to vector<16xi32>
        %lt3A_702 = arith.cmpi slt, %broadcast_in_dim3A_243, %lt3A_701 : vector<16xi32>
        %add3A_703 = arith.constant 16 : i32
        %add3A_704 = vector.broadcast %add3A_703 : i32 to vector<16xi32>
        %add3A_705 = arith.addi %broadcast_in_dim3A_243, %add3A_704 : vector<16xi32>
        %select_n3A_706 = arith.select %lt3A_702, %add3A_705, %broadcast_in_dim3A_243 : vector<16xi1>, vector<16xi32>
        %reshape3A_707 = vector.shape_cast %select_n3A_706 : vector<16xi32> to vector<16x1xi32>
        %gather3A_708 = vector.shape_cast %reshape3A_707 : vector<16x1xi32> to vector<16xi32>
        %gather3A_709 = tpu.dynamic_gather %get3A_657[%gather3A_708] in [0] : vector<16xf32>, vector<16xi32> -> vector<16xf32>
        %get3A_710 = arith.index_cast %rem3A_169 : i32 to index
        %get3A_711 = arith.index_cast %scan3A_652 : i32 to index
        %get3A_712 = arith.constant 32 : index
        %get3A_713 = tpu.vector_load %arg9[%get3A_710, %get3A_711, %get3A_712] {strides = array<i32>} : memref<2x80x128xf32, #tpu.memory_space<vmem>>, vector<1x1x16xf32>,
        %get3A_714 = vector.shape_cast %get3A_713 : vector<1x1x16xf32> to vector<16xf32>
        %mul3A_715 = arith.mulf %get3A_714, %gather3A_709 : vector<16xf32>
        %swap3A_716 = arith.index_cast %scan3A_652 : i32 to index
        %swap3A_717 = arith.constant 32 : index
        %swap3A_718 = tpu.vector_load %arg11[%swap3A_716, %swap3A_717] {strides = array<i32>} : memref<80x144xf32, #tpu.memory_space<vmem>>, vector<1x16xf32>,
        %swap3A_719 = vector.shape_cast %swap3A_718 : vector<1x16xf32> to vector<16xf32>
        %swap3A_720 = vector.shape_cast %mul3A_715 : vector<16xf32> to vector<1x16xf32>
        tpu.vector_store %arg11[%swap3A_716, %swap3A_717], %swap3A_720 {strides = array<i32>} : memref<80x144xf32, #tpu.memory_space<vmem>>, vector<1x16xf32>,
        %lt3A_721 = arith.constant 0 : i32
        %lt3A_722 = vector.broadcast %lt3A_721 : i32 to vector<16xi32>
        %lt3A_723 = arith.cmpi slt, %broadcast_in_dim3A_245, %lt3A_722 : vector<16xi32>
        %add3A_724 = arith.constant 16 : i32
        %add3A_725 = vector.broadcast %add3A_724 : i32 to vector<16xi32>
        %add3A_726 = arith.addi %broadcast_in_dim3A_245, %add3A_725 : vector<16xi32>
        %select_n3A_727 = arith.select %lt3A_723, %add3A_726, %broadcast_in_dim3A_245 : vector<16xi1>, vector<16xi32>
        %reshape3A_728 = vector.shape_cast %select_n3A_727 : vector<16xi32> to vector<16x1xi32>
        %gather3A_729 = vector.shape_cast %reshape3A_728 : vector<16x1xi32> to vector<16xi32>
        %gather3A_730 = tpu.dynamic_gather %get3A_657[%gather3A_729] in [0] : vector<16xf32>, vector<16xi32> -> vector<16xf32>
        %get3A_731 = arith.index_cast %rem3A_169 : i32 to index
        %get3A_732 = arith.index_cast %scan3A_652 : i32 to index
        %get3A_733 = arith.constant 48 : index
        %get3A_734 = tpu.vector_load %arg9[%get3A_731, %get3A_732, %get3A_733] {strides = array<i32>} : memref<2x80x128xf32, #tpu.memory_space<vmem>>, vector<1x1x16xf32>,
        %get3A_735 = vector.shape_cast %get3A_734 : vector<1x1x16xf32> to vector<16xf32>
        %mul3A_736 = arith.mulf %get3A_735, %gather3A_730 : vector<16xf32>
        %swap3A_737 = arith.index_cast %scan3A_652 : i32 to index
        %swap3A_738 = arith.constant 48 : index
        %swap3A_739 = tpu.vector_load %arg11[%swap3A_737, %swap3A_738] {strides = array<i32>} : memref<80x144xf32, #tpu.memory_space<vmem>>, vector<1x16xf32>,
        %swap3A_740 = vector.shape_cast %swap3A_739 : vector<1x16xf32> to vector<16xf32>
        %swap3A_741 = vector.shape_cast %mul3A_736 : vector<16xf32> to vector<1x16xf32>
        tpu.vector_store %arg11[%swap3A_737, %swap3A_738], %swap3A_741 {strides = array<i32>} : memref<80x144xf32, #tpu.memory_space<vmem>>, vector<1x16xf32>,
        %lt3A_742 = arith.constant 0 : i32
        %lt3A_743 = vector.broadcast %lt3A_742 : i32 to vector<16xi32>
        %lt3A_744 = arith.cmpi slt, %broadcast_in_dim3A_247, %lt3A_743 : vector<16xi32>
        %add3A_745 = arith.constant 16 : i32
        %add3A_746 = vector.broadcast %add3A_745 : i32 to vector<16xi32>
        %add3A_747 = arith.addi %broadcast_in_dim3A_247, %add3A_746 : vector<16xi32>
        %select_n3A_748 = arith.select %lt3A_744, %add3A_747, %broadcast_in_dim3A_247 : vector<16xi1>, vector<16xi32>
        %reshape3A_749 = vector.shape_cast %select_n3A_748 : vector<16xi32> to vector<16x1xi32>
        %gather3A_750 = vector.shape_cast %reshape3A_749 : vector<16x1xi32> to vector<16xi32>
        %gather3A_751 = tpu.dynamic_gather %get3A_657[%gather3A_750] in [0] : vector<16xf32>, vector<16xi32> -> vector<16xf32>
        %get3A_752 = arith.index_cast %rem3A_169 : i32 to index
        %get3A_753 = arith.index_cast %scan3A_652 : i32 to index
        %get3A_754 = arith.constant 64 : index
        %get3A_755 = tpu.vector_load %arg9[%get3A_752, %get3A_753, %get3A_754] {strides = array<i32>} : memref<2x80x128xf32, #tpu.memory_space<vmem>>, vector<1x1x16xf32>,
        %get3A_756 = vector.shape_cast %get3A_755 : vector<1x1x16xf32> to vector<16xf32>
        %mul3A_757 = arith.mulf %get3A_756, %gather3A_751 : vector<16xf32>
        %swap3A_758 = arith.index_cast %scan3A_652 : i32 to index
        %swap3A_759 = arith.constant 64 : index
        %swap3A_760 = tpu.vector_load %arg11[%swap3A_758, %swap3A_759] {strides = array<i32>} : memref<80x144xf32, #tpu.memory_space<vmem>>, vector<1x16xf32>,
        %swap3A_761 = vector.shape_cast %swap3A_760 : vector<1x16xf32> to vector<16xf32>
        %swap3A_762 = vector.shape_cast %mul3A_757 : vector<16xf32> to vector<1x16xf32>
        tpu.vector_store %arg11[%swap3A_758, %swap3A_759], %swap3A_762 {strides = array<i32>} : memref<80x144xf32, #tpu.memory_space<vmem>>, vector<1x16xf32>,
        %lt3A_763 = arith.constant 0 : i32
        %lt3A_764 = vector.broadcast %lt3A_763 : i32 to vector<16xi32>
        %lt3A_765 = arith.cmpi slt, %broadcast_in_dim3A_249, %lt3A_764 : vector<16xi32>
        %add3A_766 = arith.constant 16 : i32
        %add3A_767 = vector.broadcast %add3A_766 : i32 to vector<16xi32>
        %add3A_768 = arith.addi %broadcast_in_dim3A_249, %add3A_767 : vector<16xi32>
        %select_n3A_769 = arith.select %lt3A_765, %add3A_768, %broadcast_in_dim3A_249 : vector<16xi1>, vector<16xi32>
        %reshape3A_770 = vector.shape_cast %select_n3A_769 : vector<16xi32> to vector<16x1xi32>
        %gather3A_771 = vector.shape_cast %reshape3A_770 : vector<16x1xi32> to vector<16xi32>
        %gather3A_772 = tpu.dynamic_gather %get3A_657[%gather3A_771] in [0] : vector<16xf32>, vector<16xi32> -> vector<16xf32>
        %get3A_773 = arith.index_cast %rem3A_169 : i32 to index
        %get3A_774 = arith.index_cast %scan3A_652 : i32 to index
        %get3A_775 = arith.constant 80 : index
        %get3A_776 = tpu.vector_load %arg9[%get3A_773, %get3A_774, %get3A_775] {strides = array<i32>} : memref<2x80x128xf32, #tpu.memory_space<vmem>>, vector<1x1x16xf32>,
        %get3A_777 = vector.shape_cast %get3A_776 : vector<1x1x16xf32> to vector<16xf32>
        %mul3A_778 = arith.mulf %get3A_777, %gather3A_772 : vector<16xf32>
        %swap3A_779 = arith.index_cast %scan3A_652 : i32 to index
        %swap3A_780 = arith.constant 80 : index
        %swap3A_781 = tpu.vector_load %arg11[%swap3A_779, %swap3A_780] {strides = array<i32>} : memref<80x144xf32, #tpu.memory_space<vmem>>, vector<1x16xf32>,
        %swap3A_782 = vector.shape_cast %swap3A_781 : vector<1x16xf32> to vector<16xf32>
        %swap3A_783 = vector.shape_cast %mul3A_778 : vector<16xf32> to vector<1x16xf32>
        tpu.vector_store %arg11[%swap3A_779, %swap3A_780], %swap3A_783 {strides = array<i32>} : memref<80x144xf32, #tpu.memory_space<vmem>>, vector<1x16xf32>,
        %lt3A_784 = arith.constant 0 : i32
        %lt3A_785 = vector.broadcast %lt3A_784 : i32 to vector<16xi32>
        %lt3A_786 = arith.cmpi slt, %broadcast_in_dim3A_251, %lt3A_785 : vector<16xi32>
        %add3A_787 = arith.constant 16 : i32
        %add3A_788 = vector.broadcast %add3A_787 : i32 to vector<16xi32>
        %add3A_789 = arith.addi %broadcast_in_dim3A_251, %add3A_788 : vector<16xi32>
        %select_n3A_790 = arith.select %lt3A_786, %add3A_789, %broadcast_in_dim3A_251 : vector<16xi1>, vector<16xi32>
        %reshape3A_791 = vector.shape_cast %select_n3A_790 : vector<16xi32> to vector<16x1xi32>
        %gather3A_792 = vector.shape_cast %reshape3A_791 : vector<16x1xi32> to vector<16xi32>
        %gather3A_793 = tpu.dynamic_gather %get3A_657[%gather3A_792] in [0] : vector<16xf32>, vector<16xi32> -> vector<16xf32>
        %get3A_794 = arith.index_cast %rem3A_169 : i32 to index
        %get3A_795 = arith.index_cast %scan3A_652 : i32 to index
        %get3A_796 = arith.constant 96 : index
        %get3A_797 = tpu.vector_load %arg9[%get3A_794, %get3A_795, %get3A_796] {strides = array<i32>} : memref<2x80x128xf32, #tpu.memory_space<vmem>>, vector<1x1x16xf32>,
        %get3A_798 = vector.shape_cast %get3A_797 : vector<1x1x16xf32> to vector<16xf32>
        %mul3A_799 = arith.mulf %get3A_798, %gather3A_793 : vector<16xf32>
        %swap3A_800 = arith.index_cast %scan3A_652 : i32 to index
        %swap3A_801 = arith.constant 96 : index
        %swap3A_802 = tpu.vector_load %arg11[%swap3A_800, %swap3A_801] {strides = array<i32>} : memref<80x144xf32, #tpu.memory_space<vmem>>, vector<1x16xf32>,
        %swap3A_803 = vector.shape_cast %swap3A_802 : vector<1x16xf32> to vector<16xf32>
        %swap3A_804 = vector.shape_cast %mul3A_799 : vector<16xf32> to vector<1x16xf32>
        tpu.vector_store %arg11[%swap3A_800, %swap3A_801], %swap3A_804 {strides = array<i32>} : memref<80x144xf32, #tpu.memory_space<vmem>>, vector<1x16xf32>,
        %lt3A_805 = arith.constant 0 : i32
        %lt3A_806 = vector.broadcast %lt3A_805 : i32 to vector<16xi32>
        %lt3A_807 = arith.cmpi slt, %broadcast_in_dim3A_253, %lt3A_806 : vector<16xi32>
        %add3A_808 = arith.constant 16 : i32
        %add3A_809 = vector.broadcast %add3A_808 : i32 to vector<16xi32>
        %add3A_810 = arith.addi %broadcast_in_dim3A_253, %add3A_809 : vector<16xi32>
        %select_n3A_811 = arith.select %lt3A_807, %add3A_810, %broadcast_in_dim3A_253 : vector<16xi1>, vector<16xi32>
        %reshape3A_812 = vector.shape_cast %select_n3A_811 : vector<16xi32> to vector<16x1xi32>
        %gather3A_813 = vector.shape_cast %reshape3A_812 : vector<16x1xi32> to vector<16xi32>
        %gather3A_814 = tpu.dynamic_gather %get3A_657[%gather3A_813] in [0] : vector<16xf32>, vector<16xi32> -> vector<16xf32>
        %get3A_815 = arith.index_cast %rem3A_169 : i32 to index
        %get3A_816 = arith.index_cast %scan3A_652 : i32 to index
        %get3A_817 = arith.constant 112 : index
        %get3A_818 = tpu.vector_load %arg9[%get3A_815, %get3A_816, %get3A_817] {strides = array<i32>} : memref<2x80x128xf32, #tpu.memory_space<vmem>>, vector<1x1x16xf32>,
        %get3A_819 = vector.shape_cast %get3A_818 : vector<1x1x16xf32> to vector<16xf32>
        %mul3A_820 = arith.mulf %get3A_819, %gather3A_814 : vector<16xf32>
        %swap3A_821 = arith.index_cast %scan3A_652 : i32 to index
        %swap3A_822 = arith.constant 112 : index
        %swap3A_823 = tpu.vector_load %arg11[%swap3A_821, %swap3A_822] {strides = array<i32>} : memref<80x144xf32, #tpu.memory_space<vmem>>, vector<1x16xf32>,
        %swap3A_824 = vector.shape_cast %swap3A_823 : vector<1x16xf32> to vector<16xf32>
        %swap3A_825 = vector.shape_cast %mul3A_820 : vector<16xf32> to vector<1x16xf32>
        tpu.vector_store %arg11[%swap3A_821, %swap3A_822], %swap3A_825 {strides = array<i32>} : memref<80x144xf32, #tpu.memory_space<vmem>>, vector<1x16xf32>,
        %swap3A_826 = arith.index_cast %scan3A_652 : i32 to index
        %swap3A_827 = arith.constant 128 : index
        %swap3A_828 = tpu.vector_load %arg11[%swap3A_826, %swap3A_827] {strides = array<i32>} : memref<80x144xf32, #tpu.memory_space<vmem>>, vector<1x16xf32>,
        %swap3A_829 = vector.shape_cast %swap3A_828 : vector<1x16xf32> to vector<16xf32>
        %swap3A_830 = vector.shape_cast %get3A_657 : vector<16xf32> to vector<1x16xf32>
        tpu.vector_store %arg11[%swap3A_826, %swap3A_827], %swap3A_830 {strides = array<i32>} : memref<80x144xf32, #tpu.memory_space<vmem>>, vector<1x16xf32>,
        %scan3A_831 = arith.constant 3 : i32
        %scan3A_832 = arith.addi %scan3A_295, %scan3A_831 : i32
        %get3A_833 = arith.index_cast %rem3A_169 : i32 to index
        %get3A_834 = arith.index_cast %scan3A_832 : i32 to index
        %get3A_835 = arith.constant 0 : index
        %get3A_836 = tpu.vector_load %arg10[%get3A_833, %get3A_834, %get3A_835] {strides = array<i32>} : memref<2x80x16xf32, #tpu.memory_space<vmem>>, vector<1x1x16xf32>,
        %get3A_837 = vector.shape_cast %get3A_836 : vector<1x1x16xf32> to vector<16xf32>
        %lt3A_838 = arith.constant 0 : i32
        %lt3A_839 = vector.broadcast %lt3A_838 : i32 to vector<16xi32>
        %lt3A_840 = arith.cmpi slt, %broadcast_in_dim3A_239, %lt3A_839 : vector<16xi32>
        %add3A_841 = arith.constant 16 : i32
        %add3A_842 = vector.broadcast %add3A_841 : i32 to vector<16xi32>
        %add3A_843 = arith.addi %broadcast_in_dim3A_239, %add3A_842 : vector<16xi32>
        %select_n3A_844 = arith.select %lt3A_840, %add3A_843, %broadcast_in_dim3A_239 : vector<16xi1>, vector<16xi32>
        %reshape3A_845 = vector.shape_cast %select_n3A_844 : vector<16xi32> to vector<16x1xi32>
        %gather3A_846 = vector.shape_cast %reshape3A_845 : vector<16x1xi32> to vector<16xi32>
        %gather3A_847 = tpu.dynamic_gather %get3A_837[%gather3A_846] in [0] : vector<16xf32>, vector<16xi32> -> vector<16xf32>
        %get3A_848 = arith.index_cast %rem3A_169 : i32 to index
        %get3A_849 = arith.index_cast %scan3A_832 : i32 to index
        %get3A_850 = arith.constant 0 : index
        %get3A_851 = tpu.vector_load %arg9[%get3A_848, %get3A_849, %get3A_850] {strides = array<i32>} : memref<2x80x128xf32, #tpu.memory_space<vmem>>, vector<1x1x16xf32>,
        %get3A_852 = vector.shape_cast %get3A_851 : vector<1x1x16xf32> to vector<16xf32>
        %mul3A_853 = arith.mulf %get3A_852, %gather3A_847 : vector<16xf32>
        %swap3A_854 = arith.index_cast %scan3A_832 : i32 to index
        %swap3A_855 = arith.constant 0 : index
        %swap3A_856 = tpu.vector_load %arg11[%swap3A_854, %swap3A_855] {strides = array<i32>} : memref<80x144xf32, #tpu.memory_space<vmem>>, vector<1x16xf32>,
        %swap3A_857 = vector.shape_cast %swap3A_856 : vector<1x16xf32> to vector<16xf32>
        %swap3A_858 = vector.shape_cast %mul3A_853 : vector<16xf32> to vector<1x16xf32>
        tpu.vector_store %arg11[%swap3A_854, %swap3A_855], %swap3A_858 {strides = array<i32>} : memref<80x144xf32, #tpu.memory_space<vmem>>, vector<1x16xf32>,
        %lt3A_859 = arith.constant 0 : i32
        %lt3A_860 = vector.broadcast %lt3A_859 : i32 to vector<16xi32>
        %lt3A_861 = arith.cmpi slt, %broadcast_in_dim3A_241, %lt3A_860 : vector<16xi32>
        %add3A_862 = arith.constant 16 : i32
        %add3A_863 = vector.broadcast %add3A_862 : i32 to vector<16xi32>
        %add3A_864 = arith.addi %broadcast_in_dim3A_241, %add3A_863 : vector<16xi32>
        %select_n3A_865 = arith.select %lt3A_861, %add3A_864, %broadcast_in_dim3A_241 : vector<16xi1>, vector<16xi32>
        %reshape3A_866 = vector.shape_cast %select_n3A_865 : vector<16xi32> to vector<16x1xi32>
        %gather3A_867 = vector.shape_cast %reshape3A_866 : vector<16x1xi32> to vector<16xi32>
        %gather3A_868 = tpu.dynamic_gather %get3A_837[%gather3A_867] in [0] : vector<16xf32>, vector<16xi32> -> vector<16xf32>
        %get3A_869 = arith.index_cast %rem3A_169 : i32 to index
        %get3A_870 = arith.index_cast %scan3A_832 : i32 to index
        %get3A_871 = arith.constant 16 : index
        %get3A_872 = tpu.vector_load %arg9[%get3A_869, %get3A_870, %get3A_871] {strides = array<i32>} : memref<2x80x128xf32, #tpu.memory_space<vmem>>, vector<1x1x16xf32>,
        %get3A_873 = vector.shape_cast %get3A_872 : vector<1x1x16xf32> to vector<16xf32>
        %mul3A_874 = arith.mulf %get3A_873, %gather3A_868 : vector<16xf32>
        %swap3A_875 = arith.index_cast %scan3A_832 : i32 to index
        %swap3A_876 = arith.constant 16 : index
        %swap3A_877 = tpu.vector_load %arg11[%swap3A_875, %swap3A_876] {strides = array<i32>} : memref<80x144xf32, #tpu.memory_space<vmem>>, vector<1x16xf32>,
        %swap3A_878 = vector.shape_cast %swap3A_877 : vector<1x16xf32> to vector<16xf32>
        %swap3A_879 = vector.shape_cast %mul3A_874 : vector<16xf32> to vector<1x16xf32>
        tpu.vector_store %arg11[%swap3A_875, %swap3A_876], %swap3A_879 {strides = array<i32>} : memref<80x144xf32, #tpu.memory_space<vmem>>, vector<1x16xf32>,
        %lt3A_880 = arith.constant 0 : i32
        %lt3A_881 = vector.broadcast %lt3A_880 : i32 to vector<16xi32>
        %lt3A_882 = arith.cmpi slt, %broadcast_in_dim3A_243, %lt3A_881 : vector<16xi32>
        %add3A_883 = arith.constant 16 : i32
        %add3A_884 = vector.broadcast %add3A_883 : i32 to vector<16xi32>
        %add3A_885 = arith.addi %broadcast_in_dim3A_243, %add3A_884 : vector<16xi32>
        %select_n3A_886 = arith.select %lt3A_882, %add3A_885, %broadcast_in_dim3A_243 : vector<16xi1>, vector<16xi32>
        %reshape3A_887 = vector.shape_cast %select_n3A_886 : vector<16xi32> to vector<16x1xi32>
        %gather3A_888 = vector.shape_cast %reshape3A_887 : vector<16x1xi32> to vector<16xi32>
        %gather3A_889 = tpu.dynamic_gather %get3A_837[%gather3A_888] in [0] : vector<16xf32>, vector<16xi32> -> vector<16xf32>
        %get3A_890 = arith.index_cast %rem3A_169 : i32 to index
        %get3A_891 = arith.index_cast %scan3A_832 : i32 to index
        %get3A_892 = arith.constant 32 : index
        %get3A_893 = tpu.vector_load %arg9[%get3A_890, %get3A_891, %get3A_892] {strides = array<i32>} : memref<2x80x128xf32, #tpu.memory_space<vmem>>, vector<1x1x16xf32>,
        %get3A_894 = vector.shape_cast %get3A_893 : vector<1x1x16xf32> to vector<16xf32>
        %mul3A_895 = arith.mulf %get3A_894, %gather3A_889 : vector<16xf32>
        %swap3A_896 = arith.index_cast %scan3A_832 : i32 to index
        %swap3A_897 = arith.constant 32 : index
        %swap3A_898 = tpu.vector_load %arg11[%swap3A_896, %swap3A_897] {strides = array<i32>} : memref<80x144xf32, #tpu.memory_space<vmem>>, vector<1x16xf32>,
        %swap3A_899 = vector.shape_cast %swap3A_898 : vector<1x16xf32> to vector<16xf32>
        %swap3A_900 = vector.shape_cast %mul3A_895 : vector<16xf32> to vector<1x16xf32>
        tpu.vector_store %arg11[%swap3A_896, %swap3A_897], %swap3A_900 {strides = array<i32>} : memref<80x144xf32, #tpu.memory_space<vmem>>, vector<1x16xf32>,
        %lt3A_901 = arith.constant 0 : i32
        %lt3A_902 = vector.broadcast %lt3A_901 : i32 to vector<16xi32>
        %lt3A_903 = arith.cmpi slt, %broadcast_in_dim3A_245, %lt3A_902 : vector<16xi32>
        %add3A_904 = arith.constant 16 : i32
        %add3A_905 = vector.broadcast %add3A_904 : i32 to vector<16xi32>
        %add3A_906 = arith.addi %broadcast_in_dim3A_245, %add3A_905 : vector<16xi32>
        %select_n3A_907 = arith.select %lt3A_903, %add3A_906, %broadcast_in_dim3A_245 : vector<16xi1>, vector<16xi32>
        %reshape3A_908 = vector.shape_cast %select_n3A_907 : vector<16xi32> to vector<16x1xi32>
        %gather3A_909 = vector.shape_cast %reshape3A_908 : vector<16x1xi32> to vector<16xi32>
        %gather3A_910 = tpu.dynamic_gather %get3A_837[%gather3A_909] in [0] : vector<16xf32>, vector<16xi32> -> vector<16xf32>
        %get3A_911 = arith.index_cast %rem3A_169 : i32 to index
        %get3A_912 = arith.index_cast %scan3A_832 : i32 to index
        %get3A_913 = arith.constant 48 : index
        %get3A_914 = tpu.vector_load %arg9[%get3A_911, %get3A_912, %get3A_913] {strides = array<i32>} : memref<2x80x128xf32, #tpu.memory_space<vmem>>, vector<1x1x16xf32>,
        %get3A_915 = vector.shape_cast %get3A_914 : vector<1x1x16xf32> to vector<16xf32>
        %mul3A_916 = arith.mulf %get3A_915, %gather3A_910 : vector<16xf32>
        %swap3A_917 = arith.index_cast %scan3A_832 : i32 to index
        %swap3A_918 = arith.constant 48 : index
        %swap3A_919 = tpu.vector_load %arg11[%swap3A_917, %swap3A_918] {strides = array<i32>} : memref<80x144xf32, #tpu.memory_space<vmem>>, vector<1x16xf32>,
        %swap3A_920 = vector.shape_cast %swap3A_919 : vector<1x16xf32> to vector<16xf32>
        %swap3A_921 = vector.shape_cast %mul3A_916 : vector<16xf32> to vector<1x16xf32>
        tpu.vector_store %arg11[%swap3A_917, %swap3A_918], %swap3A_921 {strides = array<i32>} : memref<80x144xf32, #tpu.memory_space<vmem>>, vector<1x16xf32>,
        %lt3A_922 = arith.constant 0 : i32
        %lt3A_923 = vector.broadcast %lt3A_922 : i32 to vector<16xi32>
        %lt3A_924 = arith.cmpi slt, %broadcast_in_dim3A_247, %lt3A_923 : vector<16xi32>
        %add3A_925 = arith.constant 16 : i32
        %add3A_926 = vector.broadcast %add3A_925 : i32 to vector<16xi32>
        %add3A_927 = arith.addi %broadcast_in_dim3A_247, %add3A_926 : vector<16xi32>
        %select_n3A_928 = arith.select %lt3A_924, %add3A_927, %broadcast_in_dim3A_247 : vector<16xi1>, vector<16xi32>
        %reshape3A_929 = vector.shape_cast %select_n3A_928 : vector<16xi32> to vector<16x1xi32>
        %gather3A_930 = vector.shape_cast %reshape3A_929 : vector<16x1xi32> to vector<16xi32>
        %gather3A_931 = tpu.dynamic_gather %get3A_837[%gather3A_930] in [0] : vector<16xf32>, vector<16xi32> -> vector<16xf32>
        %get3A_932 = arith.index_cast %rem3A_169 : i32 to index
        %get3A_933 = arith.index_cast %scan3A_832 : i32 to index
        %get3A_934 = arith.constant 64 : index
        %get3A_935 = tpu.vector_load %arg9[%get3A_932, %get3A_933, %get3A_934] {strides = array<i32>} : memref<2x80x128xf32, #tpu.memory_space<vmem>>, vector<1x1x16xf32>,
        %get3A_936 = vector.shape_cast %get3A_935 : vector<1x1x16xf32> to vector<16xf32>
        %mul3A_937 = arith.mulf %get3A_936, %gather3A_931 : vector<16xf32>
        %swap3A_938 = arith.index_cast %scan3A_832 : i32 to index
        %swap3A_939 = arith.constant 64 : index
        %swap3A_940 = tpu.vector_load %arg11[%swap3A_938, %swap3A_939] {strides = array<i32>} : memref<80x144xf32, #tpu.memory_space<vmem>>, vector<1x16xf32>,
        %swap3A_941 = vector.shape_cast %swap3A_940 : vector<1x16xf32> to vector<16xf32>
        %swap3A_942 = vector.shape_cast %mul3A_937 : vector<16xf32> to vector<1x16xf32>
        tpu.vector_store %arg11[%swap3A_938, %swap3A_939], %swap3A_942 {strides = array<i32>} : memref<80x144xf32, #tpu.memory_space<vmem>>, vector<1x16xf32>,
        %lt3A_943 = arith.constant 0 : i32
        %lt3A_944 = vector.broadcast %lt3A_943 : i32 to vector<16xi32>
        %lt3A_945 = arith.cmpi slt, %broadcast_in_dim3A_249, %lt3A_944 : vector<16xi32>
        %add3A_946 = arith.constant 16 : i32
        %add3A_947 = vector.broadcast %add3A_946 : i32 to vector<16xi32>
        %add3A_948 = arith.addi %broadcast_in_dim3A_249, %add3A_947 : vector<16xi32>
        %select_n3A_949 = arith.select %lt3A_945, %add3A_948, %broadcast_in_dim3A_249 : vector<16xi1>, vector<16xi32>
        %reshape3A_950 = vector.shape_cast %select_n3A_949 : vector<16xi32> to vector<16x1xi32>
        %gather3A_951 = vector.shape_cast %reshape3A_950 : vector<16x1xi32> to vector<16xi32>
        %gather3A_952 = tpu.dynamic_gather %get3A_837[%gather3A_951] in [0] : vector<16xf32>, vector<16xi32> -> vector<16xf32>
        %get3A_953 = arith.index_cast %rem3A_169 : i32 to index
        %get3A_954 = arith.index_cast %scan3A_832 : i32 to index
        %get3A_955 = arith.constant 80 : index
        %get3A_956 = tpu.vector_load %arg9[%get3A_953, %get3A_954, %get3A_955] {strides = array<i32>} : memref<2x80x128xf32, #tpu.memory_space<vmem>>, vector<1x1x16xf32>,
        %get3A_957 = vector.shape_cast %get3A_956 : vector<1x1x16xf32> to vector<16xf32>
        %mul3A_958 = arith.mulf %get3A_957, %gather3A_952 : vector<16xf32>
        %swap3A_959 = arith.index_cast %scan3A_832 : i32 to index
        %swap3A_960 = arith.constant 80 : index
        %swap3A_961 = tpu.vector_load %arg11[%swap3A_959, %swap3A_960] {strides = array<i32>} : memref<80x144xf32, #tpu.memory_space<vmem>>, vector<1x16xf32>,
        %swap3A_962 = vector.shape_cast %swap3A_961 : vector<1x16xf32> to vector<16xf32>
        %swap3A_963 = vector.shape_cast %mul3A_958 : vector<16xf32> to vector<1x16xf32>
        tpu.vector_store %arg11[%swap3A_959, %swap3A_960], %swap3A_963 {strides = array<i32>} : memref<80x144xf32, #tpu.memory_space<vmem>>, vector<1x16xf32>,
        %lt3A_964 = arith.constant 0 : i32
        %lt3A_965 = vector.broadcast %lt3A_964 : i32 to vector<16xi32>
        %lt3A_966 = arith.cmpi slt, %broadcast_in_dim3A_251, %lt3A_965 : vector<16xi32>
        %add3A_967 = arith.constant 16 : i32
        %add3A_968 = vector.broadcast %add3A_967 : i32 to vector<16xi32>
        %add3A_969 = arith.addi %broadcast_in_dim3A_251, %add3A_968 : vector<16xi32>
        %select_n3A_970 = arith.select %lt3A_966, %add3A_969, %broadcast_in_dim3A_251 : vector<16xi1>, vector<16xi32>
        %reshape3A_971 = vector.shape_cast %select_n3A_970 : vector<16xi32> to vector<16x1xi32>
        %gather3A_972 = vector.shape_cast %reshape3A_971 : vector<16x1xi32> to vector<16xi32>
        %gather3A_973 = tpu.dynamic_gather %get3A_837[%gather3A_972] in [0] : vector<16xf32>, vector<16xi32> -> vector<16xf32>
        %get3A_974 = arith.index_cast %rem3A_169 : i32 to index
        %get3A_975 = arith.index_cast %scan3A_832 : i32 to index
        %get3A_976 = arith.constant 96 : index
        %get3A_977 = tpu.vector_load %arg9[%get3A_974, %get3A_975, %get3A_976] {strides = array<i32>} : memref<2x80x128xf32, #tpu.memory_space<vmem>>, vector<1x1x16xf32>,
        %get3A_978 = vector.shape_cast %get3A_977 : vector<1x1x16xf32> to vector<16xf32>
        %mul3A_979 = arith.mulf %get3A_978, %gather3A_973 : vector<16xf32>
        %swap3A_980 = arith.index_cast %scan3A_832 : i32 to index
        %swap3A_981 = arith.constant 96 : index
        %swap3A_982 = tpu.vector_load %arg11[%swap3A_980, %swap3A_981] {strides = array<i32>} : memref<80x144xf32, #tpu.memory_space<vmem>>, vector<1x16xf32>,
        %swap3A_983 = vector.shape_cast %swap3A_982 : vector<1x16xf32> to vector<16xf32>
        %swap3A_984 = vector.shape_cast %mul3A_979 : vector<16xf32> to vector<1x16xf32>
        tpu.vector_store %arg11[%swap3A_980, %swap3A_981], %swap3A_984 {strides = array<i32>} : memref<80x144xf32, #tpu.memory_space<vmem>>, vector<1x16xf32>,
        %lt3A_985 = arith.constant 0 : i32
        %lt3A_986 = vector.broadcast %lt3A_985 : i32 to vector<16xi32>
        %lt3A_987 = arith.cmpi slt, %broadcast_in_dim3A_253, %lt3A_986 : vector<16xi32>
        %add3A_988 = arith.constant 16 : i32
        %add3A_989 = vector.broadcast %add3A_988 : i32 to vector<16xi32>
        %add3A_990 = arith.addi %broadcast_in_dim3A_253, %add3A_989 : vector<16xi32>
        %select_n3A_991 = arith.select %lt3A_987, %add3A_990, %broadcast_in_dim3A_253 : vector<16xi1>, vector<16xi32>
        %reshape3A_992 = vector.shape_cast %select_n3A_991 : vector<16xi32> to vector<16x1xi32>
        %gather3A_993 = vector.shape_cast %reshape3A_992 : vector<16x1xi32> to vector<16xi32>
        %gather3A_994 = tpu.dynamic_gather %get3A_837[%gather3A_993] in [0] : vector<16xf32>, vector<16xi32> -> vector<16xf32>
        %get3A_995 = arith.index_cast %rem3A_169 : i32 to index
        %get3A_996 = arith.index_cast %scan3A_832 : i32 to index
        %get3A_997 = arith.constant 112 : index
        %get3A_998 = tpu.vector_load %arg9[%get3A_995, %get3A_996, %get3A_997] {strides = array<i32>} : memref<2x80x128xf32, #tpu.memory_space<vmem>>, vector<1x1x16xf32>,
        %get3A_999 = vector.shape_cast %get3A_998 : vector<1x1x16xf32> to vector<16xf32>
        %mul3A_1000 = arith.mulf %get3A_999, %gather3A_994 : vector<16xf32>
        %swap3A_1001 = arith.index_cast %scan3A_832 : i32 to index
        %swap3A_1002 = arith.constant 112 : index
        %swap3A_1003 = tpu.vector_load %arg11[%swap3A_1001, %swap3A_1002] {strides = array<i32>} : memref<80x144xf32, #tpu.memory_space<vmem>>, vector<1x16xf32>,
        %swap3A_1004 = vector.shape_cast %swap3A_1003 : vector<1x16xf32> to vector<16xf32>
        %swap3A_1005 = vector.shape_cast %mul3A_1000 : vector<16xf32> to vector<1x16xf32>
        tpu.vector_store %arg11[%swap3A_1001, %swap3A_1002], %swap3A_1005 {strides = array<i32>} : memref<80x144xf32, #tpu.memory_space<vmem>>, vector<1x16xf32>,
        %swap3A_1006 = arith.index_cast %scan3A_832 : i32 to index
        %swap3A_1007 = arith.constant 128 : index
        %swap3A_1008 = tpu.vector_load %arg11[%swap3A_1006, %swap3A_1007] {strides = array<i32>} : memref<80x144xf32, #tpu.memory_space<vmem>>, vector<1x16xf32>,
        %swap3A_1009 = vector.shape_cast %swap3A_1008 : vector<1x16xf32> to vector<16xf32>
        %swap3A_1010 = vector.shape_cast %get3A_837 : vector<16xf32> to vector<1x16xf32>
        tpu.vector_store %arg11[%swap3A_1006, %swap3A_1007], %swap3A_1010 {strides = array<i32>} : memref<80x144xf32, #tpu.memory_space<vmem>>, vector<1x16xf32>,
      }
      %scan3A_276 = arith.constant 32 : i32
      %add3A_277 = arith.constant 2 : i32
      %add3A_278 = arith.addi %scan3A_167, %add3A_277 : i32
      %lt3A_279 = arith.constant 125 : i32
      %lt3A_280 = arith.cmpi slt, %add3A_278, %lt3A_279 : i32
      %convert_element_type3A_281 = arith.extui %lt3A_280 : i1 to i32
      %cond3A_282 = arith.constant 0 : i32
      %cond3A_283 = arith.cmpi ne, %convert_element_type3A_281, %cond3A_282 : i32
      scf.if %cond3A_283 {
        %add3A_295 = arith.constant 2 : i32
        %add3A_296 = arith.addi %scan3A_167, %add3A_295 : i32
        %rem3A_297 = arith.constant 2 : i32
        %rem3A_298 = arith.remsi %add3A_296, %rem3A_297 : i32
        %add3A_299 = arith.addi %mul3A_24, %add3A_296 : i32
        %mul3A_300 = arith.constant 256 : i32
        %mul3A_301 = arith.muli %add3A_299, %mul3A_300 : i32
        %dma_start3A_302 = arith.constant 0 : i32
        %dma_start3A_303 = tpu.memref_slice %arg6[%rem3A_298, %dma_start3A_302] : memref<2x256xi32, #tpu.memory_space<vmem>> -> memref<1x256xi32, #tpu.memory_space<vmem>>
        %dma_start3A_304 = tpu.memref_squeeze %dma_start3A_303 : memref<1x256xi32, #tpu.memory_space<vmem>> -> memref<256xi32, #tpu.memory_space<vmem>>
        %dma_start3A_305 = tpu.memref_slice %arg3[%mul3A_301] : memref<1024000xi32, #tpu.memory_space<hbm>> -> memref<256xi32, #tpu.memory_space<hbm>>
        %dma_start3A_306 = arith.constant 0 : i32
        %dma_start3A_307 = tpu.memref_slice %arg6[%rem3A_298, %dma_start3A_306] : memref<2x256xi32, #tpu.memory_space<vmem>> -> memref<1x256xi32, #tpu.memory_space<vmem>>
        %dma_start3A_308 = tpu.memref_squeeze %dma_start3A_307 : memref<1x256xi32, #tpu.memory_space<vmem>> -> memref<256xi32, #tpu.memory_space<vmem>>
        %dma_start3A_309 = tpu.memref_slice %arg3[%mul3A_301] : memref<1024000xi32, #tpu.memory_space<hbm>> -> memref<256xi32, #tpu.memory_space<hbm>>
        tpu.enqueue_dma source(%dma_start3A_309 : memref<256xi32, #tpu.memory_space<hbm>>) target(%dma_start3A_308 : memref<256xi32, #tpu.memory_space<vmem>>) target_semaphore(%arg13 : memref<!tpu.dma_semaphore, #tpu.memory_space<semaphore_mem>>)
        %mul3A_310 = arith.constant 80 : i32
        %mul3A_311 = arith.muli %add3A_296, %mul3A_310 : i32
        %add3A_312 = arith.addi %mul3A_2, %mul3A_311 : i32
        %dma_start3A_313 = arith.constant 0 : i32
        %dma_start3A_314 = arith.constant 0 : i32
        %dma_start3A_315 = tpu.memref_slice %arg10[%rem3A_298, %dma_start3A_313, %dma_start3A_314] : memref<2x80x16xf32, #tpu.memory_space<vmem>> -> memref<1x80x16xf32, #tpu.memory_space<vmem>>
        %dma_start3A_316 = tpu.memref_squeeze %dma_start3A_315 : memref<1x80x16xf32, #tpu.memory_space<vmem>> -> memref<80x16xf32, #tpu.memory_space<vmem>>
        %dma_start3A_317 = arith.constant 0 : i32
        %dma_start3A_318 = tpu.memref_slice %arg4[%add3A_312, %dma_start3A_317] : memref<320000x16xf32, #tpu.memory_space<hbm>> -> memref<80x16xf32, #tpu.memory_space<hbm>>
        %dma_start3A_319 = arith.constant 0 : i32
        %dma_start3A_320 = arith.constant 0 : i32
        %dma_start3A_321 = tpu.memref_slice %arg10[%rem3A_298, %dma_start3A_319, %dma_start3A_320] : memref<2x80x16xf32, #tpu.memory_space<vmem>> -> memref<1x80x16xf32, #tpu.memory_space<vmem>>
        %dma_start3A_322 = tpu.memref_squeeze %dma_start3A_321 : memref<1x80x16xf32, #tpu.memory_space<vmem>> -> memref<80x16xf32, #tpu.memory_space<vmem>>
        %dma_start3A_323 = arith.constant 0 : i32
        %dma_start3A_324 = tpu.memref_slice %arg4[%add3A_312, %dma_start3A_323] : memref<320000x16xf32, #tpu.memory_space<hbm>> -> memref<80x16xf32, #tpu.memory_space<hbm>>
        tpu.enqueue_dma source(%dma_start3A_324 : memref<80x16xf32, #tpu.memory_space<hbm>>) target(%dma_start3A_322 : memref<80x16xf32, #tpu.memory_space<vmem>>) target_semaphore(%arg13 : memref<!tpu.dma_semaphore, #tpu.memory_space<semaphore_mem>>)
      } else {
      }
      %rem3A_284 = arith.constant 2 : i32
      %rem3A_285 = arith.remsi %scan3A_167, %rem3A_284 : i32
      %dma_start3A_286 = arith.constant 48 : i32
      %dma_start3A_287 = arith.constant 0 : i32
      %dma_start3A_288 = tpu.memref_slice %arg11[%dma_start3A_286, %dma_start3A_287] : memref<80x144xf32, #tpu.memory_space<vmem>> -> memref<32x144xf32, #tpu.memory_space<vmem>>
      %dma_start3A_289 = arith.constant 0 : i32
      %dma_start3A_290 = tpu.memref_slice %arg8[%rem3A_285, %dma_start3A_289] : memref<2x32xi32, #tpu.memory_space<vmem>> -> memref<1x32xi32, #tpu.memory_space<vmem>>
      %dma_start3A_291 = tpu.memref_squeeze %dma_start3A_290 : memref<1x32xi32, #tpu.memory_space<vmem>> -> memref<32xi32, #tpu.memory_space<vmem>>
      %dma_start3A_292 = arith.constant 0 : i32
      %dma_start3A_293 = arith.constant 0 : i32
      %dma_start3A_294 = tpu.memref_slice %arg12[%dma_start3A_292, %dma_start3A_293] : memref<10000x144xf32, #tpu.memory_space<vmem_shared>> -> memref<10000x144xf32, #tpu.memory_space<vmem_shared>>
      tpu.enqueue_indirect_dma source(%dma_start3A_288 : memref<32x144xf32, #tpu.memory_space<vmem>>) target(%dma_start3A_294 : memref<10000x144xf32, #tpu.memory_space<vmem_shared>>) offsets(%dma_start3A_291 : memref<32xi32, #tpu.memory_space<vmem>>) semaphore(%arg15 : memref<!tpu.dma_semaphore, #tpu.memory_space<semaphore_mem>>) {add = true}
    }
    %scan3A_125 = arith.constant 125 : i32
    %rem3A_126 = arith.constant 124 : i32
    %rem3A_127 = arith.constant 2 : i32
    %rem3A_128 = arith.remsi %rem3A_126, %rem3A_127 : i32
    %dma_wait3A_129 = arith.constant 0 : i32
    %dma_wait3A_130 = arith.constant 0 : i32
    %dma_wait3A_131 = tpu.memref_slice %arg11[%dma_wait3A_129, %dma_wait3A_130] : memref<80x144xf32, #tpu.memory_space<vmem>> -> memref<48x144xf32, #tpu.memory_space<vmem>>
    %dma_wait3A_132 = arith.constant 0 : i32
    %dma_wait3A_133 = tpu.memref_slice %arg7[%rem3A_128, %dma_wait3A_132] : memref<2x48xi32, #tpu.memory_space<vmem>> -> memref<1x48xi32, #tpu.memory_space<vmem>>
    %dma_wait3A_134 = tpu.memref_squeeze %dma_wait3A_133 : memref<1x48xi32, #tpu.memory_space<vmem>> -> memref<48xi32, #tpu.memory_space<vmem>>
    %dma_wait3A_135 = arith.constant 0 : i32
    %dma_wait3A_136 = arith.constant 0 : i32
    %dma_wait3A_137 = tpu.memref_slice %arg12[%dma_wait3A_135, %dma_wait3A_136] : memref<10000x144xf32, #tpu.memory_space<vmem_shared>> -> memref<10000x144xf32, #tpu.memory_space<vmem_shared>>
    tpu.wait_indirect_dma semaphore(%arg15 : memref<!tpu.dma_semaphore, #tpu.memory_space<semaphore_mem>>) src(%dma_wait3A_131 : memref<48x144xf32, #tpu.memory_space<vmem>>) dst(%dma_wait3A_137 : memref<10000x144xf32, #tpu.memory_space<vmem_shared>>)
    %rem3A_138 = arith.constant 124 : i32
    %rem3A_139 = arith.constant 2 : i32
    %rem3A_140 = arith.remsi %rem3A_138, %rem3A_139 : i32
    %dma_wait3A_141 = arith.constant 48 : i32
    %dma_wait3A_142 = arith.constant 0 : i32
    %dma_wait3A_143 = tpu.memref_slice %arg11[%dma_wait3A_141, %dma_wait3A_142] : memref<80x144xf32, #tpu.memory_space<vmem>> -> memref<32x144xf32, #tpu.memory_space<vmem>>
    %dma_wait3A_144 = arith.constant 0 : i32
    %dma_wait3A_145 = tpu.memref_slice %arg8[%rem3A_140, %dma_wait3A_144] : memref<2x32xi32, #tpu.memory_space<vmem>> -> memref<1x32xi32, #tpu.memory_space<vmem>>
    %dma_wait3A_146 = tpu.memref_squeeze %dma_wait3A_145 : memref<1x32xi32, #tpu.memory_space<vmem>> -> memref<32xi32, #tpu.memory_space<vmem>>
    %dma_wait3A_147 = arith.constant 0 : i32
    %dma_wait3A_148 = arith.constant 0 : i32
    %dma_wait3A_149 = tpu.memref_slice %arg12[%dma_wait3A_147, %dma_wait3A_148] : memref<10000x144xf32, #tpu.memory_space<vmem_shared>> -> memref<10000x144xf32, #tpu.memory_space<vmem_shared>>
    tpu.wait_indirect_dma semaphore(%arg15 : memref<!tpu.dma_semaphore, #tpu.memory_space<semaphore_mem>>) src(%dma_wait3A_143 : memref<32x144xf32, #tpu.memory_space<vmem>>) dst(%dma_wait3A_149 : memref<10000x144xf32, #tpu.memory_space<vmem_shared>>)
    %barrier3A_150 = arith.constant 0 : index
    tpu.barrier barrier_id(%barrier3A_150)
    %scan3A_151 = arith.constant 0 : i32
    %scan3A_152 = arith.constant 0 : i32
    %scan3A_153 = arith.constant 7 : i32
    %scan3A_154 = arith.addi %scan3A_152, %scan3A_153 : i32
    %scan3A_155 = arith.constant 1 : i32
    scf.for %scan3A_167 = %scan3A_152 to %scan3A_154 step %scan3A_155  : i32 {
      %mul3A_168 = arith.constant 80 : i32
      %mul3A_169 = arith.muli %scan3A_167, %mul3A_168 : i32
      %add3A_170 = arith.addi %mul3A_4, %mul3A_169 : i32
      "tpu.region"() ({
        %run_scoped3A = tpu.sem_alloc : memref<!tpu.dma_semaphore, #tpu.memory_space<semaphore_mem>>
        %dma_start3A_174 = arith.constant 0 : i32
        %dma_start3A_175 = tpu.memref_slice %arg12[%add3A_170, %dma_start3A_174] : memref<10000x144xf32, #tpu.memory_space<vmem_shared>> -> memref<80x144xf32, #tpu.memory_space<vmem_shared>>
        %dma_start3A_176 = arith.constant 0 : i32
        %dma_start3A_177 = tpu.memref_slice %arg12[%add3A_170, %dma_start3A_176] : memref<10000x144xf32, #tpu.memory_space<vmem_shared>> -> memref<80x144xf32, #tpu.memory_space<vmem_shared>>
        tpu.enqueue_dma source(%dma_start3A_177 : memref<80x144xf32, #tpu.memory_space<vmem_shared>>) target(%arg11 : memref<80x144xf32, #tpu.memory_space<vmem>>) target_semaphore(%run_scoped3A : memref<!tpu.dma_semaphore, #tpu.memory_space<semaphore_mem>>)
        %dma_wait3A_178 = arith.constant 0 : i32
        %dma_wait3A_179 = tpu.memref_slice %arg12[%add3A_170, %dma_wait3A_178] : memref<10000x144xf32, #tpu.memory_space<vmem_shared>> -> memref<80x144xf32, #tpu.memory_space<vmem_shared>>
        %dma_wait3A_180 = arith.constant 0 : i32
        %dma_wait3A_181 = tpu.memref_slice %arg12[%add3A_170, %dma_wait3A_180] : memref<10000x144xf32, #tpu.memory_space<vmem_shared>> -> memref<80x144xf32, #tpu.memory_space<vmem_shared>>
        tpu.wait_dma2 semaphore(%run_scoped3A : memref<!tpu.dma_semaphore, #tpu.memory_space<semaphore_mem>>) src(%dma_wait3A_181 : memref<80x144xf32, #tpu.memory_space<vmem_shared>>) dst(%arg11 : memref<80x144xf32, #tpu.memory_space<vmem>>)
        tpu.yield
      }) : () -> ()
      %mul3A_171 = arith.constant 80 : i32
      %mul3A_172 = arith.muli %scan3A_167, %mul3A_171 : i32
      %add3A_173 = arith.addi %mul3A_4, %mul3A_172 : i32
      "tpu.region"() ({
        %run_scoped3A = tpu.sem_alloc : memref<!tpu.dma_semaphore, #tpu.memory_space<semaphore_mem>>
        %dma_start3A_174 = arith.constant 0 : i32
        %dma_start3A_175 = tpu.memref_slice %arg5[%arg0, %add3A_173, %dma_start3A_174] : memref<2x10000x144xf32, #tpu.memory_space<hbm>> -> memref<1x80x144xf32, #tpu.memory_space<hbm>>
        %dma_start3A_176 = tpu.memref_squeeze %dma_start3A_175 : memref<1x80x144xf32, #tpu.memory_space<hbm>> -> memref<80x144xf32, #tpu.memory_space<hbm>>
        %dma_start3A_177 = arith.constant 0 : i32
        %dma_start3A_178 = tpu.memref_slice %arg5[%arg0, %add3A_173, %dma_start3A_177] : memref<2x10000x144xf32, #tpu.memory_space<hbm>> -> memref<1x80x144xf32, #tpu.memory_space<hbm>>
        %dma_start3A_179 = tpu.memref_squeeze %dma_start3A_178 : memref<1x80x144xf32, #tpu.memory_space<hbm>> -> memref<80x144xf32, #tpu.memory_space<hbm>>
        tpu.enqueue_dma source(%arg11 : memref<80x144xf32, #tpu.memory_space<vmem>>) target(%dma_start3A_179 : memref<80x144xf32, #tpu.memory_space<hbm>>) target_semaphore(%run_scoped3A : memref<!tpu.dma_semaphore, #tpu.memory_space<semaphore_mem>>)
        %dma_wait3A_180 = arith.constant 0 : i32
        %dma_wait3A_181 = tpu.memref_slice %arg5[%arg0, %add3A_173, %dma_wait3A_180] : memref<2x10000x144xf32, #tpu.memory_space<hbm>> -> memref<1x80x144xf32, #tpu.memory_space<hbm>>
        %dma_wait3A_182 = tpu.memref_squeeze %dma_wait3A_181 : memref<1x80x144xf32, #tpu.memory_space<hbm>> -> memref<80x144xf32, #tpu.memory_space<hbm>>
        %dma_wait3A_183 = arith.constant 0 : i32
        %dma_wait3A_184 = tpu.memref_slice %arg5[%arg0, %add3A_173, %dma_wait3A_183] : memref<2x10000x144xf32, #tpu.memory_space<hbm>> -> memref<1x80x144xf32, #tpu.memory_space<hbm>>
        %dma_wait3A_185 = tpu.memref_squeeze %dma_wait3A_184 : memref<1x80x144xf32, #tpu.memory_space<hbm>> -> memref<80x144xf32, #tpu.memory_space<hbm>>
        tpu.wait_dma2 semaphore(%run_scoped3A : memref<!tpu.dma_semaphore, #tpu.memory_space<semaphore_mem>>) src(%arg11 : memref<80x144xf32, #tpu.memory_space<vmem>>) dst(%dma_wait3A_185 : memref<80x144xf32, #tpu.memory_space<hbm>>)
        tpu.yield
      }) : () -> ()
    }
    %scan3A_156 = arith.constant 7 : i32
    %lt3A_157 = arith.constant 15 : i32
    %lt3A_158 = arith.cmpi slt, %arg1, %lt3A_157 : i32
    %convert_element_type3A_159 = arith.extui %lt3A_158 : i1 to i32
    %cond3A_160 = arith.constant 0 : i32
    %cond3A_161 = arith.cmpi ne, %convert_element_type3A_159, %cond3A_160 : i32
    scf.if %cond3A_161 {
      %add3A_167 = arith.constant 560 : i32
      %add3A_168 = arith.addi %mul3A_4, %add3A_167 : i32
      "tpu.region"() ({
        %run_scoped3A = tpu.sem_alloc : memref<!tpu.dma_semaphore, #tpu.memory_space<semaphore_mem>>
        %dma_start3A_171 = arith.constant 0 : i32
        %dma_start3A_172 = arith.constant 0 : i32
        %dma_start3A_173 = tpu.memref_slice %arg11[%dma_start3A_171, %dma_start3A_172] : memref<80x144xf32, #tpu.memory_space<vmem>> -> memref<64x144xf32, #tpu.memory_space<vmem>>
        %dma_start3A_174 = arith.constant 0 : i32
        %dma_start3A_175 = tpu.memref_slice %arg12[%add3A_168, %dma_start3A_174] : memref<10000x144xf32, #tpu.memory_space<vmem_shared>> -> memref<64x144xf32, #tpu.memory_space<vmem_shared>>
        %dma_start3A_176 = arith.constant 0 : i32
        %dma_start3A_177 = arith.constant 0 : i32
        %dma_start3A_178 = tpu.memref_slice %arg11[%dma_start3A_176, %dma_start3A_177] : memref<80x144xf32, #tpu.memory_space<vmem>> -> memref<64x144xf32, #tpu.memory_space<vmem>>
        %dma_start3A_179 = arith.constant 0 : i32
        %dma_start3A_180 = tpu.memref_slice %arg12[%add3A_168, %dma_start3A_179] : memref<10000x144xf32, #tpu.memory_space<vmem_shared>> -> memref<64x144xf32, #tpu.memory_space<vmem_shared>>
        tpu.enqueue_dma source(%dma_start3A_180 : memref<64x144xf32, #tpu.memory_space<vmem_shared>>) target(%dma_start3A_178 : memref<64x144xf32, #tpu.memory_space<vmem>>) target_semaphore(%run_scoped3A : memref<!tpu.dma_semaphore, #tpu.memory_space<semaphore_mem>>)
        %dma_wait3A_181 = arith.constant 0 : i32
        %dma_wait3A_182 = arith.constant 0 : i32
        %dma_wait3A_183 = tpu.memref_slice %arg11[%dma_wait3A_181, %dma_wait3A_182] : memref<80x144xf32, #tpu.memory_space<vmem>> -> memref<64x144xf32, #tpu.memory_space<vmem>>
        %dma_wait3A_184 = arith.constant 0 : i32
        %dma_wait3A_185 = tpu.memref_slice %arg12[%add3A_168, %dma_wait3A_184] : memref<10000x144xf32, #tpu.memory_space<vmem_shared>> -> memref<64x144xf32, #tpu.memory_space<vmem_shared>>
        %dma_wait3A_186 = arith.constant 0 : i32
        %dma_wait3A_187 = arith.constant 0 : i32
        %dma_wait3A_188 = tpu.memref_slice %arg11[%dma_wait3A_186, %dma_wait3A_187] : memref<80x144xf32, #tpu.memory_space<vmem>> -> memref<64x144xf32, #tpu.memory_space<vmem>>
        %dma_wait3A_189 = arith.constant 0 : i32
        %dma_wait3A_190 = tpu.memref_slice %arg12[%add3A_168, %dma_wait3A_189] : memref<10000x144xf32, #tpu.memory_space<vmem_shared>> -> memref<64x144xf32, #tpu.memory_space<vmem_shared>>
        tpu.wait_dma2 semaphore(%run_scoped3A : memref<!tpu.dma_semaphore, #tpu.memory_space<semaphore_mem>>) src(%dma_wait3A_190 : memref<64x144xf32, #tpu.memory_space<vmem_shared>>) dst(%dma_wait3A_188 : memref<64x144xf32, #tpu.memory_space<vmem>>)
        tpu.yield
      }) : () -> ()
      %add3A_169 = arith.constant 560 : i32
      %add3A_170 = arith.addi %mul3A_4, %add3A_169 : i32
      "tpu.region"() ({
        %run_scoped3A = tpu.sem_alloc : memref<!tpu.dma_semaphore, #tpu.memory_space<semaphore_mem>>
        %dma_start3A_171 = arith.constant 0 : i32
        %dma_start3A_172 = arith.constant 0 : i32
        %dma_start3A_173 = tpu.memref_slice %arg11[%dma_start3A_171, %dma_start3A_172] : memref<80x144xf32, #tpu.memory_space<vmem>> -> memref<64x144xf32, #tpu.memory_space<vmem>>
        %dma_start3A_174 = arith.constant 0 : i32
        %dma_start3A_175 = tpu.memref_slice %arg5[%arg0, %add3A_170, %dma_start3A_174] : memref<2x10000x144xf32, #tpu.memory_space<hbm>> -> memref<1x64x144xf32, #tpu.memory_space<hbm>>
        %dma_start3A_176 = tpu.memref_squeeze %dma_start3A_175 : memref<1x64x144xf32, #tpu.memory_space<hbm>> -> memref<64x144xf32, #tpu.memory_space<hbm>>
        %dma_start3A_177 = arith.constant 0 : i32
        %dma_start3A_178 = tpu.memref_slice %arg5[%arg0, %add3A_170, %dma_start3A_177] : memref<2x10000x144xf32, #tpu.memory_space<hbm>> -> memref<1x64x144xf32, #tpu.memory_space<hbm>>
        %dma_start3A_179 = tpu.memref_squeeze %dma_start3A_178 : memref<1x64x144xf32, #tpu.memory_space<hbm>> -> memref<64x144xf32, #tpu.memory_space<hbm>>
        %dma_start3A_180 = arith.constant 0 : i32
        %dma_start3A_181 = arith.constant 0 : i32
        %dma_start3A_182 = tpu.memref_slice %arg11[%dma_start3A_180, %dma_start3A_181] : memref<80x144xf32, #tpu.memory_space<vmem>> -> memref<64x144xf32, #tpu.memory_space<vmem>>
        tpu.enqueue_dma source(%dma_start3A_182 : memref<64x144xf32, #tpu.memory_space<vmem>>) target(%dma_start3A_179 : memref<64x144xf32, #tpu.memory_space<hbm>>) target_semaphore(%run_scoped3A : memref<!tpu.dma_semaphore, #tpu.memory_space<semaphore_mem>>)
        %dma_wait3A_183 = arith.constant 0 : i32
        %dma_wait3A_184 = arith.constant 0 : i32
        %dma_wait3A_185 = tpu.memref_slice %arg11[%dma_wait3A_183, %dma_wait3A_184] : memref<80x144xf32, #tpu.memory_space<vmem>> -> memref<64x144xf32, #tpu.memory_space<vmem>>
        %dma_wait3A_186 = arith.constant 0 : i32
        %dma_wait3A_187 = tpu.memref_slice %arg5[%arg0, %add3A_170, %dma_wait3A_186] : memref<2x10000x144xf32, #tpu.memory_space<hbm>> -> memref<1x64x144xf32, #tpu.memory_space<hbm>>
        %dma_wait3A_188 = tpu.memref_squeeze %dma_wait3A_187 : memref<1x64x144xf32, #tpu.memory_space<hbm>> -> memref<64x144xf32, #tpu.memory_space<hbm>>
        %dma_wait3A_189 = arith.constant 0 : i32
        %dma_wait3A_190 = tpu.memref_slice %arg5[%arg0, %add3A_170, %dma_wait3A_189] : memref<2x10000x144xf32, #tpu.memory_space<hbm>> -> memref<1x64x144xf32, #tpu.memory_space<hbm>>
        %dma_wait3A_191 = tpu.memref_squeeze %dma_wait3A_190 : memref<1x64x144xf32, #tpu.memory_space<hbm>> -> memref<64x144xf32, #tpu.memory_space<hbm>>
        %dma_wait3A_192 = arith.constant 0 : i32
        %dma_wait3A_193 = arith.constant 0 : i32
        %dma_wait3A_194 = tpu.memref_slice %arg11[%dma_wait3A_192, %dma_wait3A_193] : memref<80x144xf32, #tpu.memory_space<vmem>> -> memref<64x144xf32, #tpu.memory_space<vmem>>
        tpu.wait_dma2 semaphore(%run_scoped3A : memref<!tpu.dma_semaphore, #tpu.memory_space<semaphore_mem>>) src(%dma_wait3A_194 : memref<64x144xf32, #tpu.memory_space<vmem>>) dst(%dma_wait3A_191 : memref<64x144xf32, #tpu.memory_space<hbm>>)
        tpu.yield
      }) : () -> ()
    } else {
    }
    %eq3A_162 = arith.constant 15 : i32
    %eq3A_163 = arith.cmpi eq, %arg1, %eq3A_162 : i32
    %convert_element_type3A_164 = arith.extui %eq3A_163 : i1 to i32
    %cond3A_165 = arith.constant 0 : i32
    %cond3A_166 = arith.cmpi ne, %convert_element_type3A_164, %cond3A_165 : i32
    scf.if %cond3A_166 {
      %add3A_167 = arith.constant 560 : i32
      %add3A_168 = arith.addi %mul3A_4, %add3A_167 : i32
      "tpu.region"() ({
        %run_scoped3A = tpu.sem_alloc : memref<!tpu.dma_semaphore, #tpu.memory_space<semaphore_mem>>
        %dma_start3A_171 = arith.constant 0 : i32
        %dma_start3A_172 = tpu.memref_slice %arg12[%add3A_168, %dma_start3A_171] : memref<10000x144xf32, #tpu.memory_space<vmem_shared>> -> memref<80x144xf32, #tpu.memory_space<vmem_shared>>
        %dma_start3A_173 = arith.constant 0 : i32
        %dma_start3A_174 = tpu.memref_slice %arg12[%add3A_168, %dma_start3A_173] : memref<10000x144xf32, #tpu.memory_space<vmem_shared>> -> memref<80x144xf32, #tpu.memory_space<vmem_shared>>
        tpu.enqueue_dma source(%dma_start3A_174 : memref<80x144xf32, #tpu.memory_space<vmem_shared>>) target(%arg11 : memref<80x144xf32, #tpu.memory_space<vmem>>) target_semaphore(%run_scoped3A : memref<!tpu.dma_semaphore, #tpu.memory_space<semaphore_mem>>)
        %dma_wait3A_175 = arith.constant 0 : i32
        %dma_wait3A_176 = tpu.memref_slice %arg12[%add3A_168, %dma_wait3A_175] : memref<10000x144xf32, #tpu.memory_space<vmem_shared>> -> memref<80x144xf32, #tpu.memory_space<vmem_shared>>
        %dma_wait3A_177 = arith.constant 0 : i32
        %dma_wait3A_178 = tpu.memref_slice %arg12[%add3A_168, %dma_wait3A_177] : memref<10000x144xf32, #tpu.memory_space<vmem_shared>> -> memref<80x144xf32, #tpu.memory_space<vmem_shared>>
        tpu.wait_dma2 semaphore(%run_scoped3A : memref<!tpu.dma_semaphore, #tpu.memory_space<semaphore_mem>>) src(%dma_wait3A_178 : memref<80x144xf32, #tpu.memory_space<vmem_shared>>) dst(%arg11 : memref<80x144xf32, #tpu.memory_space<vmem>>)
        tpu.yield
      }) : () -> ()
      %add3A_169 = arith.constant 560 : i32
      %add3A_170 = arith.addi %mul3A_4, %add3A_169 : i32
      "tpu.region"() ({
        %run_scoped3A = tpu.sem_alloc : memref<!tpu.dma_semaphore, #tpu.memory_space<semaphore_mem>>
        %dma_start3A_171 = arith.constant 0 : i32
        %dma_start3A_172 = tpu.memref_slice %arg5[%arg0, %add3A_170, %dma_start3A_171] : memref<2x10000x144xf32, #tpu.memory_space<hbm>> -> memref<1x80x144xf32, #tpu.memory_space<hbm>>
        %dma_start3A_173 = tpu.memref_squeeze %dma_start3A_172 : memref<1x80x144xf32, #tpu.memory_space<hbm>> -> memref<80x144xf32, #tpu.memory_space<hbm>>
        %dma_start3A_174 = arith.constant 0 : i32
        %dma_start3A_175 = tpu.memref_slice %arg5[%arg0, %add3A_170, %dma_start3A_174] : memref<2x10000x144xf32, #tpu.memory_space<hbm>> -> memref<1x80x144xf32, #tpu.memory_space<hbm>>
        %dma_start3A_176 = tpu.memref_squeeze %dma_start3A_175 : memref<1x80x144xf32, #tpu.memory_space<hbm>> -> memref<80x144xf32, #tpu.memory_space<hbm>>
        tpu.enqueue_dma source(%arg11 : memref<80x144xf32, #tpu.memory_space<vmem>>) target(%dma_start3A_176 : memref<80x144xf32, #tpu.memory_space<hbm>>) target_semaphore(%run_scoped3A : memref<!tpu.dma_semaphore, #tpu.memory_space<semaphore_mem>>)
        %dma_wait3A_177 = arith.constant 0 : i32
        %dma_wait3A_178 = tpu.memref_slice %arg5[%arg0, %add3A_170, %dma_wait3A_177] : memref<2x10000x144xf32, #tpu.memory_space<hbm>> -> memref<1x80x144xf32, #tpu.memory_space<hbm>>
        %dma_wait3A_179 = tpu.memref_squeeze %dma_wait3A_178 : memref<1x80x144xf32, #tpu.memory_space<hbm>> -> memref<80x144xf32, #tpu.memory_space<hbm>>
        %dma_wait3A_180 = arith.constant 0 : i32
        %dma_wait3A_181 = tpu.memref_slice %arg5[%arg0, %add3A_170, %dma_wait3A_180] : memref<2x10000x144xf32, #tpu.memory_space<hbm>> -> memref<1x80x144xf32, #tpu.memory_space<hbm>>
        %dma_wait3A_182 = tpu.memref_squeeze %dma_wait3A_181 : memref<1x80x144xf32, #tpu.memory_space<hbm>> -> memref<80x144xf32, #tpu.memory_space<hbm>>
        tpu.wait_dma2 semaphore(%run_scoped3A : memref<!tpu.dma_semaphore, #tpu.memory_space<semaphore_mem>>) src(%arg11 : memref<80x144xf32, #tpu.memory_space<vmem>>) dst(%dma_wait3A_182 : memref<80x144xf32, #tpu.memory_space<hbm>>)
        tpu.yield
      }) : () -> ()
    } else {
    }
    return
  }
}

#map = affine_map<(d0, d1) -> (0, 0)>
#map1 = affine_map<(d0, d1) -> (0)>
#map2 = affine_map<(d0, d1) -> (0, 0, 0)>
module attributes {stable_mosaic.version = 14 : i64} {
  func.func @_gather_kq(%arg0: i32, %arg1: i32, %arg2: memref<10000x128xf32, #tpu.memory_space<hbm>>, %arg3: memref<10000x128xf32, #tpu.memory_space<hbm>>, %arg4: memref<1024000xi32, #tpu.memory_space<hbm>>, %arg5: memref<2x320000x128xf32, #tpu.memory_space<hbm>>, %arg6: memref<2x256xi32, #tpu.memory_space<vmem>>, %arg7: memref<2x80x128xf32, #tpu.memory_space<vmem>>, %arg8: memref<80x128xf32, #tpu.memory_space<vmem>>, %arg9: memref<10000x128xf32, #tpu.memory_space<vmem_shared>>, %arg10: memref<!tpu.dma_semaphore, #tpu.memory_space<semaphore_mem>>, %arg11: memref<!tpu.dma_semaphore, #tpu.memory_space<semaphore_mem>>, %arg12: memref<!tpu.dma_semaphore, #tpu.memory_space<semaphore_mem>>) attributes {dimension_semantics = [#tpu.dimension_semantics<core_parallel>, #tpu.dimension_semantics<subcore_parallel>], iteration_bounds = array<i64: 2, 16>, scalar_prefetch = 0 : i64, scratch_operands = 7 : i64, tpu.core_type = #tpu.core_type<sc_vector_subcore>, window_params = [{transform_indices = #map}, {transform_indices = #map}, {transform_indices = #map1}, {transform_indices = #map2}]} {
    %mul3A = arith.constant 2 : i32
    %mul3A_0 = arith.muli %arg1, %mul3A : i32
    %add3A = arith.addi %mul3A_0, %arg0 : i32
    %mul3A_1 = arith.constant 10000 : i32
    %mul3A_2 = arith.muli %add3A, %mul3A_1 : i32
    %mul3A_3 = arith.constant 125 : i32
    %mul3A_4 = arith.muli %add3A, %mul3A_3 : i32
    %mul3A_5 = arith.constant 624 : i32
    %mul3A_6 = arith.muli %arg1, %mul3A_5 : i32
    %scan3A = arith.constant 0 : i32
    %scan3A_7 = arith.constant 0 : i32
    %scan3A_8 = arith.constant 7 : i32
    %scan3A_9 = arith.addi %scan3A_7, %scan3A_8 : i32
    %scan3A_10 = arith.constant 1 : i32
    scf.for %scan3A_259 = %scan3A_7 to %scan3A_9 step %scan3A_10  : i32 {
      %mul3A_260 = arith.constant 80 : i32
      %mul3A_261 = arith.muli %scan3A_259, %mul3A_260 : i32
      %add3A_262 = arith.addi %mul3A_6, %mul3A_261 : i32
      "tpu.region"() ({
        %run_scoped3A = tpu.sem_alloc : memref<!tpu.dma_semaphore, #tpu.memory_space<semaphore_mem>>
        %dma_start3A_266 = arith.constant 0 : i32
        %dma_start3A_267 = tpu.memref_slice %arg2[%add3A_262, %dma_start3A_266] : memref<10000x128xf32, #tpu.memory_space<hbm>> -> memref<80x128xf32, #tpu.memory_space<hbm>>
        %dma_start3A_268 = arith.constant 0 : i32
        %dma_start3A_269 = tpu.memref_slice %arg2[%add3A_262, %dma_start3A_268] : memref<10000x128xf32, #tpu.memory_space<hbm>> -> memref<80x128xf32, #tpu.memory_space<hbm>>
        tpu.enqueue_dma source(%dma_start3A_269 : memref<80x128xf32, #tpu.memory_space<hbm>>) target(%arg8 : memref<80x128xf32, #tpu.memory_space<vmem>>) target_semaphore(%run_scoped3A : memref<!tpu.dma_semaphore, #tpu.memory_space<semaphore_mem>>)
        %dma_wait3A_270 = arith.constant 0 : i32
        %dma_wait3A_271 = tpu.memref_slice %arg2[%add3A_262, %dma_wait3A_270] : memref<10000x128xf32, #tpu.memory_space<hbm>> -> memref<80x128xf32, #tpu.memory_space<hbm>>
        %dma_wait3A_272 = arith.constant 0 : i32
        %dma_wait3A_273 = tpu.memref_slice %arg2[%add3A_262, %dma_wait3A_272] : memref<10000x128xf32, #tpu.memory_space<hbm>> -> memref<80x128xf32, #tpu.memory_space<hbm>>
        tpu.wait_dma2 semaphore(%run_scoped3A : memref<!tpu.dma_semaphore, #tpu.memory_space<semaphore_mem>>) src(%dma_wait3A_273 : memref<80x128xf32, #tpu.memory_space<hbm>>) dst(%arg8 : memref<80x128xf32, #tpu.memory_space<vmem>>)
        tpu.yield
      }) : () -> ()
      %mul3A_263 = arith.constant 80 : i32
      %mul3A_264 = arith.muli %scan3A_259, %mul3A_263 : i32
      %add3A_265 = arith.addi %mul3A_6, %mul3A_264 : i32
      "tpu.region"() ({
        %run_scoped3A = tpu.sem_alloc : memref<!tpu.dma_semaphore, #tpu.memory_space<semaphore_mem>>
        %dma_start3A_266 = arith.constant 0 : i32
        %dma_start3A_267 = tpu.memref_slice %arg9[%add3A_265, %dma_start3A_266] : memref<10000x128xf32, #tpu.memory_space<vmem_shared>> -> memref<80x128xf32, #tpu.memory_space<vmem_shared>>
        %dma_start3A_268 = arith.constant 0 : i32
        %dma_start3A_269 = tpu.memref_slice %arg9[%add3A_265, %dma_start3A_268] : memref<10000x128xf32, #tpu.memory_space<vmem_shared>> -> memref<80x128xf32, #tpu.memory_space<vmem_shared>>
        tpu.enqueue_dma source(%arg8 : memref<80x128xf32, #tpu.memory_space<vmem>>) target(%dma_start3A_269 : memref<80x128xf32, #tpu.memory_space<vmem_shared>>) target_semaphore(%run_scoped3A : memref<!tpu.dma_semaphore, #tpu.memory_space<semaphore_mem>>)
        %dma_wait3A_270 = arith.constant 0 : i32
        %dma_wait3A_271 = tpu.memref_slice %arg9[%add3A_265, %dma_wait3A_270] : memref<10000x128xf32, #tpu.memory_space<vmem_shared>> -> memref<80x128xf32, #tpu.memory_space<vmem_shared>>
        %dma_wait3A_272 = arith.constant 0 : i32
        %dma_wait3A_273 = tpu.memref_slice %arg9[%add3A_265, %dma_wait3A_272] : memref<10000x128xf32, #tpu.memory_space<vmem_shared>> -> memref<80x128xf32, #tpu.memory_space<vmem_shared>>
        tpu.wait_dma2 semaphore(%run_scoped3A : memref<!tpu.dma_semaphore, #tpu.memory_space<semaphore_mem>>) src(%arg8 : memref<80x128xf32, #tpu.memory_space<vmem>>) dst(%dma_wait3A_273 : memref<80x128xf32, #tpu.memory_space<vmem_shared>>)
        tpu.yield
      }) : () -> ()
    }
    %scan3A_11 = arith.constant 7 : i32
    %lt3A = arith.constant 15 : i32
    %lt3A_12 = arith.cmpi slt, %arg1, %lt3A : i32
    %convert_element_type3A = arith.extui %lt3A_12 : i1 to i32
    %cond3A = arith.constant 0 : i32
    %cond3A_13 = arith.cmpi ne, %convert_element_type3A, %cond3A : i32
    scf.if %cond3A_13 {
      %add3A_259 = arith.constant 560 : i32
      %add3A_260 = arith.addi %mul3A_6, %add3A_259 : i32
      "tpu.region"() ({
        %run_scoped3A = tpu.sem_alloc : memref<!tpu.dma_semaphore, #tpu.memory_space<semaphore_mem>>
        %dma_start3A_263 = arith.constant 0 : i32
        %dma_start3A_264 = arith.constant 0 : i32
        %dma_start3A_265 = tpu.memref_slice %arg8[%dma_start3A_263, %dma_start3A_264] : memref<80x128xf32, #tpu.memory_space<vmem>> -> memref<64x128xf32, #tpu.memory_space<vmem>>
        %dma_start3A_266 = arith.constant 0 : i32
        %dma_start3A_267 = tpu.memref_slice %arg2[%add3A_260, %dma_start3A_266] : memref<10000x128xf32, #tpu.memory_space<hbm>> -> memref<64x128xf32, #tpu.memory_space<hbm>>
        %dma_start3A_268 = arith.constant 0 : i32
        %dma_start3A_269 = arith.constant 0 : i32
        %dma_start3A_270 = tpu.memref_slice %arg8[%dma_start3A_268, %dma_start3A_269] : memref<80x128xf32, #tpu.memory_space<vmem>> -> memref<64x128xf32, #tpu.memory_space<vmem>>
        %dma_start3A_271 = arith.constant 0 : i32
        %dma_start3A_272 = tpu.memref_slice %arg2[%add3A_260, %dma_start3A_271] : memref<10000x128xf32, #tpu.memory_space<hbm>> -> memref<64x128xf32, #tpu.memory_space<hbm>>
        tpu.enqueue_dma source(%dma_start3A_272 : memref<64x128xf32, #tpu.memory_space<hbm>>) target(%dma_start3A_270 : memref<64x128xf32, #tpu.memory_space<vmem>>) target_semaphore(%run_scoped3A : memref<!tpu.dma_semaphore, #tpu.memory_space<semaphore_mem>>)
        %dma_wait3A_273 = arith.constant 0 : i32
        %dma_wait3A_274 = arith.constant 0 : i32
        %dma_wait3A_275 = tpu.memref_slice %arg8[%dma_wait3A_273, %dma_wait3A_274] : memref<80x128xf32, #tpu.memory_space<vmem>> -> memref<64x128xf32, #tpu.memory_space<vmem>>
        %dma_wait3A_276 = arith.constant 0 : i32
        %dma_wait3A_277 = tpu.memref_slice %arg2[%add3A_260, %dma_wait3A_276] : memref<10000x128xf32, #tpu.memory_space<hbm>> -> memref<64x128xf32, #tpu.memory_space<hbm>>
        %dma_wait3A_278 = arith.constant 0 : i32
        %dma_wait3A_279 = arith.constant 0 : i32
        %dma_wait3A_280 = tpu.memref_slice %arg8[%dma_wait3A_278, %dma_wait3A_279] : memref<80x128xf32, #tpu.memory_space<vmem>> -> memref<64x128xf32, #tpu.memory_space<vmem>>
        %dma_wait3A_281 = arith.constant 0 : i32
        %dma_wait3A_282 = tpu.memref_slice %arg2[%add3A_260, %dma_wait3A_281] : memref<10000x128xf32, #tpu.memory_space<hbm>> -> memref<64x128xf32, #tpu.memory_space<hbm>>
        tpu.wait_dma2 semaphore(%run_scoped3A : memref<!tpu.dma_semaphore, #tpu.memory_space<semaphore_mem>>) src(%dma_wait3A_282 : memref<64x128xf32, #tpu.memory_space<hbm>>) dst(%dma_wait3A_280 : memref<64x128xf32, #tpu.memory_space<vmem>>)
        tpu.yield
      }) : () -> ()
      %add3A_261 = arith.constant 560 : i32
      %add3A_262 = arith.addi %mul3A_6, %add3A_261 : i32
      "tpu.region"() ({
        %run_scoped3A = tpu.sem_alloc : memref<!tpu.dma_semaphore, #tpu.memory_space<semaphore_mem>>
        %dma_start3A_263 = arith.constant 0 : i32
        %dma_start3A_264 = arith.constant 0 : i32
        %dma_start3A_265 = tpu.memref_slice %arg8[%dma_start3A_263, %dma_start3A_264] : memref<80x128xf32, #tpu.memory_space<vmem>> -> memref<64x128xf32, #tpu.memory_space<vmem>>
        %dma_start3A_266 = arith.constant 0 : i32
        %dma_start3A_267 = tpu.memref_slice %arg9[%add3A_262, %dma_start3A_266] : memref<10000x128xf32, #tpu.memory_space<vmem_shared>> -> memref<64x128xf32, #tpu.memory_space<vmem_shared>>
        %dma_start3A_268 = arith.constant 0 : i32
        %dma_start3A_269 = tpu.memref_slice %arg9[%add3A_262, %dma_start3A_268] : memref<10000x128xf32, #tpu.memory_space<vmem_shared>> -> memref<64x128xf32, #tpu.memory_space<vmem_shared>>
        %dma_start3A_270 = arith.constant 0 : i32
        %dma_start3A_271 = arith.constant 0 : i32
        %dma_start3A_272 = tpu.memref_slice %arg8[%dma_start3A_270, %dma_start3A_271] : memref<80x128xf32, #tpu.memory_space<vmem>> -> memref<64x128xf32, #tpu.memory_space<vmem>>
        tpu.enqueue_dma source(%dma_start3A_272 : memref<64x128xf32, #tpu.memory_space<vmem>>) target(%dma_start3A_269 : memref<64x128xf32, #tpu.memory_space<vmem_shared>>) target_semaphore(%run_scoped3A : memref<!tpu.dma_semaphore, #tpu.memory_space<semaphore_mem>>)
        %dma_wait3A_273 = arith.constant 0 : i32
        %dma_wait3A_274 = arith.constant 0 : i32
        %dma_wait3A_275 = tpu.memref_slice %arg8[%dma_wait3A_273, %dma_wait3A_274] : memref<80x128xf32, #tpu.memory_space<vmem>> -> memref<64x128xf32, #tpu.memory_space<vmem>>
        %dma_wait3A_276 = arith.constant 0 : i32
        %dma_wait3A_277 = tpu.memref_slice %arg9[%add3A_262, %dma_wait3A_276] : memref<10000x128xf32, #tpu.memory_space<vmem_shared>> -> memref<64x128xf32, #tpu.memory_space<vmem_shared>>
        %dma_wait3A_278 = arith.constant 0 : i32
        %dma_wait3A_279 = tpu.memref_slice %arg9[%add3A_262, %dma_wait3A_278] : memref<10000x128xf32, #tpu.memory_space<vmem_shared>> -> memref<64x128xf32, #tpu.memory_space<vmem_shared>>
        %dma_wait3A_280 = arith.constant 0 : i32
        %dma_wait3A_281 = arith.constant 0 : i32
        %dma_wait3A_282 = tpu.memref_slice %arg8[%dma_wait3A_280, %dma_wait3A_281] : memref<80x128xf32, #tpu.memory_space<vmem>> -> memref<64x128xf32, #tpu.memory_space<vmem>>
        tpu.wait_dma2 semaphore(%run_scoped3A : memref<!tpu.dma_semaphore, #tpu.memory_space<semaphore_mem>>) src(%dma_wait3A_282 : memref<64x128xf32, #tpu.memory_space<vmem>>) dst(%dma_wait3A_279 : memref<64x128xf32, #tpu.memory_space<vmem_shared>>)
        tpu.yield
      }) : () -> ()
    } else {
    }
    %eq3A = arith.constant 15 : i32
    %eq3A_14 = arith.cmpi eq, %arg1, %eq3A : i32
    %convert_element_type3A_15 = arith.extui %eq3A_14 : i1 to i32
    %cond3A_16 = arith.constant 0 : i32
    %cond3A_17 = arith.cmpi ne, %convert_element_type3A_15, %cond3A_16 : i32
    scf.if %cond3A_17 {
      %add3A_259 = arith.constant 560 : i32
      %add3A_260 = arith.addi %mul3A_6, %add3A_259 : i32
      "tpu.region"() ({
        %run_scoped3A = tpu.sem_alloc : memref<!tpu.dma_semaphore, #tpu.memory_space<semaphore_mem>>
        %dma_start3A_263 = arith.constant 0 : i32
        %dma_start3A_264 = tpu.memref_slice %arg2[%add3A_260, %dma_start3A_263] : memref<10000x128xf32, #tpu.memory_space<hbm>> -> memref<80x128xf32, #tpu.memory_space<hbm>>
        %dma_start3A_265 = arith.constant 0 : i32
        %dma_start3A_266 = tpu.memref_slice %arg2[%add3A_260, %dma_start3A_265] : memref<10000x128xf32, #tpu.memory_space<hbm>> -> memref<80x128xf32, #tpu.memory_space<hbm>>
        tpu.enqueue_dma source(%dma_start3A_266 : memref<80x128xf32, #tpu.memory_space<hbm>>) target(%arg8 : memref<80x128xf32, #tpu.memory_space<vmem>>) target_semaphore(%run_scoped3A : memref<!tpu.dma_semaphore, #tpu.memory_space<semaphore_mem>>)
        %dma_wait3A_267 = arith.constant 0 : i32
        %dma_wait3A_268 = tpu.memref_slice %arg2[%add3A_260, %dma_wait3A_267] : memref<10000x128xf32, #tpu.memory_space<hbm>> -> memref<80x128xf32, #tpu.memory_space<hbm>>
        %dma_wait3A_269 = arith.constant 0 : i32
        %dma_wait3A_270 = tpu.memref_slice %arg2[%add3A_260, %dma_wait3A_269] : memref<10000x128xf32, #tpu.memory_space<hbm>> -> memref<80x128xf32, #tpu.memory_space<hbm>>
        tpu.wait_dma2 semaphore(%run_scoped3A : memref<!tpu.dma_semaphore, #tpu.memory_space<semaphore_mem>>) src(%dma_wait3A_270 : memref<80x128xf32, #tpu.memory_space<hbm>>) dst(%arg8 : memref<80x128xf32, #tpu.memory_space<vmem>>)
        tpu.yield
      }) : () -> ()
      %add3A_261 = arith.constant 560 : i32
      %add3A_262 = arith.addi %mul3A_6, %add3A_261 : i32
      "tpu.region"() ({
        %run_scoped3A = tpu.sem_alloc : memref<!tpu.dma_semaphore, #tpu.memory_space<semaphore_mem>>
        %dma_start3A_263 = arith.constant 0 : i32
        %dma_start3A_264 = tpu.memref_slice %arg9[%add3A_262, %dma_start3A_263] : memref<10000x128xf32, #tpu.memory_space<vmem_shared>> -> memref<80x128xf32, #tpu.memory_space<vmem_shared>>
        %dma_start3A_265 = arith.constant 0 : i32
        %dma_start3A_266 = tpu.memref_slice %arg9[%add3A_262, %dma_start3A_265] : memref<10000x128xf32, #tpu.memory_space<vmem_shared>> -> memref<80x128xf32, #tpu.memory_space<vmem_shared>>
        tpu.enqueue_dma source(%arg8 : memref<80x128xf32, #tpu.memory_space<vmem>>) target(%dma_start3A_266 : memref<80x128xf32, #tpu.memory_space<vmem_shared>>) target_semaphore(%run_scoped3A : memref<!tpu.dma_semaphore, #tpu.memory_space<semaphore_mem>>)
        %dma_wait3A_267 = arith.constant 0 : i32
        %dma_wait3A_268 = tpu.memref_slice %arg9[%add3A_262, %dma_wait3A_267] : memref<10000x128xf32, #tpu.memory_space<vmem_shared>> -> memref<80x128xf32, #tpu.memory_space<vmem_shared>>
        %dma_wait3A_269 = arith.constant 0 : i32
        %dma_wait3A_270 = tpu.memref_slice %arg9[%add3A_262, %dma_wait3A_269] : memref<10000x128xf32, #tpu.memory_space<vmem_shared>> -> memref<80x128xf32, #tpu.memory_space<vmem_shared>>
        tpu.wait_dma2 semaphore(%run_scoped3A : memref<!tpu.dma_semaphore, #tpu.memory_space<semaphore_mem>>) src(%arg8 : memref<80x128xf32, #tpu.memory_space<vmem>>) dst(%dma_wait3A_270 : memref<80x128xf32, #tpu.memory_space<vmem_shared>>)
        tpu.yield
      }) : () -> ()
    } else {
    }
    %barrier3A = arith.constant 0 : index
    tpu.barrier barrier_id(%barrier3A)
    %rem3A = arith.constant 0 : i32
    %rem3A_18 = arith.constant 2 : i32
    %rem3A_19 = arith.remsi %rem3A, %rem3A_18 : i32
    %add3A_20 = arith.constant 0 : i32
    %add3A_21 = arith.addi %mul3A_4, %add3A_20 : i32
    %mul3A_22 = arith.constant 256 : i32
    %mul3A_23 = arith.muli %add3A_21, %mul3A_22 : i32
    %dma_start3A = arith.constant 0 : i32
    %dma_start3A_24 = tpu.memref_slice %arg6[%rem3A_19, %dma_start3A] : memref<2x256xi32, #tpu.memory_space<vmem>> -> memref<1x256xi32, #tpu.memory_space<vmem>>
    %dma_start3A_25 = tpu.memref_squeeze %dma_start3A_24 : memref<1x256xi32, #tpu.memory_space<vmem>> -> memref<256xi32, #tpu.memory_space<vmem>>
    %dma_start3A_26 = tpu.memref_slice %arg4[%mul3A_23] : memref<1024000xi32, #tpu.memory_space<hbm>> -> memref<256xi32, #tpu.memory_space<hbm>>
    %dma_start3A_27 = arith.constant 0 : i32
    %dma_start3A_28 = tpu.memref_slice %arg6[%rem3A_19, %dma_start3A_27] : memref<2x256xi32, #tpu.memory_space<vmem>> -> memref<1x256xi32, #tpu.memory_space<vmem>>
    %dma_start3A_29 = tpu.memref_squeeze %dma_start3A_28 : memref<1x256xi32, #tpu.memory_space<vmem>> -> memref<256xi32, #tpu.memory_space<vmem>>
    %dma_start3A_30 = tpu.memref_slice %arg4[%mul3A_23] : memref<1024000xi32, #tpu.memory_space<hbm>> -> memref<256xi32, #tpu.memory_space<hbm>>
    tpu.enqueue_dma source(%dma_start3A_30 : memref<256xi32, #tpu.memory_space<hbm>>) target(%dma_start3A_29 : memref<256xi32, #tpu.memory_space<vmem>>) target_semaphore(%arg10 : memref<!tpu.dma_semaphore, #tpu.memory_space<semaphore_mem>>)
    %rem3A_31 = arith.constant 0 : i32
    %rem3A_32 = arith.constant 2 : i32
    %rem3A_33 = arith.remsi %rem3A_31, %rem3A_32 : i32
    %dma_wait3A = arith.constant 0 : i32
    %dma_wait3A_34 = tpu.memref_slice %arg6[%rem3A_33, %dma_wait3A] : memref<2x256xi32, #tpu.memory_space<vmem>> -> memref<1x256xi32, #tpu.memory_space<vmem>>
    %dma_wait3A_35 = tpu.memref_squeeze %dma_wait3A_34 : memref<1x256xi32, #tpu.memory_space<vmem>> -> memref<256xi32, #tpu.memory_space<vmem>>
    %dma_wait3A_36 = arith.constant 0 : i32
    %dma_wait3A_37 = tpu.memref_slice %arg4[%dma_wait3A_36] : memref<1024000xi32, #tpu.memory_space<hbm>> -> memref<256xi32, #tpu.memory_space<hbm>>
    %dma_wait3A_38 = arith.constant 0 : i32
    %dma_wait3A_39 = tpu.memref_slice %arg6[%rem3A_33, %dma_wait3A_38] : memref<2x256xi32, #tpu.memory_space<vmem>> -> memref<1x256xi32, #tpu.memory_space<vmem>>
    %dma_wait3A_40 = tpu.memref_squeeze %dma_wait3A_39 : memref<1x256xi32, #tpu.memory_space<vmem>> -> memref<256xi32, #tpu.memory_space<vmem>>
    %dma_wait3A_41 = arith.constant 0 : i32
    %dma_wait3A_42 = tpu.memref_slice %arg4[%dma_wait3A_41] : memref<1024000xi32, #tpu.memory_space<hbm>> -> memref<256xi32, #tpu.memory_space<hbm>>
    tpu.wait_dma2 semaphore(%arg10 : memref<!tpu.dma_semaphore, #tpu.memory_space<semaphore_mem>>) src(%dma_wait3A_42 : memref<256xi32, #tpu.memory_space<hbm>>) dst(%dma_wait3A_40 : memref<256xi32, #tpu.memory_space<vmem>>)
    %rem3A_43 = arith.constant 0 : i32
    %rem3A_44 = arith.constant 2 : i32
    %rem3A_45 = arith.remsi %rem3A_43, %rem3A_44 : i32
    %dma_start3A_46 = arith.constant 0 : i32
    %dma_start3A_47 = arith.constant 0 : i32
    %dma_start3A_48 = tpu.memref_slice %arg7[%rem3A_45, %dma_start3A_46, %dma_start3A_47] : memref<2x80x128xf32, #tpu.memory_space<vmem>> -> memref<1x80x128xf32, #tpu.memory_space<vmem>>
    %dma_start3A_49 = tpu.memref_squeeze %dma_start3A_48 : memref<1x80x128xf32, #tpu.memory_space<vmem>> -> memref<80x128xf32, #tpu.memory_space<vmem>>
    %dma_start3A_50 = arith.constant 0 : i32
    %dma_start3A_51 = tpu.memref_slice %arg6[%rem3A_45, %dma_start3A_50] : memref<2x256xi32, #tpu.memory_space<vmem>> -> memref<1x256xi32, #tpu.memory_space<vmem>>
    %dma_start3A_52 = tpu.memref_squeeze %dma_start3A_51 : memref<1x256xi32, #tpu.memory_space<vmem>> -> memref<256xi32, #tpu.memory_space<vmem>>
    %dma_start3A_53 = arith.constant 0 : i32
    %dma_start3A_54 = tpu.memref_slice %dma_start3A_52[%dma_start3A_53] : memref<256xi32, #tpu.memory_space<vmem>> -> memref<80xi32, #tpu.memory_space<vmem>>
    %dma_start3A_55 = arith.constant 0 : i32
    %dma_start3A_56 = arith.constant 0 : i32
    %dma_start3A_57 = tpu.memref_slice %arg9[%dma_start3A_55, %dma_start3A_56] : memref<10000x128xf32, #tpu.memory_space<vmem_shared>> -> memref<10000x128xf32, #tpu.memory_space<vmem_shared>>
    tpu.enqueue_indirect_dma source(%dma_start3A_57 : memref<10000x128xf32, #tpu.memory_space<vmem_shared>>) target(%dma_start3A_49 : memref<80x128xf32, #tpu.memory_space<vmem>>) offsets(%dma_start3A_54 : memref<80xi32, #tpu.memory_space<vmem>>) semaphore(%arg11 : memref<!tpu.dma_semaphore, #tpu.memory_space<semaphore_mem>>)
    %rem3A_58 = arith.constant 1 : i32
    %rem3A_59 = arith.constant 2 : i32
    %rem3A_60 = arith.remsi %rem3A_58, %rem3A_59 : i32
    %add3A_61 = arith.constant 1 : i32
    %add3A_62 = arith.addi %mul3A_4, %add3A_61 : i32
    %mul3A_63 = arith.constant 256 : i32
    %mul3A_64 = arith.muli %add3A_62, %mul3A_63 : i32
    %dma_start3A_65 = arith.constant 0 : i32
    %dma_start3A_66 = tpu.memref_slice %arg6[%rem3A_60, %dma_start3A_65] : memref<2x256xi32, #tpu.memory_space<vmem>> -> memref<1x256xi32, #tpu.memory_space<vmem>>
    %dma_start3A_67 = tpu.memref_squeeze %dma_start3A_66 : memref<1x256xi32, #tpu.memory_space<vmem>> -> memref<256xi32, #tpu.memory_space<vmem>>
    %dma_start3A_68 = tpu.memref_slice %arg4[%mul3A_64] : memref<1024000xi32, #tpu.memory_space<hbm>> -> memref<256xi32, #tpu.memory_space<hbm>>
    %dma_start3A_69 = arith.constant 0 : i32
    %dma_start3A_70 = tpu.memref_slice %arg6[%rem3A_60, %dma_start3A_69] : memref<2x256xi32, #tpu.memory_space<vmem>> -> memref<1x256xi32, #tpu.memory_space<vmem>>
    %dma_start3A_71 = tpu.memref_squeeze %dma_start3A_70 : memref<1x256xi32, #tpu.memory_space<vmem>> -> memref<256xi32, #tpu.memory_space<vmem>>
    %dma_start3A_72 = tpu.memref_slice %arg4[%mul3A_64] : memref<1024000xi32, #tpu.memory_space<hbm>> -> memref<256xi32, #tpu.memory_space<hbm>>
    tpu.enqueue_dma source(%dma_start3A_72 : memref<256xi32, #tpu.memory_space<hbm>>) target(%dma_start3A_71 : memref<256xi32, #tpu.memory_space<vmem>>) target_semaphore(%arg10 : memref<!tpu.dma_semaphore, #tpu.memory_space<semaphore_mem>>)
    %scan3A_73 = arith.constant 0 : i32
    %scan3A_74 = arith.constant 0 : i32
    %scan3A_75 = arith.constant 0 : i32
    %scan3A_76 = arith.constant 125 : i32
    %scan3A_77 = arith.addi %scan3A_75, %scan3A_76 : i32
    %scan3A_78 = arith.constant 1 : i32
    scf.for %scan3A_259 = %scan3A_75 to %scan3A_77 step %scan3A_78  : i32 {
      %rem3A_260 = arith.constant 2 : i32
      %rem3A_261 = arith.remsi %scan3A_259, %rem3A_260 : i32
      %dma_wait3A_262 = arith.constant 0 : i32
      %dma_wait3A_263 = arith.constant 0 : i32
      %dma_wait3A_264 = tpu.memref_slice %arg7[%rem3A_261, %dma_wait3A_262, %dma_wait3A_263] : memref<2x80x128xf32, #tpu.memory_space<vmem>> -> memref<1x80x128xf32, #tpu.memory_space<vmem>>
      %dma_wait3A_265 = tpu.memref_squeeze %dma_wait3A_264 : memref<1x80x128xf32, #tpu.memory_space<vmem>> -> memref<80x128xf32, #tpu.memory_space<vmem>>
      %dma_wait3A_266 = arith.constant 0 : i32
      %dma_wait3A_267 = tpu.memref_slice %arg6[%rem3A_261, %dma_wait3A_266] : memref<2x256xi32, #tpu.memory_space<vmem>> -> memref<1x256xi32, #tpu.memory_space<vmem>>
      %dma_wait3A_268 = tpu.memref_squeeze %dma_wait3A_267 : memref<1x256xi32, #tpu.memory_space<vmem>> -> memref<256xi32, #tpu.memory_space<vmem>>
      %dma_wait3A_269 = arith.constant 0 : i32
      %dma_wait3A_270 = tpu.memref_slice %dma_wait3A_268[%dma_wait3A_269] : memref<256xi32, #tpu.memory_space<vmem>> -> memref<80xi32, #tpu.memory_space<vmem>>
      %dma_wait3A_271 = arith.constant 0 : i32
      %dma_wait3A_272 = arith.constant 0 : i32
      %dma_wait3A_273 = tpu.memref_slice %arg9[%dma_wait3A_271, %dma_wait3A_272] : memref<10000x128xf32, #tpu.memory_space<vmem_shared>> -> memref<10000x128xf32, #tpu.memory_space<vmem_shared>>
      tpu.wait_indirect_dma semaphore(%arg11 : memref<!tpu.dma_semaphore, #tpu.memory_space<semaphore_mem>>) src(%dma_wait3A_273 : memref<10000x128xf32, #tpu.memory_space<vmem_shared>>) dst(%dma_wait3A_265 : memref<80x128xf32, #tpu.memory_space<vmem>>)
      %rem3A_274 = arith.constant 2 : i32
      %rem3A_275 = arith.remsi %scan3A_259, %rem3A_274 : i32
      %mul3A_276 = arith.constant 80 : i32
      %mul3A_277 = arith.muli %scan3A_259, %mul3A_276 : i32
      %add3A_278 = arith.addi %mul3A_2, %mul3A_277 : i32
      %dma_start3A_279 = arith.constant 0 : i32
      %dma_start3A_280 = arith.constant 0 : i32
      %dma_start3A_281 = tpu.memref_slice %arg7[%rem3A_275, %dma_start3A_279, %dma_start3A_280] : memref<2x80x128xf32, #tpu.memory_space<vmem>> -> memref<1x80x128xf32, #tpu.memory_space<vmem>>
      %dma_start3A_282 = tpu.memref_squeeze %dma_start3A_281 : memref<1x80x128xf32, #tpu.memory_space<vmem>> -> memref<80x128xf32, #tpu.memory_space<vmem>>
      %dma_start3A_283 = arith.constant 0 : i32
      %dma_start3A_284 = arith.constant 0 : i32
      %dma_start3A_285 = tpu.memref_slice %arg5[%scan3A_74, %dma_start3A_283, %dma_start3A_284] : memref<2x320000x128xf32, #tpu.memory_space<hbm>> -> memref<1x320000x128xf32, #tpu.memory_space<hbm>>
      %dma_start3A_286 = tpu.memref_squeeze %dma_start3A_285 : memref<1x320000x128xf32, #tpu.memory_space<hbm>> -> memref<320000x128xf32, #tpu.memory_space<hbm>>
      %dma_start3A_287 = arith.constant 0 : i32
      %dma_start3A_288 = tpu.memref_slice %dma_start3A_286[%add3A_278, %dma_start3A_287] : memref<320000x128xf32, #tpu.memory_space<hbm>> -> memref<80x128xf32, #tpu.memory_space<hbm>>
      %dma_start3A_289 = arith.constant 0 : i32
      %dma_start3A_290 = arith.constant 0 : i32
      %dma_start3A_291 = tpu.memref_slice %arg5[%scan3A_74, %dma_start3A_289, %dma_start3A_290] : memref<2x320000x128xf32, #tpu.memory_space<hbm>> -> memref<1x320000x128xf32, #tpu.memory_space<hbm>>
      %dma_start3A_292 = tpu.memref_squeeze %dma_start3A_291 : memref<1x320000x128xf32, #tpu.memory_space<hbm>> -> memref<320000x128xf32, #tpu.memory_space<hbm>>
      %dma_start3A_293 = arith.constant 0 : i32
      %dma_start3A_294 = tpu.memref_slice %dma_start3A_292[%add3A_278, %dma_start3A_293] : memref<320000x128xf32, #tpu.memory_space<hbm>> -> memref<80x128xf32, #tpu.memory_space<hbm>>
      %dma_start3A_295 = arith.constant 0 : i32
      %dma_start3A_296 = arith.constant 0 : i32
      %dma_start3A_297 = tpu.memref_slice %arg7[%rem3A_275, %dma_start3A_295, %dma_start3A_296] : memref<2x80x128xf32, #tpu.memory_space<vmem>> -> memref<1x80x128xf32, #tpu.memory_space<vmem>>
      %dma_start3A_298 = tpu.memref_squeeze %dma_start3A_297 : memref<1x80x128xf32, #tpu.memory_space<vmem>> -> memref<80x128xf32, #tpu.memory_space<vmem>>
      tpu.enqueue_dma source(%dma_start3A_298 : memref<80x128xf32, #tpu.memory_space<vmem>>) target(%dma_start3A_294 : memref<80x128xf32, #tpu.memory_space<hbm>>) target_semaphore(%arg12 : memref<!tpu.dma_semaphore, #tpu.memory_space<semaphore_mem>>)
      %add3A_299 = arith.constant 1 : i32
      %add3A_300 = arith.addi %scan3A_259, %add3A_299 : i32
      %lt3A_301 = arith.constant 125 : i32
      %lt3A_302 = arith.cmpi slt, %add3A_300, %lt3A_301 : i32
      %convert_element_type3A_303 = arith.extui %lt3A_302 : i1 to i32
      %cond3A_304 = arith.constant 0 : i32
      %cond3A_305 = arith.cmpi ne, %convert_element_type3A_303, %cond3A_304 : i32
      scf.if %cond3A_305 {
        %ge3A = arith.constant 1 : i32
        %ge3A_306 = arith.cmpi sge, %scan3A_259, %ge3A : i32
        %convert_element_type3A_307 = arith.extui %ge3A_306 : i1 to i32
        %cond3A_308 = arith.constant 0 : i32
        %cond3A_309 = arith.cmpi ne, %convert_element_type3A_307, %cond3A_308 : i32
        scf.if %cond3A_309 {
          %sub3A = arith.constant 1 : i32
          %sub3A_347 = arith.subi %scan3A_259, %sub3A : i32
          %rem3A_348 = arith.constant 2 : i32
          %rem3A_349 = arith.remsi %sub3A_347, %rem3A_348 : i32
          %dma_wait3A_350 = arith.constant 0 : i32
          %dma_wait3A_351 = arith.constant 0 : i32
          %dma_wait3A_352 = tpu.memref_slice %arg7[%rem3A_349, %dma_wait3A_350, %dma_wait3A_351] : memref<2x80x128xf32, #tpu.memory_space<vmem>> -> memref<1x80x128xf32, #tpu.memory_space<vmem>>
          %dma_wait3A_353 = tpu.memref_squeeze %dma_wait3A_352 : memref<1x80x128xf32, #tpu.memory_space<vmem>> -> memref<80x128xf32, #tpu.memory_space<vmem>>
          %dma_wait3A_354 = arith.constant 0 : i32
          %dma_wait3A_355 = arith.constant 0 : i32
          %dma_wait3A_356 = tpu.memref_slice %arg5[%scan3A_74, %dma_wait3A_354, %dma_wait3A_355] : memref<2x320000x128xf32, #tpu.memory_space<hbm>> -> memref<1x320000x128xf32, #tpu.memory_space<hbm>>
          %dma_wait3A_357 = tpu.memref_squeeze %dma_wait3A_356 : memref<1x320000x128xf32, #tpu.memory_space<hbm>> -> memref<320000x128xf32, #tpu.memory_space<hbm>>
          %dma_wait3A_358 = arith.constant 0 : i32
          %dma_wait3A_359 = tpu.memref_slice %dma_wait3A_357[%mul3A_2, %dma_wait3A_358] : memref<320000x128xf32, #tpu.memory_space<hbm>> -> memref<80x128xf32, #tpu.memory_space<hbm>>
          %dma_wait3A_360 = arith.constant 0 : i32
          %dma_wait3A_361 = arith.constant 0 : i32
          %dma_wait3A_362 = tpu.memref_slice %arg5[%scan3A_74, %dma_wait3A_360, %dma_wait3A_361] : memref<2x320000x128xf32, #tpu.memory_space<hbm>> -> memref<1x320000x128xf32, #tpu.memory_space<hbm>>
          %dma_wait3A_363 = tpu.memref_squeeze %dma_wait3A_362 : memref<1x320000x128xf32, #tpu.memory_space<hbm>> -> memref<320000x128xf32, #tpu.memory_space<hbm>>
          %dma_wait3A_364 = arith.constant 0 : i32
          %dma_wait3A_365 = tpu.memref_slice %dma_wait3A_363[%mul3A_2, %dma_wait3A_364] : memref<320000x128xf32, #tpu.memory_space<hbm>> -> memref<80x128xf32, #tpu.memory_space<hbm>>
          %dma_wait3A_366 = arith.constant 0 : i32
          %dma_wait3A_367 = arith.constant 0 : i32
          %dma_wait3A_368 = tpu.memref_slice %arg7[%rem3A_349, %dma_wait3A_366, %dma_wait3A_367] : memref<2x80x128xf32, #tpu.memory_space<vmem>> -> memref<1x80x128xf32, #tpu.memory_space<vmem>>
          %dma_wait3A_369 = tpu.memref_squeeze %dma_wait3A_368 : memref<1x80x128xf32, #tpu.memory_space<vmem>> -> memref<80x128xf32, #tpu.memory_space<vmem>>
          tpu.wait_dma2 semaphore(%arg12 : memref<!tpu.dma_semaphore, #tpu.memory_space<semaphore_mem>>) src(%dma_wait3A_369 : memref<80x128xf32, #tpu.memory_space<vmem>>) dst(%dma_wait3A_365 : memref<80x128xf32, #tpu.memory_space<hbm>>)
        } else {
        }
        %add3A_310 = arith.constant 1 : i32
        %add3A_311 = arith.addi %scan3A_259, %add3A_310 : i32
        %rem3A_312 = arith.constant 2 : i32
        %rem3A_313 = arith.remsi %add3A_311, %rem3A_312 : i32
        %dma_wait3A_314 = arith.constant 0 : i32
        %dma_wait3A_315 = tpu.memref_slice %arg6[%rem3A_313, %dma_wait3A_314] : memref<2x256xi32, #tpu.memory_space<vmem>> -> memref<1x256xi32, #tpu.memory_space<vmem>>
        %dma_wait3A_316 = tpu.memref_squeeze %dma_wait3A_315 : memref<1x256xi32, #tpu.memory_space<vmem>> -> memref<256xi32, #tpu.memory_space<vmem>>
        %dma_wait3A_317 = arith.constant 0 : i32
        %dma_wait3A_318 = tpu.memref_slice %arg4[%dma_wait3A_317] : memref<1024000xi32, #tpu.memory_space<hbm>> -> memref<256xi32, #tpu.memory_space<hbm>>
        %dma_wait3A_319 = arith.constant 0 : i32
        %dma_wait3A_320 = tpu.memref_slice %arg6[%rem3A_313, %dma_wait3A_319] : memref<2x256xi32, #tpu.memory_space<vmem>> -> memref<1x256xi32, #tpu.memory_space<vmem>>
        %dma_wait3A_321 = tpu.memref_squeeze %dma_wait3A_320 : memref<1x256xi32, #tpu.memory_space<vmem>> -> memref<256xi32, #tpu.memory_space<vmem>>
        %dma_wait3A_322 = arith.constant 0 : i32
        %dma_wait3A_323 = tpu.memref_slice %arg4[%dma_wait3A_322] : memref<1024000xi32, #tpu.memory_space<hbm>> -> memref<256xi32, #tpu.memory_space<hbm>>
        tpu.wait_dma2 semaphore(%arg10 : memref<!tpu.dma_semaphore, #tpu.memory_space<semaphore_mem>>) src(%dma_wait3A_323 : memref<256xi32, #tpu.memory_space<hbm>>) dst(%dma_wait3A_321 : memref<256xi32, #tpu.memory_space<vmem>>)
        %add3A_324 = arith.constant 1 : i32
        %add3A_325 = arith.addi %scan3A_259, %add3A_324 : i32
        %rem3A_326 = arith.constant 2 : i32
        %rem3A_327 = arith.remsi %add3A_325, %rem3A_326 : i32
        %dma_start3A_328 = arith.constant 0 : i32
        %dma_start3A_329 = arith.constant 0 : i32
        %dma_start3A_330 = tpu.memref_slice %arg7[%rem3A_327, %dma_start3A_328, %dma_start3A_329] : memref<2x80x128xf32, #tpu.memory_space<vmem>> -> memref<1x80x128xf32, #tpu.memory_space<vmem>>
        %dma_start3A_331 = tpu.memref_squeeze %dma_start3A_330 : memref<1x80x128xf32, #tpu.memory_space<vmem>> -> memref<80x128xf32, #tpu.memory_space<vmem>>
        %dma_start3A_332 = arith.constant 0 : i32
        %dma_start3A_333 = tpu.memref_slice %arg6[%rem3A_327, %dma_start3A_332] : memref<2x256xi32, #tpu.memory_space<vmem>> -> memref<1x256xi32, #tpu.memory_space<vmem>>
        %dma_start3A_334 = tpu.memref_squeeze %dma_start3A_333 : memref<1x256xi32, #tpu.memory_space<vmem>> -> memref<256xi32, #tpu.memory_space<vmem>>
        %dma_start3A_335 = arith.constant 0 : i32
        %dma_start3A_336 = tpu.memref_slice %dma_start3A_334[%dma_start3A_335] : memref<256xi32, #tpu.memory_space<vmem>> -> memref<80xi32, #tpu.memory_space<vmem>>
        %dma_start3A_337 = arith.constant 0 : i32
        %dma_start3A_338 = arith.constant 0 : i32
        %dma_start3A_339 = tpu.memref_slice %arg9[%dma_start3A_337, %dma_start3A_338] : memref<10000x128xf32, #tpu.memory_space<vmem_shared>> -> memref<10000x128xf32, #tpu.memory_space<vmem_shared>>
        tpu.enqueue_indirect_dma source(%dma_start3A_339 : memref<10000x128xf32, #tpu.memory_space<vmem_shared>>) target(%dma_start3A_331 : memref<80x128xf32, #tpu.memory_space<vmem>>) offsets(%dma_start3A_336 : memref<80xi32, #tpu.memory_space<vmem>>) semaphore(%arg11 : memref<!tpu.dma_semaphore, #tpu.memory_space<semaphore_mem>>)
        %add3A_340 = arith.constant 2 : i32
        %add3A_341 = arith.addi %scan3A_259, %add3A_340 : i32
        %lt3A_342 = arith.constant 125 : i32
        %lt3A_343 = arith.cmpi slt, %add3A_341, %lt3A_342 : i32
        %convert_element_type3A_344 = arith.extui %lt3A_343 : i1 to i32
        %cond3A_345 = arith.constant 0 : i32
        %cond3A_346 = arith.cmpi ne, %convert_element_type3A_344, %cond3A_345 : i32
        scf.if %cond3A_346 {
          %add3A_347 = arith.constant 2 : i32
          %add3A_348 = arith.addi %scan3A_259, %add3A_347 : i32
          %rem3A_349 = arith.constant 2 : i32
          %rem3A_350 = arith.remsi %add3A_348, %rem3A_349 : i32
          %add3A_351 = arith.addi %mul3A_4, %add3A_348 : i32
          %mul3A_352 = arith.constant 256 : i32
          %mul3A_353 = arith.muli %add3A_351, %mul3A_352 : i32
          %dma_start3A_354 = arith.constant 0 : i32
          %dma_start3A_355 = tpu.memref_slice %arg6[%rem3A_350, %dma_start3A_354] : memref<2x256xi32, #tpu.memory_space<vmem>> -> memref<1x256xi32, #tpu.memory_space<vmem>>
          %dma_start3A_356 = tpu.memref_squeeze %dma_start3A_355 : memref<1x256xi32, #tpu.memory_space<vmem>> -> memref<256xi32, #tpu.memory_space<vmem>>
          %dma_start3A_357 = tpu.memref_slice %arg4[%mul3A_353] : memref<1024000xi32, #tpu.memory_space<hbm>> -> memref<256xi32, #tpu.memory_space<hbm>>
          %dma_start3A_358 = arith.constant 0 : i32
          %dma_start3A_359 = tpu.memref_slice %arg6[%rem3A_350, %dma_start3A_358] : memref<2x256xi32, #tpu.memory_space<vmem>> -> memref<1x256xi32, #tpu.memory_space<vmem>>
          %dma_start3A_360 = tpu.memref_squeeze %dma_start3A_359 : memref<1x256xi32, #tpu.memory_space<vmem>> -> memref<256xi32, #tpu.memory_space<vmem>>
          %dma_start3A_361 = tpu.memref_slice %arg4[%mul3A_353] : memref<1024000xi32, #tpu.memory_space<hbm>> -> memref<256xi32, #tpu.memory_space<hbm>>
          tpu.enqueue_dma source(%dma_start3A_361 : memref<256xi32, #tpu.memory_space<hbm>>) target(%dma_start3A_360 : memref<256xi32, #tpu.memory_space<vmem>>) target_semaphore(%arg10 : memref<!tpu.dma_semaphore, #tpu.memory_space<semaphore_mem>>)
        } else {
        }
      } else {
      }
    }
    %scan3A_79 = arith.constant 125 : i32
    %rem3A_80 = arith.constant 123 : i32
    %rem3A_81 = arith.constant 2 : i32
    %rem3A_82 = arith.remsi %rem3A_80, %rem3A_81 : i32
    %dma_wait3A_83 = arith.constant 0 : i32
    %dma_wait3A_84 = arith.constant 0 : i32
    %dma_wait3A_85 = arith.constant 0 : i32
    %dma_wait3A_86 = tpu.memref_slice %arg7[%rem3A_82, %dma_wait3A_84, %dma_wait3A_85] : memref<2x80x128xf32, #tpu.memory_space<vmem>> -> memref<1x80x128xf32, #tpu.memory_space<vmem>>
    %dma_wait3A_87 = tpu.memref_squeeze %dma_wait3A_86 : memref<1x80x128xf32, #tpu.memory_space<vmem>> -> memref<80x128xf32, #tpu.memory_space<vmem>>
    %dma_wait3A_88 = arith.constant 0 : i32
    %dma_wait3A_89 = arith.constant 0 : i32
    %dma_wait3A_90 = tpu.memref_slice %arg5[%dma_wait3A_83, %dma_wait3A_88, %dma_wait3A_89] : memref<2x320000x128xf32, #tpu.memory_space<hbm>> -> memref<1x320000x128xf32, #tpu.memory_space<hbm>>
    %dma_wait3A_91 = tpu.memref_squeeze %dma_wait3A_90 : memref<1x320000x128xf32, #tpu.memory_space<hbm>> -> memref<320000x128xf32, #tpu.memory_space<hbm>>
    %dma_wait3A_92 = arith.constant 0 : i32
    %dma_wait3A_93 = tpu.memref_slice %dma_wait3A_91[%mul3A_2, %dma_wait3A_92] : memref<320000x128xf32, #tpu.memory_space<hbm>> -> memref<80x128xf32, #tpu.memory_space<hbm>>
    %dma_wait3A_94 = arith.constant 0 : i32
    %dma_wait3A_95 = arith.constant 0 : i32
    %dma_wait3A_96 = tpu.memref_slice %arg5[%dma_wait3A_83, %dma_wait3A_94, %dma_wait3A_95] : memref<2x320000x128xf32, #tpu.memory_space<hbm>> -> memref<1x320000x128xf32, #tpu.memory_space<hbm>>
    %dma_wait3A_97 = tpu.memref_squeeze %dma_wait3A_96 : memref<1x320000x128xf32, #tpu.memory_space<hbm>> -> memref<320000x128xf32, #tpu.memory_space<hbm>>
    %dma_wait3A_98 = arith.constant 0 : i32
    %dma_wait3A_99 = tpu.memref_slice %dma_wait3A_97[%mul3A_2, %dma_wait3A_98] : memref<320000x128xf32, #tpu.memory_space<hbm>> -> memref<80x128xf32, #tpu.memory_space<hbm>>
    %dma_wait3A_100 = arith.constant 0 : i32
    %dma_wait3A_101 = arith.constant 0 : i32
    %dma_wait3A_102 = tpu.memref_slice %arg7[%rem3A_82, %dma_wait3A_100, %dma_wait3A_101] : memref<2x80x128xf32, #tpu.memory_space<vmem>> -> memref<1x80x128xf32, #tpu.memory_space<vmem>>
    %dma_wait3A_103 = tpu.memref_squeeze %dma_wait3A_102 : memref<1x80x128xf32, #tpu.memory_space<vmem>> -> memref<80x128xf32, #tpu.memory_space<vmem>>
    tpu.wait_dma2 semaphore(%arg12 : memref<!tpu.dma_semaphore, #tpu.memory_space<semaphore_mem>>) src(%dma_wait3A_103 : memref<80x128xf32, #tpu.memory_space<vmem>>) dst(%dma_wait3A_99 : memref<80x128xf32, #tpu.memory_space<hbm>>)
    %rem3A_104 = arith.constant 124 : i32
    %rem3A_105 = arith.constant 2 : i32
    %rem3A_106 = arith.remsi %rem3A_104, %rem3A_105 : i32
    %dma_wait3A_107 = arith.constant 0 : i32
    %dma_wait3A_108 = arith.constant 0 : i32
    %dma_wait3A_109 = arith.constant 0 : i32
    %dma_wait3A_110 = tpu.memref_slice %arg7[%rem3A_106, %dma_wait3A_108, %dma_wait3A_109] : memref<2x80x128xf32, #tpu.memory_space<vmem>> -> memref<1x80x128xf32, #tpu.memory_space<vmem>>
    %dma_wait3A_111 = tpu.memref_squeeze %dma_wait3A_110 : memref<1x80x128xf32, #tpu.memory_space<vmem>> -> memref<80x128xf32, #tpu.memory_space<vmem>>
    %dma_wait3A_112 = arith.constant 0 : i32
    %dma_wait3A_113 = arith.constant 0 : i32
    %dma_wait3A_114 = tpu.memref_slice %arg5[%dma_wait3A_107, %dma_wait3A_112, %dma_wait3A_113] : memref<2x320000x128xf32, #tpu.memory_space<hbm>> -> memref<1x320000x128xf32, #tpu.memory_space<hbm>>
    %dma_wait3A_115 = tpu.memref_squeeze %dma_wait3A_114 : memref<1x320000x128xf32, #tpu.memory_space<hbm>> -> memref<320000x128xf32, #tpu.memory_space<hbm>>
    %dma_wait3A_116 = arith.constant 0 : i32
    %dma_wait3A_117 = tpu.memref_slice %dma_wait3A_115[%mul3A_2, %dma_wait3A_116] : memref<320000x128xf32, #tpu.memory_space<hbm>> -> memref<80x128xf32, #tpu.memory_space<hbm>>
    %dma_wait3A_118 = arith.constant 0 : i32
    %dma_wait3A_119 = arith.constant 0 : i32
    %dma_wait3A_120 = tpu.memref_slice %arg5[%dma_wait3A_107, %dma_wait3A_118, %dma_wait3A_119] : memref<2x320000x128xf32, #tpu.memory_space<hbm>> -> memref<1x320000x128xf32, #tpu.memory_space<hbm>>
    %dma_wait3A_121 = tpu.memref_squeeze %dma_wait3A_120 : memref<1x320000x128xf32, #tpu.memory_space<hbm>> -> memref<320000x128xf32, #tpu.memory_space<hbm>>
    %dma_wait3A_122 = arith.constant 0 : i32
    %dma_wait3A_123 = tpu.memref_slice %dma_wait3A_121[%mul3A_2, %dma_wait3A_122] : memref<320000x128xf32, #tpu.memory_space<hbm>> -> memref<80x128xf32, #tpu.memory_space<hbm>>
    %dma_wait3A_124 = arith.constant 0 : i32
    %dma_wait3A_125 = arith.constant 0 : i32
    %dma_wait3A_126 = tpu.memref_slice %arg7[%rem3A_106, %dma_wait3A_124, %dma_wait3A_125] : memref<2x80x128xf32, #tpu.memory_space<vmem>> -> memref<1x80x128xf32, #tpu.memory_space<vmem>>
    %dma_wait3A_127 = tpu.memref_squeeze %dma_wait3A_126 : memref<1x80x128xf32, #tpu.memory_space<vmem>> -> memref<80x128xf32, #tpu.memory_space<vmem>>
    tpu.wait_dma2 semaphore(%arg12 : memref<!tpu.dma_semaphore, #tpu.memory_space<semaphore_mem>>) src(%dma_wait3A_127 : memref<80x128xf32, #tpu.memory_space<vmem>>) dst(%dma_wait3A_123 : memref<80x128xf32, #tpu.memory_space<hbm>>)
    %barrier3A_128 = arith.constant 0 : index
    tpu.barrier barrier_id(%barrier3A_128)
    %scan3A_129 = arith.constant 0 : i32
    %scan3A_130 = arith.constant 0 : i32
    %scan3A_131 = arith.constant 7 : i32
    %scan3A_132 = arith.addi %scan3A_130, %scan3A_131 : i32
    %scan3A_133 = arith.constant 1 : i32
    scf.for %scan3A_259 = %scan3A_130 to %scan3A_132 step %scan3A_133  : i32 {
      %mul3A_260 = arith.constant 80 : i32
      %mul3A_261 = arith.muli %scan3A_259, %mul3A_260 : i32
      %add3A_262 = arith.addi %mul3A_6, %mul3A_261 : i32
      "tpu.region"() ({
        %run_scoped3A = tpu.sem_alloc : memref<!tpu.dma_semaphore, #tpu.memory_space<semaphore_mem>>
        %dma_start3A_266 = arith.constant 0 : i32
        %dma_start3A_267 = tpu.memref_slice %arg3[%add3A_262, %dma_start3A_266] : memref<10000x128xf32, #tpu.memory_space<hbm>> -> memref<80x128xf32, #tpu.memory_space<hbm>>
        %dma_start3A_268 = arith.constant 0 : i32
        %dma_start3A_269 = tpu.memref_slice %arg3[%add3A_262, %dma_start3A_268] : memref<10000x128xf32, #tpu.memory_space<hbm>> -> memref<80x128xf32, #tpu.memory_space<hbm>>
        tpu.enqueue_dma source(%dma_start3A_269 : memref<80x128xf32, #tpu.memory_space<hbm>>) target(%arg8 : memref<80x128xf32, #tpu.memory_space<vmem>>) target_semaphore(%run_scoped3A : memref<!tpu.dma_semaphore, #tpu.memory_space<semaphore_mem>>)
        %dma_wait3A_270 = arith.constant 0 : i32
        %dma_wait3A_271 = tpu.memref_slice %arg3[%add3A_262, %dma_wait3A_270] : memref<10000x128xf32, #tpu.memory_space<hbm>> -> memref<80x128xf32, #tpu.memory_space<hbm>>
        %dma_wait3A_272 = arith.constant 0 : i32
        %dma_wait3A_273 = tpu.memref_slice %arg3[%add3A_262, %dma_wait3A_272] : memref<10000x128xf32, #tpu.memory_space<hbm>> -> memref<80x128xf32, #tpu.memory_space<hbm>>
        tpu.wait_dma2 semaphore(%run_scoped3A : memref<!tpu.dma_semaphore, #tpu.memory_space<semaphore_mem>>) src(%dma_wait3A_273 : memref<80x128xf32, #tpu.memory_space<hbm>>) dst(%arg8 : memref<80x128xf32, #tpu.memory_space<vmem>>)
        tpu.yield
      }) : () -> ()
      %mul3A_263 = arith.constant 80 : i32
      %mul3A_264 = arith.muli %scan3A_259, %mul3A_263 : i32
      %add3A_265 = arith.addi %mul3A_6, %mul3A_264 : i32
      "tpu.region"() ({
        %run_scoped3A = tpu.sem_alloc : memref<!tpu.dma_semaphore, #tpu.memory_space<semaphore_mem>>
        %dma_start3A_266 = arith.constant 0 : i32
        %dma_start3A_267 = tpu.memref_slice %arg9[%add3A_265, %dma_start3A_266] : memref<10000x128xf32, #tpu.memory_space<vmem_shared>> -> memref<80x128xf32, #tpu.memory_space<vmem_shared>>
        %dma_start3A_268 = arith.constant 0 : i32
        %dma_start3A_269 = tpu.memref_slice %arg9[%add3A_265, %dma_start3A_268] : memref<10000x128xf32, #tpu.memory_space<vmem_shared>> -> memref<80x128xf32, #tpu.memory_space<vmem_shared>>
        tpu.enqueue_dma source(%arg8 : memref<80x128xf32, #tpu.memory_space<vmem>>) target(%dma_start3A_269 : memref<80x128xf32, #tpu.memory_space<vmem_shared>>) target_semaphore(%run_scoped3A : memref<!tpu.dma_semaphore, #tpu.memory_space<semaphore_mem>>)
        %dma_wait3A_270 = arith.constant 0 : i32
        %dma_wait3A_271 = tpu.memref_slice %arg9[%add3A_265, %dma_wait3A_270] : memref<10000x128xf32, #tpu.memory_space<vmem_shared>> -> memref<80x128xf32, #tpu.memory_space<vmem_shared>>
        %dma_wait3A_272 = arith.constant 0 : i32
        %dma_wait3A_273 = tpu.memref_slice %arg9[%add3A_265, %dma_wait3A_272] : memref<10000x128xf32, #tpu.memory_space<vmem_shared>> -> memref<80x128xf32, #tpu.memory_space<vmem_shared>>
        tpu.wait_dma2 semaphore(%run_scoped3A : memref<!tpu.dma_semaphore, #tpu.memory_space<semaphore_mem>>) src(%arg8 : memref<80x128xf32, #tpu.memory_space<vmem>>) dst(%dma_wait3A_273 : memref<80x128xf32, #tpu.memory_space<vmem_shared>>)
        tpu.yield
      }) : () -> ()
    }
    %scan3A_134 = arith.constant 7 : i32
    %lt3A_135 = arith.constant 15 : i32
    %lt3A_136 = arith.cmpi slt, %arg1, %lt3A_135 : i32
    %convert_element_type3A_137 = arith.extui %lt3A_136 : i1 to i32
    %cond3A_138 = arith.constant 0 : i32
    %cond3A_139 = arith.cmpi ne, %convert_element_type3A_137, %cond3A_138 : i32
    scf.if %cond3A_139 {
      %add3A_259 = arith.constant 560 : i32
      %add3A_260 = arith.addi %mul3A_6, %add3A_259 : i32
      "tpu.region"() ({
        %run_scoped3A = tpu.sem_alloc : memref<!tpu.dma_semaphore, #tpu.memory_space<semaphore_mem>>
        %dma_start3A_263 = arith.constant 0 : i32
        %dma_start3A_264 = arith.constant 0 : i32
        %dma_start3A_265 = tpu.memref_slice %arg8[%dma_start3A_263, %dma_start3A_264] : memref<80x128xf32, #tpu.memory_space<vmem>> -> memref<64x128xf32, #tpu.memory_space<vmem>>
        %dma_start3A_266 = arith.constant 0 : i32
        %dma_start3A_267 = tpu.memref_slice %arg3[%add3A_260, %dma_start3A_266] : memref<10000x128xf32, #tpu.memory_space<hbm>> -> memref<64x128xf32, #tpu.memory_space<hbm>>
        %dma_start3A_268 = arith.constant 0 : i32
        %dma_start3A_269 = arith.constant 0 : i32
        %dma_start3A_270 = tpu.memref_slice %arg8[%dma_start3A_268, %dma_start3A_269] : memref<80x128xf32, #tpu.memory_space<vmem>> -> memref<64x128xf32, #tpu.memory_space<vmem>>
        %dma_start3A_271 = arith.constant 0 : i32
        %dma_start3A_272 = tpu.memref_slice %arg3[%add3A_260, %dma_start3A_271] : memref<10000x128xf32, #tpu.memory_space<hbm>> -> memref<64x128xf32, #tpu.memory_space<hbm>>
        tpu.enqueue_dma source(%dma_start3A_272 : memref<64x128xf32, #tpu.memory_space<hbm>>) target(%dma_start3A_270 : memref<64x128xf32, #tpu.memory_space<vmem>>) target_semaphore(%run_scoped3A : memref<!tpu.dma_semaphore, #tpu.memory_space<semaphore_mem>>)
        %dma_wait3A_273 = arith.constant 0 : i32
        %dma_wait3A_274 = arith.constant 0 : i32
        %dma_wait3A_275 = tpu.memref_slice %arg8[%dma_wait3A_273, %dma_wait3A_274] : memref<80x128xf32, #tpu.memory_space<vmem>> -> memref<64x128xf32, #tpu.memory_space<vmem>>
        %dma_wait3A_276 = arith.constant 0 : i32
        %dma_wait3A_277 = tpu.memref_slice %arg3[%add3A_260, %dma_wait3A_276] : memref<10000x128xf32, #tpu.memory_space<hbm>> -> memref<64x128xf32, #tpu.memory_space<hbm>>
        %dma_wait3A_278 = arith.constant 0 : i32
        %dma_wait3A_279 = arith.constant 0 : i32
        %dma_wait3A_280 = tpu.memref_slice %arg8[%dma_wait3A_278, %dma_wait3A_279] : memref<80x128xf32, #tpu.memory_space<vmem>> -> memref<64x128xf32, #tpu.memory_space<vmem>>
        %dma_wait3A_281 = arith.constant 0 : i32
        %dma_wait3A_282 = tpu.memref_slice %arg3[%add3A_260, %dma_wait3A_281] : memref<10000x128xf32, #tpu.memory_space<hbm>> -> memref<64x128xf32, #tpu.memory_space<hbm>>
        tpu.wait_dma2 semaphore(%run_scoped3A : memref<!tpu.dma_semaphore, #tpu.memory_space<semaphore_mem>>) src(%dma_wait3A_282 : memref<64x128xf32, #tpu.memory_space<hbm>>) dst(%dma_wait3A_280 : memref<64x128xf32, #tpu.memory_space<vmem>>)
        tpu.yield
      }) : () -> ()
      %add3A_261 = arith.constant 560 : i32
      %add3A_262 = arith.addi %mul3A_6, %add3A_261 : i32
      "tpu.region"() ({
        %run_scoped3A = tpu.sem_alloc : memref<!tpu.dma_semaphore, #tpu.memory_space<semaphore_mem>>
        %dma_start3A_263 = arith.constant 0 : i32
        %dma_start3A_264 = arith.constant 0 : i32
        %dma_start3A_265 = tpu.memref_slice %arg8[%dma_start3A_263, %dma_start3A_264] : memref<80x128xf32, #tpu.memory_space<vmem>> -> memref<64x128xf32, #tpu.memory_space<vmem>>
        %dma_start3A_266 = arith.constant 0 : i32
        %dma_start3A_267 = tpu.memref_slice %arg9[%add3A_262, %dma_start3A_266] : memref<10000x128xf32, #tpu.memory_space<vmem_shared>> -> memref<64x128xf32, #tpu.memory_space<vmem_shared>>
        %dma_start3A_268 = arith.constant 0 : i32
        %dma_start3A_269 = tpu.memref_slice %arg9[%add3A_262, %dma_start3A_268] : memref<10000x128xf32, #tpu.memory_space<vmem_shared>> -> memref<64x128xf32, #tpu.memory_space<vmem_shared>>
        %dma_start3A_270 = arith.constant 0 : i32
        %dma_start3A_271 = arith.constant 0 : i32
        %dma_start3A_272 = tpu.memref_slice %arg8[%dma_start3A_270, %dma_start3A_271] : memref<80x128xf32, #tpu.memory_space<vmem>> -> memref<64x128xf32, #tpu.memory_space<vmem>>
        tpu.enqueue_dma source(%dma_start3A_272 : memref<64x128xf32, #tpu.memory_space<vmem>>) target(%dma_start3A_269 : memref<64x128xf32, #tpu.memory_space<vmem_shared>>) target_semaphore(%run_scoped3A : memref<!tpu.dma_semaphore, #tpu.memory_space<semaphore_mem>>)
        %dma_wait3A_273 = arith.constant 0 : i32
        %dma_wait3A_274 = arith.constant 0 : i32
        %dma_wait3A_275 = tpu.memref_slice %arg8[%dma_wait3A_273, %dma_wait3A_274] : memref<80x128xf32, #tpu.memory_space<vmem>> -> memref<64x128xf32, #tpu.memory_space<vmem>>
        %dma_wait3A_276 = arith.constant 0 : i32
        %dma_wait3A_277 = tpu.memref_slice %arg9[%add3A_262, %dma_wait3A_276] : memref<10000x128xf32, #tpu.memory_space<vmem_shared>> -> memref<64x128xf32, #tpu.memory_space<vmem_shared>>
        %dma_wait3A_278 = arith.constant 0 : i32
        %dma_wait3A_279 = tpu.memref_slice %arg9[%add3A_262, %dma_wait3A_278] : memref<10000x128xf32, #tpu.memory_space<vmem_shared>> -> memref<64x128xf32, #tpu.memory_space<vmem_shared>>
        %dma_wait3A_280 = arith.constant 0 : i32
        %dma_wait3A_281 = arith.constant 0 : i32
        %dma_wait3A_282 = tpu.memref_slice %arg8[%dma_wait3A_280, %dma_wait3A_281] : memref<80x128xf32, #tpu.memory_space<vmem>> -> memref<64x128xf32, #tpu.memory_space<vmem>>
        tpu.wait_dma2 semaphore(%run_scoped3A : memref<!tpu.dma_semaphore, #tpu.memory_space<semaphore_mem>>) src(%dma_wait3A_282 : memref<64x128xf32, #tpu.memory_space<vmem>>) dst(%dma_wait3A_279 : memref<64x128xf32, #tpu.memory_space<vmem_shared>>)
        tpu.yield
      }) : () -> ()
    } else {
    }
    %eq3A_140 = arith.constant 15 : i32
    %eq3A_141 = arith.cmpi eq, %arg1, %eq3A_140 : i32
    %convert_element_type3A_142 = arith.extui %eq3A_141 : i1 to i32
    %cond3A_143 = arith.constant 0 : i32
    %cond3A_144 = arith.cmpi ne, %convert_element_type3A_142, %cond3A_143 : i32
    scf.if %cond3A_144 {
      %add3A_259 = arith.constant 560 : i32
      %add3A_260 = arith.addi %mul3A_6, %add3A_259 : i32
      "tpu.region"() ({
        %run_scoped3A = tpu.sem_alloc : memref<!tpu.dma_semaphore, #tpu.memory_space<semaphore_mem>>
        %dma_start3A_263 = arith.constant 0 : i32
        %dma_start3A_264 = tpu.memref_slice %arg3[%add3A_260, %dma_start3A_263] : memref<10000x128xf32, #tpu.memory_space<hbm>> -> memref<80x128xf32, #tpu.memory_space<hbm>>
        %dma_start3A_265 = arith.constant 0 : i32
        %dma_start3A_266 = tpu.memref_slice %arg3[%add3A_260, %dma_start3A_265] : memref<10000x128xf32, #tpu.memory_space<hbm>> -> memref<80x128xf32, #tpu.memory_space<hbm>>
        tpu.enqueue_dma source(%dma_start3A_266 : memref<80x128xf32, #tpu.memory_space<hbm>>) target(%arg8 : memref<80x128xf32, #tpu.memory_space<vmem>>) target_semaphore(%run_scoped3A : memref<!tpu.dma_semaphore, #tpu.memory_space<semaphore_mem>>)
        %dma_wait3A_267 = arith.constant 0 : i32
        %dma_wait3A_268 = tpu.memref_slice %arg3[%add3A_260, %dma_wait3A_267] : memref<10000x128xf32, #tpu.memory_space<hbm>> -> memref<80x128xf32, #tpu.memory_space<hbm>>
        %dma_wait3A_269 = arith.constant 0 : i32
        %dma_wait3A_270 = tpu.memref_slice %arg3[%add3A_260, %dma_wait3A_269] : memref<10000x128xf32, #tpu.memory_space<hbm>> -> memref<80x128xf32, #tpu.memory_space<hbm>>
        tpu.wait_dma2 semaphore(%run_scoped3A : memref<!tpu.dma_semaphore, #tpu.memory_space<semaphore_mem>>) src(%dma_wait3A_270 : memref<80x128xf32, #tpu.memory_space<hbm>>) dst(%arg8 : memref<80x128xf32, #tpu.memory_space<vmem>>)
        tpu.yield
      }) : () -> ()
      %add3A_261 = arith.constant 560 : i32
      %add3A_262 = arith.addi %mul3A_6, %add3A_261 : i32
      "tpu.region"() ({
        %run_scoped3A = tpu.sem_alloc : memref<!tpu.dma_semaphore, #tpu.memory_space<semaphore_mem>>
        %dma_start3A_263 = arith.constant 0 : i32
        %dma_start3A_264 = tpu.memref_slice %arg9[%add3A_262, %dma_start3A_263] : memref<10000x128xf32, #tpu.memory_space<vmem_shared>> -> memref<80x128xf32, #tpu.memory_space<vmem_shared>>
        %dma_start3A_265 = arith.constant 0 : i32
        %dma_start3A_266 = tpu.memref_slice %arg9[%add3A_262, %dma_start3A_265] : memref<10000x128xf32, #tpu.memory_space<vmem_shared>> -> memref<80x128xf32, #tpu.memory_space<vmem_shared>>
        tpu.enqueue_dma source(%arg8 : memref<80x128xf32, #tpu.memory_space<vmem>>) target(%dma_start3A_266 : memref<80x128xf32, #tpu.memory_space<vmem_shared>>) target_semaphore(%run_scoped3A : memref<!tpu.dma_semaphore, #tpu.memory_space<semaphore_mem>>)
        %dma_wait3A_267 = arith.constant 0 : i32
        %dma_wait3A_268 = tpu.memref_slice %arg9[%add3A_262, %dma_wait3A_267] : memref<10000x128xf32, #tpu.memory_space<vmem_shared>> -> memref<80x128xf32, #tpu.memory_space<vmem_shared>>
        %dma_wait3A_269 = arith.constant 0 : i32
        %dma_wait3A_270 = tpu.memref_slice %arg9[%add3A_262, %dma_wait3A_269] : memref<10000x128xf32, #tpu.memory_space<vmem_shared>> -> memref<80x128xf32, #tpu.memory_space<vmem_shared>>
        tpu.wait_dma2 semaphore(%run_scoped3A : memref<!tpu.dma_semaphore, #tpu.memory_space<semaphore_mem>>) src(%arg8 : memref<80x128xf32, #tpu.memory_space<vmem>>) dst(%dma_wait3A_270 : memref<80x128xf32, #tpu.memory_space<vmem_shared>>)
        tpu.yield
      }) : () -> ()
    } else {
    }
    %barrier3A_145 = arith.constant 0 : index
    tpu.barrier barrier_id(%barrier3A_145)
    %rem3A_146 = arith.constant 0 : i32
    %rem3A_147 = arith.constant 2 : i32
    %rem3A_148 = arith.remsi %rem3A_146, %rem3A_147 : i32
    %add3A_149 = arith.constant 0 : i32
    %add3A_150 = arith.addi %mul3A_4, %add3A_149 : i32
    %mul3A_151 = arith.constant 256 : i32
    %mul3A_152 = arith.muli %add3A_150, %mul3A_151 : i32
    %dma_start3A_153 = arith.constant 0 : i32
    %dma_start3A_154 = tpu.memref_slice %arg6[%rem3A_148, %dma_start3A_153] : memref<2x256xi32, #tpu.memory_space<vmem>> -> memref<1x256xi32, #tpu.memory_space<vmem>>
    %dma_start3A_155 = tpu.memref_squeeze %dma_start3A_154 : memref<1x256xi32, #tpu.memory_space<vmem>> -> memref<256xi32, #tpu.memory_space<vmem>>
    %dma_start3A_156 = tpu.memref_slice %arg4[%mul3A_152] : memref<1024000xi32, #tpu.memory_space<hbm>> -> memref<256xi32, #tpu.memory_space<hbm>>
    %dma_start3A_157 = arith.constant 0 : i32
    %dma_start3A_158 = tpu.memref_slice %arg6[%rem3A_148, %dma_start3A_157] : memref<2x256xi32, #tpu.memory_space<vmem>> -> memref<1x256xi32, #tpu.memory_space<vmem>>
    %dma_start3A_159 = tpu.memref_squeeze %dma_start3A_158 : memref<1x256xi32, #tpu.memory_space<vmem>> -> memref<256xi32, #tpu.memory_space<vmem>>
    %dma_start3A_160 = tpu.memref_slice %arg4[%mul3A_152] : memref<1024000xi32, #tpu.memory_space<hbm>> -> memref<256xi32, #tpu.memory_space<hbm>>
    tpu.enqueue_dma source(%dma_start3A_160 : memref<256xi32, #tpu.memory_space<hbm>>) target(%dma_start3A_159 : memref<256xi32, #tpu.memory_space<vmem>>) target_semaphore(%arg10 : memref<!tpu.dma_semaphore, #tpu.memory_space<semaphore_mem>>)
    %rem3A_161 = arith.constant 0 : i32
    %rem3A_162 = arith.constant 2 : i32
    %rem3A_163 = arith.remsi %rem3A_161, %rem3A_162 : i32
    %dma_wait3A_164 = arith.constant 0 : i32
    %dma_wait3A_165 = tpu.memref_slice %arg6[%rem3A_163, %dma_wait3A_164] : memref<2x256xi32, #tpu.memory_space<vmem>> -> memref<1x256xi32, #tpu.memory_space<vmem>>
    %dma_wait3A_166 = tpu.memref_squeeze %dma_wait3A_165 : memref<1x256xi32, #tpu.memory_space<vmem>> -> memref<256xi32, #tpu.memory_space<vmem>>
    %dma_wait3A_167 = arith.constant 0 : i32
    %dma_wait3A_168 = tpu.memref_slice %arg4[%dma_wait3A_167] : memref<1024000xi32, #tpu.memory_space<hbm>> -> memref<256xi32, #tpu.memory_space<hbm>>
    %dma_wait3A_169 = arith.constant 0 : i32
    %dma_wait3A_170 = tpu.memref_slice %arg6[%rem3A_163, %dma_wait3A_169] : memref<2x256xi32, #tpu.memory_space<vmem>> -> memref<1x256xi32, #tpu.memory_space<vmem>>
    %dma_wait3A_171 = tpu.memref_squeeze %dma_wait3A_170 : memref<1x256xi32, #tpu.memory_space<vmem>> -> memref<256xi32, #tpu.memory_space<vmem>>
    %dma_wait3A_172 = arith.constant 0 : i32
    %dma_wait3A_173 = tpu.memref_slice %arg4[%dma_wait3A_172] : memref<1024000xi32, #tpu.memory_space<hbm>> -> memref<256xi32, #tpu.memory_space<hbm>>
    tpu.wait_dma2 semaphore(%arg10 : memref<!tpu.dma_semaphore, #tpu.memory_space<semaphore_mem>>) src(%dma_wait3A_173 : memref<256xi32, #tpu.memory_space<hbm>>) dst(%dma_wait3A_171 : memref<256xi32, #tpu.memory_space<vmem>>)
    %rem3A_174 = arith.constant 0 : i32
    %rem3A_175 = arith.constant 2 : i32
    %rem3A_176 = arith.remsi %rem3A_174, %rem3A_175 : i32
    %dma_start3A_177 = arith.constant 0 : i32
    %dma_start3A_178 = arith.constant 0 : i32
    %dma_start3A_179 = tpu.memref_slice %arg7[%rem3A_176, %dma_start3A_177, %dma_start3A_178] : memref<2x80x128xf32, #tpu.memory_space<vmem>> -> memref<1x80x128xf32, #tpu.memory_space<vmem>>
    %dma_start3A_180 = tpu.memref_squeeze %dma_start3A_179 : memref<1x80x128xf32, #tpu.memory_space<vmem>> -> memref<80x128xf32, #tpu.memory_space<vmem>>
    %dma_start3A_181 = arith.constant 0 : i32
    %dma_start3A_182 = tpu.memref_slice %arg6[%rem3A_176, %dma_start3A_181] : memref<2x256xi32, #tpu.memory_space<vmem>> -> memref<1x256xi32, #tpu.memory_space<vmem>>
    %dma_start3A_183 = tpu.memref_squeeze %dma_start3A_182 : memref<1x256xi32, #tpu.memory_space<vmem>> -> memref<256xi32, #tpu.memory_space<vmem>>
    %dma_start3A_184 = arith.constant 128 : i32
    %dma_start3A_185 = tpu.memref_slice %dma_start3A_183[%dma_start3A_184] : memref<256xi32, #tpu.memory_space<vmem>> -> memref<80xi32, #tpu.memory_space<vmem>>
    %dma_start3A_186 = arith.constant 0 : i32
    %dma_start3A_187 = arith.constant 0 : i32
    %dma_start3A_188 = tpu.memref_slice %arg9[%dma_start3A_186, %dma_start3A_187] : memref<10000x128xf32, #tpu.memory_space<vmem_shared>> -> memref<10000x128xf32, #tpu.memory_space<vmem_shared>>
    tpu.enqueue_indirect_dma source(%dma_start3A_188 : memref<10000x128xf32, #tpu.memory_space<vmem_shared>>) target(%dma_start3A_180 : memref<80x128xf32, #tpu.memory_space<vmem>>) offsets(%dma_start3A_185 : memref<80xi32, #tpu.memory_space<vmem>>) semaphore(%arg11 : memref<!tpu.dma_semaphore, #tpu.memory_space<semaphore_mem>>)
    %rem3A_189 = arith.constant 1 : i32
    %rem3A_190 = arith.constant 2 : i32
    %rem3A_191 = arith.remsi %rem3A_189, %rem3A_190 : i32
    %add3A_192 = arith.constant 1 : i32
    %add3A_193 = arith.addi %mul3A_4, %add3A_192 : i32
    %mul3A_194 = arith.constant 256 : i32
    %mul3A_195 = arith.muli %add3A_193, %mul3A_194 : i32
    %dma_start3A_196 = arith.constant 0 : i32
    %dma_start3A_197 = tpu.memref_slice %arg6[%rem3A_191, %dma_start3A_196] : memref<2x256xi32, #tpu.memory_space<vmem>> -> memref<1x256xi32, #tpu.memory_space<vmem>>
    %dma_start3A_198 = tpu.memref_squeeze %dma_start3A_197 : memref<1x256xi32, #tpu.memory_space<vmem>> -> memref<256xi32, #tpu.memory_space<vmem>>
    %dma_start3A_199 = tpu.memref_slice %arg4[%mul3A_195] : memref<1024000xi32, #tpu.memory_space<hbm>> -> memref<256xi32, #tpu.memory_space<hbm>>
    %dma_start3A_200 = arith.constant 0 : i32
    %dma_start3A_201 = tpu.memref_slice %arg6[%rem3A_191, %dma_start3A_200] : memref<2x256xi32, #tpu.memory_space<vmem>> -> memref<1x256xi32, #tpu.memory_space<vmem>>
    %dma_start3A_202 = tpu.memref_squeeze %dma_start3A_201 : memref<1x256xi32, #tpu.memory_space<vmem>> -> memref<256xi32, #tpu.memory_space<vmem>>
    %dma_start3A_203 = tpu.memref_slice %arg4[%mul3A_195] : memref<1024000xi32, #tpu.memory_space<hbm>> -> memref<256xi32, #tpu.memory_space<hbm>>
    tpu.enqueue_dma source(%dma_start3A_203 : memref<256xi32, #tpu.memory_space<hbm>>) target(%dma_start3A_202 : memref<256xi32, #tpu.memory_space<vmem>>) target_semaphore(%arg10 : memref<!tpu.dma_semaphore, #tpu.memory_space<semaphore_mem>>)
    %scan3A_204 = arith.constant 0 : i32
    %scan3A_205 = arith.constant 1 : i32
    %scan3A_206 = arith.constant 0 : i32
    %scan3A_207 = arith.constant 125 : i32
    %scan3A_208 = arith.addi %scan3A_206, %scan3A_207 : i32
    %scan3A_209 = arith.constant 1 : i32
    scf.for %scan3A_259 = %scan3A_206 to %scan3A_208 step %scan3A_209  : i32 {
      %rem3A_260 = arith.constant 2 : i32
      %rem3A_261 = arith.remsi %scan3A_259, %rem3A_260 : i32
      %dma_wait3A_262 = arith.constant 0 : i32
      %dma_wait3A_263 = arith.constant 0 : i32
      %dma_wait3A_264 = tpu.memref_slice %arg7[%rem3A_261, %dma_wait3A_262, %dma_wait3A_263] : memref<2x80x128xf32, #tpu.memory_space<vmem>> -> memref<1x80x128xf32, #tpu.memory_space<vmem>>
      %dma_wait3A_265 = tpu.memref_squeeze %dma_wait3A_264 : memref<1x80x128xf32, #tpu.memory_space<vmem>> -> memref<80x128xf32, #tpu.memory_space<vmem>>
      %dma_wait3A_266 = arith.constant 0 : i32
      %dma_wait3A_267 = tpu.memref_slice %arg6[%rem3A_261, %dma_wait3A_266] : memref<2x256xi32, #tpu.memory_space<vmem>> -> memref<1x256xi32, #tpu.memory_space<vmem>>
      %dma_wait3A_268 = tpu.memref_squeeze %dma_wait3A_267 : memref<1x256xi32, #tpu.memory_space<vmem>> -> memref<256xi32, #tpu.memory_space<vmem>>
      %dma_wait3A_269 = arith.constant 128 : i32
      %dma_wait3A_270 = tpu.memref_slice %dma_wait3A_268[%dma_wait3A_269] : memref<256xi32, #tpu.memory_space<vmem>> -> memref<80xi32, #tpu.memory_space<vmem>>
      %dma_wait3A_271 = arith.constant 0 : i32
      %dma_wait3A_272 = arith.constant 0 : i32
      %dma_wait3A_273 = tpu.memref_slice %arg9[%dma_wait3A_271, %dma_wait3A_272] : memref<10000x128xf32, #tpu.memory_space<vmem_shared>> -> memref<10000x128xf32, #tpu.memory_space<vmem_shared>>
      tpu.wait_indirect_dma semaphore(%arg11 : memref<!tpu.dma_semaphore, #tpu.memory_space<semaphore_mem>>) src(%dma_wait3A_273 : memref<10000x128xf32, #tpu.memory_space<vmem_shared>>) dst(%dma_wait3A_265 : memref<80x128xf32, #tpu.memory_space<vmem>>)
      %rem3A_274 = arith.constant 2 : i32
      %rem3A_275 = arith.remsi %scan3A_259, %rem3A_274 : i32
      %mul3A_276 = arith.constant 80 : i32
      %mul3A_277 = arith.muli %scan3A_259, %mul3A_276 : i32
      %add3A_278 = arith.addi %mul3A_2, %mul3A_277 : i32
      %dma_start3A_279 = arith.constant 0 : i32
      %dma_start3A_280 = arith.constant 0 : i32
      %dma_start3A_281 = tpu.memref_slice %arg7[%rem3A_275, %dma_start3A_279, %dma_start3A_280] : memref<2x80x128xf32, #tpu.memory_space<vmem>> -> memref<1x80x128xf32, #tpu.memory_space<vmem>>
      %dma_start3A_282 = tpu.memref_squeeze %dma_start3A_281 : memref<1x80x128xf32, #tpu.memory_space<vmem>> -> memref<80x128xf32, #tpu.memory_space<vmem>>
      %dma_start3A_283 = arith.constant 0 : i32
      %dma_start3A_284 = arith.constant 0 : i32
      %dma_start3A_285 = tpu.memref_slice %arg5[%scan3A_205, %dma_start3A_283, %dma_start3A_284] : memref<2x320000x128xf32, #tpu.memory_space<hbm>> -> memref<1x320000x128xf32, #tpu.memory_space<hbm>>
      %dma_start3A_286 = tpu.memref_squeeze %dma_start3A_285 : memref<1x320000x128xf32, #tpu.memory_space<hbm>> -> memref<320000x128xf32, #tpu.memory_space<hbm>>
      %dma_start3A_287 = arith.constant 0 : i32
      %dma_start3A_288 = tpu.memref_slice %dma_start3A_286[%add3A_278, %dma_start3A_287] : memref<320000x128xf32, #tpu.memory_space<hbm>> -> memref<80x128xf32, #tpu.memory_space<hbm>>
      %dma_start3A_289 = arith.constant 0 : i32
      %dma_start3A_290 = arith.constant 0 : i32
      %dma_start3A_291 = tpu.memref_slice %arg5[%scan3A_205, %dma_start3A_289, %dma_start3A_290] : memref<2x320000x128xf32, #tpu.memory_space<hbm>> -> memref<1x320000x128xf32, #tpu.memory_space<hbm>>
      %dma_start3A_292 = tpu.memref_squeeze %dma_start3A_291 : memref<1x320000x128xf32, #tpu.memory_space<hbm>> -> memref<320000x128xf32, #tpu.memory_space<hbm>>
      %dma_start3A_293 = arith.constant 0 : i32
      %dma_start3A_294 = tpu.memref_slice %dma_start3A_292[%add3A_278, %dma_start3A_293] : memref<320000x128xf32, #tpu.memory_space<hbm>> -> memref<80x128xf32, #tpu.memory_space<hbm>>
      %dma_start3A_295 = arith.constant 0 : i32
      %dma_start3A_296 = arith.constant 0 : i32
      %dma_start3A_297 = tpu.memref_slice %arg7[%rem3A_275, %dma_start3A_295, %dma_start3A_296] : memref<2x80x128xf32, #tpu.memory_space<vmem>> -> memref<1x80x128xf32, #tpu.memory_space<vmem>>
      %dma_start3A_298 = tpu.memref_squeeze %dma_start3A_297 : memref<1x80x128xf32, #tpu.memory_space<vmem>> -> memref<80x128xf32, #tpu.memory_space<vmem>>
      tpu.enqueue_dma source(%dma_start3A_298 : memref<80x128xf32, #tpu.memory_space<vmem>>) target(%dma_start3A_294 : memref<80x128xf32, #tpu.memory_space<hbm>>) target_semaphore(%arg12 : memref<!tpu.dma_semaphore, #tpu.memory_space<semaphore_mem>>)
      %add3A_299 = arith.constant 1 : i32
      %add3A_300 = arith.addi %scan3A_259, %add3A_299 : i32
      %lt3A_301 = arith.constant 125 : i32
      %lt3A_302 = arith.cmpi slt, %add3A_300, %lt3A_301 : i32
      %convert_element_type3A_303 = arith.extui %lt3A_302 : i1 to i32
      %cond3A_304 = arith.constant 0 : i32
      %cond3A_305 = arith.cmpi ne, %convert_element_type3A_303, %cond3A_304 : i32
      scf.if %cond3A_305 {
        %ge3A = arith.constant 1 : i32
        %ge3A_306 = arith.cmpi sge, %scan3A_259, %ge3A : i32
        %convert_element_type3A_307 = arith.extui %ge3A_306 : i1 to i32
        %cond3A_308 = arith.constant 0 : i32
        %cond3A_309 = arith.cmpi ne, %convert_element_type3A_307, %cond3A_308 : i32
        scf.if %cond3A_309 {
          %sub3A = arith.constant 1 : i32
          %sub3A_347 = arith.subi %scan3A_259, %sub3A : i32
          %rem3A_348 = arith.constant 2 : i32
          %rem3A_349 = arith.remsi %sub3A_347, %rem3A_348 : i32
          %dma_wait3A_350 = arith.constant 0 : i32
          %dma_wait3A_351 = arith.constant 0 : i32
          %dma_wait3A_352 = tpu.memref_slice %arg7[%rem3A_349, %dma_wait3A_350, %dma_wait3A_351] : memref<2x80x128xf32, #tpu.memory_space<vmem>> -> memref<1x80x128xf32, #tpu.memory_space<vmem>>
          %dma_wait3A_353 = tpu.memref_squeeze %dma_wait3A_352 : memref<1x80x128xf32, #tpu.memory_space<vmem>> -> memref<80x128xf32, #tpu.memory_space<vmem>>
          %dma_wait3A_354 = arith.constant 0 : i32
          %dma_wait3A_355 = arith.constant 0 : i32
          %dma_wait3A_356 = tpu.memref_slice %arg5[%scan3A_205, %dma_wait3A_354, %dma_wait3A_355] : memref<2x320000x128xf32, #tpu.memory_space<hbm>> -> memref<1x320000x128xf32, #tpu.memory_space<hbm>>
          %dma_wait3A_357 = tpu.memref_squeeze %dma_wait3A_356 : memref<1x320000x128xf32, #tpu.memory_space<hbm>> -> memref<320000x128xf32, #tpu.memory_space<hbm>>
          %dma_wait3A_358 = arith.constant 0 : i32
          %dma_wait3A_359 = tpu.memref_slice %dma_wait3A_357[%mul3A_2, %dma_wait3A_358] : memref<320000x128xf32, #tpu.memory_space<hbm>> -> memref<80x128xf32, #tpu.memory_space<hbm>>
          %dma_wait3A_360 = arith.constant 0 : i32
          %dma_wait3A_361 = arith.constant 0 : i32
          %dma_wait3A_362 = tpu.memref_slice %arg5[%scan3A_205, %dma_wait3A_360, %dma_wait3A_361] : memref<2x320000x128xf32, #tpu.memory_space<hbm>> -> memref<1x320000x128xf32, #tpu.memory_space<hbm>>
          %dma_wait3A_363 = tpu.memref_squeeze %dma_wait3A_362 : memref<1x320000x128xf32, #tpu.memory_space<hbm>> -> memref<320000x128xf32, #tpu.memory_space<hbm>>
          %dma_wait3A_364 = arith.constant 0 : i32
          %dma_wait3A_365 = tpu.memref_slice %dma_wait3A_363[%mul3A_2, %dma_wait3A_364] : memref<320000x128xf32, #tpu.memory_space<hbm>> -> memref<80x128xf32, #tpu.memory_space<hbm>>
          %dma_wait3A_366 = arith.constant 0 : i32
          %dma_wait3A_367 = arith.constant 0 : i32
          %dma_wait3A_368 = tpu.memref_slice %arg7[%rem3A_349, %dma_wait3A_366, %dma_wait3A_367] : memref<2x80x128xf32, #tpu.memory_space<vmem>> -> memref<1x80x128xf32, #tpu.memory_space<vmem>>
          %dma_wait3A_369 = tpu.memref_squeeze %dma_wait3A_368 : memref<1x80x128xf32, #tpu.memory_space<vmem>> -> memref<80x128xf32, #tpu.memory_space<vmem>>
          tpu.wait_dma2 semaphore(%arg12 : memref<!tpu.dma_semaphore, #tpu.memory_space<semaphore_mem>>) src(%dma_wait3A_369 : memref<80x128xf32, #tpu.memory_space<vmem>>) dst(%dma_wait3A_365 : memref<80x128xf32, #tpu.memory_space<hbm>>)
        } else {
        }
        %add3A_310 = arith.constant 1 : i32
        %add3A_311 = arith.addi %scan3A_259, %add3A_310 : i32
        %rem3A_312 = arith.constant 2 : i32
        %rem3A_313 = arith.remsi %add3A_311, %rem3A_312 : i32
        %dma_wait3A_314 = arith.constant 0 : i32
        %dma_wait3A_315 = tpu.memref_slice %arg6[%rem3A_313, %dma_wait3A_314] : memref<2x256xi32, #tpu.memory_space<vmem>> -> memref<1x256xi32, #tpu.memory_space<vmem>>
        %dma_wait3A_316 = tpu.memref_squeeze %dma_wait3A_315 : memref<1x256xi32, #tpu.memory_space<vmem>> -> memref<256xi32, #tpu.memory_space<vmem>>
        %dma_wait3A_317 = arith.constant 0 : i32
        %dma_wait3A_318 = tpu.memref_slice %arg4[%dma_wait3A_317] : memref<1024000xi32, #tpu.memory_space<hbm>> -> memref<256xi32, #tpu.memory_space<hbm>>
        %dma_wait3A_319 = arith.constant 0 : i32
        %dma_wait3A_320 = tpu.memref_slice %arg6[%rem3A_313, %dma_wait3A_319] : memref<2x256xi32, #tpu.memory_space<vmem>> -> memref<1x256xi32, #tpu.memory_space<vmem>>
        %dma_wait3A_321 = tpu.memref_squeeze %dma_wait3A_320 : memref<1x256xi32, #tpu.memory_space<vmem>> -> memref<256xi32, #tpu.memory_space<vmem>>
        %dma_wait3A_322 = arith.constant 0 : i32
        %dma_wait3A_323 = tpu.memref_slice %arg4[%dma_wait3A_322] : memref<1024000xi32, #tpu.memory_space<hbm>> -> memref<256xi32, #tpu.memory_space<hbm>>
        tpu.wait_dma2 semaphore(%arg10 : memref<!tpu.dma_semaphore, #tpu.memory_space<semaphore_mem>>) src(%dma_wait3A_323 : memref<256xi32, #tpu.memory_space<hbm>>) dst(%dma_wait3A_321 : memref<256xi32, #tpu.memory_space<vmem>>)
        %add3A_324 = arith.constant 1 : i32
        %add3A_325 = arith.addi %scan3A_259, %add3A_324 : i32
        %rem3A_326 = arith.constant 2 : i32
        %rem3A_327 = arith.remsi %add3A_325, %rem3A_326 : i32
        %dma_start3A_328 = arith.constant 0 : i32
        %dma_start3A_329 = arith.constant 0 : i32
        %dma_start3A_330 = tpu.memref_slice %arg7[%rem3A_327, %dma_start3A_328, %dma_start3A_329] : memref<2x80x128xf32, #tpu.memory_space<vmem>> -> memref<1x80x128xf32, #tpu.memory_space<vmem>>
        %dma_start3A_331 = tpu.memref_squeeze %dma_start3A_330 : memref<1x80x128xf32, #tpu.memory_space<vmem>> -> memref<80x128xf32, #tpu.memory_space<vmem>>
        %dma_start3A_332 = arith.constant 0 : i32
        %dma_start3A_333 = tpu.memref_slice %arg6[%rem3A_327, %dma_start3A_332] : memref<2x256xi32, #tpu.memory_space<vmem>> -> memref<1x256xi32, #tpu.memory_space<vmem>>
        %dma_start3A_334 = tpu.memref_squeeze %dma_start3A_333 : memref<1x256xi32, #tpu.memory_space<vmem>> -> memref<256xi32, #tpu.memory_space<vmem>>
        %dma_start3A_335 = arith.constant 128 : i32
        %dma_start3A_336 = tpu.memref_slice %dma_start3A_334[%dma_start3A_335] : memref<256xi32, #tpu.memory_space<vmem>> -> memref<80xi32, #tpu.memory_space<vmem>>
        %dma_start3A_337 = arith.constant 0 : i32
        %dma_start3A_338 = arith.constant 0 : i32
        %dma_start3A_339 = tpu.memref_slice %arg9[%dma_start3A_337, %dma_start3A_338] : memref<10000x128xf32, #tpu.memory_space<vmem_shared>> -> memref<10000x128xf32, #tpu.memory_space<vmem_shared>>
        tpu.enqueue_indirect_dma source(%dma_start3A_339 : memref<10000x128xf32, #tpu.memory_space<vmem_shared>>) target(%dma_start3A_331 : memref<80x128xf32, #tpu.memory_space<vmem>>) offsets(%dma_start3A_336 : memref<80xi32, #tpu.memory_space<vmem>>) semaphore(%arg11 : memref<!tpu.dma_semaphore, #tpu.memory_space<semaphore_mem>>)
        %add3A_340 = arith.constant 2 : i32
        %add3A_341 = arith.addi %scan3A_259, %add3A_340 : i32
        %lt3A_342 = arith.constant 125 : i32
        %lt3A_343 = arith.cmpi slt, %add3A_341, %lt3A_342 : i32
        %convert_element_type3A_344 = arith.extui %lt3A_343 : i1 to i32
        %cond3A_345 = arith.constant 0 : i32
        %cond3A_346 = arith.cmpi ne, %convert_element_type3A_344, %cond3A_345 : i32
        scf.if %cond3A_346 {
          %add3A_347 = arith.constant 2 : i32
          %add3A_348 = arith.addi %scan3A_259, %add3A_347 : i32
          %rem3A_349 = arith.constant 2 : i32
          %rem3A_350 = arith.remsi %add3A_348, %rem3A_349 : i32
          %add3A_351 = arith.addi %mul3A_4, %add3A_348 : i32
          %mul3A_352 = arith.constant 256 : i32
          %mul3A_353 = arith.muli %add3A_351, %mul3A_352 : i32
          %dma_start3A_354 = arith.constant 0 : i32
          %dma_start3A_355 = tpu.memref_slice %arg6[%rem3A_350, %dma_start3A_354] : memref<2x256xi32, #tpu.memory_space<vmem>> -> memref<1x256xi32, #tpu.memory_space<vmem>>
          %dma_start3A_356 = tpu.memref_squeeze %dma_start3A_355 : memref<1x256xi32, #tpu.memory_space<vmem>> -> memref<256xi32, #tpu.memory_space<vmem>>
          %dma_start3A_357 = tpu.memref_slice %arg4[%mul3A_353] : memref<1024000xi32, #tpu.memory_space<hbm>> -> memref<256xi32, #tpu.memory_space<hbm>>
          %dma_start3A_358 = arith.constant 0 : i32
          %dma_start3A_359 = tpu.memref_slice %arg6[%rem3A_350, %dma_start3A_358] : memref<2x256xi32, #tpu.memory_space<vmem>> -> memref<1x256xi32, #tpu.memory_space<vmem>>
          %dma_start3A_360 = tpu.memref_squeeze %dma_start3A_359 : memref<1x256xi32, #tpu.memory_space<vmem>> -> memref<256xi32, #tpu.memory_space<vmem>>
          %dma_start3A_361 = tpu.memref_slice %arg4[%mul3A_353] : memref<1024000xi32, #tpu.memory_space<hbm>> -> memref<256xi32, #tpu.memory_space<hbm>>
          tpu.enqueue_dma source(%dma_start3A_361 : memref<256xi32, #tpu.memory_space<hbm>>) target(%dma_start3A_360 : memref<256xi32, #tpu.memory_space<vmem>>) target_semaphore(%arg10 : memref<!tpu.dma_semaphore, #tpu.memory_space<semaphore_mem>>)
        } else {
        }
      } else {
      }
    }
    %scan3A_210 = arith.constant 125 : i32
    %rem3A_211 = arith.constant 123 : i32
    %rem3A_212 = arith.constant 2 : i32
    %rem3A_213 = arith.remsi %rem3A_211, %rem3A_212 : i32
    %dma_wait3A_214 = arith.constant 1 : i32
    %dma_wait3A_215 = arith.constant 0 : i32
    %dma_wait3A_216 = arith.constant 0 : i32
    %dma_wait3A_217 = tpu.memref_slice %arg7[%rem3A_213, %dma_wait3A_215, %dma_wait3A_216] : memref<2x80x128xf32, #tpu.memory_space<vmem>> -> memref<1x80x128xf32, #tpu.memory_space<vmem>>
    %dma_wait3A_218 = tpu.memref_squeeze %dma_wait3A_217 : memref<1x80x128xf32, #tpu.memory_space<vmem>> -> memref<80x128xf32, #tpu.memory_space<vmem>>
    %dma_wait3A_219 = arith.constant 0 : i32
    %dma_wait3A_220 = arith.constant 0 : i32
    %dma_wait3A_221 = tpu.memref_slice %arg5[%dma_wait3A_214, %dma_wait3A_219, %dma_wait3A_220] : memref<2x320000x128xf32, #tpu.memory_space<hbm>> -> memref<1x320000x128xf32, #tpu.memory_space<hbm>>
    %dma_wait3A_222 = tpu.memref_squeeze %dma_wait3A_221 : memref<1x320000x128xf32, #tpu.memory_space<hbm>> -> memref<320000x128xf32, #tpu.memory_space<hbm>>
    %dma_wait3A_223 = arith.constant 0 : i32
    %dma_wait3A_224 = tpu.memref_slice %dma_wait3A_222[%mul3A_2, %dma_wait3A_223] : memref<320000x128xf32, #tpu.memory_space<hbm>> -> memref<80x128xf32, #tpu.memory_space<hbm>>
    %dma_wait3A_225 = arith.constant 0 : i32
    %dma_wait3A_226 = arith.constant 0 : i32
    %dma_wait3A_227 = tpu.memref_slice %arg5[%dma_wait3A_214, %dma_wait3A_225, %dma_wait3A_226] : memref<2x320000x128xf32, #tpu.memory_space<hbm>> -> memref<1x320000x128xf32, #tpu.memory_space<hbm>>
    %dma_wait3A_228 = tpu.memref_squeeze %dma_wait3A_227 : memref<1x320000x128xf32, #tpu.memory_space<hbm>> -> memref<320000x128xf32, #tpu.memory_space<hbm>>
    %dma_wait3A_229 = arith.constant 0 : i32
    %dma_wait3A_230 = tpu.memref_slice %dma_wait3A_228[%mul3A_2, %dma_wait3A_229] : memref<320000x128xf32, #tpu.memory_space<hbm>> -> memref<80x128xf32, #tpu.memory_space<hbm>>
    %dma_wait3A_231 = arith.constant 0 : i32
    %dma_wait3A_232 = arith.constant 0 : i32
    %dma_wait3A_233 = tpu.memref_slice %arg7[%rem3A_213, %dma_wait3A_231, %dma_wait3A_232] : memref<2x80x128xf32, #tpu.memory_space<vmem>> -> memref<1x80x128xf32, #tpu.memory_space<vmem>>
    %dma_wait3A_234 = tpu.memref_squeeze %dma_wait3A_233 : memref<1x80x128xf32, #tpu.memory_space<vmem>> -> memref<80x128xf32, #tpu.memory_space<vmem>>
    tpu.wait_dma2 semaphore(%arg12 : memref<!tpu.dma_semaphore, #tpu.memory_space<semaphore_mem>>) src(%dma_wait3A_234 : memref<80x128xf32, #tpu.memory_space<vmem>>) dst(%dma_wait3A_230 : memref<80x128xf32, #tpu.memory_space<hbm>>)
    %rem3A_235 = arith.constant 124 : i32
    %rem3A_236 = arith.constant 2 : i32
    %rem3A_237 = arith.remsi %rem3A_235, %rem3A_236 : i32
    %dma_wait3A_238 = arith.constant 1 : i32
    %dma_wait3A_239 = arith.constant 0 : i32
    %dma_wait3A_240 = arith.constant 0 : i32
    %dma_wait3A_241 = tpu.memref_slice %arg7[%rem3A_237, %dma_wait3A_239, %dma_wait3A_240] : memref<2x80x128xf32, #tpu.memory_space<vmem>> -> memref<1x80x128xf32, #tpu.memory_space<vmem>>
    %dma_wait3A_242 = tpu.memref_squeeze %dma_wait3A_241 : memref<1x80x128xf32, #tpu.memory_space<vmem>> -> memref<80x128xf32, #tpu.memory_space<vmem>>
    %dma_wait3A_243 = arith.constant 0 : i32
    %dma_wait3A_244 = arith.constant 0 : i32
    %dma_wait3A_245 = tpu.memref_slice %arg5[%dma_wait3A_238, %dma_wait3A_243, %dma_wait3A_244] : memref<2x320000x128xf32, #tpu.memory_space<hbm>> -> memref<1x320000x128xf32, #tpu.memory_space<hbm>>
    %dma_wait3A_246 = tpu.memref_squeeze %dma_wait3A_245 : memref<1x320000x128xf32, #tpu.memory_space<hbm>> -> memref<320000x128xf32, #tpu.memory_space<hbm>>
    %dma_wait3A_247 = arith.constant 0 : i32
    %dma_wait3A_248 = tpu.memref_slice %dma_wait3A_246[%mul3A_2, %dma_wait3A_247] : memref<320000x128xf32, #tpu.memory_space<hbm>> -> memref<80x128xf32, #tpu.memory_space<hbm>>
    %dma_wait3A_249 = arith.constant 0 : i32
    %dma_wait3A_250 = arith.constant 0 : i32
    %dma_wait3A_251 = tpu.memref_slice %arg5[%dma_wait3A_238, %dma_wait3A_249, %dma_wait3A_250] : memref<2x320000x128xf32, #tpu.memory_space<hbm>> -> memref<1x320000x128xf32, #tpu.memory_space<hbm>>
    %dma_wait3A_252 = tpu.memref_squeeze %dma_wait3A_251 : memref<1x320000x128xf32, #tpu.memory_space<hbm>> -> memref<320000x128xf32, #tpu.memory_space<hbm>>
    %dma_wait3A_253 = arith.constant 0 : i32
    %dma_wait3A_254 = tpu.memref_slice %dma_wait3A_252[%mul3A_2, %dma_wait3A_253] : memref<320000x128xf32, #tpu.memory_space<hbm>> -> memref<80x128xf32, #tpu.memory_space<hbm>>
    %dma_wait3A_255 = arith.constant 0 : i32
    %dma_wait3A_256 = arith.constant 0 : i32
    %dma_wait3A_257 = tpu.memref_slice %arg7[%rem3A_237, %dma_wait3A_255, %dma_wait3A_256] : memref<2x80x128xf32, #tpu.memory_space<vmem>> -> memref<1x80x128xf32, #tpu.memory_space<vmem>>
    %dma_wait3A_258 = tpu.memref_squeeze %dma_wait3A_257 : memref<1x80x128xf32, #tpu.memory_space<vmem>> -> memref<80x128xf32, #tpu.memory_space<vmem>>
    tpu.wait_dma2 semaphore(%arg12 : memref<!tpu.dma_semaphore, #tpu.memory_space<semaphore_mem>>) src(%dma_wait3A_258 : memref<80x128xf32, #tpu.memory_space<vmem>>) dst(%dma_wait3A_254 : memref<80x128xf32, #tpu.memory_space<hbm>>)
    return
  }
}

module attributes {stable_mosaic.version = 14 : i64} {
  func.func @_proj_body(%arg0: i32, %arg1: memref<5000x128xf32, #tpu.memory_space<vmem>>, %arg2: memref<128x384xf32, #tpu.memory_space<vmem>>, %arg3: memref<5000x128xf32, #tpu.memory_space<vmem>>, %arg4: memref<5000x128xf32, #tpu.memory_space<vmem>>, %arg5: memref<5000x128xf32, #tpu.memory_space<vmem>>) attributes {dimension_semantics = [#tpu.dimension_semantics<arbitrary>], iteration_bounds = array<i64: 2>, scalar_prefetch = 0 : i64, scratch_operands = 0 : i64, tpu.core_type = #tpu.core_type<tc>, window_params = [{transform_indices = @transform_0, window_bounds = array<i64: 5000, 128>}, {pipeline_mode = #tpu.pipeline_mode<synchronous>, transform_indices = @transform_1, window_bounds = array<i64: 128, 384>}, {transform_indices = @transform_2, window_bounds = array<i64: 5000, 128>}, {transform_indices = @transform_3, window_bounds = array<i64: 5000, 128>}, {transform_indices = @transform_4, window_bounds = array<i64: 5000, 128>}]} {
    %get3A = arith.constant 0 : index
    %get3A_0 = arith.constant 0 : index
    %get3A_1 = vector.load %arg1[%get3A, %get3A_0] : memref<5000x128xf32, #tpu.memory_space<vmem>>, vector<5000x128xf32>
    %get3A_2 = arith.constant 0 : index
    %get3A_3 = arith.constant 0 : index
    %get3A_4 = vector.load %arg2[%get3A_2, %get3A_3] : memref<128x384xf32, #tpu.memory_space<vmem>>, vector<128x384xf32>
    %dot_general3A = arith.constant dense<0.000000e+00> : vector<5000x384xf32>
    %dot_general3A_5 = tpu.matmul %get3A_1, %get3A_4, %dot_general3A {dimension_numbers = #tpu.dot_dimension_numbers<[1], [0], [0], [1], [0, 0, 1, 1], [], []>, transpose_lhs_hint = false} : vector<5000x128xf32>, vector<128x384xf32>, vector<5000x384xf32> -> vector<5000x384xf32>
    %slice3A = vector.extract_strided_slice %dot_general3A_5 {offsets = [0, 0], sizes = [5000, 128], strides = [1, 1]} : vector<5000x384xf32> to vector<5000x128xf32>
    %swap3A = arith.constant 0 : index
    %swap3A_6 = arith.constant 0 : index
    %swap3A_7 = vector.load %arg3[%swap3A, %swap3A_6] : memref<5000x128xf32, #tpu.memory_space<vmem>>, vector<5000x128xf32>
    tpu.vector_store %arg3[%swap3A, %swap3A_6], %slice3A {strides = array<i32>} : memref<5000x128xf32, #tpu.memory_space<vmem>>, vector<5000x128xf32>,
    %slice3A_8 = vector.extract_strided_slice %dot_general3A_5 {offsets = [0, 128], sizes = [5000, 128], strides = [1, 1]} : vector<5000x384xf32> to vector<5000x128xf32>
    %swap3A_9 = arith.constant 0 : index
    %swap3A_10 = arith.constant 0 : index
    %swap3A_11 = vector.load %arg4[%swap3A_9, %swap3A_10] : memref<5000x128xf32, #tpu.memory_space<vmem>>, vector<5000x128xf32>
    tpu.vector_store %arg4[%swap3A_9, %swap3A_10], %slice3A_8 {strides = array<i32>} : memref<5000x128xf32, #tpu.memory_space<vmem>>, vector<5000x128xf32>,
    %slice3A_12 = vector.extract_strided_slice %dot_general3A_5 {offsets = [0, 256], sizes = [5000, 128], strides = [1, 1]} : vector<5000x384xf32> to vector<5000x128xf32>
    %swap3A_13 = arith.constant 0 : index
    %swap3A_14 = arith.constant 0 : index
    %swap3A_15 = vector.load %arg5[%swap3A_13, %swap3A_14] : memref<5000x128xf32, #tpu.memory_space<vmem>>, vector<5000x128xf32>
    tpu.vector_store %arg5[%swap3A_13, %swap3A_14], %slice3A_12 {strides = array<i32>} : memref<5000x128xf32, #tpu.memory_space<vmem>>, vector<5000x128xf32>,
    return
  }
  func.func @transform_0(%arg0: i32) -> (i32, i32) {
    %c0_i32 = arith.constant 0 : i32
    %c0_i32_0 = arith.constant 0 : i32
    return %arg0, %c0_i32 : i32, i32
  }
  func.func @transform_1(%arg0: i32) -> (i32, i32) {
    %c0_i32 = arith.constant 0 : i32
    %c0_i32_0 = arith.constant 0 : i32
    %c0_i32_1 = arith.constant 0 : i32
    return %c0_i32, %c0_i32_0 : i32, i32
  }
  func.func @transform_2(%arg0: i32) -> (i32, i32) {
    %c0_i32 = arith.constant 0 : i32
    %c0_i32_0 = arith.constant 0 : i32
    return %arg0, %c0_i32 : i32, i32
  }
  func.func @transform_3(%arg0: i32) -> (i32, i32) {
    %c0_i32 = arith.constant 0 : i32
    %c0_i32_0 = arith.constant 0 : i32
    return %arg0, %c0_i32 : i32, i32
  }
  func.func @transform_4(%arg0: i32) -> (i32, i32) {
    %c0_i32 = arith.constant 0 : i32
    %c0_i32_0 = arith.constant 0 : i32
    return %arg0, %c0_i32 : i32, i32
  }
}

module attributes {stable_mosaic.version = 14 : i64} {
  func.func @_score_body(%arg0: i32, %arg1: memref<1x8000x128xf32, #tpu.memory_space<vmem>>, %arg2: memref<1x8000x128xf32, #tpu.memory_space<vmem>>, %arg3: memref<8000x16xf32, #tpu.memory_space<vmem>>, %arg4: memref<16x128xf32, #tpu.memory_space<vmem>>, %arg5: memref<128x16xf32, #tpu.memory_space<vmem>>, %arg6: memref<8000x16xf32, #tpu.memory_space<vmem>>) attributes {dimension_semantics = [#tpu.dimension_semantics<arbitrary>], iteration_bounds = array<i64: 40>, scalar_prefetch = 0 : i64, scratch_operands = 0 : i64, tpu.core_type = #tpu.core_type<tc>, window_params = [{transform_indices = @transform_0, window_bounds = array<i64: 1, 8000, 128>}, {transform_indices = @transform_1, window_bounds = array<i64: 1, 8000, 128>}, {transform_indices = @transform_2, window_bounds = array<i64: 8000, 16>}, {pipeline_mode = #tpu.pipeline_mode<synchronous>, transform_indices = @transform_3, window_bounds = array<i64: 16, 128>}, {pipeline_mode = #tpu.pipeline_mode<synchronous>, transform_indices = @transform_4, window_bounds = array<i64: 128, 16>}, {transform_indices = @transform_5, window_bounds = array<i64: 8000, 16>}]} {
    %get3A = arith.constant 0 : index
    %get3A_0 = arith.constant 0 : index
    %get3A_1 = vector.load %arg3[%get3A, %get3A_0] : memref<8000x16xf32, #tpu.memory_space<vmem>>, vector<8000x16xf32>
    %get3A_2 = arith.constant 0 : index
    %get3A_3 = arith.constant 0 : index
    %get3A_4 = vector.load %arg4[%get3A_2, %get3A_3] : memref<16x128xf32, #tpu.memory_space<vmem>>, vector<16x128xf32>
    %dot_general3A = arith.constant dense<0.000000e+00> : vector<8000x128xf32>
    %dot_general3A_5 = tpu.matmul %get3A_1, %get3A_4, %dot_general3A {dimension_numbers = #tpu.dot_dimension_numbers<[1], [0], [0], [1], [0, 0, 1, 1], [], []>, transpose_lhs_hint = false} : vector<8000x16xf32>, vector<16x128xf32>, vector<8000x128xf32> -> vector<8000x128xf32>
    %get3A_6 = arith.constant 0 : index
    %get3A_7 = arith.constant 0 : index
    %get3A_8 = arith.constant 0 : index
    %get3A_9 = vector.load %arg1[%get3A_6, %get3A_7, %get3A_8] : memref<1x8000x128xf32, #tpu.memory_space<vmem>>, vector<1x8000x128xf32>
    %get3A_10 = vector.shape_cast %get3A_9 : vector<1x8000x128xf32> to vector<8000x128xf32>
    %get3A_11 = arith.constant 0 : index
    %get3A_12 = arith.constant 0 : index
    %get3A_13 = arith.constant 0 : index
    %get3A_14 = vector.load %arg2[%get3A_11, %get3A_12, %get3A_13] : memref<1x8000x128xf32, #tpu.memory_space<vmem>>, vector<1x8000x128xf32>
    %get3A_15 = vector.shape_cast %get3A_14 : vector<1x8000x128xf32> to vector<8000x128xf32>
    %mul3A = arith.mulf %get3A_10, %get3A_15 : vector<8000x128xf32>
    %mul3A_16 = arith.mulf %mul3A, %dot_general3A_5 : vector<8000x128xf32>
    %get3A_17 = arith.constant 0 : index
    %get3A_18 = arith.constant 0 : index
    %get3A_19 = vector.load %arg5[%get3A_17, %get3A_18] : memref<128x16xf32, #tpu.memory_space<vmem>>, vector<128x16xf32>
    %dot_general3A_20 = arith.constant dense<0.000000e+00> : vector<8000x16xf32>
    %dot_general3A_21 = tpu.matmul %mul3A_16, %get3A_19, %dot_general3A_20 {dimension_numbers = #tpu.dot_dimension_numbers<[1], [0], [0], [1], [0, 0, 1, 1], [], []>, transpose_lhs_hint = false} : vector<8000x128xf32>, vector<128x16xf32>, vector<8000x16xf32> -> vector<8000x16xf32>
    %jit3A = arith.constant -5.000000e+00 : f32
    %jit3A_22 = arith.constant 5.000000e+00 : f32
    %max3A = vector.broadcast %jit3A : f32 to vector<8000x16xf32>
    %max3A_23 = arith.maximumf %max3A, %dot_general3A_21 : vector<8000x16xf32>
    %min3A = vector.broadcast %jit3A_22 : f32 to vector<8000x16xf32>
    %min3A_24 = arith.minimumf %min3A, %max3A_23 : vector<8000x16xf32>
    %exp3A = math.exp %min3A_24 : vector<8000x16xf32>
    %swap3A = arith.constant 0 : index
    %swap3A_25 = arith.constant 0 : index
    %swap3A_26 = vector.load %arg6[%swap3A, %swap3A_25] : memref<8000x16xf32, #tpu.memory_space<vmem>>, vector<8000x16xf32>
    tpu.vector_store %arg6[%swap3A, %swap3A_25], %exp3A {strides = array<i32>} : memref<8000x16xf32, #tpu.memory_space<vmem>>, vector<8000x16xf32>,
    return
  }
  func.func @transform_0(%arg0: i32) -> (i32, i32, i32) {
    %c0_i32 = arith.constant 0 : i32
    %c0_i32_0 = arith.constant 0 : i32
    %c0_i32_1 = arith.constant 0 : i32
    return %c0_i32, %arg0, %c0_i32_0 : i32, i32, i32
  }
  func.func @transform_1(%arg0: i32) -> (i32, i32, i32) {
    %c1_i32 = arith.constant 1 : i32
    %c0_i32 = arith.constant 0 : i32
    %c0_i32_0 = arith.constant 0 : i32
    return %c1_i32, %arg0, %c0_i32 : i32, i32, i32
  }
  func.func @transform_2(%arg0: i32) -> (i32, i32) {
    %c0_i32 = arith.constant 0 : i32
    %c0_i32_0 = arith.constant 0 : i32
    return %arg0, %c0_i32 : i32, i32
  }
  func.func @transform_3(%arg0: i32) -> (i32, i32) {
    %c0_i32 = arith.constant 0 : i32
    %c0_i32_0 = arith.constant 0 : i32
    %c0_i32_1 = arith.constant 0 : i32
    return %c0_i32, %c0_i32_0 : i32, i32
  }
  func.func @transform_4(%arg0: i32) -> (i32, i32) {
    %c0_i32 = arith.constant 0 : i32
    %c0_i32_0 = arith.constant 0 : i32
    %c0_i32_1 = arith.constant 0 : i32
    return %c0_i32, %c0_i32_0 : i32, i32
  }
  func.func @transform_5(%arg0: i32) -> (i32, i32) {
    %c0_i32 = arith.constant 0 : i32
    %c0_i32_0 = arith.constant 0 : i32
    return %arg0, %c0_i32 : i32, i32
  }
}

module attributes {stable_mosaic.version = 14 : i64} {
  func.func @_final_body(%arg0: i32, %arg1: memref<5000x128xf32, #tpu.memory_space<vmem>>, %arg2: memref<1x5000x144xf32, #tpu.memory_space<vmem>>, %arg3: memref<1x5000x144xf32, #tpu.memory_space<vmem>>, %arg4: memref<144x128xf32, #tpu.memory_space<vmem>>, %arg5: memref<144x128xf32, #tpu.memory_space<vmem>>, %arg6: memref<1x128xf32, #tpu.memory_space<vmem>>, %arg7: memref<1x128xf32, #tpu.memory_space<vmem>>, %arg8: memref<128x256xf32, #tpu.memory_space<vmem>>, %arg9: memref<1x256xf32, #tpu.memory_space<vmem>>, %arg10: memref<256x128xf32, #tpu.memory_space<vmem>>, %arg11: memref<1x128xf32, #tpu.memory_space<vmem>>, %arg12: memref<1x128xf32, #tpu.memory_space<vmem>>, %arg13: memref<1x128xf32, #tpu.memory_space<vmem>>, %arg14: memref<5000x128xf32, #tpu.memory_space<vmem>>) attributes {dimension_semantics = [#tpu.dimension_semantics<arbitrary>], iteration_bounds = array<i64: 2>, scalar_prefetch = 0 : i64, scratch_operands = 0 : i64, tpu.core_type = #tpu.core_type<tc>, window_params = [{transform_indices = @transform_0, window_bounds = array<i64: 5000, 128>}, {transform_indices = @transform_1, window_bounds = array<i64: 1, 5000, 144>}, {transform_indices = @transform_2, window_bounds = array<i64: 1, 5000, 144>}, {pipeline_mode = #tpu.pipeline_mode<synchronous>, transform_indices = @transform_3, window_bounds = array<i64: 144, 128>}, {pipeline_mode = #tpu.pipeline_mode<synchronous>, transform_indices = @transform_4, window_bounds = array<i64: 144, 128>}, {pipeline_mode = #tpu.pipeline_mode<synchronous>, transform_indices = @transform_5, window_bounds = array<i64: 1, 128>}, {pipeline_mode = #tpu.pipeline_mode<synchronous>, transform_indices = @transform_6, window_bounds = array<i64: 1, 128>}, {pipeline_mode = #tpu.pipeline_mode<synchronous>, transform_indices = @transform_7, window_bounds = array<i64: 128, 256>}, {pipeline_mode = #tpu.pipeline_mode<synchronous>, transform_indices = @transform_8, window_bounds = array<i64: 1, 256>}, {pipeline_mode = #tpu.pipeline_mode<synchronous>, transform_indices = @transform_9, window_bounds = array<i64: 256, 128>}, {pipeline_mode = #tpu.pipeline_mode<synchronous>, transform_indices = @transform_10, window_bounds = array<i64: 1, 128>}, {pipeline_mode = #tpu.pipeline_mode<synchronous>, transform_indices = @transform_11, window_bounds = array<i64: 1, 128>}, {pipeline_mode = #tpu.pipeline_mode<synchronous>, transform_indices = @transform_12, window_bounds = array<i64: 1, 128>}, {transform_indices = @transform_13, window_bounds = array<i64: 5000, 128>}]} {
    %get3A = arith.constant 0 : index
    %get3A_0 = arith.constant 0 : index
    %get3A_1 = arith.constant 0 : index
    %get3A_2 = vector.load %arg2[%get3A, %get3A_0, %get3A_1] : memref<1x5000x144xf32, #tpu.memory_space<vmem>>, vector<1x5000x144xf32>
    %get3A_3 = vector.shape_cast %get3A_2 : vector<1x5000x144xf32> to vector<5000x144xf32>
    %get3A_4 = arith.constant 0 : index
    %get3A_5 = arith.constant 0 : index
    %get3A_6 = arith.constant 0 : index
    %get3A_7 = vector.load %arg3[%get3A_4, %get3A_5, %get3A_6] : memref<1x5000x144xf32, #tpu.memory_space<vmem>>, vector<1x5000x144xf32>
    %get3A_8 = vector.shape_cast %get3A_7 : vector<1x5000x144xf32> to vector<5000x144xf32>
    %add3A = arith.addf %get3A_3, %get3A_8 : vector<5000x144xf32>
    %get3A_9 = arith.constant 0 : index
    %get3A_10 = arith.constant 0 : index
    %get3A_11 = vector.load %arg4[%get3A_9, %get3A_10] : memref<144x128xf32, #tpu.memory_space<vmem>>, vector<144x128xf32>
    %dot_general3A = arith.constant dense<0.000000e+00> : vector<5000x128xf32>
    %dot_general3A_12 = tpu.matmul %add3A, %get3A_11, %dot_general3A {dimension_numbers = #tpu.dot_dimension_numbers<[1], [0], [0], [1], [0, 0, 1, 1], [], []>, transpose_lhs_hint = false} : vector<5000x144xf32>, vector<144x128xf32>, vector<5000x128xf32> -> vector<5000x128xf32>
    %get3A_13 = arith.constant 0 : index
    %get3A_14 = arith.constant 0 : index
    %get3A_15 = vector.load %arg5[%get3A_13, %get3A_14] : memref<144x128xf32, #tpu.memory_space<vmem>>, vector<144x128xf32>
    %dot_general3A_16 = arith.constant dense<0.000000e+00> : vector<5000x128xf32>
    %dot_general3A_17 = tpu.matmul %add3A, %get3A_15, %dot_general3A_16 {dimension_numbers = #tpu.dot_dimension_numbers<[1], [0], [0], [1], [0, 0, 1, 1], [], []>, transpose_lhs_hint = false} : vector<5000x144xf32>, vector<144x128xf32>, vector<5000x128xf32> -> vector<5000x128xf32>
    %get3A_18 = arith.constant 0 : index
    %get3A_19 = arith.constant 0 : index
    %get3A_20 = vector.load %arg1[%get3A_18, %get3A_19] : memref<5000x128xf32, #tpu.memory_space<vmem>>, vector<5000x128xf32>
    %add3A_21 = arith.constant 9.99999997E-7 : f32
    %add3A_22 = vector.broadcast %add3A_21 : f32 to vector<5000x128xf32>
    %add3A_23 = arith.addf %dot_general3A_17, %add3A_22 : vector<5000x128xf32>
    %div3A = arith.divf %dot_general3A_12, %add3A_23 : vector<5000x128xf32>
    %add3A_24 = arith.addf %get3A_20, %div3A : vector<5000x128xf32>
    %reduce_sum3A = arith.constant dense<0.000000e+00> : vector<5000xf32>
    %reduce_sum3A_25 = vector.multi_reduction <add>, %add3A_24, %reduce_sum3A [1] : vector<5000x128xf32> to vector<5000xf32>
    %broadcast_in_dim3A = vector.shape_cast %reduce_sum3A_25 : vector<5000xf32> to vector<5000x1xf32>
    %div3A_26 = arith.constant 1.280000e+02 : f32
    %div3A_27 = vector.broadcast %div3A_26 : f32 to vector<5000x1xf32>
    %div3A_28 = arith.divf %broadcast_in_dim3A, %div3A_27 : vector<5000x1xf32>
    %sub3A = vector.broadcast %div3A_28 : vector<5000x1xf32> to vector<5000x128xf32>
    %sub3A_29 = arith.subf %add3A_24, %sub3A : vector<5000x128xf32>
    %integer_pow3A = arith.mulf %sub3A_29, %sub3A_29 : vector<5000x128xf32>
    %reduce_sum3A_30 = arith.constant dense<0.000000e+00> : vector<5000xf32>
    %reduce_sum3A_31 = vector.multi_reduction <add>, %integer_pow3A, %reduce_sum3A_30 [1] : vector<5000x128xf32> to vector<5000xf32>
    %broadcast_in_dim3A_32 = vector.shape_cast %reduce_sum3A_31 : vector<5000xf32> to vector<5000x1xf32>
    %div3A_33 = arith.constant 1.280000e+02 : f32
    %div3A_34 = vector.broadcast %div3A_33 : f32 to vector<5000x1xf32>
    %div3A_35 = arith.divf %broadcast_in_dim3A_32, %div3A_34 : vector<5000x1xf32>
    %sub3A_36 = vector.broadcast %div3A_28 : vector<5000x1xf32> to vector<5000x128xf32>
    %sub3A_37 = arith.subf %add3A_24, %sub3A_36 : vector<5000x128xf32>
    %add3A_38 = arith.constant 9.99999974E-6 : f32
    %add3A_39 = vector.broadcast %add3A_38 : f32 to vector<5000x1xf32>
    %add3A_40 = arith.addf %div3A_35, %add3A_39 : vector<5000x1xf32>
    %sqrt3A = math.sqrt %add3A_40 : vector<5000x1xf32>
    %div3A_41 = vector.broadcast %sqrt3A : vector<5000x1xf32> to vector<5000x128xf32>
    %div3A_42 = arith.divf %sub3A_37, %div3A_41 : vector<5000x128xf32>
    %get3A_43 = arith.constant 0 : index
    %get3A_44 = arith.constant 0 : index
    %get3A_45 = vector.load %arg6[%get3A_43, %get3A_44] : memref<1x128xf32, #tpu.memory_space<vmem>>, vector<1x128xf32>
    %mul3A = vector.broadcast %get3A_45 : vector<1x128xf32> to vector<5000x128xf32>
    %mul3A_46 = arith.mulf %div3A_42, %mul3A : vector<5000x128xf32>
    %get3A_47 = arith.constant 0 : index
    %get3A_48 = arith.constant 0 : index
    %get3A_49 = vector.load %arg7[%get3A_47, %get3A_48] : memref<1x128xf32, #tpu.memory_space<vmem>>, vector<1x128xf32>
    %add3A_50 = vector.broadcast %get3A_49 : vector<1x128xf32> to vector<5000x128xf32>
    %add3A_51 = arith.addf %mul3A_46, %add3A_50 : vector<5000x128xf32>
    %get3A_52 = arith.constant 0 : index
    %get3A_53 = arith.constant 0 : index
    %get3A_54 = vector.load %arg8[%get3A_52, %get3A_53] : memref<128x256xf32, #tpu.memory_space<vmem>>, vector<128x256xf32>
    %dot_general3A_55 = arith.constant dense<0.000000e+00> : vector<5000x256xf32>
    %dot_general3A_56 = tpu.matmul %add3A_51, %get3A_54, %dot_general3A_55 {dimension_numbers = #tpu.dot_dimension_numbers<[1], [0], [0], [1], [0, 0, 1, 1], [], []>, transpose_lhs_hint = false} : vector<5000x128xf32>, vector<128x256xf32>, vector<5000x256xf32> -> vector<5000x256xf32>
    %get3A_57 = arith.constant 0 : index
    %get3A_58 = arith.constant 0 : index
    %get3A_59 = vector.load %arg9[%get3A_57, %get3A_58] : memref<1x256xf32, #tpu.memory_space<vmem>>, vector<1x256xf32>
    %add3A_60 = vector.broadcast %get3A_59 : vector<1x256xf32> to vector<5000x256xf32>
    %add3A_61 = arith.addf %dot_general3A_56, %add3A_60 : vector<5000x256xf32>
    %max3A = arith.constant 0.000000e+00 : f32
    %max3A_62 = vector.broadcast %max3A : f32 to vector<5000x256xf32>
    %max3A_63 = arith.maximumf %add3A_61, %max3A_62 : vector<5000x256xf32>
    %get3A_64 = arith.constant 0 : index
    %get3A_65 = arith.constant 0 : index
    %get3A_66 = vector.load %arg10[%get3A_64, %get3A_65] : memref<256x128xf32, #tpu.memory_space<vmem>>, vector<256x128xf32>
    %dot_general3A_67 = arith.constant dense<0.000000e+00> : vector<5000x128xf32>
    %dot_general3A_68 = tpu.matmul %max3A_63, %get3A_66, %dot_general3A_67 {dimension_numbers = #tpu.dot_dimension_numbers<[1], [0], [0], [1], [0, 0, 1, 1], [], []>, transpose_lhs_hint = false} : vector<5000x256xf32>, vector<256x128xf32>, vector<5000x128xf32> -> vector<5000x128xf32>
    %get3A_69 = arith.constant 0 : index
    %get3A_70 = arith.constant 0 : index
    %get3A_71 = vector.load %arg11[%get3A_69, %get3A_70] : memref<1x128xf32, #tpu.memory_space<vmem>>, vector<1x128xf32>
    %add3A_72 = vector.broadcast %get3A_71 : vector<1x128xf32> to vector<5000x128xf32>
    %add3A_73 = arith.addf %dot_general3A_68, %add3A_72 : vector<5000x128xf32>
    %add3A_74 = arith.addf %add3A_51, %add3A_73 : vector<5000x128xf32>
    %reduce_sum3A_75 = arith.constant dense<0.000000e+00> : vector<5000xf32>
    %reduce_sum3A_76 = vector.multi_reduction <add>, %add3A_74, %reduce_sum3A_75 [1] : vector<5000x128xf32> to vector<5000xf32>
    %broadcast_in_dim3A_77 = vector.shape_cast %reduce_sum3A_76 : vector<5000xf32> to vector<5000x1xf32>
    %div3A_78 = arith.constant 1.280000e+02 : f32
    %div3A_79 = vector.broadcast %div3A_78 : f32 to vector<5000x1xf32>
    %div3A_80 = arith.divf %broadcast_in_dim3A_77, %div3A_79 : vector<5000x1xf32>
    %sub3A_81 = vector.broadcast %div3A_80 : vector<5000x1xf32> to vector<5000x128xf32>
    %sub3A_82 = arith.subf %add3A_74, %sub3A_81 : vector<5000x128xf32>
    %integer_pow3A_83 = arith.mulf %sub3A_82, %sub3A_82 : vector<5000x128xf32>
    %reduce_sum3A_84 = arith.constant dense<0.000000e+00> : vector<5000xf32>
    %reduce_sum3A_85 = vector.multi_reduction <add>, %integer_pow3A_83, %reduce_sum3A_84 [1] : vector<5000x128xf32> to vector<5000xf32>
    %broadcast_in_dim3A_86 = vector.shape_cast %reduce_sum3A_85 : vector<5000xf32> to vector<5000x1xf32>
    %div3A_87 = arith.constant 1.280000e+02 : f32
    %div3A_88 = vector.broadcast %div3A_87 : f32 to vector<5000x1xf32>
    %div3A_89 = arith.divf %broadcast_in_dim3A_86, %div3A_88 : vector<5000x1xf32>
    %sub3A_90 = vector.broadcast %div3A_80 : vector<5000x1xf32> to vector<5000x128xf32>
    %sub3A_91 = arith.subf %add3A_74, %sub3A_90 : vector<5000x128xf32>
    %add3A_92 = arith.constant 9.99999974E-6 : f32
    %add3A_93 = vector.broadcast %add3A_92 : f32 to vector<5000x1xf32>
    %add3A_94 = arith.addf %div3A_89, %add3A_93 : vector<5000x1xf32>
    %sqrt3A_95 = math.sqrt %add3A_94 : vector<5000x1xf32>
    %div3A_96 = vector.broadcast %sqrt3A_95 : vector<5000x1xf32> to vector<5000x128xf32>
    %div3A_97 = arith.divf %sub3A_91, %div3A_96 : vector<5000x128xf32>
    %get3A_98 = arith.constant 0 : index
    %get3A_99 = arith.constant 0 : index
    %get3A_100 = vector.load %arg12[%get3A_98, %get3A_99] : memref<1x128xf32, #tpu.memory_space<vmem>>, vector<1x128xf32>
    %mul3A_101 = vector.broadcast %get3A_100 : vector<1x128xf32> to vector<5000x128xf32>
    %mul3A_102 = arith.mulf %div3A_97, %mul3A_101 : vector<5000x128xf32>
    %get3A_103 = arith.constant 0 : index
    %get3A_104 = arith.constant 0 : index
    %get3A_105 = vector.load %arg13[%get3A_103, %get3A_104] : memref<1x128xf32, #tpu.memory_space<vmem>>, vector<1x128xf32>
    %add3A_106 = vector.broadcast %get3A_105 : vector<1x128xf32> to vector<5000x128xf32>
    %add3A_107 = arith.addf %mul3A_102, %add3A_106 : vector<5000x128xf32>
    %swap3A = arith.constant 0 : index
    %swap3A_108 = arith.constant 0 : index
    %swap3A_109 = vector.load %arg14[%swap3A, %swap3A_108] : memref<5000x128xf32, #tpu.memory_space<vmem>>, vector<5000x128xf32>
    tpu.vector_store %arg14[%swap3A, %swap3A_108], %add3A_107 {strides = array<i32>} : memref<5000x128xf32, #tpu.memory_space<vmem>>, vector<5000x128xf32>,
    return
  }
  func.func @transform_0(%arg0: i32) -> (i32, i32) {
    %c0_i32 = arith.constant 0 : i32
    %c0_i32_0 = arith.constant 0 : i32
    return %arg0, %c0_i32 : i32, i32
  }
  func.func @transform_1(%arg0: i32) -> (i32, i32, i32) {
    %c0_i32 = arith.constant 0 : i32
    %c0_i32_0 = arith.constant 0 : i32
    %c0_i32_1 = arith.constant 0 : i32
    return %c0_i32, %arg0, %c0_i32_0 : i32, i32, i32
  }
  func.func @transform_2(%arg0: i32) -> (i32, i32, i32) {
    %c1_i32 = arith.constant 1 : i32
    %c0_i32 = arith.constant 0 : i32
    %c0_i32_0 = arith.constant 0 : i32
    return %c1_i32, %arg0, %c0_i32 : i32, i32, i32
  }
  func.func @transform_3(%arg0: i32) -> (i32, i32) {
    %c0_i32 = arith.constant 0 : i32
    %c0_i32_0 = arith.constant 0 : i32
    %c0_i32_1 = arith.constant 0 : i32
    return %c0_i32, %c0_i32_0 : i32, i32
  }
  func.func @transform_4(%arg0: i32) -> (i32, i32) {
    %c0_i32 = arith.constant 0 : i32
    %c0_i32_0 = arith.constant 0 : i32
    %c0_i32_1 = arith.constant 0 : i32
    return %c0_i32, %c0_i32_0 : i32, i32
  }
  func.func @transform_5(%arg0: i32) -> (i32, i32) {
    %c0_i32 = arith.constant 0 : i32
    %c0_i32_0 = arith.constant 0 : i32
    %c0_i32_1 = arith.constant 0 : i32
    return %c0_i32, %c0_i32_0 : i32, i32
  }
  func.func @transform_6(%arg0: i32) -> (i32, i32) {
    %c0_i32 = arith.constant 0 : i32
    %c0_i32_0 = arith.constant 0 : i32
    %c0_i32_1 = arith.constant 0 : i32
    return %c0_i32, %c0_i32_0 : i32, i32
  }
  func.func @transform_7(%arg0: i32) -> (i32, i32) {
    %c0_i32 = arith.constant 0 : i32
    %c0_i32_0 = arith.constant 0 : i32
    %c0_i32_1 = arith.constant 0 : i32
    return %c0_i32, %c0_i32_0 : i32, i32
  }
  func.func @transform_8(%arg0: i32) -> (i32, i32) {
    %c0_i32 = arith.constant 0 : i32
    %c0_i32_0 = arith.constant 0 : i32
    %c0_i32_1 = arith.constant 0 : i32
    return %c0_i32, %c0_i32_0 : i32, i32
  }
  func.func @transform_9(%arg0: i32) -> (i32, i32) {
    %c0_i32 = arith.constant 0 : i32
    %c0_i32_0 = arith.constant 0 : i32
    %c0_i32_1 = arith.constant 0 : i32
    return %c0_i32, %c0_i32_0 : i32, i32
  }
  func.func @transform_10(%arg0: i32) -> (i32, i32) {
    %c0_i32 = arith.constant 0 : i32
    %c0_i32_0 = arith.constant 0 : i32
    %c0_i32_1 = arith.constant 0 : i32
    return %c0_i32, %c0_i32_0 : i32, i32
  }
  func.func @transform_11(%arg0: i32) -> (i32, i32) {
    %c0_i32 = arith.constant 0 : i32
    %c0_i32_0 = arith.constant 0 : i32
    %c0_i32_1 = arith.constant 0 : i32
    return %c0_i32, %c0_i32_0 : i32, i32
  }
  func.func @transform_12(%arg0: i32) -> (i32, i32) {
    %c0_i32 = arith.constant 0 : i32
    %c0_i32_0 = arith.constant 0 : i32
    %c0_i32_1 = arith.constant 0 : i32
    return %c0_i32, %c0_i32_0 : i32, i32
  }
  func.func @transform_13(%arg0: i32) -> (i32, i32) {
    %c0_i32 = arith.constant 0 : i32
    %c0_i32_0 = arith.constant 0 : i32
    return %arg0, %c0_i32 : i32, i32
  }
}

</mosaic_0001>

<sc_bundles>
// kernel: kernel.10.cloned.1.call-start
scs
__scs_entry_jumppad:
0x0: {  	(pc) =	sbr.rel $0x88, $3  }
0x1: {  	(tag) =	ssettag $0x0;
	lr =	simm.s32 $0x1  }
0x2: {  	[smem:$0x3F92] =	sst lr;
	_ =	strace $0xD0000000  }
0x3: {  	_ = 	snop  }
0x4: {  	_ = 	snop  }
0x5: {  	_ = 	snop  }
0x6: {  	_ = 	snop  }
0x7: {  	_ = 	snop  }
__scs_overlays_trampoline_lowered:
0x8: {  	[smem:$0x3FA1] =	sst s0  }
0x9: {  	[smem:$0x3FA2] =	sst s1  }
0xa: {  	[smem:$0x3FA3] =	sst s2  }
0xb: {  	[smem:$0x3FA4] =	sst s3  }
0xc: {  	[smem:$0x3FA5] =	sst s4  }
0xd: {  	[smem:$0x3FA6] =	sst s5  }
0xe: {  	[smem:$0x3FA7] =	sst s6  }
0xf: {  	[smem:$0x3FA8] =	sst s7  }
0x10: {  	[smem:$0x3FA9] =	sst s8  }
0x11: {  	[smem:$0x3FAA] =	sst s9;
	s0 =	simm.s32 @!p0 $0x0  }
0x12: {  	s1 =	sld [smem:$0x3F90];
	s0 =	simm.s32 @p0 $0x1  }
0x13: {  	[smem:$0x3FAB] =	sst s0;
	s0 =	simm.s32 @!p1 $0x0  }
0x14: {  	s2 =	sld [smem:$0x3F8F];
	s0 =	simm.s32 @p1 $0x1  }
0x15: {  	[smem:$0x3FAC] =	sst s0;
	s0 =	simm.s32 @!p2 $0x0  }
0x16: {  	s3 =	sld [smem:$0x3FDB];
	s0 =	simm.s32 @p2 $0x1  }
0x17: {  	s4 =	simm.s32 $0x1BF5;
	[smem:$0x3FAE] =	sst s0  }
0x18: {  	s0 =	sld [smem:$0x3F91];
	_ =	swait.ge [sflag:s4], $0x0  }
0x19: {  	s7 =	sld [smem:$0x3F92]  }
0x1a: {  	s8 =	sadd.s32 $0xFFFFE003, lr  }
0x1b: {  	s9 =	sadd.s32 $0xFFFFFEF7, lr;
	s5 =	simm.s32 $0xFFFFFFFF;
	p2 =	slt.u32 s8, $0xFFFFF086  }
0x1c: {  	p1 =	slt.u32 s9, $0xF7A;
	s5 =	simm.s32 @!p2 $0x0  }
0x1d: {  	s5 =	simm.s32 @p1 $0x1;
	p0 =	seq.s32 s7, s2  }
0x1e: {  	s7 =	smul.u32 @!p0 $0xF7A, s2;
	p2 =	seq.s32 @!p0 s5, $0x0  }
0x1f: {  	s9 =	smul.u32 $0xF7A, s1;
	s8 =	simm.s32 @!p0 $0x1BF5;
	p2 =	por !p2, p0  }
0x20: {  	[sflag:s8] =	ssyncset.s32 @!p0 $0xFFFFF086;
	s6 =	sadd.s32 @!p0 s3, s7;
	s7 =	simm.s32 @!p0 $0x108  }
0x21: {  	s3 =	sadd.s32 s3, s9;
	s6 =	sadd.s32 @!p0 $0x88, s6;
	s7 =	simm.s32 @p2 $0x1082  }
0x22: {  	[simem:s7], [sflag:s8] =	dma.local @!p0 [hbm:s6], $0xF7A  }
0x23: {  	s9 =	sor.u32 $0xD0000000, s2;
	s6 =	simm.s32 $0x108;
	_ =	swait.ge @!p0 [sflag:s8], $0x0  }
0x24: {  	s3 =	sadd.s32 $0x88, s3;
	s6 =	simm.s32 @!p1 $0x1082;
	[sflag:s4] =	ssyncset.s32 $0xFFFFF086  }
0x25: {  	[simem:s6], [sflag:s4] =	dma.local [hbm:s3], $0xF7A  }
0x26: {  	[smem:$0x3F92] =	sst s1;
	(tag) =	ssettag s2;
	_ =	strace s9  }
0x27: {  	s1 =	sld [smem:$0x3FA2]  }
0x28: {  	s2 =	sld [smem:$0x3FA3]  }
0x29: {  	s4 =	sld [smem:$0x3FA5]  }
0x2a: {  	p0 =	seq.s32 s5, $0x0;
	s5 =	sld [smem:$0x3FA6]  }
0x2b: {  	s6 =	sld [smem:$0x3FA7]  }
0x2c: {  	s7 =	sld [smem:$0x3FA8]  }
0x2d: {  	s3 =	simm.s32 $0x108;
	s8 =	sld [smem:$0x3FA9]  }
0x2e: {  	s3 =	simm.s32 @!p0 $0x1082;
	s9 =	sld [smem:$0x3FAA]  }
0x2f: {  	lr =	sadd.s32 s0, s3;
	s0 =	sld [smem:$0x3FA1]  }
0x30: {  	s3 =	sld [smem:$0x3FA4]  }
0x31: {  	[smem:$0x3FAD] =	sst s10  }
0x32: {  	s10 =	sld [smem:$0x3FAB];
	_ =	sdelay $0x3  }
0x33: {  	p0 =	seq.s32 s10, $0x1;
	s10 =	sld [smem:$0x3FAD];
	_ =	sdelay $0x3  }
0x34: {  	[smem:$0x3FAD] =	sst s10  }
0x35: {  	s10 =	sld [smem:$0x3FAC];
	_ =	sdelay $0x3  }
0x36: {  	p1 =	seq.s32 s10, $0x1;
	s10 =	sld [smem:$0x3FAD];
	_ =	sdelay $0x3  }
0x37: {  	[smem:$0x3FAD] =	sst s10  }
0x38: {  	s10 =	sld [smem:$0x3FAE]  }
0x39: {  	_ = 	snop;
	(pc) =	sbr.ind lr, $3  }
0x3a: {  	_ = 	snop  }
0x3b: {  	_ = 	snop  }
0x3c: {  	p2 =	seq.s32 s10, $0x1;
	s10 =	sld [smem:$0x3FAD]  }
0x3d: {  	_ =	shalt  }
0x3e: {  	_ =	shalt  }
0x3f: {  	_ =	shalt  }
0x40: {  	_ =	shalt  }
0x41: {  	_ =	shalt  }
0x42: {  	_ =	shalt  }
0x43: {  	_ =	shalt  }
0x44: {  	_ =	shalt  }
0x45: {  	_ =	shalt  }
0x46: {  	_ =	shalt  }
0x47: {  	_ =	shalt  }
0x48: {  	_ =	shalt  }
0x49: {  	_ =	shalt  }
0x4a: {  	_ =	shalt  }
0x4b: {  	_ =	shalt  }
0x4c: {  	_ =	shalt  }
0x4d: {  	_ =	shalt  }
0x4e: {  	_ =	shalt  }
0x4f: {  	_ =	shalt  }
0x50: {  	_ =	shalt  }
0x51: {  	_ =	shalt  }
0x52: {  	_ =	shalt  }
0x53: {  	_ =	shalt  }
0x54: {  	_ =	shalt  }
0x55: {  	_ =	shalt  }
0x56: {  	_ =	shalt  }
0x57: {  	_ =	shalt  }
0x58: {  	_ =	shalt  }
0x59: {  	_ =	shalt  }
0x5a: {  	_ =	shalt  }
0x5b: {  	_ =	shalt  }
0x5c: {  	_ =	shalt  }
0x5d: {  	_ =	shalt  }
0x5e: {  	_ =	shalt  }
0x5f: {  	_ =	shalt  }
0x60: {  	_ =	shalt  }
0x61: {  	_ =	shalt  }
0x62: {  	_ =	shalt  }
0x63: {  	_ =	shalt  }
0x64: {  	_ =	shalt  }
0x65: {  	_ =	shalt  }
0x66: {  	_ =	shalt  }
0x67: {  	_ =	shalt  }
0x68: {  	_ =	shalt  }
0x69: {  	_ =	shalt  }
0x6a: {  	_ =	shalt  }
0x6b: {  	_ =	shalt  }
0x6c: {  	_ =	shalt  }
0x6d: {  	_ =	shalt  }
0x6e: {  	_ =	shalt  }
0x6f: {  	_ =	shalt  }
0x70: {  	_ =	shalt  }
0x71: {  	_ =	shalt  }
0x72: {  	_ =	shalt  }
0x73: {  	_ =	shalt  }
0x74: {  	_ =	shalt  }
0x75: {  	_ =	shalt  }
0x76: {  	_ =	shalt  }
0x77: {  	_ =	shalt  }
0x78: {  	_ =	shalt  }
0x79: {  	_ =	shalt  }
0x7a: {  	_ =	shalt  }
0x7b: {  	_ =	shalt  }
0x7c: {  	_ =	shalt  }
0x7d: {  	_ =	shalt  }
0x7e: {  	_ =	shalt  }
0x7f: {  	_ =	shalt  }
0x80: {  	_ =	shalt  }
0x81: {  	_ =	shalt  }
0x82: {  	_ =	shalt  }
0x83: {  	_ =	shalt  }
0x84: {  	_ =	shalt  }
0x85: {  	_ =	shalt  }
0x86: {  	_ =	shalt  }
0x87: {  	_ =	shalt  }
.Lfunc_end0:
.L_simem_size_0:
called_computation.1_lowered:
.L_overlay_start_0:
0x88: {  	s2 =	sld [smem:$0x3FD9]  }
0x89: {  	s3 =	sld [smem:$0x3FFE];
	_ =	sdelay $0x1  }
0x8a: {  	s1 =	srdreg.scid  }
0x8b: {  	s0 =	sand.u32 $0x1, s1  }
0x8c: {  	s17 =	sshll.u32 s0, $0xA;
	s2 =	sadd.s32 s3, s2  }
0x8d: {  	s2 =	sadd.s32 s2, s17  }
0x8e: {  	[smem:$0x3FB9] =	sst s2  }
0x8f: {  	_ = 	snop  }
0x90: {  	s2 =	sld [smem:$0x3FD0];
	(tm) =	ssettm $0x1  }
0x91: {  	s18 =	sld [smem:$0x3FFB];
	_ =	sdelay $0x3  }
0x92: {  	_ =	strace s18  }
0x93: {  	s3 =	sld [smem:$0x3FFC];
	_ =	sdelay $0x3  }
0x94: {  	_ =	strace s3  }
0x95: {  	s3 =	sld [smem:$0x3FFD];
	_ =	sdelay $0x3  }
0x96: {  	_ =	strace s3  }
0x97: {  	_ =	strace $0x8FFFFFFF  }
0x98: {  	s19 =	sld [smem:$0x3FDB];
	_ =	sdelay $0x1  }
0x99: {  	s4 =	simm.s32 $_scs_section_size  }
0x9a: {  	s5 =	simm.s32 $_size__tile_overlayer_lowered;
	s6 =	simm.s32 $_tile_overlayer_lowered  }
0x9b: {  	s22 =	simm.s32 $0x1BFF;
	s21 =	sshll.u32 s6, $0x1;
	s3 =	sadd.s32 s4, s19  }
0x9c: {  	s7 =	simm.s32 $0x0;
	s20 =	sshll.u32 s5, $0x1;
	s5 =	sadd.s32 s21, s3  }
0x9d: {  	[timem:s7], [sflag:s22] =	dma.local [hbm:s5], s20  }
0x9e: {  	_ =	swait.ge [sflag:s22], s20  }
0x9f: {  	s4 =	ssub.s32 $0x0, s20;
	[sflag:s22] =	ssyncset.done $0x0  }
0xa0: {  	[sflag:s22] =	ssyncadd.s32 s4;
	_ =	sdelay $0x1  }
0xa1: {  	s23 =	simm.s32 $0x1B8B  }
0xa2: {  	_ =	swait.ge [sflag:s23], $0x1  }
0xa3: {  	[sflag:s23] =	ssyncset.done $0x0  }
0xa4: {  	s25 =	simm.s32 $0x1B8E;
	s24 =	sld [smem:$0x3FFE];
	[sflag:s23] =	ssyncadd.s32 $0xFFFFFFFF  }
0xa5: {  	s26 =	simm.s32 $execute0_lowered;
	[smem:$0x3FD2] =	sst s25  }
0xa6: {  	s5 =	sshll.u32 s26, $0x1;
	_ =	strace $0x80000049;
	[dreg:$0x1] =	wrdreg $0xFFFFFFFF  }
0xa7: {  	s28 =	simm.s32 $_size_execute0_lowered;
	s3 =	sadd.s32 s3, s5;
	[dreg:$0x0] =	wrdreg $0x0  }
0xa8: {  	s5 =	sshll.u32 s28, $0x1;
	[dreg:$0x2] =	wrdreg s3  }
0xa9: {  	[dreg:$0x3] =	wrdreg s5  }
0xaa: {  	[dreg:$0x4] =	wrdreg $0xC0  }
0xab: {  	_ =	task [dreg:s7], $0x5FFFF  }
0xac: {  	[dreg:$0x1] =	wrdreg $0xFFFFFFFF  }
0xad: {  	[dreg:$0x0] =	wrdreg $0x60  }
0xae: {  	[dreg:$0x2] =	wrdreg s2  }
0xaf: {  	[dreg:$0x3] =	wrdreg s24  }
0xb0: {  	[dreg:$0x4] =	wrdreg $0x89A00  }
0xb1: {  	[dreg:$0x5] =	wrdreg $0x9  }
0xb2: {  	_ =	task.clear_ibuf [dreg:s7], $0x6FFFF;
	_ =	strace $0x90000049  }
0xb3: {  	s29 =	simm.s32 $0x9;
	_ =	strace $0x8000004B  }
0xb4: {  	_ =	swait.ge [sflag:s29], $0x1  }
0xb5: {  	[sflag:s29] =	ssyncadd.s32 $0xFFFFFFFF  }
0xb6: {  	_ =	strace $0x9000004B  }
0xb7: {  	_ =	sfence  }
0xb8: {  	s30 =	sld [smem:$0x0];
	_ =	sdelay $0x2  }
0xb9: {  	s31 =	sshll.u32 s1, $0xD;
	s1 =	sshrl.u32 s1, $0x2  }
0xba: {  	s3 =	sand.u32 $0x4000, s31;
	s1 =	sadd.s32 s1, s30  }
0xbb: {  	s0 =	sor.u32 s3, s0;
	s1 =	sshll.u32 s1, $0x11  }
0xbc: {  	s0 =	sor.u32 s1, s0  }
0xbd: {  	s0 =	sadd.s32 $0x8F2B, s0  }
0xbe: {  	[sflag:s0] =	ssyncadd.remote.s32 $0x1  }
0xbf: {  	_ =	sfence.sel $0xFFFF  }
0xc0: {  	[dreg:$0x0] =	wrdreg $0xFFFFFFFF;
	(pc) =	sbr.abs _section_cstart, $3  }
0xc1: {  	[dreg:$0x1] =	wrdreg $0xFFFFFFFF  }
0xc2: {  	_ =	task.clear_ibuf [dreg:s7], $0x2FFFF;
	_ =	strace $0x9FFFFFFF  }
0xc3: {  	(tm) =	ssettm $0x7FFFFFFF  }
tec
execute0_lowered:
.L_overlay_start_1:
0x0: {  	(tag) =	ssettag $0x1  }
0x1: {  	s1 =	rddreg [dreg:$0x0]  }
0x2: {  	s6 =	rddreg [dreg:$0x1]  }
0x3: {  	s0 =	srdreg.scid;
	s2 =	simm.s32 $0x0;
	s25 =	stileid.u32  }
0x4: {  	s3 =	sand.u32 $0x1, s0;
	[smem:$0x7FF] =	sst s2;
	s0 =	smul.u32 $0x15F00, s25  }
0x5: {  	s7 =	sadd.s32 $0xBF000, s6;
	s9 =	sshll.u32 s25, $0x1;
	s10 =	smul.u32 $0x270, s25  }
0x6: {  	s16 =	sadd.s32 $0x22C00, s6;
	p0 =	seq.s32 s25, $0xF;
	s4 =	ssub.s32 $0x2, s3  }
0x7: {  	s8 =	smul.u32 $0x15F900, s3;
	s9 =	sor.u32 s3, s9;
	s5 =	sshrl.u32 s4, $0x1  }
0x8: {  	s11 =	sadd.s32 $0x13B00, s0;
	s3 =	smul.u32 $0x2710, s9;
	s10 =	sadd.s32 $0x50, s10  }
0x9: {  	s31 =	smul.u32 $0x7D00, s9;
	s14 =	ssub.s32 s4, s5;
	s18 =	sadd.s32 s8, s11  }
0xa: {  	s19 =	sshrl.u32 s8, $0x3;
	s12 =	sadd.s32 s8, s0;
	s5 =	sadd.s32 $0x5A00, s0  }
0xb: {  	s4 =	sshrl.u32 s18, $0x3;
	s18 =	sadd.s32 s7, s19;
	s12 =	sshrl.u32 s12, $0x3  }
0xc: {  	s15 =	sadd.s32 s8, s5;
	s19 =	sadd.s32 $0x8700, s0;
	s4 =	sadd.s32 s7, s4  }
0xd: {  	s12 =	sadd.s32 s7, s12;
	s21 =	sshrl.u32 s15, $0x3;
	s23 =	sadd.s32 s8, s19  }
0xe: {  	s15 =	sadd.s32 $0x3800, s6;
	[dreg:$0x4] =	wrdreg s4;
	s4 =	smul.u32 $0x90, s10  }
0xf: {  	[dreg:$0x5] =	wrdreg s12;
	s22 =	sadd.s32 s7, s21;
	s21 =	sadd.s32 $0xE100, s0  }
0x10: {  	[dreg:$0x7] =	wrdreg s22;
	s26 =	sadd.s32 s8, s21;
	s22 =	sadd.s32 $0x10E00, s0  }
0x11: {  	s13 =	sadd.s32 s8, s4;
	s29 =	sshrl.u32 s26, $0x3;
	s26 =	smul.u32 $0xFA0, s9  }
0x12: {  	s20 =	sshrl.u32 s13, $0x3;
	s30 =	sadd.s32 s7, s29;
	s13 =	smul.u32 $0x7D, s9  }
0x13: {  	s12 =	sadd.s32 s7, s20;
	s20 =	sadd.s32 $0xB400, s0;
	[dreg:$0xa] =	wrdreg s30  }
0x14: {  	s6 =	sadd.s32 s15, s26;
	s26 =	sadd.s32 $0x2B980, s18;
	[dreg:$0x6] =	wrdreg s12  }
0x15: {  	s12 =	sshrl.u32 s23, $0x3;
	s24 =	sadd.s32 s8, s20;
	s8 =	sadd.s32 s8, s22  }
0x16: {  	s23 =	smul.u32 $0x57C00, s25;
	s12 =	sadd.s32 s7, s12;
	s28 =	sshrl.u32 s24, $0x3  }
0x17: {  	s25 =	simm.s32 $0x0;
	[dreg:$0x8] =	wrdreg s12;
	s12 =	sadd.s32 s7, s28  }
0x18: {  	s8 =	sshrl.u32 s8, $0x3;
	s24 =	smul.u32 $0x27100, s9;
	[dreg:$0x9] =	wrdreg s12  }
0x19: {  	s7 =	sadd.s32 s7, s8;
	s17 =	sshrl.u32 s23, $0x2;
	s12 =	rddreg [dreg:$0x2]  }
0x1a: {  	s28 =	smul.u32 $0x4E20, s9;
	[dreg:$0xb] =	wrdreg s7;
	s7 =	sshrl.u32 s31, $0x3  }
0x1b: {  	s29 =	sshrl.u32 s24, $0x3;
	_ =	strace $0x8000004A;
	s17 =	sadd.s32 s17, s12  }
0x1c: {  	[dreg:$0xc] =	wrdreg s6;
	s30 =	sadd.s32 s15, s7;
	s31 =	sadd.s32 s16, s29  }
0x1d: {  	s8 =	sadd.s32 s16, s28;
	s24 =	sadd.s32 s11, s12;
	[dreg:$0x11] =	wrdreg s26  }
0x1e: {  	s28 =	smul.u32 $0x240, s10;
	s29 =	smax.u32 s14, $0x1;
	[dreg:$0xd] =	wrdreg s8  }
0x1f: {  	s10 =	sadd.s32 $0x38400, s23;
	s11 =	sadd.s32 $0x43800, s23;
	[dreg:$0x10] =	wrdreg s24  }
0x20: {  	s0 =	sadd.s32 s0, s12;
	s26 =	sadd.s32 s19, s12;
	[dreg:$0x12] =	wrdreg s29  }
0x21: {  	s19 =	simm.s32 $0x1;
	s6 =	sadd.s32 $0x20, s30;
	[dreg:$0x19] =	wrdreg s0  }
0x22: {  	s9 =	sadd.s32 $0xA0, s31;
	s30 =	sadd.s32 $0x16800, s23;
	[dreg:$0x1c] =	wrdreg s26  }
0x23: {  	s31 =	sadd.s32 $0x21C00, s23;
	s24 =	sadd.s32 s5, s12;
	[dreg:$0xe] =	wrdreg s6  }
0x24: {  	s29 =	sadd.s32 s21, s12;
	s21 =	simm.s32 $0x30;
	[dreg:$0xf] =	wrdreg s9  }
0x25: {  	s6 =	sshrl.u32 s28, $0x2;
	s7 =	sshrl.u32 s30, $0x2;
	[dreg:$0x1b] =	wrdreg s24  }
0x26: {  	s9 =	sadd.s32 $0x2D000, s23;
	s23 =	sadd.s32 s4, s12;
	[dreg:$0x1e] =	wrdreg s29  }
0x27: {  	s8 =	sshrl.u32 s31, $0x2;
	s28 =	sadd.s32 s20, s12;
	[dreg:$0x1a] =	wrdreg s23  }
0x28: {  	s30 =	sadd.s32 s22, s12;
	s31 =	sadd.s32 $0x13B00, s17;
	[dreg:$0x1d] =	wrdreg s28  }
0x29: {  	s20 =	simm.s32 $0x2;
	s22 =	simm.s32 $0x20;
	[dreg:$0x1f] =	wrdreg s30  }
0x2a: {  	s24 =	simm.s32 $0x3;
	s6 =	sadd.s32 s6, s12;
	[smem:$0x7FD] =	sst s31  }
0x2b: {  	s7 =	sadd.s32 s7, s12;
	s8 =	sadd.s32 s8, s12;
	[dreg:$0x13] =	wrdreg s6  }
0x2c: {  	s23 =	simm.s32 $0x77A0;
	[dreg:$0x14] =	wrdreg s7;
	s6 =	sshrl.u32 s9, $0x2  }
0x2d: {  	[dreg:$0x15] =	wrdreg s8;
	s7 =	sshrl.u32 s10, $0x2;
	s6 =	sadd.s32 s6, s12  }
0x2e: {  	v0 =	vimm.f32 $0.0e+00;
	v1 =	vimm.s32 $0x0;
	v2 =	vimm.s32 $0x1;
	s8 =	sshrl.u32 s11, $0x2;
	s14 =	sadd.s32 s7, s12;
	[dreg:$0x16] =	wrdreg s6  }
0x2f: {  	v3 =	vimm.s32 $0x2;
	v4 =	vimm.s32 $0x3;
	v5 =	vimm.s32 $0x4;
	s11 =	sadd.s32 $0x15CC00, s12;
	s18 =	sadd.s32 s8, s12;
	[dreg:$0x17] =	wrdreg s14  }
0x30: {  	v6 =	vimm.s32 $0x5;
	v7 =	vimm.s32 $0x6;
	v8 =	vimm.s32 $0x7;
	[dreg:$0x18] =	wrdreg s18;
	s14 =	simm.s32 $0x5CA0;
	s18 =	simm.s32 $0x4  }
.LBB2_1:
0x31: {  	s0 =	simm.s32 $0x0;
	s4 =	simm.s32 $0x240  }
.LBB2_2:
0x32: {  	p1 =	sne.s32 s4, $0xB1C0;
	[tilespmem:s0+$0x5D20] =	vst v0  }
0x33: {  	[tilespmem:s0+$0x5CA0] =	vst v0  }
0x34: {  	[tilespmem:s0+$0x5CB0] =	vst v0  }
0x35: {  	[tilespmem:s0+$0x5CC0] =	vst v0  }
.Ltmp0:
0x36: {  	[tilespmem:s0+$0x5CD0] =	vst v0;
	(pc) =	sbr.rel @p1 .LBB2_2-.Ltmp0, $4  }
0x37: {  	[tilespmem:s0+$0x5CE0] =	vst v0  }
0x38: {  	[tilespmem:s0+$0x5CF0] =	vst v0  }
0x39: {  	[tilespmem:s0+$0x5D00] =	vst v0  }
0x3a: {  	[tilespmem:s0+$0x5D10] =	vst v0;
	s0 =	sshra.s32 s4, $0x2;
	s4 =	sadd.s32 $0x240, s4  }
0x3b: {  	[tilespmem:s0+$0x5D20] =	vst v0  }
0x3c: {  	[tilespmem:s0+$0x5CA0] =	vst v0  }
0x3d: {  	[tilespmem:s0+$0x5CB0] =	vst v0  }
0x3e: {  	[tilespmem:s0+$0x5CC0] =	vst v0  }
0x3f: {  	[tilespmem:s0+$0x5CD0] =	vst v0  }
0x40: {  	[tilespmem:s0+$0x5CE0] =	vst v0  }
0x41: {  	[tilespmem:s0+$0x5CF0] =	vst v0  }
0x42: {  	[tilespmem:s0+$0x5D00] =	vst v0  }
0x43: {  	[tilespmem:s0+$0x5D10] =	vst v0  }
0x44: {  	[spmem:s17] =	stream.linear.scatter [tilespmem:s14], [sflag:$0x4], $0x2D00, $0x38;
	[tilespmem:$0x1E930] =	vst v63  }
0x45: {  	_ =	swait.ge [sflag:s18], $0x2D00  }
0x46: {  	[sflag:s18] =	ssyncset.done $0x0  }
0x47: {  	s28 =	rddreg [dreg:$0x13];
	[sflag:s18] =	ssyncadd.s32 $0xFFFFD300  }
0x48: {  	[spmem:s28] =	stream.linear.scatter [tilespmem:s14], [sflag:$0x4], $0x2D00, $0x38;
	[tilespmem:$0x1E930] =	vst v63  }
0x49: {  	_ =	swait.ge [sflag:s18], $0x2D00  }
0x4a: {  	[sflag:s18] =	ssyncset.done $0x0  }
0x4b: {  	s29 =	rddreg [dreg:$0x14];
	[sflag:s18] =	ssyncadd.s32 $0xFFFFD300  }
0x4c: {  	[spmem:s29] =	stream.linear.scatter [tilespmem:s14], [sflag:$0x4], $0x2D00, $0x38;
	[tilespmem:$0x1E930] =	vst v63  }
0x4d: {  	_ =	swait.ge [sflag:s18], $0x2D00  }
0x4e: {  	[sflag:s18] =	ssyncset.done $0x0  }
0x4f: {  	s30 =	rddreg [dreg:$0x15];
	[sflag:s18] =	ssyncadd.s32 $0xFFFFD300  }
0x50: {  	[spmem:s30] =	stream.linear.scatter [tilespmem:s14], [sflag:$0x4], $0x2D00, $0x38;
	[tilespmem:$0x1E930] =	vst v63  }
0x51: {  	_ =	swait.ge [sflag:s18], $0x2D00  }
0x52: {  	[sflag:s18] =	ssyncset.done $0x0  }
0x53: {  	s31 =	rddreg [dreg:$0x16];
	[sflag:s18] =	ssyncadd.s32 $0xFFFFD300  }
0x54: {  	[spmem:s31] =	stream.linear.scatter [tilespmem:s14], [sflag:$0x4], $0x2D00, $0x38;
	[tilespmem:$0x1E930] =	vst v63  }
0x55: {  	_ =	swait.ge [sflag:s18], $0x2D00  }
0x56: {  	[sflag:s18] =	ssyncset.done $0x0  }
0x57: {  	s4 =	rddreg [dreg:$0x17];
	[sflag:s18] =	ssyncadd.s32 $0xFFFFD300  }
0x58: {  	[spmem:s4] =	stream.linear.scatter [tilespmem:s14], [sflag:$0x4], $0x2D00, $0x38;
	[tilespmem:$0x1E930] =	vst v63  }
0x59: {  	_ =	swait.ge [sflag:s18], $0x2D00  }
0x5a: {  	[sflag:s18] =	ssyncset.done $0x0  }
0x5b: {  	s5 =	rddreg [dreg:$0x18];
	[sflag:s18] =	ssyncadd.s32 $0xFFFFD300  }
0x5c: {  	[spmem:s5] =	stream.linear.scatter [tilespmem:s14], [sflag:$0x4], $0x2D00, $0x38;
	[tilespmem:$0x1E930] =	vst v63  }
0x5d: {  	_ =	swait.ge [sflag:s18], $0x2D00  }
0x5e: {  	[sflag:s18] =	ssyncset.done $0x0  }
0x5f: {  	s0 =	simm.s32 @p0 $0x5CA0;
	[sflag:s18] =	ssyncadd.s32 $0xFFFFD300  }
0x60: {  	[spmem:s11] =	stream.linear.scatter @p0 [tilespmem:s0], [sflag:$0x4], $0x2D00, $0x38;
	[tilespmem:$0x1E930] =	vst v63  }
0x61: {  	s0 =	simm.s32 @p0 $0x4  }
0x62: {  	_ =	swait.ge @p0 [sflag:s0], $0x2D00  }
0x63: {  	s4 =	sld [smem:$0x7FD]  }
0x64: {  	[sflag:s0] =	ssyncset.done @p0 $0x0  }
0x65: {  	[sflag:s0] =	ssyncadd.s32 @p0 $0xFFFFD300;
	s0 =	simm.s32 @!p0 $0x5CA0  }
0x66: {  	[spmem:s4] =	stream.linear.scatter @!p0 [tilespmem:s0], [sflag:$0x4], $0x2400, $0x38;
	[tilespmem:$0x1E930] =	vst v63  }
0x67: {  	s0 =	simm.s32 @!p0 $0x4  }
0x68: {  	_ =	swait.ge @!p0 [sflag:s0], $0x2400  }
0x69: {  	[sflag:s0] =	ssyncset.done @!p0 $0x0  }
0x6a: {  	[sflag:s0] =	ssyncadd.s32 @!p0 $0xFFFFDC00  }
0x6b: {  	[bflag:$0x0] =	sbarrier.arrive $0xFFFF  }
0x6c: {  	s26 =	simm.s32 $0x0;
	s6 =	rddreg [dreg:$0xc]  }
0x6d: {  	[tilespmem:s26], [sflag:$0x1] =	stream.linear.gather [hbm4b:s6+s26], $0x100, $0x38;
	[tilespmem:$0x1E930] =	vst v63  }
0x6e: {  	s8 =	simm.s32 $0x52A0;
	s7 =	rddreg [dreg:$0xd]  }
0x6f: {  	[tilespmem:s8], [sflag:$0x1] =	stream.linear.gather [hbm4b:s7+s26], $0x500, $0x38;
	[tilespmem:$0x1E930] =	vst v63  }
0x70: {  	_ =	swait.ge [sflag:s19], $0x100  }
0x71: {  	[sflag:s19] =	ssyncset.done $0x0  }
0x72: {  	[sflag:s19] =	ssyncadd.s32 $0xFFFFFF00  }
0x73: {  	_ =	swait.ge [sflag:s19], $0x500  }
0x74: {  	[sflag:s19] =	ssyncset.done $0x0  }
0x75: {  	s9 =	simm.s32 $0x50;
	s10 =	simm.s32 $0x2A0;
	[sflag:s19] =	ssyncadd.s32 $0xFFFFFB00  }
0x76: {  	[tilespmem:s10], [sflag:$0x2] =	stream.indirect.gather [hbm4b:s1+s9], $0x80, s26, s9, $0xb8;
	[tilespmem:$0x1E930] =	vst v63  }
0x77: {  	s29 =	simm.s32 $0x100;
	s28 =	rddreg [dreg:$0xe]  }
0x78: {  	[tilespmem:s29], [sflag:$0x1] =	stream.linear.gather [hbm4b:s28+s26], $0x100, $0x38;
	[tilespmem:$0x1E930] =	vst v63  }
0x79: {  	p1 =	por $0x0, $0x0;
	s31 =	simm.s32 $0x57A0;
	s30 =	rddreg [dreg:$0xf]  }
0x7a: {  	[tilespmem:s31], [sflag:$0x1] =	stream.linear.gather [hbm4b:s30+s26], $0x500, $0x38;
	[tilespmem:$0x1E930] =	vst v63  }
.LBB2_4:
0x7b: {  	_ =	swait.ge [sflag:s20], $0x2800  }
0x7c: {  	s0 =	sand.u32 $0x1, s26;
	[sflag:s20] =	ssyncset.done $0x0  }
0x7d: {  	s28 =	sshll.u32 s0, $0x8;
	[sflag:s20] =	ssyncadd.s32 $0xFFFFD800  }
0x7e: {  	v9 =	vld [tilespmem:s28+$0x80];
	_ =	sdelay $0x1  }
0x7f: {  	s4 =	smul.u32 $0xC0, s0;
	_ =	sdelay $0x1  }
0x80: {  	s7 =	sshrl.u32 s4, $0x2  }
0x81: {  	[tilespmem:s7+$0x200] =	vst v9  }
0x82: {  	v9 =	vld [tilespmem:s28+$0x90];
	_ =	sdelay $0x4  }
0x83: {  	[tilespmem:s7+$0x210] =	vst v9  }
0x84: {  	v9 =	vld [tilespmem:s28+$0xA0];
	_ =	sdelay $0x4  }
0x85: {  	[tilespmem:s7+$0x220] =	vst v9  }
0x86: {  	v9 =	vld [tilespmem:s28+$0xB0];
	_ =	sdelay $0x3  }
0x87: {  	s8 =	sshll.u32 s0, $0x5  }
0x88: {  	[tilespmem:s8+$0x260] =	vst v9  }
0x89: {  	v9 =	vld [tilespmem:s28+$0xC0];
	_ =	sdelay $0x3  }
0x8a: {  	p2 =	seq.s32 s26, $0x7C  }
0x8b: {  	s4 =	simm.s32 @!p2 $0x1;
	[tilespmem:s8+$0x270] =	vst v9  }
0x8c: {  	s29 =	sadd.s32 $0x1, s26;
	_ =	swait.ge @!p2 [sflag:s4], $0x100  }
0x8d: {  	s5 =	sand.u32 @!p2 $0x1, s29;
	[sflag:s4] =	ssyncset.done @!p2 $0x0  }
0x8e: {  	s6 =	smul.u32 @!p2 $0xA000, s5;
	[sflag:s4] =	ssyncadd.s32 @!p2 $0xFFFFFF00  }
0x8f: {  	p3 =	seq.s32 @!p2 s26, $0x0;
	_ =	swait.ge @!p2 [sflag:s4], $0x500  }
0x90: {  	s5 =	sshll.u32 @!p2 s5, $0x8;
	s6 =	sshrl.u32 @!p2 s6, $0x2;
	[sflag:s4] =	ssyncset.done @!p2 $0x0  }
0x91: {  	[sflag:s4] =	ssyncadd.s32 @!p2 $0xFFFFFB00;
	s4 =	sor.u32 @!p2 $0x2A0, s6;
	s6 =	simm.s32 @!p2 $0x50  }
0x92: {  	[tilespmem:s4], [sflag:$0x2] =	stream.indirect.gather @!p2 [hbm4b:s1+s6], $0x80, s5, s6, $0xb8;
	[tilespmem:$0x1E930] =	vst v63  }
0x93: {  	p2 =	por p2, !p3  }
0x94: {  	s4 =	simm.s32 $0x1;
	_ =	swait.ge @p2 [sflag:s24], $0x1B00  }
0x95: {  	s4 =	simm.s32 @!p1 $0x0;
	[sflag:s24] =	ssyncset.done @p2 $0x0  }
0x96: {  	s10 =	smul.u32 $0x1400, s4;
	[sflag:s24] =	ssyncadd.s32 @p2 $0xFFFFE500  }
0x97: {  	_ =	swait.ge @p2 [sflag:s24], $0x1200  }
0x98: {  	s6 =	smul.u32 $0xA000, s4;
	s9 =	sshrl.u32 s10, $0x2;
	[sflag:s24] =	ssyncset.done @p2 $0x0  }
0x99: {  	s4 =	sadd.s32 $0x52C0, s9;
	[sflag:s24] =	ssyncadd.s32 @p2 $0xFFFFEE00  }
0x9a: {  	s30 =	sshrl.u32 s6, $0x2;
	v9 =	vld [tilespmem:s4+$0xFFFFFFE0]  }
0x9b: {  	s5 =	sor.u32 $0x3A0, s30  }
0x9c: {  	v10 =	vld [tilespmem:s5+$0xFFFFFF00];
	_ =	sdelay $0x2  }
0x9d: {  	v11 =	vperm.xlane v9, v1;
	_ =	sdelay $0x1  }
0x9e: {  	v10 =	vmul.f32 v10, v11  }
0x9f: {  	s6 =	simm.s32 $0x5DC0  }
0xa0: {  	[tilespmem:s6+$0xFFFFFEE0] =	vst v10  }
0xa1: {  	v10 =	vld [tilespmem:s5+$0xFFFFFF10];
	_ =	sdelay $0x2  }
0xa2: {  	v11 =	vperm.xlane v9, v2;
	_ =	sdelay $0x1  }
0xa3: {  	v10 =	vmul.f32 v10, v11;
	_ =	sdelay $0x1  }
0xa4: {  	[tilespmem:s6+$0xFFFFFEF0] =	vst v10  }
0xa5: {  	v10 =	vld [tilespmem:s5+$0xFFFFFF20];
	_ =	sdelay $0x2  }
0xa6: {  	v11 =	vperm.xlane v9, v3;
	_ =	sdelay $0x1  }
0xa7: {  	v10 =	vmul.f32 v10, v11;
	_ =	sdelay $0x1  }
0xa8: {  	[tilespmem:s6+$0xFFFFFF00] =	vst v10  }
0xa9: {  	v10 =	vld [tilespmem:s5+$0xFFFFFF30];
	_ =	sdelay $0x2  }
0xaa: {  	v11 =	vperm.xlane v9, v4;
	_ =	sdelay $0x1  }
0xab: {  	v10 =	vmul.f32 v10, v11;
	_ =	sdelay $0x1  }
0xac: {  	[tilespmem:s6+$0xFFFFFF10] =	vst v10  }
0xad: {  	v10 =	vld [tilespmem:s5+$0xFFFFFF40];
	_ =	sdelay $0x2  }
0xae: {  	v11 =	vperm.xlane v9, v5;
	_ =	sdelay $0x1  }
0xaf: {  	v10 =	vmul.f32 v10, v11;
	_ =	sdelay $0x1  }
0xb0: {  	[tilespmem:s6+$0xFFFFFF20] =	vst v10  }
0xb1: {  	v10 =	vld [tilespmem:s5+$0xFFFFFF50];
	_ =	sdelay $0x2  }
0xb2: {  	v11 =	vperm.xlane v9, v6;
	_ =	sdelay $0x1  }
0xb3: {  	v10 =	vmul.f32 v10, v11;
	_ =	sdelay $0x1  }
0xb4: {  	[tilespmem:s6+$0xFFFFFF30] =	vst v10  }
0xb5: {  	v10 =	vld [tilespmem:s5+$0xFFFFFF60];
	_ =	sdelay $0x2  }
0xb6: {  	v11 =	vperm.xlane v9, v7;
	_ =	sdelay $0x1  }
0xb7: {  	v10 =	vmul.f32 v10, v11;
	_ =	sdelay $0x1  }
0xb8: {  	[tilespmem:s6+$0xFFFFFF40] =	vst v10  }
0xb9: {  	v10 =	vld [tilespmem:s5+$0xFFFFFF70];
	_ =	sdelay $0x2  }
0xba: {  	v11 =	vperm.xlane v9, v8;
	_ =	sdelay $0x1  }
0xbb: {  	v10 =	vmul.f32 v10, v11  }
0xbc: {  	[tilespmem:s6+$0xFFFFFF60] =	vst v9  }
0xbd: {  	[tilespmem:s6+$0xFFFFFF50] =	vst v10  }
0xbe: {  	v9 =	vld [tilespmem:s4+$0xFFFFFFF0];
	_ =	sdelay $0x1  }
0xbf: {  	v10 =	vld [tilespmem:s5+$0xFFFFFF80];
	_ =	sdelay $0x2  }
0xc0: {  	v11 =	vperm.xlane v9, v1;
	_ =	sdelay $0x1  }
0xc1: {  	v10 =	vmul.f32 v10, v11;
	_ =	sdelay $0x1  }
0xc2: {  	[tilespmem:s6+$0xFFFFFF70] =	vst v10  }
0xc3: {  	v10 =	vld [tilespmem:s5+$0xFFFFFF90];
	_ =	sdelay $0x2  }
0xc4: {  	v11 =	vperm.xlane v9, v2;
	_ =	sdelay $0x1  }
0xc5: {  	v10 =	vmul.f32 v10, v11;
	_ =	sdelay $0x1  }
0xc6: {  	[tilespmem:s6+$0xFFFFFF80] =	vst v10  }
0xc7: {  	v10 =	vld [tilespmem:s5+$0xFFFFFFA0];
	_ =	sdelay $0x2  }
0xc8: {  	v11 =	vperm.xlane v9, v3;
	_ =	sdelay $0x1  }
0xc9: {  	v10 =	vmul.f32 v10, v11;
	_ =	sdelay $0x1  }
0xca: {  	[tilespmem:s6+$0xFFFFFF90] =	vst v10  }
0xcb: {  	v10 =	vld [tilespmem:s5+$0xFFFFFFB0];
	_ =	sdelay $0x2  }
0xcc: {  	v11 =	vperm.xlane v9, v4;
	_ =	sdelay $0x1  }
0xcd: {  	v10 =	vmul.f32 v10, v11;
	_ =	sdelay $0x1  }
0xce: {  	[tilespmem:s6+$0xFFFFFFA0] =	vst v10  }
0xcf: {  	v10 =	vld [tilespmem:s5+$0xFFFFFFC0];
	_ =	sdelay $0x2  }
0xd0: {  	v11 =	vperm.xlane v9, v5;
	_ =	sdelay $0x1  }
0xd1: {  	v10 =	vmul.f32 v10, v11;
	_ =	sdelay $0x1  }
0xd2: {  	[tilespmem:s6+$0xFFFFFFB0] =	vst v10  }
0xd3: {  	v10 =	vld [tilespmem:s5+$0xFFFFFFD0];
	_ =	sdelay $0x2  }
0xd4: {  	v11 =	vperm.xlane v9, v6;
	_ =	sdelay $0x1  }
0xd5: {  	v10 =	vmul.f32 v10, v11;
	_ =	sdelay $0x1  }
0xd6: {  	[tilespmem:s6+$0xFFFFFFC0] =	vst v10  }
0xd7: {  	v10 =	vld [tilespmem:s5+$0xFFFFFFE0];
	_ =	sdelay $0x2  }
0xd8: {  	v11 =	vperm.xlane v9, v7;
	_ =	sdelay $0x1  }
0xd9: {  	v10 =	vmul.f32 v10, v11;
	_ =	sdelay $0x1  }
0xda: {  	[tilespmem:s6+$0xFFFFFFD0] =	vst v10  }
0xdb: {  	v10 =	vld [tilespmem:s5+$0xFFFFFFF0];
	_ =	sdelay $0x2  }
0xdc: {  	v11 =	vperm.xlane v9, v8;
	_ =	sdelay $0x1  }
0xdd: {  	v10 =	vmul.f32 v10, v11  }
0xde: {  	[tilespmem:s6+$0xFFFFFFF0] =	vst v9  }
0xdf: {  	[tilespmem:s6+$0xFFFFFFE0] =	vst v10  }
0xe0: {  	v9 =	vld [tilespmem:s4+$0x0];
	_ =	sdelay $0x1  }
0xe1: {  	v10 =	vld [tilespmem:s5+$0x0];
	_ =	sdelay $0x2  }
0xe2: {  	v11 =	vperm.xlane v9, v1;
	_ =	sdelay $0x1  }
0xe3: {  	v10 =	vmul.f32 v10, v11;
	_ =	sdelay $0x1  }
0xe4: {  	[tilespmem:s6+$0x0] =	vst v10  }
0xe5: {  	v10 =	vld [tilespmem:s5+$0x10];
	_ =	sdelay $0x2  }
0xe6: {  	v11 =	vperm.xlane v9, v2;
	_ =	sdelay $0x1  }
0xe7: {  	v10 =	vmul.f32 v10, v11;
	_ =	sdelay $0x1  }
0xe8: {  	[tilespmem:s6+$0x10] =	vst v10  }
0xe9: {  	v10 =	vld [tilespmem:s5+$0x20];
	_ =	sdelay $0x2  }
0xea: {  	v11 =	vperm.xlane v9, v3;
	_ =	sdelay $0x1  }
0xeb: {  	v10 =	vmul.f32 v10, v11;
	_ =	sdelay $0x1  }
0xec: {  	[tilespmem:s6+$0x20] =	vst v10  }
0xed: {  	v10 =	vld [tilespmem:s5+$0x30];
	_ =	sdelay $0x2  }
0xee: {  	v11 =	vperm.xlane v9, v4;
	_ =	sdelay $0x1  }
0xef: {  	v10 =	vmul.f32 v10, v11;
	_ =	sdelay $0x1  }
0xf0: {  	[tilespmem:s6+$0x30] =	vst v10  }
0xf1: {  	v10 =	vld [tilespmem:s5+$0x40];
	_ =	sdelay $0x2  }
0xf2: {  	v11 =	vperm.xlane v9, v5;
	_ =	sdelay $0x1  }
0xf3: {  	v10 =	vmul.f32 v10, v11;
	_ =	sdelay $0x1  }
0xf4: {  	[tilespmem:s6+$0x40] =	vst v10  }
0xf5: {  	v10 =	vld [tilespmem:s5+$0x50];
	_ =	sdelay $0x2  }
0xf6: {  	v11 =	vperm.xlane v9, v6;
	_ =	sdelay $0x1  }
0xf7: {  	v10 =	vmul.f32 v10, v11;
	_ =	sdelay $0x1  }
0xf8: {  	[tilespmem:s6+$0x50] =	vst v10  }
0xf9: {  	v10 =	vld [tilespmem:s5+$0x60];
	_ =	sdelay $0x2  }
0xfa: {  	v11 =	vperm.xlane v9, v7;
	_ =	sdelay $0x1  }
0xfb: {  	v10 =	vmul.f32 v10, v11;
	_ =	sdelay $0x1  }
0xfc: {  	[tilespmem:s6+$0x60] =	vst v10  }
0xfd: {  	v10 =	vld [tilespmem:s5+$0x70];
	_ =	sdelay $0x2  }
0xfe: {  	v11 =	vperm.xlane v9, v8;
	_ =	sdelay $0x1  }
0xff: {  	v10 =	vmul.f32 v10, v11  }
0x100: {  	[tilespmem:s6+$0x80] =	vst v9  }
0x101: {  	[tilespmem:s6+$0x70] =	vst v10  }
0x102: {  	v9 =	vld [tilespmem:s4+$0x10];
	_ =	sdelay $0x1  }
0x103: {  	v10 =	vld [tilespmem:s5+$0x80];
	_ =	sdelay $0x2  }
0x104: {  	v11 =	vperm.xlane v9, v1;
	_ =	sdelay $0x1  }
0x105: {  	v10 =	vmul.f32 v10, v11;
	_ =	sdelay $0x1  }
0x106: {  	[tilespmem:s6+$0x90] =	vst v10  }
0x107: {  	v10 =	vld [tilespmem:s5+$0x90];
	_ =	sdelay $0x2  }
0x108: {  	v11 =	vperm.xlane v9, v2;
	_ =	sdelay $0x1  }
0x109: {  	v10 =	vmul.f32 v10, v11;
	_ =	sdelay $0x1  }
0x10a: {  	[tilespmem:s6+$0xA0] =	vst v10  }
0x10b: {  	v10 =	vld [tilespmem:s5+$0xA0];
	_ =	sdelay $0x2  }
0x10c: {  	v11 =	vperm.xlane v9, v3;
	_ =	sdelay $0x1  }
0x10d: {  	v10 =	vmul.f32 v10, v11;
	_ =	sdelay $0x1  }
0x10e: {  	[tilespmem:s6+$0xB0] =	vst v10  }
0x10f: {  	v10 =	vld [tilespmem:s5+$0xB0];
	_ =	sdelay $0x2  }
0x110: {  	v11 =	vperm.xlane v9, v4;
	_ =	sdelay $0x1  }
0x111: {  	v10 =	vmul.f32 v10, v11;
	_ =	sdelay $0x1  }
0x112: {  	[tilespmem:s6+$0xC0] =	vst v10  }
0x113: {  	v10 =	vld [tilespmem:s5+$0xC0];
	_ =	sdelay $0x2  }
0x114: {  	v11 =	vperm.xlane v9, v5;
	_ =	sdelay $0x1  }
0x115: {  	v10 =	vmul.f32 v10, v11;
	_ =	sdelay $0x1  }
0x116: {  	[tilespmem:s6+$0xD0] =	vst v10  }
0x117: {  	v10 =	vld [tilespmem:s5+$0xD0];
	_ =	sdelay $0x2  }
0x118: {  	v11 =	vperm.xlane v9, v6;
	_ =	sdelay $0x1  }
0x119: {  	v10 =	vmul.f32 v10, v11;
	_ =	sdelay $0x1  }
0x11a: {  	[tilespmem:s6+$0xE0] =	vst v10  }
0x11b: {  	v10 =	vld [tilespmem:s5+$0xE0];
	_ =	sdelay $0x2  }
0x11c: {  	v11 =	vperm.xlane v9, v7;
	_ =	sdelay $0x1  }
0x11d: {  	v10 =	vmul.f32 v10, v11;
	_ =	sdelay $0x1  }
0x11e: {  	[tilespmem:s6+$0xF0] =	vst v10  }
0x11f: {  	v10 =	vld [tilespmem:s5+$0xF0];
	_ =	sdelay $0x2  }
0x120: {  	s31 =	smul.u32 $0x1400, s0;
	v11 =	vperm.xlane v9, v8  }
0x121: {  	s7 =	sor.u32 $0x200, s7;
	s10 =	sadd.s32 $0x55D0, s9  }
0x122: {  	s0 =	sadd.s32 $0x1C90, s30;
	s30 =	sadd.s32 $0x260, s8;
	s9 =	sshrl.u32 s31, $0x2;
	[tilespmem:s6+$0x110] =	vst v9;
	v9 =	vmul.f32 v10, v11  }
0x123: {  	s8 =	simm.s32 $0x0;
	s31 =	sadd.s32 $0x52A0, s9;
	s9 =	simm.s32 $0x6000  }
.LBB2_5:
0x124: {  	s8 =	sadd.s32 $0x4, s8;
	[tilespmem:s6+$0x100] =	vst v9;
	s4 =	sadd.s32 $0x40, s4;
	s5 =	sadd.s32 $0x200, s5  }
0x125: {  	s6 =	smov.u32 s9;
	v9 =	vld [tilespmem:s4+$0xFFFFFFE0];
	p2 =	slt.u32 s8, $0x2C;
	_ =	sdelay $0x1  }
0x126: {  	v10 =	vld [tilespmem:s5+$0xFFFFFF00];
	_ =	sdelay $0x2  }
0x127: {  	v11 =	vperm.xlane v9, v1;
	_ =	sdelay $0x1  }
0x128: {  	v10 =	vmul.f32 v10, v11;
	_ =	sdelay $0x1  }
0x129: {  	[tilespmem:s9+$0xFFFFFEE0] =	vst v10  }
0x12a: {  	v10 =	vld [tilespmem:s5+$0xFFFFFF10];
	_ =	sdelay $0x2  }
0x12b: {  	v11 =	vperm.xlane v9, v2;
	_ =	sdelay $0x1  }
0x12c: {  	v10 =	vmul.f32 v10, v11;
	_ =	sdelay $0x1  }
0x12d: {  	[tilespmem:s9+$0xFFFFFEF0] =	vst v10  }
0x12e: {  	v10 =	vld [tilespmem:s5+$0xFFFFFF20];
	_ =	sdelay $0x2  }
0x12f: {  	v11 =	vperm.xlane v9, v3;
	_ =	sdelay $0x1  }
0x130: {  	v10 =	vmul.f32 v10, v11;
	_ =	sdelay $0x1  }
0x131: {  	[tilespmem:s9+$0xFFFFFF00] =	vst v10  }
0x132: {  	v10 =	vld [tilespmem:s5+$0xFFFFFF30];
	_ =	sdelay $0x2  }
0x133: {  	v11 =	vperm.xlane v9, v4;
	_ =	sdelay $0x1  }
0x134: {  	v10 =	vmul.f32 v10, v11;
	_ =	sdelay $0x1  }
0x135: {  	[tilespmem:s9+$0xFFFFFF10] =	vst v10  }
0x136: {  	v10 =	vld [tilespmem:s5+$0xFFFFFF40];
	_ =	sdelay $0x2  }
0x137: {  	v11 =	vperm.xlane v9, v5;
	_ =	sdelay $0x1  }
0x138: {  	v10 =	vmul.f32 v10, v11;
	_ =	sdelay $0x1  }
0x139: {  	[tilespmem:s9+$0xFFFFFF20] =	vst v10  }
0x13a: {  	v10 =	vld [tilespmem:s5+$0xFFFFFF50];
	_ =	sdelay $0x2  }
0x13b: {  	v11 =	vperm.xlane v9, v6;
	_ =	sdelay $0x1  }
0x13c: {  	v10 =	vmul.f32 v10, v11;
	_ =	sdelay $0x1  }
0x13d: {  	[tilespmem:s9+$0xFFFFFF30] =	vst v10  }
0x13e: {  	v10 =	vld [tilespmem:s5+$0xFFFFFF60];
	_ =	sdelay $0x2  }
0x13f: {  	v11 =	vperm.xlane v9, v7;
	_ =	sdelay $0x1  }
0x140: {  	v10 =	vmul.f32 v10, v11;
	_ =	sdelay $0x1  }
0x141: {  	[tilespmem:s9+$0xFFFFFF40] =	vst v10  }
0x142: {  	v10 =	vld [tilespmem:s5+$0xFFFFFF70];
	_ =	sdelay $0x2  }
0x143: {  	v11 =	vperm.xlane v9, v8;
	_ =	sdelay $0x1  }
0x144: {  	v10 =	vmul.f32 v10, v11  }
0x145: {  	[tilespmem:s9+$0xFFFFFF60] =	vst v9  }
0x146: {  	[tilespmem:s9+$0xFFFFFF50] =	vst v10  }
0x147: {  	v9 =	vld [tilespmem:s4+$0xFFFFFFF0];
	_ =	sdelay $0x1  }
0x148: {  	v10 =	vld [tilespmem:s5+$0xFFFFFF80];
	_ =	sdelay $0x2  }
0x149: {  	v11 =	vperm.xlane v9, v1;
	_ =	sdelay $0x1  }
0x14a: {  	v10 =	vmul.f32 v10, v11;
	_ =	sdelay $0x1  }
0x14b: {  	[tilespmem:s9+$0xFFFFFF70] =	vst v10  }
0x14c: {  	v10 =	vld [tilespmem:s5+$0xFFFFFF90];
	_ =	sdelay $0x2  }
0x14d: {  	v11 =	vperm.xlane v9, v2;
	_ =	sdelay $0x1  }
0x14e: {  	v10 =	vmul.f32 v10, v11;
	_ =	sdelay $0x1  }
0x14f: {  	[tilespmem:s9+$0xFFFFFF80] =	vst v10  }
0x150: {  	v10 =	vld [tilespmem:s5+$0xFFFFFFA0];
	_ =	sdelay $0x2  }
0x151: {  	v11 =	vperm.xlane v9, v3;
	_ =	sdelay $0x1  }
0x152: {  	v10 =	vmul.f32 v10, v11;
	_ =	sdelay $0x1  }
0x153: {  	[tilespmem:s9+$0xFFFFFF90] =	vst v10  }
0x154: {  	v10 =	vld [tilespmem:s5+$0xFFFFFFB0];
	_ =	sdelay $0x2  }
0x155: {  	v11 =	vperm.xlane v9, v4;
	_ =	sdelay $0x1  }
0x156: {  	v10 =	vmul.f32 v10, v11;
	_ =	sdelay $0x1  }
0x157: {  	[tilespmem:s9+$0xFFFFFFA0] =	vst v10  }
0x158: {  	v10 =	vld [tilespmem:s5+$0xFFFFFFC0];
	_ =	sdelay $0x2  }
0x159: {  	v11 =	vperm.xlane v9, v5;
	_ =	sdelay $0x1  }
0x15a: {  	v10 =	vmul.f32 v10, v11;
	_ =	sdelay $0x1  }
0x15b: {  	[tilespmem:s9+$0xFFFFFFB0] =	vst v10  }
0x15c: {  	v10 =	vld [tilespmem:s5+$0xFFFFFFD0];
	_ =	sdelay $0x2  }
0x15d: {  	v11 =	vperm.xlane v9, v6;
	_ =	sdelay $0x1  }
0x15e: {  	v10 =	vmul.f32 v10, v11;
	_ =	sdelay $0x1  }
0x15f: {  	[tilespmem:s9+$0xFFFFFFC0] =	vst v10  }
0x160: {  	v10 =	vld [tilespmem:s5+$0xFFFFFFE0];
	_ =	sdelay $0x2  }
0x161: {  	v11 =	vperm.xlane v9, v7;
	_ =	sdelay $0x1  }
0x162: {  	v10 =	vmul.f32 v10, v11;
	_ =	sdelay $0x1  }
0x163: {  	[tilespmem:s9+$0xFFFFFFD0] =	vst v10  }
0x164: {  	v10 =	vld [tilespmem:s5+$0xFFFFFFF0]  }
0x165: {  	[tilespmem:s9+$0xFFFFFFF0] =	vst v9;
	_ =	sdelay $0x1  }
0x166: {  	v9 =	vperm.xlane v9, v8;
	_ =	sdelay $0x1  }
0x167: {  	v9 =	vmul.f32 v10, v9;
	_ =	sdelay $0x1  }
0x168: {  	[tilespmem:s9+$0xFFFFFFE0] =	vst v9  }
0x169: {  	v9 =	vld [tilespmem:s4+$0x0];
	_ =	sdelay $0x1  }
0x16a: {  	v10 =	vld [tilespmem:s5+$0x0];
	_ =	sdelay $0x2  }
0x16b: {  	v11 =	vperm.xlane v9, v1;
	_ =	sdelay $0x1  }
0x16c: {  	v10 =	vmul.f32 v10, v11;
	_ =	sdelay $0x1  }
0x16d: {  	[tilespmem:s9+$0x0] =	vst v10  }
0x16e: {  	v10 =	vld [tilespmem:s5+$0x10];
	_ =	sdelay $0x2  }
0x16f: {  	v11 =	vperm.xlane v9, v2;
	_ =	sdelay $0x1  }
0x170: {  	v10 =	vmul.f32 v10, v11;
	_ =	sdelay $0x1  }
0x171: {  	[tilespmem:s9+$0x10] =	vst v10  }
0x172: {  	v10 =	vld [tilespmem:s5+$0x20];
	_ =	sdelay $0x2  }
0x173: {  	v11 =	vperm.xlane v9, v3;
	_ =	sdelay $0x1  }
0x174: {  	v10 =	vmul.f32 v10, v11;
	_ =	sdelay $0x1  }
0x175: {  	[tilespmem:s9+$0x20] =	vst v10  }
0x176: {  	v10 =	vld [tilespmem:s5+$0x30];
	_ =	sdelay $0x2  }
0x177: {  	v11 =	vperm.xlane v9, v4;
	_ =	sdelay $0x1  }
0x178: {  	v10 =	vmul.f32 v10, v11;
	_ =	sdelay $0x1  }
0x179: {  	[tilespmem:s9+$0x30] =	vst v10  }
0x17a: {  	v10 =	vld [tilespmem:s5+$0x40];
	_ =	sdelay $0x2  }
0x17b: {  	v11 =	vperm.xlane v9, v5;
	_ =	sdelay $0x1  }
0x17c: {  	v10 =	vmul.f32 v10, v11;
	_ =	sdelay $0x1  }
0x17d: {  	[tilespmem:s9+$0x40] =	vst v10  }
0x17e: {  	v10 =	vld [tilespmem:s5+$0x50];
	_ =	sdelay $0x2  }
0x17f: {  	v11 =	vperm.xlane v9, v6;
	_ =	sdelay $0x1  }
0x180: {  	v10 =	vmul.f32 v10, v11;
	_ =	sdelay $0x1  }
0x181: {  	[tilespmem:s9+$0x50] =	vst v10  }
0x182: {  	v10 =	vld [tilespmem:s5+$0x60];
	_ =	sdelay $0x2  }
0x183: {  	v11 =	vperm.xlane v9, v7;
	_ =	sdelay $0x1  }
0x184: {  	v10 =	vmul.f32 v10, v11;
	_ =	sdelay $0x1  }
0x185: {  	[tilespmem:s9+$0x60] =	vst v10  }
0x186: {  	v10 =	vld [tilespmem:s5+$0x70]  }
0x187: {  	[tilespmem:s9+$0x80] =	vst v9;
	_ =	sdelay $0x1  }
0x188: {  	v9 =	vperm.xlane v9, v8;
	_ =	sdelay $0x1  }
0x189: {  	v9 =	vmul.f32 v10, v9;
	_ =	sdelay $0x1  }
0x18a: {  	[tilespmem:s9+$0x70] =	vst v9  }
0x18b: {  	v9 =	vld [tilespmem:s4+$0x10]  }
0x18c: {  	v10 =	vld [tilespmem:s5+$0x80];
	_ =	sdelay $0x3  }
0x18d: {  	v11 =	vperm.xlane v9, v1;
	_ =	sdelay $0x1  }
0x18e: {  	v10 =	vmul.f32 v10, v11;
	_ =	sdelay $0x1  }
0x18f: {  	[tilespmem:s9+$0x90] =	vst v10  }
0x190: {  	v10 =	vld [tilespmem:s5+$0x90];
	_ =	sdelay $0x2  }
0x191: {  	v11 =	vperm.xlane v9, v2;
	_ =	sdelay $0x1  }
0x192: {  	v10 =	vmul.f32 v10, v11;
	_ =	sdelay $0x1  }
0x193: {  	[tilespmem:s9+$0xA0] =	vst v10  }
0x194: {  	v10 =	vld [tilespmem:s5+$0xA0];
	_ =	sdelay $0x2  }
0x195: {  	v11 =	vperm.xlane v9, v3;
	_ =	sdelay $0x1  }
0x196: {  	v10 =	vmul.f32 v10, v11;
	_ =	sdelay $0x1  }
0x197: {  	[tilespmem:s9+$0xB0] =	vst v10  }
0x198: {  	v10 =	vld [tilespmem:s5+$0xB0];
	_ =	sdelay $0x2  }
0x199: {  	v11 =	vperm.xlane v9, v4;
	_ =	sdelay $0x1  }
0x19a: {  	v10 =	vmul.f32 v10, v11;
	_ =	sdelay $0x1  }
0x19b: {  	[tilespmem:s9+$0xC0] =	vst v10  }
0x19c: {  	v10 =	vld [tilespmem:s5+$0xC0];
	_ =	sdelay $0x2  }
0x19d: {  	v11 =	vperm.xlane v9, v5;
	_ =	sdelay $0x1  }
0x19e: {  	v10 =	vmul.f32 v10, v11;
	_ =	sdelay $0x1  }
0x19f: {  	[tilespmem:s9+$0xD0] =	vst v10  }
0x1a0: {  	v10 =	vld [tilespmem:s5+$0xD0];
	_ =	sdelay $0x2  }
0x1a1: {  	v11 =	vperm.xlane v9, v6;
	_ =	sdelay $0x1  }
0x1a2: {  	v10 =	vmul.f32 v10, v11;
	_ =	sdelay $0x1  }
0x1a3: {  	[tilespmem:s9+$0xE0] =	vst v10  }
0x1a4: {  	v10 =	vld [tilespmem:s5+$0xE0];
	_ =	sdelay $0x2  }
0x1a5: {  	v11 =	vperm.xlane v9, v7;
	_ =	sdelay $0x1  }
0x1a6: {  	v10 =	vmul.f32 v10, v11;
	_ =	sdelay $0x1  }
0x1a7: {  	[tilespmem:s9+$0xF0] =	vst v10  }
0x1a8: {  	v10 =	vld [tilespmem:s5+$0xF0]  }
0x1a9: {  	[tilespmem:s9+$0x110] =	vst v9  }
.Ltmp1:
0x1aa: {  	(pc) =	sbr.rel @p2 .LBB2_5-.Ltmp1, $3  }
0x1ab: {  	v9 =	vperm.xlane v9, v8;
	_ =	sdelay $0x1  }
0x1ac: {  	v9 =	vmul.f32 v10, v9  }
0x1ad: {  	s9 =	sadd.s32 $0x240, s9  }
0x1ae: {  	[tilespmem:s6+$0x100] =	vst v9  }
0x1af: {  	[spmem:s12] =	stream.indirect.scatter.add.f32 [tilespmem:s14], [sflag:$0x3], $0x90, s7, s21, $0xb8;
	[tilespmem:$0x1E930] =	vst v63  }
0x1b0: {  	v9 =	vld [tilespmem:s10+$0xFFFFFFD0];
	_ =	sdelay $0x1  }
0x1b1: {  	v10 =	vld [tilespmem:s0+$0xFFFFFE10];
	_ =	sdelay $0x2  }
0x1b2: {  	v11 =	vperm.xlane v9, v1;
	_ =	sdelay $0x1  }
0x1b3: {  	v10 =	vmul.f32 v10, v11  }
0x1b4: {  	s4 =	simm.s32 $0x79D0  }
0x1b5: {  	[tilespmem:s4+$0xFFFFFDD0] =	vst v10  }
0x1b6: {  	v10 =	vld [tilespmem:s0+$0xFFFFFE20];
	_ =	sdelay $0x2  }
0x1b7: {  	v11 =	vperm.xlane v9, v2;
	_ =	sdelay $0x1  }
0x1b8: {  	v10 =	vmul.f32 v10, v11;
	_ =	sdelay $0x1  }
0x1b9: {  	[tilespmem:s4+$0xFFFFFDE0] =	vst v10  }
0x1ba: {  	v10 =	vld [tilespmem:s0+$0xFFFFFE30];
	_ =	sdelay $0x2  }
0x1bb: {  	v11 =	vperm.xlane v9, v3;
	_ =	sdelay $0x1  }
0x1bc: {  	v10 =	vmul.f32 v10, v11;
	_ =	sdelay $0x1  }
0x1bd: {  	[tilespmem:s4+$0xFFFFFDF0] =	vst v10  }
0x1be: {  	v10 =	vld [tilespmem:s0+$0xFFFFFE40];
	_ =	sdelay $0x2  }
0x1bf: {  	v11 =	vperm.xlane v9, v4;
	_ =	sdelay $0x1  }
0x1c0: {  	v10 =	vmul.f32 v10, v11;
	_ =	sdelay $0x1  }
0x1c1: {  	[tilespmem:s4+$0xFFFFFE00] =	vst v10  }
0x1c2: {  	v10 =	vld [tilespmem:s0+$0xFFFFFE50];
	_ =	sdelay $0x2  }
0x1c3: {  	v11 =	vperm.xlane v9, v5;
	_ =	sdelay $0x1  }
0x1c4: {  	v10 =	vmul.f32 v10, v11;
	_ =	sdelay $0x1  }
0x1c5: {  	[tilespmem:s4+$0xFFFFFE10] =	vst v10  }
0x1c6: {  	v10 =	vld [tilespmem:s0+$0xFFFFFE60];
	_ =	sdelay $0x2  }
0x1c7: {  	v11 =	vperm.xlane v9, v6;
	_ =	sdelay $0x1  }
0x1c8: {  	v10 =	vmul.f32 v10, v11;
	_ =	sdelay $0x1  }
0x1c9: {  	[tilespmem:s4+$0xFFFFFE20] =	vst v10  }
0x1ca: {  	v10 =	vld [tilespmem:s0+$0xFFFFFE70];
	_ =	sdelay $0x2  }
0x1cb: {  	v11 =	vperm.xlane v9, v7;
	_ =	sdelay $0x1  }
0x1cc: {  	v10 =	vmul.f32 v10, v11;
	_ =	sdelay $0x1  }
0x1cd: {  	[tilespmem:s4+$0xFFFFFE30] =	vst v10  }
0x1ce: {  	v10 =	vld [tilespmem:s0+$0xFFFFFE80];
	_ =	sdelay $0x2  }
0x1cf: {  	v11 =	vperm.xlane v9, v8;
	_ =	sdelay $0x1  }
0x1d0: {  	v10 =	vmul.f32 v10, v11  }
0x1d1: {  	[tilespmem:s4+$0xFFFFFE50] =	vst v9  }
0x1d2: {  	[tilespmem:s4+$0xFFFFFE40] =	vst v10  }
0x1d3: {  	v9 =	vld [tilespmem:s10+$0xFFFFFFE0];
	_ =	sdelay $0x1  }
0x1d4: {  	v10 =	vld [tilespmem:s0+$0xFFFFFE90];
	_ =	sdelay $0x2  }
0x1d5: {  	v11 =	vperm.xlane v9, v1;
	_ =	sdelay $0x1  }
0x1d6: {  	v10 =	vmul.f32 v10, v11;
	_ =	sdelay $0x1  }
0x1d7: {  	[tilespmem:s4+$0xFFFFFE60] =	vst v10  }
0x1d8: {  	v10 =	vld [tilespmem:s0+$0xFFFFFEA0];
	_ =	sdelay $0x2  }
0x1d9: {  	v11 =	vperm.xlane v9, v2;
	_ =	sdelay $0x1  }
0x1da: {  	v10 =	vmul.f32 v10, v11;
	_ =	sdelay $0x1  }
0x1db: {  	[tilespmem:s4+$0xFFFFFE70] =	vst v10  }
0x1dc: {  	v10 =	vld [tilespmem:s0+$0xFFFFFEB0];
	_ =	sdelay $0x2  }
0x1dd: {  	v11 =	vperm.xlane v9, v3;
	_ =	sdelay $0x1  }
0x1de: {  	v10 =	vmul.f32 v10, v11;
	_ =	sdelay $0x1  }
0x1df: {  	[tilespmem:s4+$0xFFFFFE80] =	vst v10  }
0x1e0: {  	v10 =	vld [tilespmem:s0+$0xFFFFFEC0];
	_ =	sdelay $0x2  }
0x1e1: {  	v11 =	vperm.xlane v9, v4;
	_ =	sdelay $0x1  }
0x1e2: {  	v10 =	vmul.f32 v10, v11;
	_ =	sdelay $0x1  }
0x1e3: {  	[tilespmem:s4+$0xFFFFFE90] =	vst v10  }
0x1e4: {  	v10 =	vld [tilespmem:s0+$0xFFFFFED0];
	_ =	sdelay $0x2  }
0x1e5: {  	v11 =	vperm.xlane v9, v5;
	_ =	sdelay $0x1  }
0x1e6: {  	v10 =	vmul.f32 v10, v11;
	_ =	sdelay $0x1  }
0x1e7: {  	[tilespmem:s4+$0xFFFFFEA0] =	vst v10  }
0x1e8: {  	v10 =	vld [tilespmem:s0+$0xFFFFFEE0];
	_ =	sdelay $0x2  }
0x1e9: {  	v11 =	vperm.xlane v9, v6;
	_ =	sdelay $0x1  }
0x1ea: {  	v10 =	vmul.f32 v10, v11;
	_ =	sdelay $0x1  }
0x1eb: {  	[tilespmem:s4+$0xFFFFFEB0] =	vst v10  }
0x1ec: {  	v10 =	vld [tilespmem:s0+$0xFFFFFEF0];
	_ =	sdelay $0x2  }
0x1ed: {  	v11 =	vperm.xlane v9, v7;
	_ =	sdelay $0x1  }
0x1ee: {  	v10 =	vmul.f32 v10, v11;
	_ =	sdelay $0x1  }
0x1ef: {  	[tilespmem:s4+$0xFFFFFEC0] =	vst v10  }
0x1f0: {  	v10 =	vld [tilespmem:s0+$0xFFFFFF00];
	_ =	sdelay $0x2  }
0x1f1: {  	v11 =	vperm.xlane v9, v8;
	_ =	sdelay $0x1  }
0x1f2: {  	v10 =	vmul.f32 v10, v11  }
0x1f3: {  	[tilespmem:s4+$0xFFFFFEE0] =	vst v9  }
0x1f4: {  	[tilespmem:s4+$0xFFFFFED0] =	vst v10  }
0x1f5: {  	v9 =	vld [tilespmem:s10+$0xFFFFFFF0];
	_ =	sdelay $0x1  }
0x1f6: {  	v10 =	vld [tilespmem:s0+$0xFFFFFF10];
	_ =	sdelay $0x2  }
0x1f7: {  	v11 =	vperm.xlane v9, v1;
	_ =	sdelay $0x1  }
0x1f8: {  	v10 =	vmul.f32 v10, v11;
	_ =	sdelay $0x1  }
0x1f9: {  	[tilespmem:s4+$0xFFFFFEF0] =	vst v10  }
0x1fa: {  	v10 =	vld [tilespmem:s0+$0xFFFFFF20];
	_ =	sdelay $0x2  }
0x1fb: {  	v11 =	vperm.xlane v9, v2;
	_ =	sdelay $0x1  }
0x1fc: {  	v10 =	vmul.f32 v10, v11;
	_ =	sdelay $0x1  }
0x1fd: {  	[tilespmem:s4+$0xFFFFFF00] =	vst v10  }
0x1fe: {  	v10 =	vld [tilespmem:s0+$0xFFFFFF30];
	_ =	sdelay $0x2  }
0x1ff: {  	v11 =	vperm.xlane v9, v3;
	_ =	sdelay $0x1  }
0x200: {  	v10 =	vmul.f32 v10, v11;
	_ =	sdelay $0x1  }
0x201: {  	[tilespmem:s4+$0xFFFFFF10] =	vst v10  }
0x202: {  	v10 =	vld [tilespmem:s0+$0xFFFFFF40];
	_ =	sdelay $0x2  }
0x203: {  	v11 =	vperm.xlane v9, v4;
	_ =	sdelay $0x1  }
0x204: {  	v10 =	vmul.f32 v10, v11;
	_ =	sdelay $0x1  }
0x205: {  	[tilespmem:s4+$0xFFFFFF20] =	vst v10  }
0x206: {  	v10 =	vld [tilespmem:s0+$0xFFFFFF50];
	_ =	sdelay $0x2  }
0x207: {  	v11 =	vperm.xlane v9, v5;
	_ =	sdelay $0x1  }
0x208: {  	v10 =	vmul.f32 v10, v11;
	_ =	sdelay $0x1  }
0x209: {  	[tilespmem:s4+$0xFFFFFF30] =	vst v10  }
0x20a: {  	v10 =	vld [tilespmem:s0+$0xFFFFFF60];
	_ =	sdelay $0x2  }
0x20b: {  	v11 =	vperm.xlane v9, v6;
	_ =	sdelay $0x1  }
0x20c: {  	v10 =	vmul.f32 v10, v11;
	_ =	sdelay $0x1  }
0x20d: {  	[tilespmem:s4+$0xFFFFFF40] =	vst v10  }
0x20e: {  	v10 =	vld [tilespmem:s0+$0xFFFFFF70];
	_ =	sdelay $0x2  }
0x20f: {  	v11 =	vperm.xlane v9, v7;
	_ =	sdelay $0x1  }
0x210: {  	v10 =	vmul.f32 v10, v11;
	_ =	sdelay $0x1  }
0x211: {  	[tilespmem:s4+$0xFFFFFF50] =	vst v10  }
0x212: {  	v10 =	vld [tilespmem:s0+$0xFFFFFF80];
	_ =	sdelay $0x2  }
0x213: {  	v11 =	vperm.xlane v9, v8;
	_ =	sdelay $0x1  }
0x214: {  	v10 =	vmul.f32 v10, v11  }
0x215: {  	[tilespmem:s4+$0xFFFFFF70] =	vst v9  }
0x216: {  	[tilespmem:s4+$0xFFFFFF60] =	vst v10  }
0x217: {  	v9 =	vld [tilespmem:s10+$0x0];
	_ =	sdelay $0x1  }
0x218: {  	v10 =	vld [tilespmem:s0+$0xFFFFFF90];
	_ =	sdelay $0x2  }
0x219: {  	v11 =	vperm.xlane v9, v1;
	_ =	sdelay $0x1  }
0x21a: {  	v10 =	vmul.f32 v10, v11;
	_ =	sdelay $0x1  }
0x21b: {  	[tilespmem:s4+$0xFFFFFF80] =	vst v10  }
0x21c: {  	v10 =	vld [tilespmem:s0+$0xFFFFFFA0];
	_ =	sdelay $0x2  }
0x21d: {  	v11 =	vperm.xlane v9, v2;
	_ =	sdelay $0x1  }
0x21e: {  	v10 =	vmul.f32 v10, v11;
	_ =	sdelay $0x1  }
0x21f: {  	[tilespmem:s4+$0xFFFFFF90] =	vst v10  }
0x220: {  	v10 =	vld [tilespmem:s0+$0xFFFFFFB0];
	_ =	sdelay $0x2  }
0x221: {  	v11 =	vperm.xlane v9, v3;
	_ =	sdelay $0x1  }
0x222: {  	v10 =	vmul.f32 v10, v11;
	_ =	sdelay $0x1  }
0x223: {  	[tilespmem:s4+$0xFFFFFFA0] =	vst v10  }
0x224: {  	v10 =	vld [tilespmem:s0+$0xFFFFFFC0];
	_ =	sdelay $0x2  }
0x225: {  	v11 =	vperm.xlane v9, v4;
	_ =	sdelay $0x1  }
0x226: {  	v10 =	vmul.f32 v10, v11;
	_ =	sdelay $0x1  }
0x227: {  	[tilespmem:s4+$0xFFFFFFB0] =	vst v10  }
0x228: {  	v10 =	vld [tilespmem:s0+$0xFFFFFFD0];
	_ =	sdelay $0x2  }
0x229: {  	v11 =	vperm.xlane v9, v5;
	_ =	sdelay $0x1  }
0x22a: {  	v10 =	vmul.f32 v10, v11;
	_ =	sdelay $0x1  }
0x22b: {  	[tilespmem:s4+$0xFFFFFFC0] =	vst v10  }
0x22c: {  	v10 =	vld [tilespmem:s0+$0xFFFFFFE0];
	_ =	sdelay $0x2  }
0x22d: {  	v11 =	vperm.xlane v9, v6;
	_ =	sdelay $0x1  }
0x22e: {  	v10 =	vmul.f32 v10, v11;
	_ =	sdelay $0x1  }
0x22f: {  	[tilespmem:s4+$0xFFFFFFD0] =	vst v10  }
0x230: {  	v10 =	vld [tilespmem:s0+$0xFFFFFFF0];
	_ =	sdelay $0x2  }
0x231: {  	v11 =	vperm.xlane v9, v7;
	_ =	sdelay $0x1  }
0x232: {  	v10 =	vmul.f32 v10, v11;
	_ =	sdelay $0x1  }
0x233: {  	[tilespmem:s4+$0xFFFFFFE0] =	vst v10  }
0x234: {  	v10 =	vld [tilespmem:s0+$0x0];
	_ =	sdelay $0x2  }
0x235: {  	v11 =	vperm.xlane v9, v8;
	_ =	sdelay $0x1  }
0x236: {  	[tilespmem:s4+$0x0] =	vst v9;
	v9 =	vmul.f32 v10, v11  }
0x237: {  	s5 =	simm.s32 $0x30;
	s6 =	simm.s32 $0x7C10  }
.LBB2_7:
0x238: {  	s5 =	sadd.s32 $0x4, s5;
	[tilespmem:s4+$0xFFFFFFF0] =	vst v9;
	s10 =	sadd.s32 $0x40, s10;
	s0 =	sadd.s32 $0x200, s0  }
0x239: {  	s4 =	smov.u32 s6;
	v9 =	vld [tilespmem:s10+$0xFFFFFFD0];
	p2 =	slt.u32 s5, $0x4C;
	_ =	sdelay $0x1  }
0x23a: {  	v10 =	vld [tilespmem:s0+$0xFFFFFE10];
	_ =	sdelay $0x2  }
0x23b: {  	v11 =	vperm.xlane v9, v1;
	_ =	sdelay $0x1  }
0x23c: {  	v10 =	vmul.f32 v10, v11;
	_ =	sdelay $0x1  }
0x23d: {  	[tilespmem:s6+$0xFFFFFDD0] =	vst v10  }
0x23e: {  	v10 =	vld [tilespmem:s0+$0xFFFFFE20];
	_ =	sdelay $0x2  }
0x23f: {  	v11 =	vperm.xlane v9, v2;
	_ =	sdelay $0x1  }
0x240: {  	v10 =	vmul.f32 v10, v11;
	_ =	sdelay $0x1  }
0x241: {  	[tilespmem:s6+$0xFFFFFDE0] =	vst v10  }
0x242: {  	v10 =	vld [tilespmem:s0+$0xFFFFFE30];
	_ =	sdelay $0x2  }
0x243: {  	v11 =	vperm.xlane v9, v3;
	_ =	sdelay $0x1  }
0x244: {  	v10 =	vmul.f32 v10, v11;
	_ =	sdelay $0x1  }
0x245: {  	[tilespmem:s6+$0xFFFFFDF0] =	vst v10  }
0x246: {  	v10 =	vld [tilespmem:s0+$0xFFFFFE40];
	_ =	sdelay $0x2  }
0x247: {  	v11 =	vperm.xlane v9, v4;
	_ =	sdelay $0x1  }
0x248: {  	v10 =	vmul.f32 v10, v11;
	_ =	sdelay $0x1  }
0x249: {  	[tilespmem:s6+$0xFFFFFE00] =	vst v10  }
0x24a: {  	v10 =	vld [tilespmem:s0+$0xFFFFFE50];
	_ =	sdelay $0x2  }
0x24b: {  	v11 =	vperm.xlane v9, v5;
	_ =	sdelay $0x1  }
0x24c: {  	v10 =	vmul.f32 v10, v11;
	_ =	sdelay $0x1  }
0x24d: {  	[tilespmem:s6+$0xFFFFFE10] =	vst v10  }
0x24e: {  	v10 =	vld [tilespmem:s0+$0xFFFFFE60];
	_ =	sdelay $0x2  }
0x24f: {  	v11 =	vperm.xlane v9, v6;
	_ =	sdelay $0x1  }
0x250: {  	v10 =	vmul.f32 v10, v11;
	_ =	sdelay $0x1  }
0x251: {  	[tilespmem:s6+$0xFFFFFE20] =	vst v10  }
0x252: {  	v10 =	vld [tilespmem:s0+$0xFFFFFE70];
	_ =	sdelay $0x2  }
0x253: {  	v11 =	vperm.xlane v9, v7;
	_ =	sdelay $0x1  }
0x254: {  	v10 =	vmul.f32 v10, v11;
	_ =	sdelay $0x1  }
0x255: {  	[tilespmem:s6+$0xFFFFFE30] =	vst v10  }
0x256: {  	v10 =	vld [tilespmem:s0+$0xFFFFFE80];
	_ =	sdelay $0x2  }
0x257: {  	v11 =	vperm.xlane v9, v8;
	_ =	sdelay $0x1  }
0x258: {  	v10 =	vmul.f32 v10, v11  }
0x259: {  	[tilespmem:s6+$0xFFFFFE50] =	vst v9  }
0x25a: {  	[tilespmem:s6+$0xFFFFFE40] =	vst v10  }
0x25b: {  	v9 =	vld [tilespmem:s10+$0xFFFFFFE0];
	_ =	sdelay $0x1  }
0x25c: {  	v10 =	vld [tilespmem:s0+$0xFFFFFE90];
	_ =	sdelay $0x2  }
0x25d: {  	v11 =	vperm.xlane v9, v1;
	_ =	sdelay $0x1  }
0x25e: {  	v10 =	vmul.f32 v10, v11;
	_ =	sdelay $0x1  }
0x25f: {  	[tilespmem:s6+$0xFFFFFE60] =	vst v10  }
0x260: {  	v10 =	vld [tilespmem:s0+$0xFFFFFEA0];
	_ =	sdelay $0x2  }
0x261: {  	v11 =	vperm.xlane v9, v2;
	_ =	sdelay $0x1  }
0x262: {  	v10 =	vmul.f32 v10, v11;
	_ =	sdelay $0x1  }
0x263: {  	[tilespmem:s6+$0xFFFFFE70] =	vst v10  }
0x264: {  	v10 =	vld [tilespmem:s0+$0xFFFFFEB0];
	_ =	sdelay $0x2  }
0x265: {  	v11 =	vperm.xlane v9, v3;
	_ =	sdelay $0x1  }
0x266: {  	v10 =	vmul.f32 v10, v11;
	_ =	sdelay $0x1  }
0x267: {  	[tilespmem:s6+$0xFFFFFE80] =	vst v10  }
0x268: {  	v10 =	vld [tilespmem:s0+$0xFFFFFEC0];
	_ =	sdelay $0x2  }
0x269: {  	v11 =	vperm.xlane v9, v4;
	_ =	sdelay $0x1  }
0x26a: {  	v10 =	vmul.f32 v10, v11;
	_ =	sdelay $0x1  }
0x26b: {  	[tilespmem:s6+$0xFFFFFE90] =	vst v10  }
0x26c: {  	v10 =	vld [tilespmem:s0+$0xFFFFFED0];
	_ =	sdelay $0x2  }
0x26d: {  	v11 =	vperm.xlane v9, v5;
	_ =	sdelay $0x1  }
0x26e: {  	v10 =	vmul.f32 v10, v11;
	_ =	sdelay $0x1  }
0x26f: {  	[tilespmem:s6+$0xFFFFFEA0] =	vst v10  }
0x270: {  	v10 =	vld [tilespmem:s0+$0xFFFFFEE0];
	_ =	sdelay $0x2  }
0x271: {  	v11 =	vperm.xlane v9, v6;
	_ =	sdelay $0x1  }
0x272: {  	v10 =	vmul.f32 v10, v11;
	_ =	sdelay $0x1  }
0x273: {  	[tilespmem:s6+$0xFFFFFEB0] =	vst v10  }
0x274: {  	v10 =	vld [tilespmem:s0+$0xFFFFFEF0];
	_ =	sdelay $0x2  }
0x275: {  	v11 =	vperm.xlane v9, v7;
	_ =	sdelay $0x1  }
0x276: {  	v10 =	vmul.f32 v10, v11;
	_ =	sdelay $0x1  }
0x277: {  	[tilespmem:s6+$0xFFFFFEC0] =	vst v10  }
0x278: {  	v10 =	vld [tilespmem:s0+$0xFFFFFF00]  }
0x279: {  	[tilespmem:s6+$0xFFFFFEE0] =	vst v9;
	_ =	sdelay $0x1  }
0x27a: {  	v9 =	vperm.xlane v9, v8;
	_ =	sdelay $0x1  }
0x27b: {  	v9 =	vmul.f32 v10, v9;
	_ =	sdelay $0x1  }
0x27c: {  	[tilespmem:s6+$0xFFFFFED0] =	vst v9  }
0x27d: {  	v9 =	vld [tilespmem:s10+$0xFFFFFFF0];
	_ =	sdelay $0x1  }
0x27e: {  	v10 =	vld [tilespmem:s0+$0xFFFFFF10];
	_ =	sdelay $0x2  }
0x27f: {  	v11 =	vperm.xlane v9, v1;
	_ =	sdelay $0x1  }
0x280: {  	v10 =	vmul.f32 v10, v11;
	_ =	sdelay $0x1  }
0x281: {  	[tilespmem:s6+$0xFFFFFEF0] =	vst v10  }
0x282: {  	v10 =	vld [tilespmem:s0+$0xFFFFFF20];
	_ =	sdelay $0x2  }
0x283: {  	v11 =	vperm.xlane v9, v2;
	_ =	sdelay $0x1  }
0x284: {  	v10 =	vmul.f32 v10, v11;
	_ =	sdelay $0x1  }
0x285: {  	[tilespmem:s6+$0xFFFFFF00] =	vst v10  }
0x286: {  	v10 =	vld [tilespmem:s0+$0xFFFFFF30];
	_ =	sdelay $0x2  }
0x287: {  	v11 =	vperm.xlane v9, v3;
	_ =	sdelay $0x1  }
0x288: {  	v10 =	vmul.f32 v10, v11;
	_ =	sdelay $0x1  }
0x289: {  	[tilespmem:s6+$0xFFFFFF10] =	vst v10  }
0x28a: {  	v10 =	vld [tilespmem:s0+$0xFFFFFF40];
	_ =	sdelay $0x2  }
0x28b: {  	v11 =	vperm.xlane v9, v4;
	_ =	sdelay $0x1  }
0x28c: {  	v10 =	vmul.f32 v10, v11;
	_ =	sdelay $0x1  }
0x28d: {  	[tilespmem:s6+$0xFFFFFF20] =	vst v10  }
0x28e: {  	v10 =	vld [tilespmem:s0+$0xFFFFFF50];
	_ =	sdelay $0x2  }
0x28f: {  	v11 =	vperm.xlane v9, v5;
	_ =	sdelay $0x1  }
0x290: {  	v10 =	vmul.f32 v10, v11;
	_ =	sdelay $0x1  }
0x291: {  	[tilespmem:s6+$0xFFFFFF30] =	vst v10  }
0x292: {  	v10 =	vld [tilespmem:s0+$0xFFFFFF60];
	_ =	sdelay $0x2  }
0x293: {  	v11 =	vperm.xlane v9, v6;
	_ =	sdelay $0x1  }
0x294: {  	v10 =	vmul.f32 v10, v11;
	_ =	sdelay $0x1  }
0x295: {  	[tilespmem:s6+$0xFFFFFF40] =	vst v10  }
0x296: {  	v10 =	vld [tilespmem:s0+$0xFFFFFF70];
	_ =	sdelay $0x2  }
0x297: {  	v11 =	vperm.xlane v9, v7;
	_ =	sdelay $0x1  }
0x298: {  	v10 =	vmul.f32 v10, v11;
	_ =	sdelay $0x1  }
0x299: {  	[tilespmem:s6+$0xFFFFFF50] =	vst v10  }
0x29a: {  	v10 =	vld [tilespmem:s0+$0xFFFFFF80]  }
0x29b: {  	[tilespmem:s6+$0xFFFFFF70] =	vst v9;
	_ =	sdelay $0x1  }
0x29c: {  	v9 =	vperm.xlane v9, v8;
	_ =	sdelay $0x1  }
0x29d: {  	v9 =	vmul.f32 v10, v9;
	_ =	sdelay $0x1  }
0x29e: {  	[tilespmem:s6+$0xFFFFFF60] =	vst v9  }
0x29f: {  	v9 =	vld [tilespmem:s10+$0x0]  }
0x2a0: {  	v10 =	vld [tilespmem:s0+$0xFFFFFF90];
	_ =	sdelay $0x3  }
0x2a1: {  	v11 =	vperm.xlane v9, v1;
	_ =	sdelay $0x1  }
0x2a2: {  	v10 =	vmul.f32 v10, v11;
	_ =	sdelay $0x1  }
0x2a3: {  	[tilespmem:s6+$0xFFFFFF80] =	vst v10  }
0x2a4: {  	v10 =	vld [tilespmem:s0+$0xFFFFFFA0];
	_ =	sdelay $0x2  }
0x2a5: {  	v11 =	vperm.xlane v9, v2;
	_ =	sdelay $0x1  }
0x2a6: {  	v10 =	vmul.f32 v10, v11;
	_ =	sdelay $0x1  }
0x2a7: {  	[tilespmem:s6+$0xFFFFFF90] =	vst v10  }
0x2a8: {  	v10 =	vld [tilespmem:s0+$0xFFFFFFB0];
	_ =	sdelay $0x2  }
0x2a9: {  	v11 =	vperm.xlane v9, v3;
	_ =	sdelay $0x1  }
0x2aa: {  	v10 =	vmul.f32 v10, v11;
	_ =	sdelay $0x1  }
0x2ab: {  	[tilespmem:s6+$0xFFFFFFA0] =	vst v10  }
0x2ac: {  	v10 =	vld [tilespmem:s0+$0xFFFFFFC0];
	_ =	sdelay $0x2  }
0x2ad: {  	v11 =	vperm.xlane v9, v4;
	_ =	sdelay $0x1  }
0x2ae: {  	v10 =	vmul.f32 v10, v11;
	_ =	sdelay $0x1  }
0x2af: {  	[tilespmem:s6+$0xFFFFFFB0] =	vst v10  }
0x2b0: {  	v10 =	vld [tilespmem:s0+$0xFFFFFFD0];
	_ =	sdelay $0x2  }
0x2b1: {  	v11 =	vperm.xlane v9, v5;
	_ =	sdelay $0x1  }
0x2b2: {  	v10 =	vmul.f32 v10, v11;
	_ =	sdelay $0x1  }
0x2b3: {  	[tilespmem:s6+$0xFFFFFFC0] =	vst v10  }
0x2b4: {  	v10 =	vld [tilespmem:s0+$0xFFFFFFE0];
	_ =	sdelay $0x2  }
0x2b5: {  	v11 =	vperm.xlane v9, v6;
	_ =	sdelay $0x1  }
0x2b6: {  	v10 =	vmul.f32 v10, v11;
	_ =	sdelay $0x1  }
0x2b7: {  	[tilespmem:s6+$0xFFFFFFD0] =	vst v10  }
0x2b8: {  	v10 =	vld [tilespmem:s0+$0xFFFFFFF0];
	_ =	sdelay $0x2  }
0x2b9: {  	v11 =	vperm.xlane v9, v7;
	_ =	sdelay $0x1  }
0x2ba: {  	v10 =	vmul.f32 v10, v11;
	_ =	sdelay $0x1  }
0x2bb: {  	[tilespmem:s6+$0xFFFFFFE0] =	vst v10  }
0x2bc: {  	v10 =	vld [tilespmem:s0+$0x0]  }
0x2bd: {  	[tilespmem:s6+$0x0] =	vst v9  }
.Ltmp2:
0x2be: {  	(pc) =	sbr.rel @p2 .LBB2_7-.Ltmp2, $3  }
0x2bf: {  	v9 =	vperm.xlane v9, v8;
	_ =	sdelay $0x1  }
0x2c0: {  	v9 =	vmul.f32 v10, v9  }
0x2c1: {  	s6 =	sadd.s32 $0x240, s6  }
0x2c2: {  	p2 =	sgt.u32 s26, $0x7A  }
0x2c3: {  	s0 =	sadd.s32 @!p2 $0x2, s26  }
0x2c4: {  	s5 =	sadd.s32 @!p2 s13, s0;
	s0 =	smul.u32 @!p2 $0x50, s0  }
0x2c5: {  	s5 =	sshll.u32 @!p2 s5, $0x5  }
0x2c6: {  	s5 =	sand.u32 @!p2 $0x1FFFFFE0, s5;
	s0 =	sadd.s32 @!p2 s3, s0  }
0x2c7: {  	[tilespmem:s4+$0xFFFFFFF0] =	vst v9;
	s4 =	sadd.s32 @!p2 s15, s5;
	s5 =	simm.s32 @!p2 $0x0;
	s0 =	sshll.u32 @!p2 s0, $0x1  }
0x2c8: {  	[tilespmem:s28], [sflag:$0x1] =	stream.linear.gather @!p2 [hbm4b:s4+s5], $0x100, $0x38;
	[tilespmem:$0x1E930] =	vst v63  }
0x2c9: {  	s0 =	sand.u32 @!p2 $0x1FFFFFE0, s0  }
0x2ca: {  	s0 =	sadd.s32 @!p2 s16, s0  }
0x2cb: {  	[tilespmem:s31], [sflag:$0x1] =	stream.linear.gather @!p2 [hbm4b:s0+s5], $0x500, $0x38;
	[tilespmem:$0x1E930] =	vst v63  }
0x2cc: {  	p2 =	sne.s32 s29, $0x7D  }
.Ltmp3:
0x2cd: {  	_ = 	snop;
	(pc) =	sbr.rel @p2 .LBB2_4-.Ltmp3, $3  }
0x2ce: {  	_ =	sdelay $0x1  }
0x2cf: {  	p1 =	por !p1, !p1;
	s26 =	smov.u32 s29  }
0x2d0: {  	[spmem:s12] =	stream.indirect.scatter.add.f32 [tilespmem:s23], [sflag:$0x3], $0x90, s30, s22, $0xb8;
	[tilespmem:$0x1E930] =	vst v63  }
0x2d1: {  	_ =	swait.ge [sflag:s24], $0x1B00  }
0x2d2: {  	[sflag:s24] =	ssyncset.done $0x0  }
0x2d3: {  	[sflag:s24] =	ssyncadd.s32 $0xFFFFE500  }
0x2d4: {  	_ =	swait.ge [sflag:s24], $0x1200  }
0x2d5: {  	[sflag:s24] =	ssyncset.done $0x0  }
0x2d6: {  	[sflag:s24] =	ssyncadd.s32 $0xFFFFEE00  }
0x2d7: {  	[bflag:$0x0] =	sbarrier.arrive $0xFFFF  }
0x2d8: {  	s0 =	rddreg [dreg:$0x19]  }
0x2d9: {  	[tilespmem:s14], [sflag:$0x4] =	stream.linear.gather [spmem:s0], $0x2D00, $0x38;
	[tilespmem:$0x1E930] =	vst v63  }
0x2da: {  	_ =	swait.ge [sflag:s18], $0x2D00  }
0x2db: {  	[sflag:s18] =	ssyncset.done $0x0  }
0x2dc: {  	s30 =	rddreg [dreg:$0x5];
	[sflag:s18] =	ssyncadd.s32 $0xFFFFD300  }
0x2dd: {  	[hbm4b:s30+s2] =	stream.linear.scatter [tilespmem:s14], [sflag:$0x4], $0x2D00, $0x38;
	[tilespmem:$0x1E930] =	vst v63  }
0x2de: {  	_ =	swait.ge [sflag:s18], $0x2D00  }
0x2df: {  	[sflag:s18] =	ssyncset.done $0x0  }
0x2e0: {  	s31 =	rddreg [dreg:$0x1a];
	[sflag:s18] =	ssyncadd.s32 $0xFFFFD300  }
0x2e1: {  	[tilespmem:s14], [sflag:$0x4] =	stream.linear.gather [spmem:s31], $0x2D00, $0x38;
	[tilespmem:$0x1E930] =	vst v63  }
0x2e2: {  	_ =	swait.ge [sflag:s18], $0x2D00  }
0x2e3: {  	[sflag:s18] =	ssyncset.done $0x0  }
0x2e4: {  	s4 =	rddreg [dreg:$0x6];
	[sflag:s18] =	ssyncadd.s32 $0xFFFFD300  }
0x2e5: {  	[hbm4b:s4+s2] =	stream.linear.scatter [tilespmem:s14], [sflag:$0x4], $0x2D00, $0x38;
	[tilespmem:$0x1E930] =	vst v63  }
0x2e6: {  	_ =	swait.ge [sflag:s18], $0x2D00  }
0x2e7: {  	[sflag:s18] =	ssyncset.done $0x0  }
0x2e8: {  	s5 =	rddreg [dreg:$0x1b];
	[sflag:s18] =	ssyncadd.s32 $0xFFFFD300  }
0x2e9: {  	[tilespmem:s14], [sflag:$0x4] =	stream.linear.gather [spmem:s5], $0x2D00, $0x38;
	[tilespmem:$0x1E930] =	vst v63  }
0x2ea: {  	_ =	swait.ge [sflag:s18], $0x2D00  }
0x2eb: {  	[sflag:s18] =	ssyncset.done $0x0  }
0x2ec: {  	s6 =	rddreg [dreg:$0x7];
	[sflag:s18] =	ssyncadd.s32 $0xFFFFD300  }
0x2ed: {  	[hbm4b:s6+s2] =	stream.linear.scatter [tilespmem:s14], [sflag:$0x4], $0x2D00, $0x38;
	[tilespmem:$0x1E930] =	vst v63  }
0x2ee: {  	_ =	swait.ge [sflag:s18], $0x2D00  }
0x2ef: {  	[sflag:s18] =	ssyncset.done $0x0  }
0x2f0: {  	s7 =	rddreg [dreg:$0x1c];
	[sflag:s18] =	ssyncadd.s32 $0xFFFFD300  }
0x2f1: {  	[tilespmem:s14], [sflag:$0x4] =	stream.linear.gather [spmem:s7], $0x2D00, $0x38;
	[tilespmem:$0x1E930] =	vst v63  }
0x2f2: {  	_ =	swait.ge [sflag:s18], $0x2D00  }
0x2f3: {  	[sflag:s18] =	ssyncset.done $0x0  }
0x2f4: {  	s8 =	rddreg [dreg:$0x8];
	[sflag:s18] =	ssyncadd.s32 $0xFFFFD300  }
0x2f5: {  	[hbm4b:s8+s2] =	stream.linear.scatter [tilespmem:s14], [sflag:$0x4], $0x2D00, $0x38;
	[tilespmem:$0x1E930] =	vst v63  }
0x2f6: {  	_ =	swait.ge [sflag:s18], $0x2D00  }
0x2f7: {  	[sflag:s18] =	ssyncset.done $0x0  }
0x2f8: {  	s9 =	rddreg [dreg:$0x1d];
	[sflag:s18] =	ssyncadd.s32 $0xFFFFD300  }
0x2f9: {  	[tilespmem:s14], [sflag:$0x4] =	stream.linear.gather [spmem:s9], $0x2D00, $0x38;
	[tilespmem:$0x1E930] =	vst v63  }
0x2fa: {  	_ =	swait.ge [sflag:s18], $0x2D00  }
0x2fb: {  	[sflag:s18] =	ssyncset.done $0x0  }
0x2fc: {  	s10 =	rddreg [dreg:$0x9];
	[sflag:s18] =	ssyncadd.s32 $0xFFFFD300  }
0x2fd: {  	[hbm4b:s10+s2] =	stream.linear.scatter [tilespmem:s14], [sflag:$0x4], $0x2D00, $0x38;
	[tilespmem:$0x1E930] =	vst v63  }
0x2fe: {  	_ =	swait.ge [sflag:s18], $0x2D00  }
0x2ff: {  	[sflag:s18] =	ssyncset.done $0x0  }
0x300: {  	s26 =	rddreg [dreg:$0x1e];
	[sflag:s18] =	ssyncadd.s32 $0xFFFFD300  }
0x301: {  	[tilespmem:s14], [sflag:$0x4] =	stream.linear.gather [spmem:s26], $0x2D00, $0x38;
	[tilespmem:$0x1E930] =	vst v63  }
0x302: {  	_ =	swait.ge [sflag:s18], $0x2D00  }
0x303: {  	[sflag:s18] =	ssyncset.done $0x0  }
0x304: {  	s28 =	rddreg [dreg:$0xa];
	[sflag:s18] =	ssyncadd.s32 $0xFFFFD300  }
0x305: {  	[hbm4b:s28+s2] =	stream.linear.scatter [tilespmem:s14], [sflag:$0x4], $0x2D00, $0x38;
	[tilespmem:$0x1E930] =	vst v63  }
0x306: {  	_ =	swait.ge [sflag:s18], $0x2D00  }
0x307: {  	[sflag:s18] =	ssyncset.done $0x0  }
0x308: {  	s29 =	rddreg [dreg:$0x1f];
	[sflag:s18] =	ssyncadd.s32 $0xFFFFD300  }
0x309: {  	[tilespmem:s14], [sflag:$0x4] =	stream.linear.gather [spmem:s29], $0x2D00, $0x38;
	[tilespmem:$0x1E930] =	vst v63  }
0x30a: {  	_ =	swait.ge [sflag:s18], $0x2D00  }
0x30b: {  	[sflag:s18] =	ssyncset.done $0x0  }
0x30c: {  	s30 =	rddreg [dreg:$0xb];
	[sflag:s18] =	ssyncadd.s32 $0xFFFFD300  }
0x30d: {  	[hbm4b:s30+s2] =	stream.linear.scatter [tilespmem:s14], [sflag:$0x4], $0x2D00, $0x38;
	[tilespmem:$0x1E930] =	vst v63  }
0x30e: {  	_ =	swait.ge [sflag:s18], $0x2D00  }
0x30f: {  	[sflag:s18] =	ssyncset.done $0x0  }
0x310: {  	s0 =	simm.s32 @p0 $0x5CA0;
	s4 =	simm.s32 @p0 $0x4;
	[sflag:s18] =	ssyncadd.s32 $0xFFFFD300  }
0x311: {  	[tilespmem:s0], [sflag:$0x4] =	stream.linear.gather @p0 [spmem:s11], $0x2D00, $0x38;
	[tilespmem:$0x1E930] =	vst v63  }
0x312: {  	_ =	swait.ge @p0 [sflag:s4], $0x2D00  }
0x313: {  	[sflag:s4] =	ssyncset.done @p0 $0x0  }
0x314: {  	s5 =	simm.s32 @p0 $0x0;
	s6 =	rddreg [dreg:$0x11];
	[sflag:s4] =	ssyncadd.s32 @p0 $0xFFFFD300  }
0x315: {  	[hbm4b:s6+s5] =	stream.linear.scatter @p0 [tilespmem:s0], [sflag:$0x4], $0x2D00, $0x38;
	[tilespmem:$0x1E930] =	vst v63  }
0x316: {  	_ =	swait.ge @p0 [sflag:s4], $0x2D00  }
0x317: {  	[sflag:s4] =	ssyncset.done @p0 $0x0  }
0x318: {  	s0 =	simm.s32 @!p0 $0x5CA0;
	[sflag:s4] =	ssyncadd.s32 @p0 $0xFFFFD300;
	s4 =	rddreg [dreg:$0x10]  }
0x319: {  	[tilespmem:s0], [sflag:$0x4] =	stream.linear.gather @!p0 [spmem:s4], $0x2400, $0x38;
	[tilespmem:$0x1E930] =	vst v63  }
0x31a: {  	s4 =	simm.s32 @!p0 $0x4  }
0x31b: {  	_ =	swait.ge @!p0 [sflag:s4], $0x2400  }
0x31c: {  	[sflag:s4] =	ssyncset.done @!p0 $0x0  }
0x31d: {  	s5 =	simm.s32 @!p0 $0x0;
	s6 =	rddreg [dreg:$0x4];
	[sflag:s4] =	ssyncadd.s32 @!p0 $0xFFFFDC00  }
0x31e: {  	[hbm4b:s6+s5] =	stream.linear.scatter @!p0 [tilespmem:s0], [sflag:$0x4], $0x2400, $0x38;
	[tilespmem:$0x1E930] =	vst v63  }
0x31f: {  	_ =	swait.ge @!p0 [sflag:s4], $0x2400  }
0x320: {  	s25 =	sadd.s32 $0x1, s25;
	s31 =	rddreg [dreg:$0x12]  }
0x321: {  	p1 =	sne.s32 s25, s31  }
.Ltmp4:
0x322: {  	_ = 	snop;
	(pc) =	sbr.rel @p1 .LBB2_1-.Ltmp4, $3  }
0x323: {  	_ =	sdelay $0x1  }
0x324: {  	[sflag:s4] =	ssyncset.done @!p0 $0x0  }
0x325: {  	[sflag:s4] =	ssyncadd.s32 @!p0 $0xFFFFDC00  }
0x326: {  	_ =	sfence.sel $0x180000  }
0x327: {  	[bflag:$0x0] =	sbarrier.arrive $0xFFFF  }
0x328: {  	_ =	strace $0x9000004A  }
0x329: {  	s0 =	stileid.u32;
	[bflag:$0x2] =	sbarrier.arrive $0xFFFF  }
0x32a: {  	p0 =	sne.s32 s0, $0x0;
	s0 =	rddreg [dreg:$0x3]  }
0x32b: {  	s0 =	sadd.s32 @!p0 $0x100000, s0  }
0x32c: {  	[sflag:s0] =	ssyncadd.tile.s32 @!p0 $0x1;
	_ =	shalt  }
.Lfunc_end2:
_tile_overlayer_lowered:
.L_overlay_start_2:
0x32d: {  	(tag) =	ssettag $0x2  }
0x32e: {  	s0 =	rddreg [dreg:$0x0];
	s2 =	stileid.u32  }
0x32f: {  	s1 =	rddreg [dreg:$0x1];
	p0 =	sne.s32 s2, $0x0  }
0x330: {  	s3 =	rddreg [dreg:$0x2];
	[bflag:$0x3] =	sbarrier.arrive $0xFFFF;
	s2 =	simm.s32 @!p0 $0x1C04  }
0x331: {  	[timem:s3], [sflag:s2] =	dma.local @!p0 [hbm:s0], s1  }
0x332: {  	s0 =	simm.s32 @!p0 $0x4  }
0x333: {  	_ =	swait.ge @!p0 [sflag:s0], s1  }
0x334: {  	s1 =	ssub.s32 @!p0 $0x0, s1;
	[sflag:s0] =	ssyncset.done @!p0 $0x0  }
0x335: {  	[sflag:s0] =	ssyncadd.s32 @!p0 s1  }
0x336: {  	[bflag:$0x3] =	sbarrier.arrive $0xFFFF  }
0x337: {  	_ =	shalt  }

// kernel: kernel.7.cloned.1.call-start
scs
__scs_entry_jumppad:
0x0: {  	(pc) =	sbr.rel $0x88, $3  }
0x1: {  	(tag) =	ssettag $0x0;
	lr =	simm.s32 $0x1  }
0x2: {  	[smem:$0x3F92] =	sst lr;
	_ =	strace $0xD0000000  }
0x3: {  	_ = 	snop  }
0x4: {  	_ = 	snop  }
0x5: {  	_ = 	snop  }
0x6: {  	_ = 	snop  }
0x7: {  	_ = 	snop  }
__scs_overlays_trampoline_lowered:
0x8: {  	[smem:$0x3FA1] =	sst s0  }
0x9: {  	[smem:$0x3FA2] =	sst s1  }
0xa: {  	[smem:$0x3FA3] =	sst s2  }
0xb: {  	[smem:$0x3FA4] =	sst s3  }
0xc: {  	[smem:$0x3FA5] =	sst s4  }
0xd: {  	[smem:$0x3FA6] =	sst s5  }
0xe: {  	[smem:$0x3FA7] =	sst s6  }
0xf: {  	[smem:$0x3FA8] =	sst s7  }
0x10: {  	[smem:$0x3FA9] =	sst s8  }
0x11: {  	[smem:$0x3FAA] =	sst s9;
	s0 =	simm.s32 @!p0 $0x0  }
0x12: {  	s1 =	sld [smem:$0x3F90];
	s0 =	simm.s32 @p0 $0x1  }
0x13: {  	[smem:$0x3FAB] =	sst s0;
	s0 =	simm.s32 @!p1 $0x0  }
0x14: {  	s2 =	sld [smem:$0x3F8F];
	s0 =	simm.s32 @p1 $0x1  }
0x15: {  	[smem:$0x3FAC] =	sst s0;
	s0 =	simm.s32 @!p2 $0x0  }
0x16: {  	s3 =	sld [smem:$0x3FDB];
	s0 =	simm.s32 @p2 $0x1  }
0x17: {  	s4 =	simm.s32 $0x1BF5;
	[smem:$0x3FAE] =	sst s0  }
0x18: {  	s0 =	sld [smem:$0x3F91];
	_ =	swait.ge [sflag:s4], $0x0  }
0x19: {  	s7 =	sld [smem:$0x3F92]  }
0x1a: {  	s8 =	sadd.s32 $0xFFFFE003, lr  }
0x1b: {  	s9 =	sadd.s32 $0xFFFFFEF7, lr;
	s5 =	simm.s32 $0xFFFFFFFF;
	p2 =	slt.u32 s8, $0xFFFFF086  }
0x1c: {  	p1 =	slt.u32 s9, $0xF7A;
	s5 =	simm.s32 @!p2 $0x0  }
0x1d: {  	s5 =	simm.s32 @p1 $0x1;
	p0 =	seq.s32 s7, s2  }
0x1e: {  	s7 =	smul.u32 @!p0 $0xF7A, s2;
	p2 =	seq.s32 @!p0 s5, $0x0  }
0x1f: {  	s9 =	smul.u32 $0xF7A, s1;
	s8 =	simm.s32 @!p0 $0x1BF5;
	p2 =	por !p2, p0  }
0x20: {  	[sflag:s8] =	ssyncset.s32 @!p0 $0xFFFFF086;
	s6 =	sadd.s32 @!p0 s3, s7;
	s7 =	simm.s32 @!p0 $0x108  }
0x21: {  	s3 =	sadd.s32 s3, s9;
	s6 =	sadd.s32 @!p0 $0x88, s6;
	s7 =	simm.s32 @p2 $0x1082  }
0x22: {  	[simem:s7], [sflag:s8] =	dma.local @!p0 [hbm:s6], $0xF7A  }
0x23: {  	s9 =	sor.u32 $0xD0000000, s2;
	s6 =	simm.s32 $0x108;
	_ =	swait.ge @!p0 [sflag:s8], $0x0  }
0x24: {  	s3 =	sadd.s32 $0x88, s3;
	s6 =	simm.s32 @!p1 $0x1082;
	[sflag:s4] =	ssyncset.s32 $0xFFFFF086  }
0x25: {  	[simem:s6], [sflag:s4] =	dma.local [hbm:s3], $0xF7A  }
0x26: {  	[smem:$0x3F92] =	sst s1;
	(tag) =	ssettag s2;
	_ =	strace s9  }
0x27: {  	s1 =	sld [smem:$0x3FA2]  }
0x28: {  	s2 =	sld [smem:$0x3FA3]  }
0x29: {  	s4 =	sld [smem:$0x3FA5]  }
0x2a: {  	p0 =	seq.s32 s5, $0x0;
	s5 =	sld [smem:$0x3FA6]  }
0x2b: {  	s6 =	sld [smem:$0x3FA7]  }
0x2c: {  	s7 =	sld [smem:$0x3FA8]  }
0x2d: {  	s3 =	simm.s32 $0x108;
	s8 =	sld [smem:$0x3FA9]  }
0x2e: {  	s3 =	simm.s32 @!p0 $0x1082;
	s9 =	sld [smem:$0x3FAA]  }
0x2f: {  	lr =	sadd.s32 s0, s3;
	s0 =	sld [smem:$0x3FA1]  }
0x30: {  	s3 =	sld [smem:$0x3FA4]  }
0x31: {  	[smem:$0x3FAD] =	sst s10  }
0x32: {  	s10 =	sld [smem:$0x3FAB];
	_ =	sdelay $0x3  }
0x33: {  	p0 =	seq.s32 s10, $0x1;
	s10 =	sld [smem:$0x3FAD];
	_ =	sdelay $0x3  }
0x34: {  	[smem:$0x3FAD] =	sst s10  }
0x35: {  	s10 =	sld [smem:$0x3FAC];
	_ =	sdelay $0x3  }
0x36: {  	p1 =	seq.s32 s10, $0x1;
	s10 =	sld [smem:$0x3FAD];
	_ =	sdelay $0x3  }
0x37: {  	[smem:$0x3FAD] =	sst s10  }
0x38: {  	s10 =	sld [smem:$0x3FAE]  }
0x39: {  	_ = 	snop;
	(pc) =	sbr.ind lr, $3  }
0x3a: {  	_ = 	snop  }
0x3b: {  	_ = 	snop  }
0x3c: {  	p2 =	seq.s32 s10, $0x1;
	s10 =	sld [smem:$0x3FAD]  }
0x3d: {  	_ =	shalt  }
0x3e: {  	_ =	shalt  }
0x3f: {  	_ =	shalt  }
0x40: {  	_ =	shalt  }
0x41: {  	_ =	shalt  }
0x42: {  	_ =	shalt  }
0x43: {  	_ =	shalt  }
0x44: {  	_ =	shalt  }
0x45: {  	_ =	shalt  }
0x46: {  	_ =	shalt  }
0x47: {  	_ =	shalt  }
0x48: {  	_ =	shalt  }
0x49: {  	_ =	shalt  }
0x4a: {  	_ =	shalt  }
0x4b: {  	_ =	shalt  }
0x4c: {  	_ =	shalt  }
0x4d: {  	_ =	shalt  }
0x4e: {  	_ =	shalt  }
0x4f: {  	_ =	shalt  }
0x50: {  	_ =	shalt  }
0x51: {  	_ =	shalt  }
0x52: {  	_ =	shalt  }
0x53: {  	_ =	shalt  }
0x54: {  	_ =	shalt  }
0x55: {  	_ =	shalt  }
0x56: {  	_ =	shalt  }
0x57: {  	_ =	shalt  }
0x58: {  	_ =	shalt  }
0x59: {  	_ =	shalt  }
0x5a: {  	_ =	shalt  }
0x5b: {  	_ =	shalt  }
0x5c: {  	_ =	shalt  }
0x5d: {  	_ =	shalt  }
0x5e: {  	_ =	shalt  }
0x5f: {  	_ =	shalt  }
0x60: {  	_ =	shalt  }
0x61: {  	_ =	shalt  }
0x62: {  	_ =	shalt  }
0x63: {  	_ =	shalt  }
0x64: {  	_ =	shalt  }
0x65: {  	_ =	shalt  }
0x66: {  	_ =	shalt  }
0x67: {  	_ =	shalt  }
0x68: {  	_ =	shalt  }
0x69: {  	_ =	shalt  }
0x6a: {  	_ =	shalt  }
0x6b: {  	_ =	shalt  }
0x6c: {  	_ =	shalt  }
0x6d: {  	_ =	shalt  }
0x6e: {  	_ =	shalt  }
0x6f: {  	_ =	shalt  }
0x70: {  	_ =	shalt  }
0x71: {  	_ =	shalt  }
0x72: {  	_ =	shalt  }
0x73: {  	_ =	shalt  }
0x74: {  	_ =	shalt  }
0x75: {  	_ =	shalt  }
0x76: {  	_ =	shalt  }
0x77: {  	_ =	shalt  }
0x78: {  	_ =	shalt  }
0x79: {  	_ =	shalt  }
0x7a: {  	_ =	shalt  }
0x7b: {  	_ =	shalt  }
0x7c: {  	_ =	shalt  }
0x7d: {  	_ =	shalt  }
0x7e: {  	_ =	shalt  }
0x7f: {  	_ =	shalt  }
0x80: {  	_ =	shalt  }
0x81: {  	_ =	shalt  }
0x82: {  	_ =	shalt  }
0x83: {  	_ =	shalt  }
0x84: {  	_ =	shalt  }
0x85: {  	_ =	shalt  }
0x86: {  	_ =	shalt  }
0x87: {  	_ =	shalt  }
.Lfunc_end0:
.L_simem_size_0:
called_computation_lowered:
.L_overlay_start_0:
0x88: {  	s2 =	sld [smem:$0x3FD9]  }
0x89: {  	s3 =	sld [smem:$0x3FFE];
	_ =	sdelay $0x1  }
0x8a: {  	s1 =	srdreg.scid  }
0x8b: {  	s0 =	sand.u32 $0x1, s1  }
0x8c: {  	s16 =	sshll.u32 s0, $0xA;
	s2 =	sadd.s32 s3, s2  }
0x8d: {  	s2 =	sadd.s32 s2, s16  }
0x8e: {  	[smem:$0x3FB9] =	sst s2  }
0x8f: {  	_ = 	snop  }
0x90: {  	(tm) =	ssettm $0x1  }
0x91: {  	s17 =	sld [smem:$0x3FFB];
	_ =	sdelay $0x3  }
0x92: {  	_ =	strace s17  }
0x93: {  	s2 =	sld [smem:$0x3FFC];
	_ =	sdelay $0x3  }
0x94: {  	_ =	strace s2  }
0x95: {  	s2 =	sld [smem:$0x3FFD];
	_ =	sdelay $0x3  }
0x96: {  	_ =	strace s2  }
0x97: {  	_ =	strace $0x8FFFFFFF  }
0x98: {  	s18 =	sld [smem:$0x3FDB];
	_ =	sdelay $0x1  }
0x99: {  	s19 =	simm.s32 $_scs_section_size  }
0x9a: {  	s4 =	simm.s32 $_size__tile_overlayer_lowered;
	s5 =	simm.s32 $_tile_overlayer_lowered  }
0x9b: {  	s22 =	simm.s32 $0x1BFF;
	s21 =	sshll.u32 s5, $0x1;
	s2 =	sadd.s32 s19, s18  }
0x9c: {  	s6 =	simm.s32 $0x0;
	s20 =	sshll.u32 s4, $0x1;
	s4 =	sadd.s32 s21, s2  }
0x9d: {  	[timem:s6], [sflag:s22] =	dma.local [hbm:s4], s20  }
0x9e: {  	_ =	swait.ge [sflag:s22], s20  }
0x9f: {  	s3 =	ssub.s32 $0x0, s20;
	[sflag:s22] =	ssyncset.done $0x0  }
0xa0: {  	[sflag:s22] =	ssyncadd.s32 s3;
	_ =	sdelay $0x1  }
0xa1: {  	s23 =	simm.s32 $0x1B8B  }
0xa2: {  	_ =	swait.ge [sflag:s23], $0x1  }
0xa3: {  	[sflag:s23] =	ssyncset.done $0x0  }
0xa4: {  	s25 =	simm.s32 $0x1B8E;
	s24 =	sld [smem:$0x3FFE];
	[sflag:s23] =	ssyncadd.s32 $0xFFFFFFFF  }
0xa5: {  	s26 =	simm.s32 $execute0_lowered;
	[smem:$0x3FD2] =	sst s25  }
0xa6: {  	s4 =	sshll.u32 s26, $0x1;
	_ =	strace $0x80000046;
	[dreg:$0x1] =	wrdreg $0xFFFFFFFF  }
0xa7: {  	s28 =	simm.s32 $_size_execute0_lowered;
	s2 =	sadd.s32 s2, s4;
	[dreg:$0x0] =	wrdreg $0x0  }
0xa8: {  	s4 =	sshll.u32 s28, $0x1;
	[dreg:$0x2] =	wrdreg s2  }
0xa9: {  	[dreg:$0x3] =	wrdreg s4  }
0xaa: {  	[dreg:$0x4] =	wrdreg $0xC0  }
0xab: {  	_ =	task [dreg:s6], $0x5FFFF  }
0xac: {  	[dreg:$0x1] =	wrdreg $0xFFFFFFFF  }
0xad: {  	[dreg:$0x0] =	wrdreg $0x60  }
0xae: {  	[dreg:$0x2] =	wrdreg s24  }
0xaf: {  	[dreg:$0x3] =	wrdreg $0x7A000  }
0xb0: {  	[dreg:$0x4] =	wrdreg $0x9  }
0xb1: {  	_ =	task.clear_ibuf [dreg:s6], $0x5FFFF;
	_ =	strace $0x90000046  }
0xb2: {  	s29 =	simm.s32 $0x9;
	_ =	strace $0x80000048  }
0xb3: {  	_ =	swait.ge [sflag:s29], $0x1  }
0xb4: {  	[sflag:s29] =	ssyncadd.s32 $0xFFFFFFFF  }
0xb5: {  	_ =	strace $0x90000048  }
0xb6: {  	_ =	sfence  }
0xb7: {  	s30 =	sld [smem:$0x0];
	_ =	sdelay $0x2  }
0xb8: {  	s31 =	sshll.u32 s1, $0xD;
	s1 =	sshrl.u32 s1, $0x2  }
0xb9: {  	s3 =	sand.u32 $0x4000, s31;
	s1 =	sadd.s32 s1, s30  }
0xba: {  	s0 =	sor.u32 s3, s0;
	s1 =	sshll.u32 s1, $0x11  }
0xbb: {  	s0 =	sor.u32 s1, s0  }
0xbc: {  	s0 =	sadd.s32 $0x8F2B, s0  }
0xbd: {  	[sflag:s0] =	ssyncadd.remote.s32 $0x1  }
0xbe: {  	_ =	sfence.sel $0xFFFF  }
0xbf: {  	[dreg:$0x0] =	wrdreg $0xFFFFFFFF;
	(pc) =	sbr.abs _section_cstart, $3  }
0xc0: {  	[dreg:$0x1] =	wrdreg $0xFFFFFFFF  }
0xc1: {  	_ =	task.clear_ibuf [dreg:s6], $0x2FFFF;
	_ =	strace $0x9FFFFFFF  }
0xc2: {  	(tm) =	ssettm $0x7FFFFFFF  }
0xc3: {  	_ =	shalt  }
tec
execute0_lowered:
.L_overlay_start_1:
0x0: {  	(tag) =	ssettag $0x1  }
0x1: {  	s24 =	stileid.u32  }
0x2: {  	s0 =	srdreg.scid;
	s2 =	smul.u32 $0x4E200, s24  }
0x3: {  	s1 =	sand.u32 $0x1, s0;
	s4 =	smul.u32 $0x270, s24  }
0x4: {  	s0 =	rddreg [dreg:$0x0];
	s8 =	sshll.u32 s24, $0x1;
	s10 =	smul.u32 $0x2700, s24  }
0x5: {  	p0 =	seq.s32 s24, $0xF;
	s3 =	smul.u32 $0x27100, s1;
	s7 =	ssub.s32 $0x2, s1  }
0x6: {  	s5 =	sadd.s32 $0x49E00, s0;
	s6 =	sadd.s32 $0x22C00, s0;
	s18 =	sshrl.u32 s7, $0x1  }
0x7: {  	s21 =	sadd.s32 s5, s10;
	s11 =	sadd.s32 $0xA0, s4;
	s12 =	sadd.s32 $0xF0, s4  }
0x8: {  	s17 =	sadd.s32 $0x190, s4;
	s10 =	sadd.s32 s6, s10;
	s25 =	sadd.s32 s3, s2  }
0x9: {  	s3 =	sadd.s32 $0x230, s4;
	s2 =	ssub.s32 s7, s18;
	s7 =	sor.u32 s1, s8  }
0xa: {  	[dreg:$0x6] =	wrdreg s21;
	s8 =	sadd.s32 $0x50, s4;
	s23 =	sshll.u32 s11, $0x4  }
0xb: {  	s14 =	sshll.u32 s12, $0x4;
	s28 =	sshll.u32 s17, $0x4;
	[dreg:$0xd] =	wrdreg s10  }
0xc: {  	s1 =	smul.u32 $0x7D, s1;
	s17 =	sshll.u32 s17, $0x7;
	s15 =	sadd.s32 s5, s23  }
0xd: {  	s9 =	sshll.u32 s3, $0x4;
	s26 =	sadd.s32 s5, s14;
	[dreg:$0x8] =	wrdreg s15  }
0xe: {  	s22 =	sshll.u32 s8, $0x4;
	s21 =	sadd.s32 s6, s23;
	[dreg:$0x9] =	wrdreg s26  }
0xf: {  	s10 =	smul.u32 $0xFA0, s7;
	s3 =	sshll.u32 s3, $0x7;
	[dreg:$0xf] =	wrdreg s21  }
0x10: {  	s19 =	sadd.s32 s5, s9;
	s20 =	sadd.s32 s6, s9;
	s21 =	rddreg [dreg:$0x1]  }
0x11: {  	s13 =	sadd.s32 s5, s22;
	s15 =	sadd.s32 $0x140, s4;
	[dreg:$0x4] =	wrdreg s19  }
0x12: {  	s4 =	sadd.s32 $0x1E0, s4;
	s26 =	smul.u32 $0xFA, s24;
	[dreg:$0x5] =	wrdreg s20  }
0x13: {  	s9 =	smul.u32 $0x7D00, s7;
	[dreg:$0x7] =	wrdreg s13;
	s20 =	sadd.s32 s5, s28  }
0x14: {  	s16 =	sshll.u32 s15, $0x4;
	s28 =	sadd.s32 s6, s28;
	[dreg:$0xb] =	wrdreg s20  }
0x15: {  	s19 =	sshll.u32 s4, $0x4;
	s18 =	sadd.s32 s5, s16;
	[dreg:$0x12] =	wrdreg s28  }
0x16: {  	s7 =	sadd.s32 $0x49800, s0;
	s5 =	sadd.s32 s5, s19;
	[dreg:$0xa] =	wrdreg s18  }
0x17: {  	s13 =	sadd.s32 $0x3800, s0;
	s20 =	sadd.s32 s6, s22;
	[dreg:$0xc] =	wrdreg s5  }
0x18: {  	s22 =	sadd.s32 s6, s14;
	s23 =	sadd.s32 s6, s16;
	[dreg:$0xe] =	wrdreg s20  }
0x19: {  	s6 =	sadd.s32 s6, s19;
	s1 =	sadd.s32 s1, s26;
	[dreg:$0x10] =	wrdreg s22  }
0x1a: {  	s16 =	smul.u32 $0x4E000, s24;
	s28 =	sadd.s32 $0x70A00, s0;
	[dreg:$0x11] =	wrdreg s23  }
0x1b: {  	s26 =	sadd.s32 $0x553000, s0;
	[dreg:$0x13] =	wrdreg s6;
	s18 =	simm.s32 $0x0  }
0x1c: {  	s6 =	sshrl.u32 s9, $0x3;
	s20 =	sadd.s32 s13, s10;
	s1 =	sshll.u32 s1, $0x5  }
0x1d: {  	s22 =	sadd.s32 s3, s21;
	s5 =	sadd.s32 s25, s0;
	s9 =	smax.u32 s2, $0x1  }
0x1e: {  	s10 =	sshll.u32 s8, $0x7;
	s2 =	sadd.s32 s17, s21;
	[smem:$0x7FF] =	sst s18  }
0x1f: {  	s14 =	sadd.s32 s13, s6;
	s1 =	sadd.s32 s13, s1;
	s19 =	sshrl.u32 s16, $0x2  }
0x20: {  	s13 =	sshll.u32 s11, $0x7;
	_ =	strace $0x80000047;
	[dreg:$0x3] =	wrdreg s25  }
0x21: {  	s30 =	sadd.s32 s10, s21;
	s16 =	sshll.u32 s15, $0x7;
	[dreg:$0x14] =	wrdreg s28  }
0x22: {  	s6 =	simm.s32 $0x5200;
	s11 =	simm.s32 $0x100;
	[dreg:$0x15] =	wrdreg s7  }
0x23: {  	s15 =	simm.s32 $0x3;
	s23 =	sadd.s32 $0x20, s14;
	[dreg:$0x16] =	wrdreg s9  }
0x24: {  	s29 =	sadd.s32 s19, s21;
	s14 =	sshll.u32 s12, $0x7;
	s31 =	sadd.s32 s13, s21  }
.Ltmp0:
0x25: {  	s25 =	sshll.u32 s4, $0x7;
	s0 =	sadd.s32 s16, s21;
	(pc) =	sbr.rel .LBB2_1-.Ltmp0, $4  }
0x26: {  	s10 =	sadd.s32 $0x40, s1;
	s28 =	sadd.s32 $0x71000, s5;
	s1 =	sadd.s32 $0x136000, s21  }
0x27: {  	s7 =	simm.s32 $0x4;
	s9 =	simm.s32 $0x50;
	s12 =	simm.s32 $0x200  }
0x28: {  	s13 =	simm.s32 $0x2;
	s16 =	simm.s32 $0x0;
	s19 =	sadd.s32 s14, s21  }
0x29: {  	s3 =	sadd.s32 s25, s21;
	[dreg:$0x17] =	wrdreg s28;
	s14 =	simm.s32 $0x1  }
.LBB2_11:
0x2a: {  	_ =	swait.ge [sflag:s15], $0x2800  }
0x2b: {  	[sflag:s15] =	ssyncset.done $0x0  }
0x2c: {  	[sflag:s15] =	ssyncadd.s32 $0xFFFFD800  }
0x2d: {  	_ =	swait.ge [sflag:s15], $0x2800  }
0x2e: {  	s16 =	sadd.s32 $0x1, s16;
	s4 =	rddreg [dreg:$0x16]  }
0x2f: {  	p1 =	sne.s32 s16, s4  }
.Ltmp1:
0x30: {  	_ = 	snop;
	(pc) =	sbr.rel @!p1 .LBB2_12-.Ltmp1, $3  }
0x31: {  	_ =	sdelay $0x1  }
0x32: {  	[sflag:s15] =	ssyncset.done $0x0  }
0x33: {  	[sflag:s15] =	ssyncadd.s32 $0xFFFFD800  }
.LBB2_1:
0x34: {  	s4 =	rddreg [dreg:$0x6]  }
0x35: {  	[tilespmem:s6], [sflag:$0x4] =	stream.linear.gather [hbm4b:s4+s18], $0x2800, $0x38;
	[tilespmem:$0x1B280] =	vst v63  }
0x36: {  	_ =	swait.ge [sflag:s7], $0x2800  }
0x37: {  	[sflag:s7] =	ssyncset.done $0x0  }
0x38: {  	[sflag:s7] =	ssyncadd.s32 $0xFFFFD800  }
0x39: {  	[spmem:s29] =	stream.linear.scatter [tilespmem:s6], [sflag:$0x4], $0x2800, $0x38;
	[tilespmem:$0x1B280] =	vst v63  }
0x3a: {  	_ =	swait.ge [sflag:s7], $0x2800  }
0x3b: {  	[sflag:s7] =	ssyncset.done $0x0  }
0x3c: {  	s17 =	rddreg [dreg:$0x7];
	[sflag:s7] =	ssyncadd.s32 $0xFFFFD800  }
0x3d: {  	[tilespmem:s6], [sflag:$0x4] =	stream.linear.gather [hbm4b:s17+s18], $0x2800, $0x38;
	[tilespmem:$0x1B280] =	vst v63  }
0x3e: {  	_ =	swait.ge [sflag:s7], $0x2800  }
0x3f: {  	[sflag:s7] =	ssyncset.done $0x0  }
0x40: {  	[sflag:s7] =	ssyncadd.s32 $0xFFFFD800  }
0x41: {  	[spmem:s30] =	stream.linear.scatter [tilespmem:s6], [sflag:$0x4], $0x2800, $0x38;
	[tilespmem:$0x1B280] =	vst v63  }
0x42: {  	_ =	swait.ge [sflag:s7], $0x2800  }
0x43: {  	[sflag:s7] =	ssyncset.done $0x0  }
0x44: {  	s24 =	rddreg [dreg:$0x8];
	[sflag:s7] =	ssyncadd.s32 $0xFFFFD800  }
0x45: {  	[tilespmem:s6], [sflag:$0x4] =	stream.linear.gather [hbm4b:s24+s18], $0x2800, $0x38;
	[tilespmem:$0x1B280] =	vst v63  }
0x46: {  	_ =	swait.ge [sflag:s7], $0x2800  }
0x47: {  	[sflag:s7] =	ssyncset.done $0x0  }
0x48: {  	[sflag:s7] =	ssyncadd.s32 $0xFFFFD800  }
0x49: {  	[spmem:s31] =	stream.linear.scatter [tilespmem:s6], [sflag:$0x4], $0x2800, $0x38;
	[tilespmem:$0x1B280] =	vst v63  }
0x4a: {  	_ =	swait.ge [sflag:s7], $0x2800  }
0x4b: {  	[sflag:s7] =	ssyncset.done $0x0  }
0x4c: {  	s25 =	rddreg [dreg:$0x9];
	[sflag:s7] =	ssyncadd.s32 $0xFFFFD800  }
0x4d: {  	[tilespmem:s6], [sflag:$0x4] =	stream.linear.gather [hbm4b:s25+s18], $0x2800, $0x38;
	[tilespmem:$0x1B280] =	vst v63  }
0x4e: {  	_ =	swait.ge [sflag:s7], $0x2800  }
0x4f: {  	[sflag:s7] =	ssyncset.done $0x0  }
0x50: {  	[sflag:s7] =	ssyncadd.s32 $0xFFFFD800  }
0x51: {  	[spmem:s19] =	stream.linear.scatter [tilespmem:s6], [sflag:$0x4], $0x2800, $0x38;
	[tilespmem:$0x1B280] =	vst v63  }
0x52: {  	_ =	swait.ge [sflag:s7], $0x2800  }
0x53: {  	[sflag:s7] =	ssyncset.done $0x0  }
0x54: {  	s5 =	rddreg [dreg:$0xa];
	[sflag:s7] =	ssyncadd.s32 $0xFFFFD800  }
0x55: {  	[tilespmem:s6], [sflag:$0x4] =	stream.linear.gather [hbm4b:s5+s18], $0x2800, $0x38;
	[tilespmem:$0x1B280] =	vst v63  }
0x56: {  	_ =	swait.ge [sflag:s7], $0x2800  }
0x57: {  	[sflag:s7] =	ssyncset.done $0x0  }
0x58: {  	[sflag:s7] =	ssyncadd.s32 $0xFFFFD800  }
0x59: {  	[spmem:s0] =	stream.linear.scatter [tilespmem:s6], [sflag:$0x4], $0x2800, $0x38;
	[tilespmem:$0x1B280] =	vst v63  }
0x5a: {  	_ =	swait.ge [sflag:s7], $0x2800  }
0x5b: {  	[sflag:s7] =	ssyncset.done $0x0  }
0x5c: {  	s8 =	rddreg [dreg:$0xb];
	[sflag:s7] =	ssyncadd.s32 $0xFFFFD800  }
0x5d: {  	[tilespmem:s6], [sflag:$0x4] =	stream.linear.gather [hbm4b:s8+s18], $0x2800, $0x38;
	[tilespmem:$0x1B280] =	vst v63  }
0x5e: {  	_ =	swait.ge [sflag:s7], $0x2800  }
0x5f: {  	[sflag:s7] =	ssyncset.done $0x0  }
0x60: {  	[sflag:s7] =	ssyncadd.s32 $0xFFFFD800  }
0x61: {  	[spmem:s2] =	stream.linear.scatter [tilespmem:s6], [sflag:$0x4], $0x2800, $0x38;
	[tilespmem:$0x1B280] =	vst v63  }
0x62: {  	_ =	swait.ge [sflag:s7], $0x2800  }
0x63: {  	[sflag:s7] =	ssyncset.done $0x0  }
0x64: {  	s17 =	rddreg [dreg:$0xc];
	[sflag:s7] =	ssyncadd.s32 $0xFFFFD800  }
0x65: {  	[tilespmem:s6], [sflag:$0x4] =	stream.linear.gather [hbm4b:s17+s18], $0x2800, $0x38;
	[tilespmem:$0x1B280] =	vst v63  }
0x66: {  	_ =	swait.ge [sflag:s7], $0x2800  }
0x67: {  	[sflag:s7] =	ssyncset.done $0x0  }
0x68: {  	[sflag:s7] =	ssyncadd.s32 $0xFFFFD800  }
0x69: {  	[spmem:s3] =	stream.linear.scatter [tilespmem:s6], [sflag:$0x4], $0x2800, $0x38;
	[tilespmem:$0x1B280] =	vst v63  }
0x6a: {  	_ =	swait.ge [sflag:s7], $0x2800  }
0x6b: {  	s4 =	simm.s32 @p0 $0x0;
	[sflag:s7] =	ssyncset.done $0x0  }
0x6c: {  	s5 =	simm.s32 @p0 $0x5200;
	s8 =	rddreg [dreg:$0x14];
	[sflag:s7] =	ssyncadd.s32 $0xFFFFD800  }
0x6d: {  	[tilespmem:s5], [sflag:$0x4] =	stream.linear.gather @p0 [hbm4b:s8+s4], $0x2800, $0x38;
	[tilespmem:$0x1B280] =	vst v63  }
0x6e: {  	s4 =	simm.s32 @p0 $0x4  }
0x6f: {  	_ =	swait.ge @p0 [sflag:s4], $0x2800  }
0x70: {  	[sflag:s4] =	ssyncset.done @p0 $0x0  }
0x71: {  	[sflag:s4] =	ssyncadd.s32 @p0 $0xFFFFD800  }
0x72: {  	[spmem:s1] =	stream.linear.scatter @p0 [tilespmem:s5], [sflag:$0x4], $0x2800, $0x38;
	[tilespmem:$0x1B280] =	vst v63  }
0x73: {  	_ =	swait.ge @p0 [sflag:s4], $0x2800  }
0x74: {  	s5 =	simm.s32 @!p0 $0x5200;
	[sflag:s4] =	ssyncset.done @p0 $0x0  }
0x75: {  	s8 =	rddreg [dreg:$0x4];
	[sflag:s4] =	ssyncadd.s32 @p0 $0xFFFFD800;
	s4 =	simm.s32 @!p0 $0x0  }
0x76: {  	[tilespmem:s5], [sflag:$0x4] =	stream.linear.gather @!p0 [hbm4b:s8+s4], $0x2000, $0x38;
	[tilespmem:$0x1B280] =	vst v63  }
0x77: {  	s4 =	simm.s32 @!p0 $0x4  }
0x78: {  	_ =	swait.ge @!p0 [sflag:s4], $0x2000  }
0x79: {  	[sflag:s4] =	ssyncset.done @!p0 $0x0  }
0x7a: {  	[sflag:s4] =	ssyncadd.s32 @!p0 $0xFFFFE000  }
0x7b: {  	[spmem:s22] =	stream.linear.scatter @!p0 [tilespmem:s5], [sflag:$0x4], $0x2000, $0x38;
	[tilespmem:$0x1B280] =	vst v63  }
0x7c: {  	_ =	swait.ge @!p0 [sflag:s4], $0x2000  }
0x7d: {  	[sflag:s4] =	ssyncset.done @!p0 $0x0  }
0x7e: {  	[sflag:s4] =	ssyncadd.s32 @!p0 $0xFFFFE000  }
0x7f: {  	[bflag:$0x0] =	sbarrier.arrive $0xFFFF  }
0x80: {  	[tilespmem:s18], [sflag:$0x1] =	stream.linear.gather [hbm4b:s20+s18], $0x80, $0x38;
	[tilespmem:$0x1B280] =	vst v63  }
0x81: {  	s17 =	sadd.s32 $0x10, s20  }
0x82: {  	[tilespmem:s11], [sflag:$0x1] =	stream.linear.gather [hbm4b:s17+s18], $0x80, $0x38;
	[tilespmem:$0x1B280] =	vst v63  }
0x83: {  	_ =	swait.ge [sflag:s14], $0x100  }
0x84: {  	[sflag:s14] =	ssyncset.done $0x0  }
0x85: {  	[sflag:s14] =	ssyncadd.s32 $0xFFFFFF00  }
0x86: {  	[tilespmem:s12], [sflag:$0x2] =	stream.indirect.gather [spmem:s21], $0x80, s18, s9, $0xb8;
	[tilespmem:$0x1B280] =	vst v63  }
.Ltmp2:
0x87: {  	s24 =	simm.s32 $0x80;
	(pc) =	sbr.rel .LBB2_2-.Ltmp2, $4  }
0x88: {  	[tilespmem:s24], [sflag:$0x1] =	stream.linear.gather [hbm4b:s23+s18], $0x80, $0x38;
	[tilespmem:$0x1B280] =	vst v63  }
0x89: {  	s28 =	simm.s32 $0x1;
	s25 =	simm.s32 $0x180;
	s24 =	sadd.s32 $0x10, s23  }
0x8a: {  	[tilespmem:s25], [sflag:$0x1] =	stream.linear.gather [hbm4b:s24+s18], $0x80, $0x38;
	[tilespmem:$0x1B280] =	vst v63  }
0x8b: {  	s4 =	smov.u32 s10;
	s11 =	simm.s32 $0x0;
	s25 =	rddreg [dreg:$0x17]  }
.LBB2_5:
0x8c: {  	_ =	swait.ge [sflag:s14], $0x100  }
0x8d: {  	s12 =	sxor.u32 $0xFFFFFFFF, s11;
	s8 =	sand.u32 $0x1, s28;
	[sflag:s14] =	ssyncset.done $0x0  }
0x8e: {  	p1 =	seq.s32 s8, $0x1;
	s8 =	simm.s32 $0x2A00;
	s12 =	sand.u32 $0x80, s12  }
0x8f: {  	[sflag:s14] =	ssyncadd.s32 $0xFFFFFF00;
	s8 =	simm.s32 @!p1 $0x200;
	p1 =	sgt.u32 s5, $0x7A  }
0x90: {  	[tilespmem:s8], [sflag:$0x2] =	stream.indirect.gather [spmem:s21], $0x80, s12, s9, $0xb8;
	[tilespmem:$0x1B280] =	vst v63  }
0x91: {  	s5 =	sand.u32 @!p1 $0x80, s11;
	s8 =	simm.s32 @!p1 $0x0  }
0x92: {  	[tilespmem:s5], [sflag:$0x1] =	stream.linear.gather @!p1 [hbm4b:s4+s8], $0x80, $0x38;
	[tilespmem:$0x1B280] =	vst v63  }
0x93: {  	s12 =	sadd.s32 @!p1 $0x10, s4;
	s11 =	sadd.s32 $0x80, s11;
	s5 =	sor.u32 @!p1 $0x100, s5  }
0x94: {  	[tilespmem:s5], [sflag:$0x1] =	stream.linear.gather @!p1 [hbm4b:s12+s8], $0x80, $0x38;
	[tilespmem:$0x1B280] =	vst v63  }
0x95: {  	p1 =	sne.s32 s11, $0x3E80  }
.Ltmp3:
0x96: {  	_ = 	snop;
	(pc) =	sbr.rel @!p1 .LBB2_6-.Ltmp3, $2  }
0x97: {  	_ =	sdelay $0x2  }
0x98: {  	s28 =	sadd.s32 $0x1, s28;
	s25 =	sadd.s32 $0x500, s25;
	s4 =	sadd.s32 $0x20, s4  }
.LBB2_2:
0x99: {  	s5 =	sadd.s32 $0xFFFFFFFF, s28  }
0x9a: {  	s12 =	sand.u32 $0x1, s5  }
0x9b: {  	p1 =	seq.s32 s12, $0x1;
	s12 =	simm.s32 $0x2A00  }
0x9c: {  	s12 =	simm.s32 @!p1 $0x200;
	p1 =	seq.s32 s5, $0x0  }
.Ltmp4:
0x9d: {  	_ = 	snop;
	(pc) =	sbr.rel @p1 .LBB2_5-.Ltmp4, $4  }
0x9e: {  	_ =	swait.ge [sflag:s13], $0x2800  }
0x9f: {  	[sflag:s13] =	ssyncset.done $0x0  }
0xa0: {  	[sflag:s13] =	ssyncadd.s32 $0xFFFFD800  }
0xa1: {  	[hbm4b:s25+s18] =	stream.linear.scatter [tilespmem:s12], [sflag:$0x3], $0x2800, $0x38;
	[tilespmem:$0x1B280] =	vst v63  }
0xa2: {  	p1 =	seq.s32 s5, $0x7C  }
.Ltmp5:
0xa3: {  	_ = 	snop;
	(pc) =	sbr.rel @p1 .LBB2_6-.Ltmp5, $1  }
0xa4: {  	_ =	sdelay $0x3  }
.Ltmp6:
0xa5: {  	(pc) =	sbr.rel .LBB2_5-.Ltmp6, $4  }
0xa6: {  	_ = 	snop  }
0xa7: {  	_ =	swait.ge [sflag:s15], $0x2800  }
0xa8: {  	[sflag:s15] =	ssyncset.done $0x0  }
0xa9: {  	[sflag:s15] =	ssyncadd.s32 $0xFFFFD800  }
.LBB2_6:
0xaa: {  	_ =	swait.ge [sflag:s15], $0x2800  }
0xab: {  	[sflag:s15] =	ssyncset.done $0x0  }
0xac: {  	[sflag:s15] =	ssyncadd.s32 $0xFFFFD800  }
0xad: {  	_ =	swait.ge [sflag:s15], $0x2800  }
0xae: {  	[sflag:s15] =	ssyncset.done $0x0  }
0xaf: {  	[sflag:s15] =	ssyncadd.s32 $0xFFFFD800  }
0xb0: {  	[bflag:$0x0] =	sbarrier.arrive $0xFFFF  }
0xb1: {  	s4 =	rddreg [dreg:$0xd]  }
0xb2: {  	[tilespmem:s6], [sflag:$0x4] =	stream.linear.gather [hbm4b:s4+s18], $0x2800, $0x38;
	[tilespmem:$0x1B280] =	vst v63  }
0xb3: {  	_ =	swait.ge [sflag:s7], $0x2800  }
0xb4: {  	[sflag:s7] =	ssyncset.done $0x0  }
0xb5: {  	[sflag:s7] =	ssyncadd.s32 $0xFFFFD800  }
0xb6: {  	[spmem:s29] =	stream.linear.scatter [tilespmem:s6], [sflag:$0x4], $0x2800, $0x38;
	[tilespmem:$0x1B280] =	vst v63  }
0xb7: {  	_ =	swait.ge [sflag:s7], $0x2800  }
0xb8: {  	[sflag:s7] =	ssyncset.done $0x0  }
0xb9: {  	s25 =	rddreg [dreg:$0xe];
	[sflag:s7] =	ssyncadd.s32 $0xFFFFD800  }
0xba: {  	[tilespmem:s6], [sflag:$0x4] =	stream.linear.gather [hbm4b:s25+s18], $0x2800, $0x38;
	[tilespmem:$0x1B280] =	vst v63  }
0xbb: {  	_ =	swait.ge [sflag:s7], $0x2800  }
0xbc: {  	[sflag:s7] =	ssyncset.done $0x0  }
0xbd: {  	[sflag:s7] =	ssyncadd.s32 $0xFFFFD800  }
0xbe: {  	[spmem:s30] =	stream.linear.scatter [tilespmem:s6], [sflag:$0x4], $0x2800, $0x38;
	[tilespmem:$0x1B280] =	vst v63  }
0xbf: {  	_ =	swait.ge [sflag:s7], $0x2800  }
0xc0: {  	[sflag:s7] =	ssyncset.done $0x0  }
0xc1: {  	s5 =	rddreg [dreg:$0xf];
	[sflag:s7] =	ssyncadd.s32 $0xFFFFD800  }
0xc2: {  	[tilespmem:s6], [sflag:$0x4] =	stream.linear.gather [hbm4b:s5+s18], $0x2800, $0x38;
	[tilespmem:$0x1B280] =	vst v63  }
0xc3: {  	_ =	swait.ge [sflag:s7], $0x2800  }
0xc4: {  	[sflag:s7] =	ssyncset.done $0x0  }
0xc5: {  	[sflag:s7] =	ssyncadd.s32 $0xFFFFD800  }
0xc6: {  	[spmem:s31] =	stream.linear.scatter [tilespmem:s6], [sflag:$0x4], $0x2800, $0x38;
	[tilespmem:$0x1B280] =	vst v63  }
0xc7: {  	_ =	swait.ge [sflag:s7], $0x2800  }
0xc8: {  	[sflag:s7] =	ssyncset.done $0x0  }
0xc9: {  	s8 =	rddreg [dreg:$0x10];
	[sflag:s7] =	ssyncadd.s32 $0xFFFFD800  }
0xca: {  	[tilespmem:s6], [sflag:$0x4] =	stream.linear.gather [hbm4b:s8+s18], $0x2800, $0x38;
	[tilespmem:$0x1B280] =	vst v63  }
0xcb: {  	_ =	swait.ge [sflag:s7], $0x2800  }
0xcc: {  	[sflag:s7] =	ssyncset.done $0x0  }
0xcd: {  	[sflag:s7] =	ssyncadd.s32 $0xFFFFD800  }
0xce: {  	[spmem:s19] =	stream.linear.scatter [tilespmem:s6], [sflag:$0x4], $0x2800, $0x38;
	[tilespmem:$0x1B280] =	vst v63  }
0xcf: {  	_ =	swait.ge [sflag:s7], $0x2800  }
0xd0: {  	[sflag:s7] =	ssyncset.done $0x0  }
0xd1: {  	s11 =	rddreg [dreg:$0x11];
	[sflag:s7] =	ssyncadd.s32 $0xFFFFD800  }
0xd2: {  	[tilespmem:s6], [sflag:$0x4] =	stream.linear.gather [hbm4b:s11+s18], $0x2800, $0x38;
	[tilespmem:$0x1B280] =	vst v63  }
0xd3: {  	_ =	swait.ge [sflag:s7], $0x2800  }
0xd4: {  	[sflag:s7] =	ssyncset.done $0x0  }
0xd5: {  	[sflag:s7] =	ssyncadd.s32 $0xFFFFD800  }
0xd6: {  	[spmem:s0] =	stream.linear.scatter [tilespmem:s6], [sflag:$0x4], $0x2800, $0x38;
	[tilespmem:$0x1B280] =	vst v63  }
0xd7: {  	_ =	swait.ge [sflag:s7], $0x2800  }
0xd8: {  	[sflag:s7] =	ssyncset.done $0x0  }
0xd9: {  	s12 =	rddreg [dreg:$0x12];
	[sflag:s7] =	ssyncadd.s32 $0xFFFFD800  }
0xda: {  	[tilespmem:s6], [sflag:$0x4] =	stream.linear.gather [hbm4b:s12+s18], $0x2800, $0x38;
	[tilespmem:$0x1B280] =	vst v63  }
0xdb: {  	_ =	swait.ge [sflag:s7], $0x2800  }
0xdc: {  	[sflag:s7] =	ssyncset.done $0x0  }
0xdd: {  	[sflag:s7] =	ssyncadd.s32 $0xFFFFD800  }
0xde: {  	[spmem:s2] =	stream.linear.scatter [tilespmem:s6], [sflag:$0x4], $0x2800, $0x38;
	[tilespmem:$0x1B280] =	vst v63  }
0xdf: {  	_ =	swait.ge [sflag:s7], $0x2800  }
0xe0: {  	[sflag:s7] =	ssyncset.done $0x0  }
0xe1: {  	s25 =	rddreg [dreg:$0x13];
	[sflag:s7] =	ssyncadd.s32 $0xFFFFD800  }
0xe2: {  	[tilespmem:s6], [sflag:$0x4] =	stream.linear.gather [hbm4b:s25+s18], $0x2800, $0x38;
	[tilespmem:$0x1B280] =	vst v63  }
0xe3: {  	_ =	swait.ge [sflag:s7], $0x2800  }
0xe4: {  	[sflag:s7] =	ssyncset.done $0x0  }
0xe5: {  	[sflag:s7] =	ssyncadd.s32 $0xFFFFD800  }
0xe6: {  	[spmem:s3] =	stream.linear.scatter [tilespmem:s6], [sflag:$0x4], $0x2800, $0x38;
	[tilespmem:$0x1B280] =	vst v63  }
0xe7: {  	_ =	swait.ge [sflag:s7], $0x2800  }
0xe8: {  	s4 =	simm.s32 @p0 $0x0;
	[sflag:s7] =	ssyncset.done $0x0  }
0xe9: {  	s5 =	simm.s32 @p0 $0x5200;
	s8 =	rddreg [dreg:$0x15];
	[sflag:s7] =	ssyncadd.s32 $0xFFFFD800  }
0xea: {  	[tilespmem:s5], [sflag:$0x4] =	stream.linear.gather @p0 [hbm4b:s8+s4], $0x2800, $0x38;
	[tilespmem:$0x1B280] =	vst v63  }
0xeb: {  	s4 =	simm.s32 @p0 $0x4  }
0xec: {  	_ =	swait.ge @p0 [sflag:s4], $0x2800  }
0xed: {  	[sflag:s4] =	ssyncset.done @p0 $0x0  }
0xee: {  	[sflag:s4] =	ssyncadd.s32 @p0 $0xFFFFD800  }
0xef: {  	[spmem:s1] =	stream.linear.scatter @p0 [tilespmem:s5], [sflag:$0x4], $0x2800, $0x38;
	[tilespmem:$0x1B280] =	vst v63  }
0xf0: {  	_ =	swait.ge @p0 [sflag:s4], $0x2800  }
0xf1: {  	s5 =	simm.s32 @!p0 $0x5200;
	[sflag:s4] =	ssyncset.done @p0 $0x0  }
0xf2: {  	s8 =	rddreg [dreg:$0x5];
	[sflag:s4] =	ssyncadd.s32 @p0 $0xFFFFD800;
	s4 =	simm.s32 @!p0 $0x0  }
0xf3: {  	[tilespmem:s5], [sflag:$0x4] =	stream.linear.gather @!p0 [hbm4b:s8+s4], $0x2000, $0x38;
	[tilespmem:$0x1B280] =	vst v63  }
0xf4: {  	s4 =	simm.s32 @!p0 $0x4  }
0xf5: {  	_ =	swait.ge @!p0 [sflag:s4], $0x2000  }
0xf6: {  	[sflag:s4] =	ssyncset.done @!p0 $0x0  }
0xf7: {  	[sflag:s4] =	ssyncadd.s32 @!p0 $0xFFFFE000  }
0xf8: {  	[spmem:s22] =	stream.linear.scatter @!p0 [tilespmem:s5], [sflag:$0x4], $0x2000, $0x38;
	[tilespmem:$0x1B280] =	vst v63  }
0xf9: {  	_ =	swait.ge @!p0 [sflag:s4], $0x2000  }
0xfa: {  	[sflag:s4] =	ssyncset.done @!p0 $0x0  }
0xfb: {  	[sflag:s4] =	ssyncadd.s32 @!p0 $0xFFFFE000  }
0xfc: {  	s25 =	simm.s32 $0x0;
	[bflag:$0x0] =	sbarrier.arrive $0xFFFF  }
0xfd: {  	[tilespmem:s25], [sflag:$0x1] =	stream.linear.gather [hbm4b:s20+s25], $0x80, $0x38;
	[tilespmem:$0x1B280] =	vst v63  }
0xfe: {  	s11 =	simm.s32 $0x100  }
0xff: {  	[tilespmem:s11], [sflag:$0x1] =	stream.linear.gather [hbm4b:s17+s25], $0x80, $0x38;
	[tilespmem:$0x1B280] =	vst v63  }
0x100: {  	s17 =	simm.s32 $0x1  }
0x101: {  	_ =	swait.ge [sflag:s17], $0x100  }
0x102: {  	[sflag:s17] =	ssyncset.done $0x0  }
0x103: {  	s12 =	simm.s32 $0x200;
	[sflag:s17] =	ssyncadd.s32 $0xFFFFFF00  }
0x104: {  	[tilespmem:s12], [sflag:$0x2] =	stream.indirect.gather [spmem:s21], $0x80, s11, s9, $0xb8;
	[tilespmem:$0x1B280] =	vst v63  }
.Ltmp7:
0x105: {  	s5 =	simm.s32 $0x80;
	(pc) =	sbr.rel .LBB2_7-.Ltmp7, $4  }
0x106: {  	[tilespmem:s5], [sflag:$0x1] =	stream.linear.gather [hbm4b:s23+s25], $0x80, $0x38;
	[tilespmem:$0x1B280] =	vst v63  }
0x107: {  	s8 =	simm.s32 $0x180  }
0x108: {  	[tilespmem:s8], [sflag:$0x1] =	stream.linear.gather [hbm4b:s24+s25], $0x80, $0x38;
	[tilespmem:$0x1B280] =	vst v63  }
0x109: {  	s28 =	smov.u32 s10;
	s24 =	rddreg [dreg:$0x3]  }
.LBB2_10:
0x10a: {  	s5 =	sxor.u32 $0xFFFFFFFF, s25;
	_ =	swait.ge [sflag:s14], $0x100  }
0x10b: {  	s8 =	sand.u32 $0x1, s17;
	s5 =	sand.u32 $0x80, s5;
	[sflag:s14] =	ssyncset.done $0x0  }
0x10c: {  	p1 =	seq.s32 s8, $0x1;
	s8 =	simm.s32 $0x2A00;
	[sflag:s14] =	ssyncadd.s32 $0xFFFFFF00  }
0x10d: {  	s8 =	simm.s32 @!p1 $0x200;
	s5 =	sor.u32 $0x100, s5;
	p1 =	sgt.u32 s4, $0x7A  }
0x10e: {  	[tilespmem:s8], [sflag:$0x2] =	stream.indirect.gather [spmem:s21], $0x80, s5, s9, $0xb8;
	[tilespmem:$0x1B280] =	vst v63  }
0x10f: {  	s4 =	sand.u32 @!p1 $0x80, s25;
	s5 =	simm.s32 @!p1 $0x0  }
0x110: {  	[tilespmem:s4], [sflag:$0x1] =	stream.linear.gather @!p1 [hbm4b:s28+s5], $0x80, $0x38;
	[tilespmem:$0x1B280] =	vst v63  }
0x111: {  	s8 =	sadd.s32 @!p1 $0x10, s28;
	s25 =	sadd.s32 $0x80, s25;
	s4 =	sor.u32 @!p1 $0x100, s4  }
0x112: {  	[tilespmem:s4], [sflag:$0x1] =	stream.linear.gather @!p1 [hbm4b:s8+s5], $0x80, $0x38;
	[tilespmem:$0x1B280] =	vst v63  }
0x113: {  	p1 =	sne.s32 s25, $0x3E80  }
.Ltmp8:
0x114: {  	_ = 	snop;
	(pc) =	sbr.rel @!p1 .LBB2_11-.Ltmp8, $2  }
0x115: {  	_ =	sdelay $0x2  }
0x116: {  	s17 =	sadd.s32 $0x1, s17;
	s24 =	sadd.s32 $0x500, s24;
	s28 =	sadd.s32 $0x20, s28  }
.LBB2_7:
0x117: {  	s4 =	sadd.s32 $0xFFFFFFFF, s17  }
0x118: {  	s5 =	sand.u32 $0x1, s4  }
0x119: {  	p1 =	seq.s32 s5, $0x1;
	s5 =	simm.s32 $0x2A00  }
0x11a: {  	s5 =	simm.s32 @!p1 $0x200;
	p1 =	seq.s32 s4, $0x0  }
.Ltmp9:
0x11b: {  	_ = 	snop;
	(pc) =	sbr.rel @p1 .LBB2_10-.Ltmp9, $4  }
0x11c: {  	_ =	swait.ge [sflag:s13], $0x2800  }
0x11d: {  	[sflag:s13] =	ssyncset.done $0x0  }
0x11e: {  	s8 =	sadd.s32 s24, s26;
	[sflag:s13] =	ssyncadd.s32 $0xFFFFD800  }
0x11f: {  	[hbm4b:s8+s18] =	stream.linear.scatter [tilespmem:s5], [sflag:$0x3], $0x2800, $0x38;
	[tilespmem:$0x1B280] =	vst v63  }
0x120: {  	p1 =	seq.s32 s4, $0x7C  }
.Ltmp10:
0x121: {  	_ = 	snop;
	(pc) =	sbr.rel @p1 .LBB2_11-.Ltmp10, $1  }
0x122: {  	_ =	sdelay $0x3  }
.Ltmp11:
0x123: {  	(pc) =	sbr.rel .LBB2_10-.Ltmp11, $4  }
0x124: {  	_ = 	snop  }
0x125: {  	_ =	swait.ge [sflag:s15], $0x2800  }
0x126: {  	[sflag:s15] =	ssyncset.done $0x0  }
0x127: {  	[sflag:s15] =	ssyncadd.s32 $0xFFFFD800  }
.LBB2_12:
0x128: {  	_ =	sfence.sel $0x180000  }
0x129: {  	[bflag:$0x0] =	sbarrier.arrive $0xFFFF  }
0x12a: {  	_ =	strace $0x90000047  }
0x12b: {  	s0 =	stileid.u32;
	[bflag:$0x2] =	sbarrier.arrive $0xFFFF  }
0x12c: {  	p0 =	sne.s32 s0, $0x0;
	s0 =	rddreg [dreg:$0x2]  }
0x12d: {  	s0 =	sadd.s32 @!p0 $0x100000, s0  }
0x12e: {  	[sflag:s0] =	ssyncadd.tile.s32 @!p0 $0x1;
	_ =	shalt  }
.Lfunc_end2:
_tile_overlayer_lowered:
.L_overlay_start_2:
0x12f: {  	(tag) =	ssettag $0x2  }
0x130: {  	s0 =	rddreg [dreg:$0x0];
	s2 =	stileid.u32  }
0x131: {  	s1 =	rddreg [dreg:$0x1];
	p0 =	sne.s32 s2, $0x0  }
0x132: {  	s3 =	rddreg [dreg:$0x2];
	[bflag:$0x3] =	sbarrier.arrive $0xFFFF;
	s2 =	simm.s32 @!p0 $0x1C04  }
0x133: {  	[timem:s3], [sflag:s2] =	dma.local @!p0 [hbm:s0], s1  }
0x134: {  	s0 =	simm.s32 @!p0 $0x4  }
0x135: {  	_ =	swait.ge @!p0 [sflag:s0], s1  }
0x136: {  	s1 =	ssub.s32 @!p0 $0x0, s1;
	[sflag:s0] =	ssyncset.done @!p0 $0x0  }
0x137: {  	[sflag:s0] =	ssyncadd.s32 @!p0 s1  }
0x138: {  	[bflag:$0x3] =	sbarrier.arrive $0xFFFF  }
0x139: {  	_ =	shalt  }

</sc_bundles>
